<compile_context>
chip_gen: v7x
topology: tpu7x:2x2x1
jax: 0.10.2.dev20260603
libtpu: 0.0.44.dev20260713+nightly
codegen_flags: <defaults>
</compile_context>

<pallas_src>
import functools

import jax
import jax.numpy as jnp
from jax import lax
from jax.experimental import pallas as pl
from jax.experimental.pallas import tpu as pltpu
from jax.experimental.pallas import tpu_sc as plsc

N = 10000
E = 320000
D_IN = 128
H = 64
OUT = 16
G = 128
L = 5
N_PAD = 10112

NC, NS = 2, 16
HC = H // NC
CHUNK = 128
CHUNKS = 160
E_PAD = NS * CHUNKS * CHUNK
ROWS_PT = N_PAD // NS


def _bn(z, g, b):
    mu = jnp.mean(z, axis=0, keepdims=True)
    var = jnp.mean((z - mu) ** 2, axis=0, keepdims=True)
    return g * (z - mu) * lax.rsqrt(var + 1e-5) + b


def _split_out(out_ref, pn):
    out_ref[:N, :H] = pn
    out_ref[N:, :H] = jnp.zeros((N_PAD - N, H), jnp.float32)


def _dense0_body(x_ref, w_ref, out_ref):
    _split_out(out_ref, jnp.dot(x_ref[:], w_ref[:],
                                preferred_element_type=jnp.float32, precision=lax.Precision.HIGHEST))


def _layer_body(agg_ref, b1_ref, g1_ref, be1_ref, w2_ref, b2_ref,
                gn_ref, bn_ref, w1n_ref, out_ref, *, last):
    z = agg_ref[:N, :H] + b1_ref[:]
    z = jnp.maximum(_bn(z, g1_ref[:], be1_ref[:]), 0.0)
    z = jnp.dot(z, w2_ref[:], preferred_element_type=jnp.float32, precision=lax.Precision.HIGHEST) + b2_ref[:]
    if last:
        out_ref[:N, :] = z
        out_ref[N:, :] = jnp.zeros((N_PAD - N, H), jnp.float32)
    else:
        h = jnp.maximum(_bn(z, gn_ref[:], bn_ref[:]), 0.0)
        _split_out(out_ref, jnp.dot(h, w1n_ref[:],
                                    preferred_element_type=jnp.float32, precision=lax.Precision.HIGHEST))


def _pool_body(h_ref, batch_ref, fc1w_ref, fc1b_ref, fc2w_ref, fc2b_ref,
               out_ref):
    seg = batch_ref[:]
    onehot = (seg == lax.broadcasted_iota(jnp.int32, (N, G), 1))
    onehot = onehot.astype(jnp.float32)
    sums = lax.dot_general(onehot, h_ref[:N, :],
                           (((0,), (0,)), ((), ())),
                           preferred_element_type=jnp.float32)
    cnt = jnp.sum(onehot, axis=0, keepdims=True)
    pooled = sums / jnp.clip(cnt, 1.0, None).T
    y = jnp.maximum(
        jnp.dot(pooled, fc1w_ref[:], preferred_element_type=jnp.float32)
        + fc1b_ref[:], 0.0)
    out_ref[:] = jnp.dot(y, fc2w_ref[:],
                         preferred_element_type=jnp.float32) + fc2b_ref[:]


_dense0 = pl.pallas_call(
    _dense0_body,
    out_shape=jax.ShapeDtypeStruct((N_PAD, 128), jnp.float32),
)

_pool = pl.pallas_call(
    _pool_body,
    out_shape=jax.ShapeDtypeStruct((G, OUT), jnp.float32),
)


def _agg_body(src_hbm, dst_hbm, p_hbm, out_hbm,
              srcv, dstv, rows,
              gs0, gs1, gs2, gs3, ss0, ss1, ss2, ss3, acc, p_sp):
    cid = lax.axis_index("c")
    sid = lax.axis_index("s")
    gsem = (gs0, gs1, gs2, gs3)
    ssem = (ss0, ss1, ss2, ss3)

    def gather(t, b):
        pltpu.async_copy(p_sp.at[srcv.at[t]], rows.at[b], gsem[b])

    def gwait(b):
        pltpu.make_async_copy(p_sp.at[srcv.at[0]], rows.at[b],
                              gsem[b]).wait()

    def scatter(t, b):
        pltpu.async_copy(rows.at[b], acc.at[dstv.at[t]], ssem[b], add=True)

    def swait(b):
        pltpu.make_async_copy(rows.at[b], acc.at[dstv.at[0]],
                              ssem[b]).wait()

    r0 = sid * ROWS_PT
    c0 = cid * HC
    pltpu.sync_copy(p_hbm.at[pl.ds(r0, ROWS_PT), pl.ds(c0, HC)],
                    p_sp.at[pl.ds(r0, ROWS_PT)])
    pltpu.sync_copy(p_hbm.at[pl.ds(r0, ROWS_PT), pl.ds(c0, HC)],
                    acc.at[pl.ds(r0, ROWS_PT)])
    pltpu.sync_copy(src_hbm.at[sid], srcv)
    pltpu.sync_copy(dst_hbm.at[sid], dstv)
    plsc.subcore_barrier()

    gather(0, 0)
    gather(1, 1)
    gwait(0)
    scatter(0, 0)
    gather(2, 2)
    gwait(1)
    scatter(1, 1)
    gather(3, 3)

    def rnd(r, _):
        for j in range(4):
            t = 4 * r + 2 + j
            b = (2 + j) % 4
            gwait(b)
            scatter(t, b)
            swait((b + 2) % 4)
            gather(t + 2, (b + 2) % 4)
        return 0

    lax.fori_loop(0, (CHUNKS - 4) // 4, rnd, 0)
    gwait(2)
    scatter(CHUNKS - 2, 2)
    swait(0)
    gwait(3)
    scatter(CHUNKS - 1, 3)
    swait(1)
    swait(2)
    swait(3)

    plsc.subcore_barrier()
    pltpu.sync_copy(acc.at[pl.ds(r0, ROWS_PT)],
                    out_hbm.at[pl.ds(r0, ROWS_PT), pl.ds(c0, HC)])


_agg_sc = functools.partial(
    pl.kernel,
    out_type=jax.ShapeDtypeStruct((N_PAD, 128), jnp.float32),
    mesh=plsc.VectorSubcoreMesh(core_axis_name="c", subcore_axis_name="s"),
    scratch_types=[
        pltpu.VMEM((CHUNKS, CHUNK), jnp.int32),
        pltpu.VMEM((CHUNKS, CHUNK), jnp.int32),
        pltpu.VMEM((4, CHUNK, HC), jnp.float32),
        pltpu.SemaphoreType.DMA,
        pltpu.SemaphoreType.DMA,
        pltpu.SemaphoreType.DMA,
        pltpu.SemaphoreType.DMA,
        pltpu.SemaphoreType.DMA,
        pltpu.SemaphoreType.DMA,
        pltpu.SemaphoreType.DMA,
        pltpu.SemaphoreType.DMA,
        pltpu.VMEM_SHARED((N_PAD, HC), jnp.float32),
        pltpu.VMEM_SHARED((N_PAD, HC), jnp.float32),
    ],
    compiler_params=pltpu.CompilerParams(use_tc_tiling_on_sc=False),
)(_agg_body)


def _agg_edges(p_io, src_t, dst_t):
    return _agg_sc(src_t, dst_t, p_io)


def kernel(x, edge_index, batch, W1_0, W1_r, b1, g1, be1, W2, b2, gn, bn,
           fc1_W, fc1_b, fc2_W, fc2_b):
    pad = N + (jnp.arange(E_PAD - E, dtype=jnp.int32) % (N_PAD - N))
    src_t = jnp.concatenate([edge_index[0], pad]).reshape(NS, CHUNKS, CHUNK)
    dst_t = jnp.concatenate([edge_index[1], pad]).reshape(NS, CHUNKS, CHUNK)

    p = _dense0(x, W1_0)
    for i in range(L):
        agg = _agg_edges(p, src_t, dst_t)
        last = i == L - 1
        w1n = W1_r[i] if not last else jnp.zeros((H, H), jnp.float32)
        layer = pl.pallas_call(
            functools.partial(_layer_body, last=last),
            out_shape=jax.ShapeDtypeStruct(
                (N_PAD, H) if last else (N_PAD, 128), jnp.float32),
        )
        p = layer(agg, b1[i].reshape(1, H), g1[i].reshape(1, H),
                  be1[i].reshape(1, H), W2[i], b2[i].reshape(1, H),
                  (gn[i] if not last else gn[0]).reshape(1, H),
                  (bn[i] if not last else bn[0]).reshape(1, H), w1n)

    return _pool(p, batch.reshape(N, 1), fc1_W, fc1_b.reshape(1, H),
                 fc2_W, fc2_b.reshape(1, OUT))

# --- scband reference (transcript-rebuilt; emitter-appended) ---
"""Pipeline reference for scband-gin-72507637891671 (READ-ONLY COPY).

The authoritative reference and input builder live on the scoring server;
editing this copy changes nothing except your own understanding.
"""

import jax, jax.numpy as jnp
import numpy as np

N = 10000
E = 320000
D_IN = 128
H = 64
OUT = 16
G = 128
L = 5


def _bnorm(h, gamma, beta):
    mu = jnp.mean(h, axis=0)
    var = jnp.var(h, axis=0)
    return gamma * (h - mu) / jnp.sqrt(var + 1e-5) + beta


def setup_inputs(seed: int = 0) -> dict:
    key = jax.random.key(seed)
    ks = jax.random.split(key, 12)
    s = 0.1
    x = jax.random.normal(ks[0], (N, D_IN), dtype=jnp.float32)
    edge_index = jax.random.randint(ks[1], (2, E), 0, N, dtype=jnp.int32)
    batch = jnp.sort(jax.random.randint(ks[2], (N,), 0, G, dtype=jnp.int32))
    W1_0 = jax.random.normal(ks[3], (D_IN, H), dtype=jnp.float32) * s
    W1_r = jax.random.normal(ks[4], (L - 1, H, H), dtype=jnp.float32) * s
    b1 = jnp.zeros((L, H), dtype=jnp.float32)
    g1 = jnp.ones((L, H), dtype=jnp.float32)
    be1 = jnp.zeros((L, H), dtype=jnp.float32)
    W2 = jax.random.normal(ks[5], (L, H, H), dtype=jnp.float32) * s
    b2 = jnp.zeros((L, H), dtype=jnp.float32)
    gn = jnp.ones((L - 1, H), dtype=jnp.float32)
    bn = jnp.zeros((L - 1, H), dtype=jnp.float32)
    fc1_W = jax.random.normal(ks[6], (H, H), dtype=jnp.float32) * s
    fc1_b = jnp.zeros((H,), dtype=jnp.float32)
    fc2_W = jax.random.normal(ks[7], (H, OUT), dtype=jnp.float32) * s
    fc2_b = jnp.zeros((OUT,), dtype=jnp.float32)
    return {"x": x, "edge_index": edge_index, "batch": batch,
            "W1_0": W1_0, "W1_r": W1_r, "b1": b1, "g1": g1, "be1": be1,
            "W2": W2, "b2": b2, "gn": gn, "bn": bn,
            "fc1_W": fc1_W, "fc1_b": fc1_b, "fc2_W": fc2_W, "fc2_b": fc2_b}


def reference(x, edge_index, batch, W1_0, W1_r, b1, g1, be1, W2, b2, gn, bn, fc1_W, fc1_b, fc2_W, fc2_b):
    src = edge_index[0]
    dst = edge_index[1]
    h = x
    for i in range(L):
        # GINConv: (1 + eps) * x + sum_{j in N(i)} x_j, eps = 0 (train_eps=False default)
        agg = jnp.zeros((N, h.shape[1]), dtype=h.dtype).at[dst].add(h[src])
        z = h + agg
        # MLP([c_in, H, H]) with batch_norm + relu between the two linears
        W1 = W1_0 if i == 0 else W1_r[i - 1]
        z = z @ W1 + b1[i]
        z = _bnorm(z, g1[i], be1[i])
        z = jax.nn.relu(z)
        z = z @ W2[i] + b2[i]
        h = z
        # inter-layer norm + act (applied after every conv except the last, jk=None)
        if i < L - 1:
            h = _bnorm(h, gn[i], bn[i])
            h = jax.nn.relu(h)
    # global_mean_pool over graph ids
    sums = jax.ops.segment_sum(h, batch, num_segments=G)
    cnt = jax.ops.segment_sum(jnp.ones((N, 1), dtype=h.dtype), batch, num_segments=G)
    pooled = sums / jnp.clip(cnt, 1.0, None)
    y = jax.nn.relu(pooled @ fc1_W + fc1_b)
    return y @ fc2_W + fc2_b

if __name__ == "__main__":
    import jax
    _d = setup_inputs()
    print(jax.jit(kernel)(*tuple(_d.values())))

</pallas_src>

<mosaic_0001>
#map = affine_map<(d0, d1) -> (0, 0, 0)>
#map1 = affine_map<(d0, d1) -> (0, 0)>
module attributes {stable_mosaic.version = 14 : i64} {
  func.func @_agg_body(%arg0: i32, %arg1: i32, %arg2: memref<16x160x128xi32, #tpu.memory_space<hbm>>, %arg3: memref<16x160x128xi32, #tpu.memory_space<hbm>>, %arg4: memref<10112x128xf32, #tpu.memory_space<hbm>>, %arg5: memref<10112x128xf32, #tpu.memory_space<hbm>>, %arg6: memref<160x128xi32, #tpu.memory_space<vmem>>, %arg7: memref<160x128xi32, #tpu.memory_space<vmem>>, %arg8: memref<4x128x32xf32, #tpu.memory_space<vmem>>, %arg9: memref<!tpu.dma_semaphore, #tpu.memory_space<semaphore_mem>>, %arg10: memref<!tpu.dma_semaphore, #tpu.memory_space<semaphore_mem>>, %arg11: memref<!tpu.dma_semaphore, #tpu.memory_space<semaphore_mem>>, %arg12: memref<!tpu.dma_semaphore, #tpu.memory_space<semaphore_mem>>, %arg13: memref<!tpu.dma_semaphore, #tpu.memory_space<semaphore_mem>>, %arg14: memref<!tpu.dma_semaphore, #tpu.memory_space<semaphore_mem>>, %arg15: memref<!tpu.dma_semaphore, #tpu.memory_space<semaphore_mem>>, %arg16: memref<!tpu.dma_semaphore, #tpu.memory_space<semaphore_mem>>, %arg17: memref<10112x32xf32, #tpu.memory_space<vmem_shared>>, %arg18: memref<10112x32xf32, #tpu.memory_space<vmem_shared>>) attributes {dimension_semantics = [#tpu.dimension_semantics<core_parallel>, #tpu.dimension_semantics<subcore_parallel>], iteration_bounds = array<i64: 2, 16>, scalar_prefetch = 0 : i64, scratch_operands = 13 : i64, tpu.core_type = #tpu.core_type<sc_vector_subcore>, window_params = [{transform_indices = #map}, {transform_indices = #map}, {transform_indices = #map1}, {transform_indices = #map1}]} {
    %mul3A = arith.constant 632 : i32
    %mul3A_0 = arith.muli %arg1, %mul3A : i32
    %mul3A_1 = arith.constant 32 : i32
    %mul3A_2 = arith.muli %arg0, %mul3A_1 : i32
    "tpu.region"() ({
      %run_scoped3A = tpu.sem_alloc : memref<!tpu.dma_semaphore, #tpu.memory_space<semaphore_mem>>
      %dma_start3A_200 = arith.constant 0 : i32
      %dma_start3A_201 = tpu.memref_slice %arg18[%mul3A_0, %dma_start3A_200] : memref<10112x32xf32, #tpu.memory_space<vmem_shared>> -> memref<632x32xf32, #tpu.memory_space<vmem_shared>>
      %dma_start3A_202 = tpu.memref_slice %arg4[%mul3A_0, %mul3A_2] : memref<10112x128xf32, #tpu.memory_space<hbm>> -> memref<632x32xf32, #tpu.memory_space<hbm>>
      tpu.enqueue_dma source(%dma_start3A_202 : memref<632x32xf32, #tpu.memory_space<hbm>>) target(%dma_start3A_201 : memref<632x32xf32, #tpu.memory_space<vmem_shared>>) target_semaphore(%run_scoped3A : memref<!tpu.dma_semaphore, #tpu.memory_space<semaphore_mem>>)
      %dma_wait3A_203 = arith.constant 0 : i32
      %dma_wait3A_204 = tpu.memref_slice %arg18[%mul3A_0, %dma_wait3A_203] : memref<10112x32xf32, #tpu.memory_space<vmem_shared>> -> memref<632x32xf32, #tpu.memory_space<vmem_shared>>
      %dma_wait3A_205 = tpu.memref_slice %arg4[%mul3A_0, %mul3A_2] : memref<10112x128xf32, #tpu.memory_space<hbm>> -> memref<632x32xf32, #tpu.memory_space<hbm>>
      tpu.wait_dma2 semaphore(%run_scoped3A : memref<!tpu.dma_semaphore, #tpu.memory_space<semaphore_mem>>) src(%dma_wait3A_205 : memref<632x32xf32, #tpu.memory_space<hbm>>) dst(%dma_wait3A_204 : memref<632x32xf32, #tpu.memory_space<vmem_shared>>)
      tpu.yield
    }) : () -> ()
    "tpu.region"() ({
      %run_scoped3A = tpu.sem_alloc : memref<!tpu.dma_semaphore, #tpu.memory_space<semaphore_mem>>
      %dma_start3A_200 = arith.constant 0 : i32
      %dma_start3A_201 = tpu.memref_slice %arg17[%mul3A_0, %dma_start3A_200] : memref<10112x32xf32, #tpu.memory_space<vmem_shared>> -> memref<632x32xf32, #tpu.memory_space<vmem_shared>>
      %dma_start3A_202 = tpu.memref_slice %arg4[%mul3A_0, %mul3A_2] : memref<10112x128xf32, #tpu.memory_space<hbm>> -> memref<632x32xf32, #tpu.memory_space<hbm>>
      tpu.enqueue_dma source(%dma_start3A_202 : memref<632x32xf32, #tpu.memory_space<hbm>>) target(%dma_start3A_201 : memref<632x32xf32, #tpu.memory_space<vmem_shared>>) target_semaphore(%run_scoped3A : memref<!tpu.dma_semaphore, #tpu.memory_space<semaphore_mem>>)
      %dma_wait3A_203 = arith.constant 0 : i32
      %dma_wait3A_204 = tpu.memref_slice %arg17[%mul3A_0, %dma_wait3A_203] : memref<10112x32xf32, #tpu.memory_space<vmem_shared>> -> memref<632x32xf32, #tpu.memory_space<vmem_shared>>
      %dma_wait3A_205 = tpu.memref_slice %arg4[%mul3A_0, %mul3A_2] : memref<10112x128xf32, #tpu.memory_space<hbm>> -> memref<632x32xf32, #tpu.memory_space<hbm>>
      tpu.wait_dma2 semaphore(%run_scoped3A : memref<!tpu.dma_semaphore, #tpu.memory_space<semaphore_mem>>) src(%dma_wait3A_205 : memref<632x32xf32, #tpu.memory_space<hbm>>) dst(%dma_wait3A_204 : memref<632x32xf32, #tpu.memory_space<vmem_shared>>)
      tpu.yield
    }) : () -> ()
    "tpu.region"() ({
      %run_scoped3A = tpu.sem_alloc : memref<!tpu.dma_semaphore, #tpu.memory_space<semaphore_mem>>
      %dma_start3A_200 = arith.constant 0 : i32
      %dma_start3A_201 = arith.constant 0 : i32
      %dma_start3A_202 = tpu.memref_slice %arg2[%arg1, %dma_start3A_200, %dma_start3A_201] : memref<16x160x128xi32, #tpu.memory_space<hbm>> -> memref<1x160x128xi32, #tpu.memory_space<hbm>>
      %dma_start3A_203 = tpu.memref_squeeze %dma_start3A_202 : memref<1x160x128xi32, #tpu.memory_space<hbm>> -> memref<160x128xi32, #tpu.memory_space<hbm>>
      %dma_start3A_204 = arith.constant 0 : i32
      %dma_start3A_205 = arith.constant 0 : i32
      %dma_start3A_206 = tpu.memref_slice %arg2[%arg1, %dma_start3A_204, %dma_start3A_205] : memref<16x160x128xi32, #tpu.memory_space<hbm>> -> memref<1x160x128xi32, #tpu.memory_space<hbm>>
      %dma_start3A_207 = tpu.memref_squeeze %dma_start3A_206 : memref<1x160x128xi32, #tpu.memory_space<hbm>> -> memref<160x128xi32, #tpu.memory_space<hbm>>
      tpu.enqueue_dma source(%dma_start3A_207 : memref<160x128xi32, #tpu.memory_space<hbm>>) target(%arg6 : memref<160x128xi32, #tpu.memory_space<vmem>>) target_semaphore(%run_scoped3A : memref<!tpu.dma_semaphore, #tpu.memory_space<semaphore_mem>>)
      %dma_wait3A_208 = arith.constant 0 : i32
      %dma_wait3A_209 = arith.constant 0 : i32
      %dma_wait3A_210 = tpu.memref_slice %arg2[%arg1, %dma_wait3A_208, %dma_wait3A_209] : memref<16x160x128xi32, #tpu.memory_space<hbm>> -> memref<1x160x128xi32, #tpu.memory_space<hbm>>
      %dma_wait3A_211 = tpu.memref_squeeze %dma_wait3A_210 : memref<1x160x128xi32, #tpu.memory_space<hbm>> -> memref<160x128xi32, #tpu.memory_space<hbm>>
      %dma_wait3A_212 = arith.constant 0 : i32
      %dma_wait3A_213 = arith.constant 0 : i32
      %dma_wait3A_214 = tpu.memref_slice %arg2[%arg1, %dma_wait3A_212, %dma_wait3A_213] : memref<16x160x128xi32, #tpu.memory_space<hbm>> -> memref<1x160x128xi32, #tpu.memory_space<hbm>>
      %dma_wait3A_215 = tpu.memref_squeeze %dma_wait3A_214 : memref<1x160x128xi32, #tpu.memory_space<hbm>> -> memref<160x128xi32, #tpu.memory_space<hbm>>
      tpu.wait_dma2 semaphore(%run_scoped3A : memref<!tpu.dma_semaphore, #tpu.memory_space<semaphore_mem>>) src(%dma_wait3A_215 : memref<160x128xi32, #tpu.memory_space<hbm>>) dst(%arg6 : memref<160x128xi32, #tpu.memory_space<vmem>>)
      tpu.yield
    }) : () -> ()
    "tpu.region"() ({
      %run_scoped3A = tpu.sem_alloc : memref<!tpu.dma_semaphore, #tpu.memory_space<semaphore_mem>>
      %dma_start3A_200 = arith.constant 0 : i32
      %dma_start3A_201 = arith.constant 0 : i32
      %dma_start3A_202 = tpu.memref_slice %arg3[%arg1, %dma_start3A_200, %dma_start3A_201] : memref<16x160x128xi32, #tpu.memory_space<hbm>> -> memref<1x160x128xi32, #tpu.memory_space<hbm>>
      %dma_start3A_203 = tpu.memref_squeeze %dma_start3A_202 : memref<1x160x128xi32, #tpu.memory_space<hbm>> -> memref<160x128xi32, #tpu.memory_space<hbm>>
      %dma_start3A_204 = arith.constant 0 : i32
      %dma_start3A_205 = arith.constant 0 : i32
      %dma_start3A_206 = tpu.memref_slice %arg3[%arg1, %dma_start3A_204, %dma_start3A_205] : memref<16x160x128xi32, #tpu.memory_space<hbm>> -> memref<1x160x128xi32, #tpu.memory_space<hbm>>
      %dma_start3A_207 = tpu.memref_squeeze %dma_start3A_206 : memref<1x160x128xi32, #tpu.memory_space<hbm>> -> memref<160x128xi32, #tpu.memory_space<hbm>>
      tpu.enqueue_dma source(%dma_start3A_207 : memref<160x128xi32, #tpu.memory_space<hbm>>) target(%arg7 : memref<160x128xi32, #tpu.memory_space<vmem>>) target_semaphore(%run_scoped3A : memref<!tpu.dma_semaphore, #tpu.memory_space<semaphore_mem>>)
      %dma_wait3A_208 = arith.constant 0 : i32
      %dma_wait3A_209 = arith.constant 0 : i32
      %dma_wait3A_210 = tpu.memref_slice %arg3[%arg1, %dma_wait3A_208, %dma_wait3A_209] : memref<16x160x128xi32, #tpu.memory_space<hbm>> -> memref<1x160x128xi32, #tpu.memory_space<hbm>>
      %dma_wait3A_211 = tpu.memref_squeeze %dma_wait3A_210 : memref<1x160x128xi32, #tpu.memory_space<hbm>> -> memref<160x128xi32, #tpu.memory_space<hbm>>
      %dma_wait3A_212 = arith.constant 0 : i32
      %dma_wait3A_213 = arith.constant 0 : i32
      %dma_wait3A_214 = tpu.memref_slice %arg3[%arg1, %dma_wait3A_212, %dma_wait3A_213] : memref<16x160x128xi32, #tpu.memory_space<hbm>> -> memref<1x160x128xi32, #tpu.memory_space<hbm>>
      %dma_wait3A_215 = tpu.memref_squeeze %dma_wait3A_214 : memref<1x160x128xi32, #tpu.memory_space<hbm>> -> memref<160x128xi32, #tpu.memory_space<hbm>>
      tpu.wait_dma2 semaphore(%run_scoped3A : memref<!tpu.dma_semaphore, #tpu.memory_space<semaphore_mem>>) src(%dma_wait3A_215 : memref<160x128xi32, #tpu.memory_space<hbm>>) dst(%arg7 : memref<160x128xi32, #tpu.memory_space<vmem>>)
      tpu.yield
    }) : () -> ()
    %barrier3A = arith.constant 0 : index
    tpu.barrier barrier_id(%barrier3A)
    %dma_start3A = arith.constant 0 : i32
    %dma_start3A_3 = arith.constant 0 : i32
    %dma_start3A_4 = arith.constant 0 : i32
    %dma_start3A_5 = arith.constant 0 : i32
    %dma_start3A_6 = tpu.memref_slice %arg8[%dma_start3A_3, %dma_start3A_4, %dma_start3A_5] : memref<4x128x32xf32, #tpu.memory_space<vmem>> -> memref<1x128x32xf32, #tpu.memory_space<vmem>>
    %dma_start3A_7 = tpu.memref_squeeze %dma_start3A_6 : memref<1x128x32xf32, #tpu.memory_space<vmem>> -> memref<128x32xf32, #tpu.memory_space<vmem>>
    %dma_start3A_8 = arith.constant 0 : i32
    %dma_start3A_9 = tpu.memref_slice %arg6[%dma_start3A, %dma_start3A_8] : memref<160x128xi32, #tpu.memory_space<vmem>> -> memref<1x128xi32, #tpu.memory_space<vmem>>
    %dma_start3A_10 = tpu.memref_squeeze %dma_start3A_9 : memref<1x128xi32, #tpu.memory_space<vmem>> -> memref<128xi32, #tpu.memory_space<vmem>>
    %dma_start3A_11 = arith.constant 0 : i32
    %dma_start3A_12 = arith.constant 0 : i32
    %dma_start3A_13 = tpu.memref_slice %arg18[%dma_start3A_11, %dma_start3A_12] : memref<10112x32xf32, #tpu.memory_space<vmem_shared>> -> memref<10112x32xf32, #tpu.memory_space<vmem_shared>>
    tpu.enqueue_indirect_dma source(%dma_start3A_13 : memref<10112x32xf32, #tpu.memory_space<vmem_shared>>) target(%dma_start3A_7 : memref<128x32xf32, #tpu.memory_space<vmem>>) offsets(%dma_start3A_10 : memref<128xi32, #tpu.memory_space<vmem>>) semaphore(%arg9 : memref<!tpu.dma_semaphore, #tpu.memory_space<semaphore_mem>>)
    %dma_start3A_14 = arith.constant 1 : i32
    %dma_start3A_15 = arith.constant 1 : i32
    %dma_start3A_16 = arith.constant 0 : i32
    %dma_start3A_17 = arith.constant 0 : i32
    %dma_start3A_18 = tpu.memref_slice %arg8[%dma_start3A_15, %dma_start3A_16, %dma_start3A_17] : memref<4x128x32xf32, #tpu.memory_space<vmem>> -> memref<1x128x32xf32, #tpu.memory_space<vmem>>
    %dma_start3A_19 = tpu.memref_squeeze %dma_start3A_18 : memref<1x128x32xf32, #tpu.memory_space<vmem>> -> memref<128x32xf32, #tpu.memory_space<vmem>>
    %dma_start3A_20 = arith.constant 0 : i32
    %dma_start3A_21 = tpu.memref_slice %arg6[%dma_start3A_14, %dma_start3A_20] : memref<160x128xi32, #tpu.memory_space<vmem>> -> memref<1x128xi32, #tpu.memory_space<vmem>>
    %dma_start3A_22 = tpu.memref_squeeze %dma_start3A_21 : memref<1x128xi32, #tpu.memory_space<vmem>> -> memref<128xi32, #tpu.memory_space<vmem>>
    %dma_start3A_23 = arith.constant 0 : i32
    %dma_start3A_24 = arith.constant 0 : i32
    %dma_start3A_25 = tpu.memref_slice %arg18[%dma_start3A_23, %dma_start3A_24] : memref<10112x32xf32, #tpu.memory_space<vmem_shared>> -> memref<10112x32xf32, #tpu.memory_space<vmem_shared>>
    tpu.enqueue_indirect_dma source(%dma_start3A_25 : memref<10112x32xf32, #tpu.memory_space<vmem_shared>>) target(%dma_start3A_19 : memref<128x32xf32, #tpu.memory_space<vmem>>) offsets(%dma_start3A_22 : memref<128xi32, #tpu.memory_space<vmem>>) semaphore(%arg10 : memref<!tpu.dma_semaphore, #tpu.memory_space<semaphore_mem>>)
    %dma_wait3A = arith.constant 0 : i32
    %dma_wait3A_26 = arith.constant 0 : i32
    %dma_wait3A_27 = arith.constant 0 : i32
    %dma_wait3A_28 = arith.constant 0 : i32
    %dma_wait3A_29 = tpu.memref_slice %arg8[%dma_wait3A_26, %dma_wait3A_27, %dma_wait3A_28] : memref<4x128x32xf32, #tpu.memory_space<vmem>> -> memref<1x128x32xf32, #tpu.memory_space<vmem>>
    %dma_wait3A_30 = tpu.memref_squeeze %dma_wait3A_29 : memref<1x128x32xf32, #tpu.memory_space<vmem>> -> memref<128x32xf32, #tpu.memory_space<vmem>>
    %dma_wait3A_31 = arith.constant 0 : i32
    %dma_wait3A_32 = tpu.memref_slice %arg6[%dma_wait3A, %dma_wait3A_31] : memref<160x128xi32, #tpu.memory_space<vmem>> -> memref<1x128xi32, #tpu.memory_space<vmem>>
    %dma_wait3A_33 = tpu.memref_squeeze %dma_wait3A_32 : memref<1x128xi32, #tpu.memory_space<vmem>> -> memref<128xi32, #tpu.memory_space<vmem>>
    %dma_wait3A_34 = arith.constant 0 : i32
    %dma_wait3A_35 = arith.constant 0 : i32
    %dma_wait3A_36 = tpu.memref_slice %arg18[%dma_wait3A_34, %dma_wait3A_35] : memref<10112x32xf32, #tpu.memory_space<vmem_shared>> -> memref<10112x32xf32, #tpu.memory_space<vmem_shared>>
    tpu.wait_indirect_dma semaphore(%arg9 : memref<!tpu.dma_semaphore, #tpu.memory_space<semaphore_mem>>) src(%dma_wait3A_36 : memref<10112x32xf32, #tpu.memory_space<vmem_shared>>) dst(%dma_wait3A_30 : memref<128x32xf32, #tpu.memory_space<vmem>>)
    %dma_start3A_37 = arith.constant 0 : i32
    %dma_start3A_38 = arith.constant 0 : i32
    %dma_start3A_39 = arith.constant 0 : i32
    %dma_start3A_40 = arith.constant 0 : i32
    %dma_start3A_41 = tpu.memref_slice %arg8[%dma_start3A_37, %dma_start3A_39, %dma_start3A_40] : memref<4x128x32xf32, #tpu.memory_space<vmem>> -> memref<1x128x32xf32, #tpu.memory_space<vmem>>
    %dma_start3A_42 = tpu.memref_squeeze %dma_start3A_41 : memref<1x128x32xf32, #tpu.memory_space<vmem>> -> memref<128x32xf32, #tpu.memory_space<vmem>>
    %dma_start3A_43 = arith.constant 0 : i32
    %dma_start3A_44 = tpu.memref_slice %arg7[%dma_start3A_38, %dma_start3A_43] : memref<160x128xi32, #tpu.memory_space<vmem>> -> memref<1x128xi32, #tpu.memory_space<vmem>>
    %dma_start3A_45 = tpu.memref_squeeze %dma_start3A_44 : memref<1x128xi32, #tpu.memory_space<vmem>> -> memref<128xi32, #tpu.memory_space<vmem>>
    %dma_start3A_46 = arith.constant 0 : i32
    %dma_start3A_47 = arith.constant 0 : i32
    %dma_start3A_48 = tpu.memref_slice %arg17[%dma_start3A_46, %dma_start3A_47] : memref<10112x32xf32, #tpu.memory_space<vmem_shared>> -> memref<10112x32xf32, #tpu.memory_space<vmem_shared>>
    tpu.enqueue_indirect_dma source(%dma_start3A_42 : memref<128x32xf32, #tpu.memory_space<vmem>>) target(%dma_start3A_48 : memref<10112x32xf32, #tpu.memory_space<vmem_shared>>) offsets(%dma_start3A_45 : memref<128xi32, #tpu.memory_space<vmem>>) semaphore(%arg13 : memref<!tpu.dma_semaphore, #tpu.memory_space<semaphore_mem>>) {add = true}
    %dma_start3A_49 = arith.constant 2 : i32
    %dma_start3A_50 = arith.constant 2 : i32
    %dma_start3A_51 = arith.constant 0 : i32
    %dma_start3A_52 = arith.constant 0 : i32
    %dma_start3A_53 = tpu.memref_slice %arg8[%dma_start3A_50, %dma_start3A_51, %dma_start3A_52] : memref<4x128x32xf32, #tpu.memory_space<vmem>> -> memref<1x128x32xf32, #tpu.memory_space<vmem>>
    %dma_start3A_54 = tpu.memref_squeeze %dma_start3A_53 : memref<1x128x32xf32, #tpu.memory_space<vmem>> -> memref<128x32xf32, #tpu.memory_space<vmem>>
    %dma_start3A_55 = arith.constant 0 : i32
    %dma_start3A_56 = tpu.memref_slice %arg6[%dma_start3A_49, %dma_start3A_55] : memref<160x128xi32, #tpu.memory_space<vmem>> -> memref<1x128xi32, #tpu.memory_space<vmem>>
    %dma_start3A_57 = tpu.memref_squeeze %dma_start3A_56 : memref<1x128xi32, #tpu.memory_space<vmem>> -> memref<128xi32, #tpu.memory_space<vmem>>
    %dma_start3A_58 = arith.constant 0 : i32
    %dma_start3A_59 = arith.constant 0 : i32
    %dma_start3A_60 = tpu.memref_slice %arg18[%dma_start3A_58, %dma_start3A_59] : memref<10112x32xf32, #tpu.memory_space<vmem_shared>> -> memref<10112x32xf32, #tpu.memory_space<vmem_shared>>
    tpu.enqueue_indirect_dma source(%dma_start3A_60 : memref<10112x32xf32, #tpu.memory_space<vmem_shared>>) target(%dma_start3A_54 : memref<128x32xf32, #tpu.memory_space<vmem>>) offsets(%dma_start3A_57 : memref<128xi32, #tpu.memory_space<vmem>>) semaphore(%arg11 : memref<!tpu.dma_semaphore, #tpu.memory_space<semaphore_mem>>)
    %dma_wait3A_61 = arith.constant 0 : i32
    %dma_wait3A_62 = arith.constant 1 : i32
    %dma_wait3A_63 = arith.constant 0 : i32
    %dma_wait3A_64 = arith.constant 0 : i32
    %dma_wait3A_65 = tpu.memref_slice %arg8[%dma_wait3A_62, %dma_wait3A_63, %dma_wait3A_64] : memref<4x128x32xf32, #tpu.memory_space<vmem>> -> memref<1x128x32xf32, #tpu.memory_space<vmem>>
    %dma_wait3A_66 = tpu.memref_squeeze %dma_wait3A_65 : memref<1x128x32xf32, #tpu.memory_space<vmem>> -> memref<128x32xf32, #tpu.memory_space<vmem>>
    %dma_wait3A_67 = arith.constant 0 : i32
    %dma_wait3A_68 = tpu.memref_slice %arg6[%dma_wait3A_61, %dma_wait3A_67] : memref<160x128xi32, #tpu.memory_space<vmem>> -> memref<1x128xi32, #tpu.memory_space<vmem>>
    %dma_wait3A_69 = tpu.memref_squeeze %dma_wait3A_68 : memref<1x128xi32, #tpu.memory_space<vmem>> -> memref<128xi32, #tpu.memory_space<vmem>>
    %dma_wait3A_70 = arith.constant 0 : i32
    %dma_wait3A_71 = arith.constant 0 : i32
    %dma_wait3A_72 = tpu.memref_slice %arg18[%dma_wait3A_70, %dma_wait3A_71] : memref<10112x32xf32, #tpu.memory_space<vmem_shared>> -> memref<10112x32xf32, #tpu.memory_space<vmem_shared>>
    tpu.wait_indirect_dma semaphore(%arg10 : memref<!tpu.dma_semaphore, #tpu.memory_space<semaphore_mem>>) src(%dma_wait3A_72 : memref<10112x32xf32, #tpu.memory_space<vmem_shared>>) dst(%dma_wait3A_66 : memref<128x32xf32, #tpu.memory_space<vmem>>)
    %dma_start3A_73 = arith.constant 1 : i32
    %dma_start3A_74 = arith.constant 1 : i32
    %dma_start3A_75 = arith.constant 0 : i32
    %dma_start3A_76 = arith.constant 0 : i32
    %dma_start3A_77 = tpu.memref_slice %arg8[%dma_start3A_73, %dma_start3A_75, %dma_start3A_76] : memref<4x128x32xf32, #tpu.memory_space<vmem>> -> memref<1x128x32xf32, #tpu.memory_space<vmem>>
    %dma_start3A_78 = tpu.memref_squeeze %dma_start3A_77 : memref<1x128x32xf32, #tpu.memory_space<vmem>> -> memref<128x32xf32, #tpu.memory_space<vmem>>
    %dma_start3A_79 = arith.constant 0 : i32
    %dma_start3A_80 = tpu.memref_slice %arg7[%dma_start3A_74, %dma_start3A_79] : memref<160x128xi32, #tpu.memory_space<vmem>> -> memref<1x128xi32, #tpu.memory_space<vmem>>
    %dma_start3A_81 = tpu.memref_squeeze %dma_start3A_80 : memref<1x128xi32, #tpu.memory_space<vmem>> -> memref<128xi32, #tpu.memory_space<vmem>>
    %dma_start3A_82 = arith.constant 0 : i32
    %dma_start3A_83 = arith.constant 0 : i32
    %dma_start3A_84 = tpu.memref_slice %arg17[%dma_start3A_82, %dma_start3A_83] : memref<10112x32xf32, #tpu.memory_space<vmem_shared>> -> memref<10112x32xf32, #tpu.memory_space<vmem_shared>>
    tpu.enqueue_indirect_dma source(%dma_start3A_78 : memref<128x32xf32, #tpu.memory_space<vmem>>) target(%dma_start3A_84 : memref<10112x32xf32, #tpu.memory_space<vmem_shared>>) offsets(%dma_start3A_81 : memref<128xi32, #tpu.memory_space<vmem>>) semaphore(%arg14 : memref<!tpu.dma_semaphore, #tpu.memory_space<semaphore_mem>>) {add = true}
    %dma_start3A_85 = arith.constant 3 : i32
    %dma_start3A_86 = arith.constant 3 : i32
    %dma_start3A_87 = arith.constant 0 : i32
    %dma_start3A_88 = arith.constant 0 : i32
    %dma_start3A_89 = tpu.memref_slice %arg8[%dma_start3A_86, %dma_start3A_87, %dma_start3A_88] : memref<4x128x32xf32, #tpu.memory_space<vmem>> -> memref<1x128x32xf32, #tpu.memory_space<vmem>>
    %dma_start3A_90 = tpu.memref_squeeze %dma_start3A_89 : memref<1x128x32xf32, #tpu.memory_space<vmem>> -> memref<128x32xf32, #tpu.memory_space<vmem>>
    %dma_start3A_91 = arith.constant 0 : i32
    %dma_start3A_92 = tpu.memref_slice %arg6[%dma_start3A_85, %dma_start3A_91] : memref<160x128xi32, #tpu.memory_space<vmem>> -> memref<1x128xi32, #tpu.memory_space<vmem>>
    %dma_start3A_93 = tpu.memref_squeeze %dma_start3A_92 : memref<1x128xi32, #tpu.memory_space<vmem>> -> memref<128xi32, #tpu.memory_space<vmem>>
    %dma_start3A_94 = arith.constant 0 : i32
    %dma_start3A_95 = arith.constant 0 : i32
    %dma_start3A_96 = tpu.memref_slice %arg18[%dma_start3A_94, %dma_start3A_95] : memref<10112x32xf32, #tpu.memory_space<vmem_shared>> -> memref<10112x32xf32, #tpu.memory_space<vmem_shared>>
    tpu.enqueue_indirect_dma source(%dma_start3A_96 : memref<10112x32xf32, #tpu.memory_space<vmem_shared>>) target(%dma_start3A_90 : memref<128x32xf32, #tpu.memory_space<vmem>>) offsets(%dma_start3A_93 : memref<128xi32, #tpu.memory_space<vmem>>) semaphore(%arg12 : memref<!tpu.dma_semaphore, #tpu.memory_space<semaphore_mem>>)
    %scan3A = arith.constant 0 : i32
    %scan3A_97 = arith.constant 0 : i32
    %scan3A_98 = arith.constant 39 : i32
    %scan3A_99 = arith.addi %scan3A_97, %scan3A_98 : i32
    %scan3A_100 = arith.constant 1 : i32
    %scan3A_101 = scf.for %scan3A_200 = %scan3A_97 to %scan3A_99 step %scan3A_100 iter_args(%scan3A_201 = %scan3A) -> (i32)  : i32 {
      %mul3A_202 = arith.constant 4 : i32
      %mul3A_203 = arith.muli %mul3A_202, %scan3A_200 : i32
      %add3A = arith.constant 2 : i32
      %add3A_204 = arith.addi %mul3A_203, %add3A : i32
      %add3A_205 = arith.constant 0 : i32
      %add3A_206 = arith.addi %add3A_204, %add3A_205 : i32
      %dma_wait3A_207 = arith.constant 0 : i32
      %dma_wait3A_208 = arith.constant 2 : i32
      %dma_wait3A_209 = arith.constant 0 : i32
      %dma_wait3A_210 = arith.constant 0 : i32
      %dma_wait3A_211 = tpu.memref_slice %arg8[%dma_wait3A_208, %dma_wait3A_209, %dma_wait3A_210] : memref<4x128x32xf32, #tpu.memory_space<vmem>> -> memref<1x128x32xf32, #tpu.memory_space<vmem>>
      %dma_wait3A_212 = tpu.memref_squeeze %dma_wait3A_211 : memref<1x128x32xf32, #tpu.memory_space<vmem>> -> memref<128x32xf32, #tpu.memory_space<vmem>>
      %dma_wait3A_213 = arith.constant 0 : i32
      %dma_wait3A_214 = tpu.memref_slice %arg6[%dma_wait3A_207, %dma_wait3A_213] : memref<160x128xi32, #tpu.memory_space<vmem>> -> memref<1x128xi32, #tpu.memory_space<vmem>>
      %dma_wait3A_215 = tpu.memref_squeeze %dma_wait3A_214 : memref<1x128xi32, #tpu.memory_space<vmem>> -> memref<128xi32, #tpu.memory_space<vmem>>
      %dma_wait3A_216 = arith.constant 0 : i32
      %dma_wait3A_217 = arith.constant 0 : i32
      %dma_wait3A_218 = tpu.memref_slice %arg18[%dma_wait3A_216, %dma_wait3A_217] : memref<10112x32xf32, #tpu.memory_space<vmem_shared>> -> memref<10112x32xf32, #tpu.memory_space<vmem_shared>>
      tpu.wait_indirect_dma semaphore(%arg11 : memref<!tpu.dma_semaphore, #tpu.memory_space<semaphore_mem>>) src(%dma_wait3A_218 : memref<10112x32xf32, #tpu.memory_space<vmem_shared>>) dst(%dma_wait3A_212 : memref<128x32xf32, #tpu.memory_space<vmem>>)
      %dma_start3A_219 = arith.constant 2 : i32
      %dma_start3A_220 = arith.constant 0 : i32
      %dma_start3A_221 = arith.constant 0 : i32
      %dma_start3A_222 = tpu.memref_slice %arg8[%dma_start3A_219, %dma_start3A_220, %dma_start3A_221] : memref<4x128x32xf32, #tpu.memory_space<vmem>> -> memref<1x128x32xf32, #tpu.memory_space<vmem>>
      %dma_start3A_223 = tpu.memref_squeeze %dma_start3A_222 : memref<1x128x32xf32, #tpu.memory_space<vmem>> -> memref<128x32xf32, #tpu.memory_space<vmem>>
      %dma_start3A_224 = arith.constant 0 : i32
      %dma_start3A_225 = tpu.memref_slice %arg7[%add3A_206, %dma_start3A_224] : memref<160x128xi32, #tpu.memory_space<vmem>> -> memref<1x128xi32, #tpu.memory_space<vmem>>
      %dma_start3A_226 = tpu.memref_squeeze %dma_start3A_225 : memref<1x128xi32, #tpu.memory_space<vmem>> -> memref<128xi32, #tpu.memory_space<vmem>>
      %dma_start3A_227 = arith.constant 0 : i32
      %dma_start3A_228 = arith.constant 0 : i32
      %dma_start3A_229 = tpu.memref_slice %arg17[%dma_start3A_227, %dma_start3A_228] : memref<10112x32xf32, #tpu.memory_space<vmem_shared>> -> memref<10112x32xf32, #tpu.memory_space<vmem_shared>>
      tpu.enqueue_indirect_dma source(%dma_start3A_223 : memref<128x32xf32, #tpu.memory_space<vmem>>) target(%dma_start3A_229 : memref<10112x32xf32, #tpu.memory_space<vmem_shared>>) offsets(%dma_start3A_226 : memref<128xi32, #tpu.memory_space<vmem>>) semaphore(%arg15 : memref<!tpu.dma_semaphore, #tpu.memory_space<semaphore_mem>>) {add = true}
      %dma_wait3A_230 = arith.constant 0 : i32
      %dma_wait3A_231 = arith.constant 0 : i32
      %dma_wait3A_232 = arith.constant 0 : i32
      %dma_wait3A_233 = arith.constant 0 : i32
      %dma_wait3A_234 = tpu.memref_slice %arg8[%dma_wait3A_230, %dma_wait3A_232, %dma_wait3A_233] : memref<4x128x32xf32, #tpu.memory_space<vmem>> -> memref<1x128x32xf32, #tpu.memory_space<vmem>>
      %dma_wait3A_235 = tpu.memref_squeeze %dma_wait3A_234 : memref<1x128x32xf32, #tpu.memory_space<vmem>> -> memref<128x32xf32, #tpu.memory_space<vmem>>
      %dma_wait3A_236 = arith.constant 0 : i32
      %dma_wait3A_237 = tpu.memref_slice %arg7[%dma_wait3A_231, %dma_wait3A_236] : memref<160x128xi32, #tpu.memory_space<vmem>> -> memref<1x128xi32, #tpu.memory_space<vmem>>
      %dma_wait3A_238 = tpu.memref_squeeze %dma_wait3A_237 : memref<1x128xi32, #tpu.memory_space<vmem>> -> memref<128xi32, #tpu.memory_space<vmem>>
      %dma_wait3A_239 = arith.constant 0 : i32
      %dma_wait3A_240 = arith.constant 0 : i32
      %dma_wait3A_241 = tpu.memref_slice %arg17[%dma_wait3A_239, %dma_wait3A_240] : memref<10112x32xf32, #tpu.memory_space<vmem_shared>> -> memref<10112x32xf32, #tpu.memory_space<vmem_shared>>
      tpu.wait_indirect_dma semaphore(%arg13 : memref<!tpu.dma_semaphore, #tpu.memory_space<semaphore_mem>>) src(%dma_wait3A_235 : memref<128x32xf32, #tpu.memory_space<vmem>>) dst(%dma_wait3A_241 : memref<10112x32xf32, #tpu.memory_space<vmem_shared>>)
      %add3A_242 = arith.constant 2 : i32
      %add3A_243 = arith.addi %add3A_206, %add3A_242 : i32
      %dma_start3A_244 = arith.constant 0 : i32
      %dma_start3A_245 = arith.constant 0 : i32
      %dma_start3A_246 = arith.constant 0 : i32
      %dma_start3A_247 = tpu.memref_slice %arg8[%dma_start3A_244, %dma_start3A_245, %dma_start3A_246] : memref<4x128x32xf32, #tpu.memory_space<vmem>> -> memref<1x128x32xf32, #tpu.memory_space<vmem>>
      %dma_start3A_248 = tpu.memref_squeeze %dma_start3A_247 : memref<1x128x32xf32, #tpu.memory_space<vmem>> -> memref<128x32xf32, #tpu.memory_space<vmem>>
      %dma_start3A_249 = arith.constant 0 : i32
      %dma_start3A_250 = tpu.memref_slice %arg6[%add3A_243, %dma_start3A_249] : memref<160x128xi32, #tpu.memory_space<vmem>> -> memref<1x128xi32, #tpu.memory_space<vmem>>
      %dma_start3A_251 = tpu.memref_squeeze %dma_start3A_250 : memref<1x128xi32, #tpu.memory_space<vmem>> -> memref<128xi32, #tpu.memory_space<vmem>>
      %dma_start3A_252 = arith.constant 0 : i32
      %dma_start3A_253 = arith.constant 0 : i32
      %dma_start3A_254 = tpu.memref_slice %arg18[%dma_start3A_252, %dma_start3A_253] : memref<10112x32xf32, #tpu.memory_space<vmem_shared>> -> memref<10112x32xf32, #tpu.memory_space<vmem_shared>>
      tpu.enqueue_indirect_dma source(%dma_start3A_254 : memref<10112x32xf32, #tpu.memory_space<vmem_shared>>) target(%dma_start3A_248 : memref<128x32xf32, #tpu.memory_space<vmem>>) offsets(%dma_start3A_251 : memref<128xi32, #tpu.memory_space<vmem>>) semaphore(%arg9 : memref<!tpu.dma_semaphore, #tpu.memory_space<semaphore_mem>>)
      %mul3A_255 = arith.constant 4 : i32
      %mul3A_256 = arith.muli %mul3A_255, %scan3A_200 : i32
      %add3A_257 = arith.constant 2 : i32
      %add3A_258 = arith.addi %mul3A_256, %add3A_257 : i32
      %add3A_259 = arith.constant 1 : i32
      %add3A_260 = arith.addi %add3A_258, %add3A_259 : i32
      %dma_wait3A_261 = arith.constant 0 : i32
      %dma_wait3A_262 = arith.constant 3 : i32
      %dma_wait3A_263 = arith.constant 0 : i32
      %dma_wait3A_264 = arith.constant 0 : i32
      %dma_wait3A_265 = tpu.memref_slice %arg8[%dma_wait3A_262, %dma_wait3A_263, %dma_wait3A_264] : memref<4x128x32xf32, #tpu.memory_space<vmem>> -> memref<1x128x32xf32, #tpu.memory_space<vmem>>
      %dma_wait3A_266 = tpu.memref_squeeze %dma_wait3A_265 : memref<1x128x32xf32, #tpu.memory_space<vmem>> -> memref<128x32xf32, #tpu.memory_space<vmem>>
      %dma_wait3A_267 = arith.constant 0 : i32
      %dma_wait3A_268 = tpu.memref_slice %arg6[%dma_wait3A_261, %dma_wait3A_267] : memref<160x128xi32, #tpu.memory_space<vmem>> -> memref<1x128xi32, #tpu.memory_space<vmem>>
      %dma_wait3A_269 = tpu.memref_squeeze %dma_wait3A_268 : memref<1x128xi32, #tpu.memory_space<vmem>> -> memref<128xi32, #tpu.memory_space<vmem>>
      %dma_wait3A_270 = arith.constant 0 : i32
      %dma_wait3A_271 = arith.constant 0 : i32
      %dma_wait3A_272 = tpu.memref_slice %arg18[%dma_wait3A_270, %dma_wait3A_271] : memref<10112x32xf32, #tpu.memory_space<vmem_shared>> -> memref<10112x32xf32, #tpu.memory_space<vmem_shared>>
      tpu.wait_indirect_dma semaphore(%arg12 : memref<!tpu.dma_semaphore, #tpu.memory_space<semaphore_mem>>) src(%dma_wait3A_272 : memref<10112x32xf32, #tpu.memory_space<vmem_shared>>) dst(%dma_wait3A_266 : memref<128x32xf32, #tpu.memory_space<vmem>>)
      %dma_start3A_273 = arith.constant 3 : i32
      %dma_start3A_274 = arith.constant 0 : i32
      %dma_start3A_275 = arith.constant 0 : i32
      %dma_start3A_276 = tpu.memref_slice %arg8[%dma_start3A_273, %dma_start3A_274, %dma_start3A_275] : memref<4x128x32xf32, #tpu.memory_space<vmem>> -> memref<1x128x32xf32, #tpu.memory_space<vmem>>
      %dma_start3A_277 = tpu.memref_squeeze %dma_start3A_276 : memref<1x128x32xf32, #tpu.memory_space<vmem>> -> memref<128x32xf32, #tpu.memory_space<vmem>>
      %dma_start3A_278 = arith.constant 0 : i32
      %dma_start3A_279 = tpu.memref_slice %arg7[%add3A_260, %dma_start3A_278] : memref<160x128xi32, #tpu.memory_space<vmem>> -> memref<1x128xi32, #tpu.memory_space<vmem>>
      %dma_start3A_280 = tpu.memref_squeeze %dma_start3A_279 : memref<1x128xi32, #tpu.memory_space<vmem>> -> memref<128xi32, #tpu.memory_space<vmem>>
      %dma_start3A_281 = arith.constant 0 : i32
      %dma_start3A_282 = arith.constant 0 : i32
      %dma_start3A_283 = tpu.memref_slice %arg17[%dma_start3A_281, %dma_start3A_282] : memref<10112x32xf32, #tpu.memory_space<vmem_shared>> -> memref<10112x32xf32, #tpu.memory_space<vmem_shared>>
      tpu.enqueue_indirect_dma source(%dma_start3A_277 : memref<128x32xf32, #tpu.memory_space<vmem>>) target(%dma_start3A_283 : memref<10112x32xf32, #tpu.memory_space<vmem_shared>>) offsets(%dma_start3A_280 : memref<128xi32, #tpu.memory_space<vmem>>) semaphore(%arg16 : memref<!tpu.dma_semaphore, #tpu.memory_space<semaphore_mem>>) {add = true}
      %dma_wait3A_284 = arith.constant 1 : i32
      %dma_wait3A_285 = arith.constant 0 : i32
      %dma_wait3A_286 = arith.constant 0 : i32
      %dma_wait3A_287 = arith.constant 0 : i32
      %dma_wait3A_288 = tpu.memref_slice %arg8[%dma_wait3A_284, %dma_wait3A_286, %dma_wait3A_287] : memref<4x128x32xf32, #tpu.memory_space<vmem>> -> memref<1x128x32xf32, #tpu.memory_space<vmem>>
      %dma_wait3A_289 = tpu.memref_squeeze %dma_wait3A_288 : memref<1x128x32xf32, #tpu.memory_space<vmem>> -> memref<128x32xf32, #tpu.memory_space<vmem>>
      %dma_wait3A_290 = arith.constant 0 : i32
      %dma_wait3A_291 = tpu.memref_slice %arg7[%dma_wait3A_285, %dma_wait3A_290] : memref<160x128xi32, #tpu.memory_space<vmem>> -> memref<1x128xi32, #tpu.memory_space<vmem>>
      %dma_wait3A_292 = tpu.memref_squeeze %dma_wait3A_291 : memref<1x128xi32, #tpu.memory_space<vmem>> -> memref<128xi32, #tpu.memory_space<vmem>>
      %dma_wait3A_293 = arith.constant 0 : i32
      %dma_wait3A_294 = arith.constant 0 : i32
      %dma_wait3A_295 = tpu.memref_slice %arg17[%dma_wait3A_293, %dma_wait3A_294] : memref<10112x32xf32, #tpu.memory_space<vmem_shared>> -> memref<10112x32xf32, #tpu.memory_space<vmem_shared>>
      tpu.wait_indirect_dma semaphore(%arg14 : memref<!tpu.dma_semaphore, #tpu.memory_space<semaphore_mem>>) src(%dma_wait3A_289 : memref<128x32xf32, #tpu.memory_space<vmem>>) dst(%dma_wait3A_295 : memref<10112x32xf32, #tpu.memory_space<vmem_shared>>)
      %add3A_296 = arith.constant 2 : i32
      %add3A_297 = arith.addi %add3A_260, %add3A_296 : i32
      %dma_start3A_298 = arith.constant 1 : i32
      %dma_start3A_299 = arith.constant 0 : i32
      %dma_start3A_300 = arith.constant 0 : i32
      %dma_start3A_301 = tpu.memref_slice %arg8[%dma_start3A_298, %dma_start3A_299, %dma_start3A_300] : memref<4x128x32xf32, #tpu.memory_space<vmem>> -> memref<1x128x32xf32, #tpu.memory_space<vmem>>
      %dma_start3A_302 = tpu.memref_squeeze %dma_start3A_301 : memref<1x128x32xf32, #tpu.memory_space<vmem>> -> memref<128x32xf32, #tpu.memory_space<vmem>>
      %dma_start3A_303 = arith.constant 0 : i32
      %dma_start3A_304 = tpu.memref_slice %arg6[%add3A_297, %dma_start3A_303] : memref<160x128xi32, #tpu.memory_space<vmem>> -> memref<1x128xi32, #tpu.memory_space<vmem>>
      %dma_start3A_305 = tpu.memref_squeeze %dma_start3A_304 : memref<1x128xi32, #tpu.memory_space<vmem>> -> memref<128xi32, #tpu.memory_space<vmem>>
      %dma_start3A_306 = arith.constant 0 : i32
      %dma_start3A_307 = arith.constant 0 : i32
      %dma_start3A_308 = tpu.memref_slice %arg18[%dma_start3A_306, %dma_start3A_307] : memref<10112x32xf32, #tpu.memory_space<vmem_shared>> -> memref<10112x32xf32, #tpu.memory_space<vmem_shared>>
      tpu.enqueue_indirect_dma source(%dma_start3A_308 : memref<10112x32xf32, #tpu.memory_space<vmem_shared>>) target(%dma_start3A_302 : memref<128x32xf32, #tpu.memory_space<vmem>>) offsets(%dma_start3A_305 : memref<128xi32, #tpu.memory_space<vmem>>) semaphore(%arg10 : memref<!tpu.dma_semaphore, #tpu.memory_space<semaphore_mem>>)
      %mul3A_309 = arith.constant 4 : i32
      %mul3A_310 = arith.muli %mul3A_309, %scan3A_200 : i32
      %add3A_311 = arith.constant 2 : i32
      %add3A_312 = arith.addi %mul3A_310, %add3A_311 : i32
      %add3A_313 = arith.constant 2 : i32
      %add3A_314 = arith.addi %add3A_312, %add3A_313 : i32
      %dma_wait3A_315 = arith.constant 0 : i32
      %dma_wait3A_316 = arith.constant 0 : i32
      %dma_wait3A_317 = arith.constant 0 : i32
      %dma_wait3A_318 = arith.constant 0 : i32
      %dma_wait3A_319 = tpu.memref_slice %arg8[%dma_wait3A_316, %dma_wait3A_317, %dma_wait3A_318] : memref<4x128x32xf32, #tpu.memory_space<vmem>> -> memref<1x128x32xf32, #tpu.memory_space<vmem>>
      %dma_wait3A_320 = tpu.memref_squeeze %dma_wait3A_319 : memref<1x128x32xf32, #tpu.memory_space<vmem>> -> memref<128x32xf32, #tpu.memory_space<vmem>>
      %dma_wait3A_321 = arith.constant 0 : i32
      %dma_wait3A_322 = tpu.memref_slice %arg6[%dma_wait3A_315, %dma_wait3A_321] : memref<160x128xi32, #tpu.memory_space<vmem>> -> memref<1x128xi32, #tpu.memory_space<vmem>>
      %dma_wait3A_323 = tpu.memref_squeeze %dma_wait3A_322 : memref<1x128xi32, #tpu.memory_space<vmem>> -> memref<128xi32, #tpu.memory_space<vmem>>
      %dma_wait3A_324 = arith.constant 0 : i32
      %dma_wait3A_325 = arith.constant 0 : i32
      %dma_wait3A_326 = tpu.memref_slice %arg18[%dma_wait3A_324, %dma_wait3A_325] : memref<10112x32xf32, #tpu.memory_space<vmem_shared>> -> memref<10112x32xf32, #tpu.memory_space<vmem_shared>>
      tpu.wait_indirect_dma semaphore(%arg9 : memref<!tpu.dma_semaphore, #tpu.memory_space<semaphore_mem>>) src(%dma_wait3A_326 : memref<10112x32xf32, #tpu.memory_space<vmem_shared>>) dst(%dma_wait3A_320 : memref<128x32xf32, #tpu.memory_space<vmem>>)
      %dma_start3A_327 = arith.constant 0 : i32
      %dma_start3A_328 = arith.constant 0 : i32
      %dma_start3A_329 = arith.constant 0 : i32
      %dma_start3A_330 = tpu.memref_slice %arg8[%dma_start3A_327, %dma_start3A_328, %dma_start3A_329] : memref<4x128x32xf32, #tpu.memory_space<vmem>> -> memref<1x128x32xf32, #tpu.memory_space<vmem>>
      %dma_start3A_331 = tpu.memref_squeeze %dma_start3A_330 : memref<1x128x32xf32, #tpu.memory_space<vmem>> -> memref<128x32xf32, #tpu.memory_space<vmem>>
      %dma_start3A_332 = arith.constant 0 : i32
      %dma_start3A_333 = tpu.memref_slice %arg7[%add3A_314, %dma_start3A_332] : memref<160x128xi32, #tpu.memory_space<vmem>> -> memref<1x128xi32, #tpu.memory_space<vmem>>
      %dma_start3A_334 = tpu.memref_squeeze %dma_start3A_333 : memref<1x128xi32, #tpu.memory_space<vmem>> -> memref<128xi32, #tpu.memory_space<vmem>>
      %dma_start3A_335 = arith.constant 0 : i32
      %dma_start3A_336 = arith.constant 0 : i32
      %dma_start3A_337 = tpu.memref_slice %arg17[%dma_start3A_335, %dma_start3A_336] : memref<10112x32xf32, #tpu.memory_space<vmem_shared>> -> memref<10112x32xf32, #tpu.memory_space<vmem_shared>>
      tpu.enqueue_indirect_dma source(%dma_start3A_331 : memref<128x32xf32, #tpu.memory_space<vmem>>) target(%dma_start3A_337 : memref<10112x32xf32, #tpu.memory_space<vmem_shared>>) offsets(%dma_start3A_334 : memref<128xi32, #tpu.memory_space<vmem>>) semaphore(%arg13 : memref<!tpu.dma_semaphore, #tpu.memory_space<semaphore_mem>>) {add = true}
      %dma_wait3A_338 = arith.constant 2 : i32
      %dma_wait3A_339 = arith.constant 0 : i32
      %dma_wait3A_340 = arith.constant 0 : i32
      %dma_wait3A_341 = arith.constant 0 : i32
      %dma_wait3A_342 = tpu.memref_slice %arg8[%dma_wait3A_338, %dma_wait3A_340, %dma_wait3A_341] : memref<4x128x32xf32, #tpu.memory_space<vmem>> -> memref<1x128x32xf32, #tpu.memory_space<vmem>>
      %dma_wait3A_343 = tpu.memref_squeeze %dma_wait3A_342 : memref<1x128x32xf32, #tpu.memory_space<vmem>> -> memref<128x32xf32, #tpu.memory_space<vmem>>
      %dma_wait3A_344 = arith.constant 0 : i32
      %dma_wait3A_345 = tpu.memref_slice %arg7[%dma_wait3A_339, %dma_wait3A_344] : memref<160x128xi32, #tpu.memory_space<vmem>> -> memref<1x128xi32, #tpu.memory_space<vmem>>
      %dma_wait3A_346 = tpu.memref_squeeze %dma_wait3A_345 : memref<1x128xi32, #tpu.memory_space<vmem>> -> memref<128xi32, #tpu.memory_space<vmem>>
      %dma_wait3A_347 = arith.constant 0 : i32
      %dma_wait3A_348 = arith.constant 0 : i32
      %dma_wait3A_349 = tpu.memref_slice %arg17[%dma_wait3A_347, %dma_wait3A_348] : memref<10112x32xf32, #tpu.memory_space<vmem_shared>> -> memref<10112x32xf32, #tpu.memory_space<vmem_shared>>
      tpu.wait_indirect_dma semaphore(%arg15 : memref<!tpu.dma_semaphore, #tpu.memory_space<semaphore_mem>>) src(%dma_wait3A_343 : memref<128x32xf32, #tpu.memory_space<vmem>>) dst(%dma_wait3A_349 : memref<10112x32xf32, #tpu.memory_space<vmem_shared>>)
      %add3A_350 = arith.constant 2 : i32
      %add3A_351 = arith.addi %add3A_314, %add3A_350 : i32
      %dma_start3A_352 = arith.constant 2 : i32
      %dma_start3A_353 = arith.constant 0 : i32
      %dma_start3A_354 = arith.constant 0 : i32
      %dma_start3A_355 = tpu.memref_slice %arg8[%dma_start3A_352, %dma_start3A_353, %dma_start3A_354] : memref<4x128x32xf32, #tpu.memory_space<vmem>> -> memref<1x128x32xf32, #tpu.memory_space<vmem>>
      %dma_start3A_356 = tpu.memref_squeeze %dma_start3A_355 : memref<1x128x32xf32, #tpu.memory_space<vmem>> -> memref<128x32xf32, #tpu.memory_space<vmem>>
      %dma_start3A_357 = arith.constant 0 : i32
      %dma_start3A_358 = tpu.memref_slice %arg6[%add3A_351, %dma_start3A_357] : memref<160x128xi32, #tpu.memory_space<vmem>> -> memref<1x128xi32, #tpu.memory_space<vmem>>
      %dma_start3A_359 = tpu.memref_squeeze %dma_start3A_358 : memref<1x128xi32, #tpu.memory_space<vmem>> -> memref<128xi32, #tpu.memory_space<vmem>>
      %dma_start3A_360 = arith.constant 0 : i32
      %dma_start3A_361 = arith.constant 0 : i32
      %dma_start3A_362 = tpu.memref_slice %arg18[%dma_start3A_360, %dma_start3A_361] : memref<10112x32xf32, #tpu.memory_space<vmem_shared>> -> memref<10112x32xf32, #tpu.memory_space<vmem_shared>>
      tpu.enqueue_indirect_dma source(%dma_start3A_362 : memref<10112x32xf32, #tpu.memory_space<vmem_shared>>) target(%dma_start3A_356 : memref<128x32xf32, #tpu.memory_space<vmem>>) offsets(%dma_start3A_359 : memref<128xi32, #tpu.memory_space<vmem>>) semaphore(%arg11 : memref<!tpu.dma_semaphore, #tpu.memory_space<semaphore_mem>>)
      %mul3A_363 = arith.constant 4 : i32
      %mul3A_364 = arith.muli %mul3A_363, %scan3A_200 : i32
      %add3A_365 = arith.constant 2 : i32
      %add3A_366 = arith.addi %mul3A_364, %add3A_365 : i32
      %add3A_367 = arith.constant 3 : i32
      %add3A_368 = arith.addi %add3A_366, %add3A_367 : i32
      %dma_wait3A_369 = arith.constant 0 : i32
      %dma_wait3A_370 = arith.constant 1 : i32
      %dma_wait3A_371 = arith.constant 0 : i32
      %dma_wait3A_372 = arith.constant 0 : i32
      %dma_wait3A_373 = tpu.memref_slice %arg8[%dma_wait3A_370, %dma_wait3A_371, %dma_wait3A_372] : memref<4x128x32xf32, #tpu.memory_space<vmem>> -> memref<1x128x32xf32, #tpu.memory_space<vmem>>
      %dma_wait3A_374 = tpu.memref_squeeze %dma_wait3A_373 : memref<1x128x32xf32, #tpu.memory_space<vmem>> -> memref<128x32xf32, #tpu.memory_space<vmem>>
      %dma_wait3A_375 = arith.constant 0 : i32
      %dma_wait3A_376 = tpu.memref_slice %arg6[%dma_wait3A_369, %dma_wait3A_375] : memref<160x128xi32, #tpu.memory_space<vmem>> -> memref<1x128xi32, #tpu.memory_space<vmem>>
      %dma_wait3A_377 = tpu.memref_squeeze %dma_wait3A_376 : memref<1x128xi32, #tpu.memory_space<vmem>> -> memref<128xi32, #tpu.memory_space<vmem>>
      %dma_wait3A_378 = arith.constant 0 : i32
      %dma_wait3A_379 = arith.constant 0 : i32
      %dma_wait3A_380 = tpu.memref_slice %arg18[%dma_wait3A_378, %dma_wait3A_379] : memref<10112x32xf32, #tpu.memory_space<vmem_shared>> -> memref<10112x32xf32, #tpu.memory_space<vmem_shared>>
      tpu.wait_indirect_dma semaphore(%arg10 : memref<!tpu.dma_semaphore, #tpu.memory_space<semaphore_mem>>) src(%dma_wait3A_380 : memref<10112x32xf32, #tpu.memory_space<vmem_shared>>) dst(%dma_wait3A_374 : memref<128x32xf32, #tpu.memory_space<vmem>>)
      %dma_start3A_381 = arith.constant 1 : i32
      %dma_start3A_382 = arith.constant 0 : i32
      %dma_start3A_383 = arith.constant 0 : i32
      %dma_start3A_384 = tpu.memref_slice %arg8[%dma_start3A_381, %dma_start3A_382, %dma_start3A_383] : memref<4x128x32xf32, #tpu.memory_space<vmem>> -> memref<1x128x32xf32, #tpu.memory_space<vmem>>
      %dma_start3A_385 = tpu.memref_squeeze %dma_start3A_384 : memref<1x128x32xf32, #tpu.memory_space<vmem>> -> memref<128x32xf32, #tpu.memory_space<vmem>>
      %dma_start3A_386 = arith.constant 0 : i32
      %dma_start3A_387 = tpu.memref_slice %arg7[%add3A_368, %dma_start3A_386] : memref<160x128xi32, #tpu.memory_space<vmem>> -> memref<1x128xi32, #tpu.memory_space<vmem>>
      %dma_start3A_388 = tpu.memref_squeeze %dma_start3A_387 : memref<1x128xi32, #tpu.memory_space<vmem>> -> memref<128xi32, #tpu.memory_space<vmem>>
      %dma_start3A_389 = arith.constant 0 : i32
      %dma_start3A_390 = arith.constant 0 : i32
      %dma_start3A_391 = tpu.memref_slice %arg17[%dma_start3A_389, %dma_start3A_390] : memref<10112x32xf32, #tpu.memory_space<vmem_shared>> -> memref<10112x32xf32, #tpu.memory_space<vmem_shared>>
      tpu.enqueue_indirect_dma source(%dma_start3A_385 : memref<128x32xf32, #tpu.memory_space<vmem>>) target(%dma_start3A_391 : memref<10112x32xf32, #tpu.memory_space<vmem_shared>>) offsets(%dma_start3A_388 : memref<128xi32, #tpu.memory_space<vmem>>) semaphore(%arg14 : memref<!tpu.dma_semaphore, #tpu.memory_space<semaphore_mem>>) {add = true}
      %dma_wait3A_392 = arith.constant 3 : i32
      %dma_wait3A_393 = arith.constant 0 : i32
      %dma_wait3A_394 = arith.constant 0 : i32
      %dma_wait3A_395 = arith.constant 0 : i32
      %dma_wait3A_396 = tpu.memref_slice %arg8[%dma_wait3A_392, %dma_wait3A_394, %dma_wait3A_395] : memref<4x128x32xf32, #tpu.memory_space<vmem>> -> memref<1x128x32xf32, #tpu.memory_space<vmem>>
      %dma_wait3A_397 = tpu.memref_squeeze %dma_wait3A_396 : memref<1x128x32xf32, #tpu.memory_space<vmem>> -> memref<128x32xf32, #tpu.memory_space<vmem>>
      %dma_wait3A_398 = arith.constant 0 : i32
      %dma_wait3A_399 = tpu.memref_slice %arg7[%dma_wait3A_393, %dma_wait3A_398] : memref<160x128xi32, #tpu.memory_space<vmem>> -> memref<1x128xi32, #tpu.memory_space<vmem>>
      %dma_wait3A_400 = tpu.memref_squeeze %dma_wait3A_399 : memref<1x128xi32, #tpu.memory_space<vmem>> -> memref<128xi32, #tpu.memory_space<vmem>>
      %dma_wait3A_401 = arith.constant 0 : i32
      %dma_wait3A_402 = arith.constant 0 : i32
      %dma_wait3A_403 = tpu.memref_slice %arg17[%dma_wait3A_401, %dma_wait3A_402] : memref<10112x32xf32, #tpu.memory_space<vmem_shared>> -> memref<10112x32xf32, #tpu.memory_space<vmem_shared>>
      tpu.wait_indirect_dma semaphore(%arg16 : memref<!tpu.dma_semaphore, #tpu.memory_space<semaphore_mem>>) src(%dma_wait3A_397 : memref<128x32xf32, #tpu.memory_space<vmem>>) dst(%dma_wait3A_403 : memref<10112x32xf32, #tpu.memory_space<vmem_shared>>)
      %add3A_404 = arith.constant 2 : i32
      %add3A_405 = arith.addi %add3A_368, %add3A_404 : i32
      %dma_start3A_406 = arith.constant 3 : i32
      %dma_start3A_407 = arith.constant 0 : i32
      %dma_start3A_408 = arith.constant 0 : i32
      %dma_start3A_409 = tpu.memref_slice %arg8[%dma_start3A_406, %dma_start3A_407, %dma_start3A_408] : memref<4x128x32xf32, #tpu.memory_space<vmem>> -> memref<1x128x32xf32, #tpu.memory_space<vmem>>
      %dma_start3A_410 = tpu.memref_squeeze %dma_start3A_409 : memref<1x128x32xf32, #tpu.memory_space<vmem>> -> memref<128x32xf32, #tpu.memory_space<vmem>>
      %dma_start3A_411 = arith.constant 0 : i32
      %dma_start3A_412 = tpu.memref_slice %arg6[%add3A_405, %dma_start3A_411] : memref<160x128xi32, #tpu.memory_space<vmem>> -> memref<1x128xi32, #tpu.memory_space<vmem>>
      %dma_start3A_413 = tpu.memref_squeeze %dma_start3A_412 : memref<1x128xi32, #tpu.memory_space<vmem>> -> memref<128xi32, #tpu.memory_space<vmem>>
      %dma_start3A_414 = arith.constant 0 : i32
      %dma_start3A_415 = arith.constant 0 : i32
      %dma_start3A_416 = tpu.memref_slice %arg18[%dma_start3A_414, %dma_start3A_415] : memref<10112x32xf32, #tpu.memory_space<vmem_shared>> -> memref<10112x32xf32, #tpu.memory_space<vmem_shared>>
      tpu.enqueue_indirect_dma source(%dma_start3A_416 : memref<10112x32xf32, #tpu.memory_space<vmem_shared>>) target(%dma_start3A_410 : memref<128x32xf32, #tpu.memory_space<vmem>>) offsets(%dma_start3A_413 : memref<128xi32, #tpu.memory_space<vmem>>) semaphore(%arg12 : memref<!tpu.dma_semaphore, #tpu.memory_space<semaphore_mem>>)
      %scan3A_417 = arith.constant 0 : i32
      scf.yield %scan3A_417 : i32
    }
    %scan3A_102 = arith.constant 39 : i32
    %dma_wait3A_103 = arith.constant 0 : i32
    %dma_wait3A_104 = arith.constant 2 : i32
    %dma_wait3A_105 = arith.constant 0 : i32
    %dma_wait3A_106 = arith.constant 0 : i32
    %dma_wait3A_107 = tpu.memref_slice %arg8[%dma_wait3A_104, %dma_wait3A_105, %dma_wait3A_106] : memref<4x128x32xf32, #tpu.memory_space<vmem>> -> memref<1x128x32xf32, #tpu.memory_space<vmem>>
    %dma_wait3A_108 = tpu.memref_squeeze %dma_wait3A_107 : memref<1x128x32xf32, #tpu.memory_space<vmem>> -> memref<128x32xf32, #tpu.memory_space<vmem>>
    %dma_wait3A_109 = arith.constant 0 : i32
    %dma_wait3A_110 = tpu.memref_slice %arg6[%dma_wait3A_103, %dma_wait3A_109] : memref<160x128xi32, #tpu.memory_space<vmem>> -> memref<1x128xi32, #tpu.memory_space<vmem>>
    %dma_wait3A_111 = tpu.memref_squeeze %dma_wait3A_110 : memref<1x128xi32, #tpu.memory_space<vmem>> -> memref<128xi32, #tpu.memory_space<vmem>>
    %dma_wait3A_112 = arith.constant 0 : i32
    %dma_wait3A_113 = arith.constant 0 : i32
    %dma_wait3A_114 = tpu.memref_slice %arg18[%dma_wait3A_112, %dma_wait3A_113] : memref<10112x32xf32, #tpu.memory_space<vmem_shared>> -> memref<10112x32xf32, #tpu.memory_space<vmem_shared>>
    tpu.wait_indirect_dma semaphore(%arg11 : memref<!tpu.dma_semaphore, #tpu.memory_space<semaphore_mem>>) src(%dma_wait3A_114 : memref<10112x32xf32, #tpu.memory_space<vmem_shared>>) dst(%dma_wait3A_108 : memref<128x32xf32, #tpu.memory_space<vmem>>)
    %dma_start3A_115 = arith.constant 2 : i32
    %dma_start3A_116 = arith.constant 158 : i32
    %dma_start3A_117 = arith.constant 0 : i32
    %dma_start3A_118 = arith.constant 0 : i32
    %dma_start3A_119 = tpu.memref_slice %arg8[%dma_start3A_115, %dma_start3A_117, %dma_start3A_118] : memref<4x128x32xf32, #tpu.memory_space<vmem>> -> memref<1x128x32xf32, #tpu.memory_space<vmem>>
    %dma_start3A_120 = tpu.memref_squeeze %dma_start3A_119 : memref<1x128x32xf32, #tpu.memory_space<vmem>> -> memref<128x32xf32, #tpu.memory_space<vmem>>
    %dma_start3A_121 = arith.constant 0 : i32
    %dma_start3A_122 = tpu.memref_slice %arg7[%dma_start3A_116, %dma_start3A_121] : memref<160x128xi32, #tpu.memory_space<vmem>> -> memref<1x128xi32, #tpu.memory_space<vmem>>
    %dma_start3A_123 = tpu.memref_squeeze %dma_start3A_122 : memref<1x128xi32, #tpu.memory_space<vmem>> -> memref<128xi32, #tpu.memory_space<vmem>>
    %dma_start3A_124 = arith.constant 0 : i32
    %dma_start3A_125 = arith.constant 0 : i32
    %dma_start3A_126 = tpu.memref_slice %arg17[%dma_start3A_124, %dma_start3A_125] : memref<10112x32xf32, #tpu.memory_space<vmem_shared>> -> memref<10112x32xf32, #tpu.memory_space<vmem_shared>>
    tpu.enqueue_indirect_dma source(%dma_start3A_120 : memref<128x32xf32, #tpu.memory_space<vmem>>) target(%dma_start3A_126 : memref<10112x32xf32, #tpu.memory_space<vmem_shared>>) offsets(%dma_start3A_123 : memref<128xi32, #tpu.memory_space<vmem>>) semaphore(%arg15 : memref<!tpu.dma_semaphore, #tpu.memory_space<semaphore_mem>>) {add = true}
    %dma_wait3A_127 = arith.constant 0 : i32
    %dma_wait3A_128 = arith.constant 0 : i32
    %dma_wait3A_129 = arith.constant 0 : i32
    %dma_wait3A_130 = arith.constant 0 : i32
    %dma_wait3A_131 = tpu.memref_slice %arg8[%dma_wait3A_127, %dma_wait3A_129, %dma_wait3A_130] : memref<4x128x32xf32, #tpu.memory_space<vmem>> -> memref<1x128x32xf32, #tpu.memory_space<vmem>>
    %dma_wait3A_132 = tpu.memref_squeeze %dma_wait3A_131 : memref<1x128x32xf32, #tpu.memory_space<vmem>> -> memref<128x32xf32, #tpu.memory_space<vmem>>
    %dma_wait3A_133 = arith.constant 0 : i32
    %dma_wait3A_134 = tpu.memref_slice %arg7[%dma_wait3A_128, %dma_wait3A_133] : memref<160x128xi32, #tpu.memory_space<vmem>> -> memref<1x128xi32, #tpu.memory_space<vmem>>
    %dma_wait3A_135 = tpu.memref_squeeze %dma_wait3A_134 : memref<1x128xi32, #tpu.memory_space<vmem>> -> memref<128xi32, #tpu.memory_space<vmem>>
    %dma_wait3A_136 = arith.constant 0 : i32
    %dma_wait3A_137 = arith.constant 0 : i32
    %dma_wait3A_138 = tpu.memref_slice %arg17[%dma_wait3A_136, %dma_wait3A_137] : memref<10112x32xf32, #tpu.memory_space<vmem_shared>> -> memref<10112x32xf32, #tpu.memory_space<vmem_shared>>
    tpu.wait_indirect_dma semaphore(%arg13 : memref<!tpu.dma_semaphore, #tpu.memory_space<semaphore_mem>>) src(%dma_wait3A_132 : memref<128x32xf32, #tpu.memory_space<vmem>>) dst(%dma_wait3A_138 : memref<10112x32xf32, #tpu.memory_space<vmem_shared>>)
    %dma_wait3A_139 = arith.constant 0 : i32
    %dma_wait3A_140 = arith.constant 3 : i32
    %dma_wait3A_141 = arith.constant 0 : i32
    %dma_wait3A_142 = arith.constant 0 : i32
    %dma_wait3A_143 = tpu.memref_slice %arg8[%dma_wait3A_140, %dma_wait3A_141, %dma_wait3A_142] : memref<4x128x32xf32, #tpu.memory_space<vmem>> -> memref<1x128x32xf32, #tpu.memory_space<vmem>>
    %dma_wait3A_144 = tpu.memref_squeeze %dma_wait3A_143 : memref<1x128x32xf32, #tpu.memory_space<vmem>> -> memref<128x32xf32, #tpu.memory_space<vmem>>
    %dma_wait3A_145 = arith.constant 0 : i32
    %dma_wait3A_146 = tpu.memref_slice %arg6[%dma_wait3A_139, %dma_wait3A_145] : memref<160x128xi32, #tpu.memory_space<vmem>> -> memref<1x128xi32, #tpu.memory_space<vmem>>
    %dma_wait3A_147 = tpu.memref_squeeze %dma_wait3A_146 : memref<1x128xi32, #tpu.memory_space<vmem>> -> memref<128xi32, #tpu.memory_space<vmem>>
    %dma_wait3A_148 = arith.constant 0 : i32
    %dma_wait3A_149 = arith.constant 0 : i32
    %dma_wait3A_150 = tpu.memref_slice %arg18[%dma_wait3A_148, %dma_wait3A_149] : memref<10112x32xf32, #tpu.memory_space<vmem_shared>> -> memref<10112x32xf32, #tpu.memory_space<vmem_shared>>
    tpu.wait_indirect_dma semaphore(%arg12 : memref<!tpu.dma_semaphore, #tpu.memory_space<semaphore_mem>>) src(%dma_wait3A_150 : memref<10112x32xf32, #tpu.memory_space<vmem_shared>>) dst(%dma_wait3A_144 : memref<128x32xf32, #tpu.memory_space<vmem>>)
    %dma_start3A_151 = arith.constant 3 : i32
    %dma_start3A_152 = arith.constant 159 : i32
    %dma_start3A_153 = arith.constant 0 : i32
    %dma_start3A_154 = arith.constant 0 : i32
    %dma_start3A_155 = tpu.memref_slice %arg8[%dma_start3A_151, %dma_start3A_153, %dma_start3A_154] : memref<4x128x32xf32, #tpu.memory_space<vmem>> -> memref<1x128x32xf32, #tpu.memory_space<vmem>>
    %dma_start3A_156 = tpu.memref_squeeze %dma_start3A_155 : memref<1x128x32xf32, #tpu.memory_space<vmem>> -> memref<128x32xf32, #tpu.memory_space<vmem>>
    %dma_start3A_157 = arith.constant 0 : i32
    %dma_start3A_158 = tpu.memref_slice %arg7[%dma_start3A_152, %dma_start3A_157] : memref<160x128xi32, #tpu.memory_space<vmem>> -> memref<1x128xi32, #tpu.memory_space<vmem>>
    %dma_start3A_159 = tpu.memref_squeeze %dma_start3A_158 : memref<1x128xi32, #tpu.memory_space<vmem>> -> memref<128xi32, #tpu.memory_space<vmem>>
    %dma_start3A_160 = arith.constant 0 : i32
    %dma_start3A_161 = arith.constant 0 : i32
    %dma_start3A_162 = tpu.memref_slice %arg17[%dma_start3A_160, %dma_start3A_161] : memref<10112x32xf32, #tpu.memory_space<vmem_shared>> -> memref<10112x32xf32, #tpu.memory_space<vmem_shared>>
    tpu.enqueue_indirect_dma source(%dma_start3A_156 : memref<128x32xf32, #tpu.memory_space<vmem>>) target(%dma_start3A_162 : memref<10112x32xf32, #tpu.memory_space<vmem_shared>>) offsets(%dma_start3A_159 : memref<128xi32, #tpu.memory_space<vmem>>) semaphore(%arg16 : memref<!tpu.dma_semaphore, #tpu.memory_space<semaphore_mem>>) {add = true}
    %dma_wait3A_163 = arith.constant 1 : i32
    %dma_wait3A_164 = arith.constant 0 : i32
    %dma_wait3A_165 = arith.constant 0 : i32
    %dma_wait3A_166 = arith.constant 0 : i32
    %dma_wait3A_167 = tpu.memref_slice %arg8[%dma_wait3A_163, %dma_wait3A_165, %dma_wait3A_166] : memref<4x128x32xf32, #tpu.memory_space<vmem>> -> memref<1x128x32xf32, #tpu.memory_space<vmem>>
    %dma_wait3A_168 = tpu.memref_squeeze %dma_wait3A_167 : memref<1x128x32xf32, #tpu.memory_space<vmem>> -> memref<128x32xf32, #tpu.memory_space<vmem>>
    %dma_wait3A_169 = arith.constant 0 : i32
    %dma_wait3A_170 = tpu.memref_slice %arg7[%dma_wait3A_164, %dma_wait3A_169] : memref<160x128xi32, #tpu.memory_space<vmem>> -> memref<1x128xi32, #tpu.memory_space<vmem>>
    %dma_wait3A_171 = tpu.memref_squeeze %dma_wait3A_170 : memref<1x128xi32, #tpu.memory_space<vmem>> -> memref<128xi32, #tpu.memory_space<vmem>>
    %dma_wait3A_172 = arith.constant 0 : i32
    %dma_wait3A_173 = arith.constant 0 : i32
    %dma_wait3A_174 = tpu.memref_slice %arg17[%dma_wait3A_172, %dma_wait3A_173] : memref<10112x32xf32, #tpu.memory_space<vmem_shared>> -> memref<10112x32xf32, #tpu.memory_space<vmem_shared>>
    tpu.wait_indirect_dma semaphore(%arg14 : memref<!tpu.dma_semaphore, #tpu.memory_space<semaphore_mem>>) src(%dma_wait3A_168 : memref<128x32xf32, #tpu.memory_space<vmem>>) dst(%dma_wait3A_174 : memref<10112x32xf32, #tpu.memory_space<vmem_shared>>)
    %dma_wait3A_175 = arith.constant 2 : i32
    %dma_wait3A_176 = arith.constant 0 : i32
    %dma_wait3A_177 = arith.constant 0 : i32
    %dma_wait3A_178 = arith.constant 0 : i32
    %dma_wait3A_179 = tpu.memref_slice %arg8[%dma_wait3A_175, %dma_wait3A_177, %dma_wait3A_178] : memref<4x128x32xf32, #tpu.memory_space<vmem>> -> memref<1x128x32xf32, #tpu.memory_space<vmem>>
    %dma_wait3A_180 = tpu.memref_squeeze %dma_wait3A_179 : memref<1x128x32xf32, #tpu.memory_space<vmem>> -> memref<128x32xf32, #tpu.memory_space<vmem>>
    %dma_wait3A_181 = arith.constant 0 : i32
    %dma_wait3A_182 = tpu.memref_slice %arg7[%dma_wait3A_176, %dma_wait3A_181] : memref<160x128xi32, #tpu.memory_space<vmem>> -> memref<1x128xi32, #tpu.memory_space<vmem>>
    %dma_wait3A_183 = tpu.memref_squeeze %dma_wait3A_182 : memref<1x128xi32, #tpu.memory_space<vmem>> -> memref<128xi32, #tpu.memory_space<vmem>>
    %dma_wait3A_184 = arith.constant 0 : i32
    %dma_wait3A_185 = arith.constant 0 : i32
    %dma_wait3A_186 = tpu.memref_slice %arg17[%dma_wait3A_184, %dma_wait3A_185] : memref<10112x32xf32, #tpu.memory_space<vmem_shared>> -> memref<10112x32xf32, #tpu.memory_space<vmem_shared>>
    tpu.wait_indirect_dma semaphore(%arg15 : memref<!tpu.dma_semaphore, #tpu.memory_space<semaphore_mem>>) src(%dma_wait3A_180 : memref<128x32xf32, #tpu.memory_space<vmem>>) dst(%dma_wait3A_186 : memref<10112x32xf32, #tpu.memory_space<vmem_shared>>)
    %dma_wait3A_187 = arith.constant 3 : i32
    %dma_wait3A_188 = arith.constant 0 : i32
    %dma_wait3A_189 = arith.constant 0 : i32
    %dma_wait3A_190 = arith.constant 0 : i32
    %dma_wait3A_191 = tpu.memref_slice %arg8[%dma_wait3A_187, %dma_wait3A_189, %dma_wait3A_190] : memref<4x128x32xf32, #tpu.memory_space<vmem>> -> memref<1x128x32xf32, #tpu.memory_space<vmem>>
    %dma_wait3A_192 = tpu.memref_squeeze %dma_wait3A_191 : memref<1x128x32xf32, #tpu.memory_space<vmem>> -> memref<128x32xf32, #tpu.memory_space<vmem>>
    %dma_wait3A_193 = arith.constant 0 : i32
    %dma_wait3A_194 = tpu.memref_slice %arg7[%dma_wait3A_188, %dma_wait3A_193] : memref<160x128xi32, #tpu.memory_space<vmem>> -> memref<1x128xi32, #tpu.memory_space<vmem>>
    %dma_wait3A_195 = tpu.memref_squeeze %dma_wait3A_194 : memref<1x128xi32, #tpu.memory_space<vmem>> -> memref<128xi32, #tpu.memory_space<vmem>>
    %dma_wait3A_196 = arith.constant 0 : i32
    %dma_wait3A_197 = arith.constant 0 : i32
    %dma_wait3A_198 = tpu.memref_slice %arg17[%dma_wait3A_196, %dma_wait3A_197] : memref<10112x32xf32, #tpu.memory_space<vmem_shared>> -> memref<10112x32xf32, #tpu.memory_space<vmem_shared>>
    tpu.wait_indirect_dma semaphore(%arg16 : memref<!tpu.dma_semaphore, #tpu.memory_space<semaphore_mem>>) src(%dma_wait3A_192 : memref<128x32xf32, #tpu.memory_space<vmem>>) dst(%dma_wait3A_198 : memref<10112x32xf32, #tpu.memory_space<vmem_shared>>)
    %barrier3A_199 = arith.constant 0 : index
    tpu.barrier barrier_id(%barrier3A_199)
    "tpu.region"() ({
      %run_scoped3A = tpu.sem_alloc : memref<!tpu.dma_semaphore, #tpu.memory_space<semaphore_mem>>
      %dma_start3A_200 = tpu.memref_slice %arg5[%mul3A_0, %mul3A_2] : memref<10112x128xf32, #tpu.memory_space<hbm>> -> memref<632x32xf32, #tpu.memory_space<hbm>>
      %dma_start3A_201 = arith.constant 0 : i32
      %dma_start3A_202 = tpu.memref_slice %arg17[%mul3A_0, %dma_start3A_201] : memref<10112x32xf32, #tpu.memory_space<vmem_shared>> -> memref<632x32xf32, #tpu.memory_space<vmem_shared>>
      tpu.enqueue_dma source(%dma_start3A_202 : memref<632x32xf32, #tpu.memory_space<vmem_shared>>) target(%dma_start3A_200 : memref<632x32xf32, #tpu.memory_space<hbm>>) target_semaphore(%run_scoped3A : memref<!tpu.dma_semaphore, #tpu.memory_space<semaphore_mem>>)
      %dma_wait3A_203 = tpu.memref_slice %arg5[%mul3A_0, %mul3A_2] : memref<10112x128xf32, #tpu.memory_space<hbm>> -> memref<632x32xf32, #tpu.memory_space<hbm>>
      %dma_wait3A_204 = arith.constant 0 : i32
      %dma_wait3A_205 = tpu.memref_slice %arg17[%mul3A_0, %dma_wait3A_204] : memref<10112x32xf32, #tpu.memory_space<vmem_shared>> -> memref<632x32xf32, #tpu.memory_space<vmem_shared>>
      tpu.wait_dma2 semaphore(%run_scoped3A : memref<!tpu.dma_semaphore, #tpu.memory_space<semaphore_mem>>) src(%dma_wait3A_205 : memref<632x32xf32, #tpu.memory_space<vmem_shared>>) dst(%dma_wait3A_203 : memref<632x32xf32, #tpu.memory_space<hbm>>)
      tpu.yield
    }) : () -> ()
    return
  }
}

#map = affine_map<(d0, d1) -> (0, 0, 0)>
#map1 = affine_map<(d0, d1) -> (0, 0)>
module attributes {stable_mosaic.version = 14 : i64} {
  func.func @_agg_body(%arg0: i32, %arg1: i32, %arg2: memref<16x160x128xi32, #tpu.memory_space<hbm>>, %arg3: memref<16x160x128xi32, #tpu.memory_space<hbm>>, %arg4: memref<10112x128xf32, #tpu.memory_space<hbm>>, %arg5: memref<10112x128xf32, #tpu.memory_space<hbm>>, %arg6: memref<160x128xi32, #tpu.memory_space<vmem>>, %arg7: memref<160x128xi32, #tpu.memory_space<vmem>>, %arg8: memref<4x128x32xf32, #tpu.memory_space<vmem>>, %arg9: memref<!tpu.dma_semaphore, #tpu.memory_space<semaphore_mem>>, %arg10: memref<!tpu.dma_semaphore, #tpu.memory_space<semaphore_mem>>, %arg11: memref<!tpu.dma_semaphore, #tpu.memory_space<semaphore_mem>>, %arg12: memref<!tpu.dma_semaphore, #tpu.memory_space<semaphore_mem>>, %arg13: memref<!tpu.dma_semaphore, #tpu.memory_space<semaphore_mem>>, %arg14: memref<!tpu.dma_semaphore, #tpu.memory_space<semaphore_mem>>, %arg15: memref<!tpu.dma_semaphore, #tpu.memory_space<semaphore_mem>>, %arg16: memref<!tpu.dma_semaphore, #tpu.memory_space<semaphore_mem>>, %arg17: memref<10112x32xf32, #tpu.memory_space<vmem_shared>>, %arg18: memref<10112x32xf32, #tpu.memory_space<vmem_shared>>) attributes {dimension_semantics = [#tpu.dimension_semantics<core_parallel>, #tpu.dimension_semantics<subcore_parallel>], iteration_bounds = array<i64: 2, 16>, scalar_prefetch = 0 : i64, scratch_operands = 13 : i64, tpu.core_type = #tpu.core_type<sc_vector_subcore>, window_params = [{transform_indices = #map}, {transform_indices = #map}, {transform_indices = #map1}, {transform_indices = #map1}]} {
    %mul3A = arith.constant 632 : i32
    %mul3A_0 = arith.muli %arg1, %mul3A : i32
    %mul3A_1 = arith.constant 32 : i32
    %mul3A_2 = arith.muli %arg0, %mul3A_1 : i32
    "tpu.region"() ({
      %run_scoped3A = tpu.sem_alloc : memref<!tpu.dma_semaphore, #tpu.memory_space<semaphore_mem>>
      %dma_start3A_200 = arith.constant 0 : i32
      %dma_start3A_201 = tpu.memref_slice %arg18[%mul3A_0, %dma_start3A_200] : memref<10112x32xf32, #tpu.memory_space<vmem_shared>> -> memref<632x32xf32, #tpu.memory_space<vmem_shared>>
      %dma_start3A_202 = tpu.memref_slice %arg4[%mul3A_0, %mul3A_2] : memref<10112x128xf32, #tpu.memory_space<hbm>> -> memref<632x32xf32, #tpu.memory_space<hbm>>
      tpu.enqueue_dma source(%dma_start3A_202 : memref<632x32xf32, #tpu.memory_space<hbm>>) target(%dma_start3A_201 : memref<632x32xf32, #tpu.memory_space<vmem_shared>>) target_semaphore(%run_scoped3A : memref<!tpu.dma_semaphore, #tpu.memory_space<semaphore_mem>>)
      %dma_wait3A_203 = arith.constant 0 : i32
      %dma_wait3A_204 = tpu.memref_slice %arg18[%mul3A_0, %dma_wait3A_203] : memref<10112x32xf32, #tpu.memory_space<vmem_shared>> -> memref<632x32xf32, #tpu.memory_space<vmem_shared>>
      %dma_wait3A_205 = tpu.memref_slice %arg4[%mul3A_0, %mul3A_2] : memref<10112x128xf32, #tpu.memory_space<hbm>> -> memref<632x32xf32, #tpu.memory_space<hbm>>
      tpu.wait_dma2 semaphore(%run_scoped3A : memref<!tpu.dma_semaphore, #tpu.memory_space<semaphore_mem>>) src(%dma_wait3A_205 : memref<632x32xf32, #tpu.memory_space<hbm>>) dst(%dma_wait3A_204 : memref<632x32xf32, #tpu.memory_space<vmem_shared>>)
      tpu.yield
    }) : () -> ()
    "tpu.region"() ({
      %run_scoped3A = tpu.sem_alloc : memref<!tpu.dma_semaphore, #tpu.memory_space<semaphore_mem>>
      %dma_start3A_200 = arith.constant 0 : i32
      %dma_start3A_201 = tpu.memref_slice %arg17[%mul3A_0, %dma_start3A_200] : memref<10112x32xf32, #tpu.memory_space<vmem_shared>> -> memref<632x32xf32, #tpu.memory_space<vmem_shared>>
      %dma_start3A_202 = tpu.memref_slice %arg4[%mul3A_0, %mul3A_2] : memref<10112x128xf32, #tpu.memory_space<hbm>> -> memref<632x32xf32, #tpu.memory_space<hbm>>
      tpu.enqueue_dma source(%dma_start3A_202 : memref<632x32xf32, #tpu.memory_space<hbm>>) target(%dma_start3A_201 : memref<632x32xf32, #tpu.memory_space<vmem_shared>>) target_semaphore(%run_scoped3A : memref<!tpu.dma_semaphore, #tpu.memory_space<semaphore_mem>>)
      %dma_wait3A_203 = arith.constant 0 : i32
      %dma_wait3A_204 = tpu.memref_slice %arg17[%mul3A_0, %dma_wait3A_203] : memref<10112x32xf32, #tpu.memory_space<vmem_shared>> -> memref<632x32xf32, #tpu.memory_space<vmem_shared>>
      %dma_wait3A_205 = tpu.memref_slice %arg4[%mul3A_0, %mul3A_2] : memref<10112x128xf32, #tpu.memory_space<hbm>> -> memref<632x32xf32, #tpu.memory_space<hbm>>
      tpu.wait_dma2 semaphore(%run_scoped3A : memref<!tpu.dma_semaphore, #tpu.memory_space<semaphore_mem>>) src(%dma_wait3A_205 : memref<632x32xf32, #tpu.memory_space<hbm>>) dst(%dma_wait3A_204 : memref<632x32xf32, #tpu.memory_space<vmem_shared>>)
      tpu.yield
    }) : () -> ()
    "tpu.region"() ({
      %run_scoped3A = tpu.sem_alloc : memref<!tpu.dma_semaphore, #tpu.memory_space<semaphore_mem>>
      %dma_start3A_200 = arith.constant 0 : i32
      %dma_start3A_201 = arith.constant 0 : i32
      %dma_start3A_202 = tpu.memref_slice %arg2[%arg1, %dma_start3A_200, %dma_start3A_201] : memref<16x160x128xi32, #tpu.memory_space<hbm>> -> memref<1x160x128xi32, #tpu.memory_space<hbm>>
      %dma_start3A_203 = tpu.memref_squeeze %dma_start3A_202 : memref<1x160x128xi32, #tpu.memory_space<hbm>> -> memref<160x128xi32, #tpu.memory_space<hbm>>
      %dma_start3A_204 = arith.constant 0 : i32
      %dma_start3A_205 = arith.constant 0 : i32
      %dma_start3A_206 = tpu.memref_slice %arg2[%arg1, %dma_start3A_204, %dma_start3A_205] : memref<16x160x128xi32, #tpu.memory_space<hbm>> -> memref<1x160x128xi32, #tpu.memory_space<hbm>>
      %dma_start3A_207 = tpu.memref_squeeze %dma_start3A_206 : memref<1x160x128xi32, #tpu.memory_space<hbm>> -> memref<160x128xi32, #tpu.memory_space<hbm>>
      tpu.enqueue_dma source(%dma_start3A_207 : memref<160x128xi32, #tpu.memory_space<hbm>>) target(%arg6 : memref<160x128xi32, #tpu.memory_space<vmem>>) target_semaphore(%run_scoped3A : memref<!tpu.dma_semaphore, #tpu.memory_space<semaphore_mem>>)
      %dma_wait3A_208 = arith.constant 0 : i32
      %dma_wait3A_209 = arith.constant 0 : i32
      %dma_wait3A_210 = tpu.memref_slice %arg2[%arg1, %dma_wait3A_208, %dma_wait3A_209] : memref<16x160x128xi32, #tpu.memory_space<hbm>> -> memref<1x160x128xi32, #tpu.memory_space<hbm>>
      %dma_wait3A_211 = tpu.memref_squeeze %dma_wait3A_210 : memref<1x160x128xi32, #tpu.memory_space<hbm>> -> memref<160x128xi32, #tpu.memory_space<hbm>>
      %dma_wait3A_212 = arith.constant 0 : i32
      %dma_wait3A_213 = arith.constant 0 : i32
      %dma_wait3A_214 = tpu.memref_slice %arg2[%arg1, %dma_wait3A_212, %dma_wait3A_213] : memref<16x160x128xi32, #tpu.memory_space<hbm>> -> memref<1x160x128xi32, #tpu.memory_space<hbm>>
      %dma_wait3A_215 = tpu.memref_squeeze %dma_wait3A_214 : memref<1x160x128xi32, #tpu.memory_space<hbm>> -> memref<160x128xi32, #tpu.memory_space<hbm>>
      tpu.wait_dma2 semaphore(%run_scoped3A : memref<!tpu.dma_semaphore, #tpu.memory_space<semaphore_mem>>) src(%dma_wait3A_215 : memref<160x128xi32, #tpu.memory_space<hbm>>) dst(%arg6 : memref<160x128xi32, #tpu.memory_space<vmem>>)
      tpu.yield
    }) : () -> ()
    "tpu.region"() ({
      %run_scoped3A = tpu.sem_alloc : memref<!tpu.dma_semaphore, #tpu.memory_space<semaphore_mem>>
      %dma_start3A_200 = arith.constant 0 : i32
      %dma_start3A_201 = arith.constant 0 : i32
      %dma_start3A_202 = tpu.memref_slice %arg3[%arg1, %dma_start3A_200, %dma_start3A_201] : memref<16x160x128xi32, #tpu.memory_space<hbm>> -> memref<1x160x128xi32, #tpu.memory_space<hbm>>
      %dma_start3A_203 = tpu.memref_squeeze %dma_start3A_202 : memref<1x160x128xi32, #tpu.memory_space<hbm>> -> memref<160x128xi32, #tpu.memory_space<hbm>>
      %dma_start3A_204 = arith.constant 0 : i32
      %dma_start3A_205 = arith.constant 0 : i32
      %dma_start3A_206 = tpu.memref_slice %arg3[%arg1, %dma_start3A_204, %dma_start3A_205] : memref<16x160x128xi32, #tpu.memory_space<hbm>> -> memref<1x160x128xi32, #tpu.memory_space<hbm>>
      %dma_start3A_207 = tpu.memref_squeeze %dma_start3A_206 : memref<1x160x128xi32, #tpu.memory_space<hbm>> -> memref<160x128xi32, #tpu.memory_space<hbm>>
      tpu.enqueue_dma source(%dma_start3A_207 : memref<160x128xi32, #tpu.memory_space<hbm>>) target(%arg7 : memref<160x128xi32, #tpu.memory_space<vmem>>) target_semaphore(%run_scoped3A : memref<!tpu.dma_semaphore, #tpu.memory_space<semaphore_mem>>)
      %dma_wait3A_208 = arith.constant 0 : i32
      %dma_wait3A_209 = arith.constant 0 : i32
      %dma_wait3A_210 = tpu.memref_slice %arg3[%arg1, %dma_wait3A_208, %dma_wait3A_209] : memref<16x160x128xi32, #tpu.memory_space<hbm>> -> memref<1x160x128xi32, #tpu.memory_space<hbm>>
      %dma_wait3A_211 = tpu.memref_squeeze %dma_wait3A_210 : memref<1x160x128xi32, #tpu.memory_space<hbm>> -> memref<160x128xi32, #tpu.memory_space<hbm>>
      %dma_wait3A_212 = arith.constant 0 : i32
      %dma_wait3A_213 = arith.constant 0 : i32
      %dma_wait3A_214 = tpu.memref_slice %arg3[%arg1, %dma_wait3A_212, %dma_wait3A_213] : memref<16x160x128xi32, #tpu.memory_space<hbm>> -> memref<1x160x128xi32, #tpu.memory_space<hbm>>
      %dma_wait3A_215 = tpu.memref_squeeze %dma_wait3A_214 : memref<1x160x128xi32, #tpu.memory_space<hbm>> -> memref<160x128xi32, #tpu.memory_space<hbm>>
      tpu.wait_dma2 semaphore(%run_scoped3A : memref<!tpu.dma_semaphore, #tpu.memory_space<semaphore_mem>>) src(%dma_wait3A_215 : memref<160x128xi32, #tpu.memory_space<hbm>>) dst(%arg7 : memref<160x128xi32, #tpu.memory_space<vmem>>)
      tpu.yield
    }) : () -> ()
    %barrier3A = arith.constant 0 : index
    tpu.barrier barrier_id(%barrier3A)
    %dma_start3A = arith.constant 0 : i32
    %dma_start3A_3 = arith.constant 0 : i32
    %dma_start3A_4 = arith.constant 0 : i32
    %dma_start3A_5 = arith.constant 0 : i32
    %dma_start3A_6 = tpu.memref_slice %arg8[%dma_start3A_3, %dma_start3A_4, %dma_start3A_5] : memref<4x128x32xf32, #tpu.memory_space<vmem>> -> memref<1x128x32xf32, #tpu.memory_space<vmem>>
    %dma_start3A_7 = tpu.memref_squeeze %dma_start3A_6 : memref<1x128x32xf32, #tpu.memory_space<vmem>> -> memref<128x32xf32, #tpu.memory_space<vmem>>
    %dma_start3A_8 = arith.constant 0 : i32
    %dma_start3A_9 = tpu.memref_slice %arg6[%dma_start3A, %dma_start3A_8] : memref<160x128xi32, #tpu.memory_space<vmem>> -> memref<1x128xi32, #tpu.memory_space<vmem>>
    %dma_start3A_10 = tpu.memref_squeeze %dma_start3A_9 : memref<1x128xi32, #tpu.memory_space<vmem>> -> memref<128xi32, #tpu.memory_space<vmem>>
    %dma_start3A_11 = arith.constant 0 : i32
    %dma_start3A_12 = arith.constant 0 : i32
    %dma_start3A_13 = tpu.memref_slice %arg18[%dma_start3A_11, %dma_start3A_12] : memref<10112x32xf32, #tpu.memory_space<vmem_shared>> -> memref<10112x32xf32, #tpu.memory_space<vmem_shared>>
    tpu.enqueue_indirect_dma source(%dma_start3A_13 : memref<10112x32xf32, #tpu.memory_space<vmem_shared>>) target(%dma_start3A_7 : memref<128x32xf32, #tpu.memory_space<vmem>>) offsets(%dma_start3A_10 : memref<128xi32, #tpu.memory_space<vmem>>) semaphore(%arg9 : memref<!tpu.dma_semaphore, #tpu.memory_space<semaphore_mem>>)
    %dma_start3A_14 = arith.constant 1 : i32
    %dma_start3A_15 = arith.constant 1 : i32
    %dma_start3A_16 = arith.constant 0 : i32
    %dma_start3A_17 = arith.constant 0 : i32
    %dma_start3A_18 = tpu.memref_slice %arg8[%dma_start3A_15, %dma_start3A_16, %dma_start3A_17] : memref<4x128x32xf32, #tpu.memory_space<vmem>> -> memref<1x128x32xf32, #tpu.memory_space<vmem>>
    %dma_start3A_19 = tpu.memref_squeeze %dma_start3A_18 : memref<1x128x32xf32, #tpu.memory_space<vmem>> -> memref<128x32xf32, #tpu.memory_space<vmem>>
    %dma_start3A_20 = arith.constant 0 : i32
    %dma_start3A_21 = tpu.memref_slice %arg6[%dma_start3A_14, %dma_start3A_20] : memref<160x128xi32, #tpu.memory_space<vmem>> -> memref<1x128xi32, #tpu.memory_space<vmem>>
    %dma_start3A_22 = tpu.memref_squeeze %dma_start3A_21 : memref<1x128xi32, #tpu.memory_space<vmem>> -> memref<128xi32, #tpu.memory_space<vmem>>
    %dma_start3A_23 = arith.constant 0 : i32
    %dma_start3A_24 = arith.constant 0 : i32
    %dma_start3A_25 = tpu.memref_slice %arg18[%dma_start3A_23, %dma_start3A_24] : memref<10112x32xf32, #tpu.memory_space<vmem_shared>> -> memref<10112x32xf32, #tpu.memory_space<vmem_shared>>
    tpu.enqueue_indirect_dma source(%dma_start3A_25 : memref<10112x32xf32, #tpu.memory_space<vmem_shared>>) target(%dma_start3A_19 : memref<128x32xf32, #tpu.memory_space<vmem>>) offsets(%dma_start3A_22 : memref<128xi32, #tpu.memory_space<vmem>>) semaphore(%arg10 : memref<!tpu.dma_semaphore, #tpu.memory_space<semaphore_mem>>)
    %dma_wait3A = arith.constant 0 : i32
    %dma_wait3A_26 = arith.constant 0 : i32
    %dma_wait3A_27 = arith.constant 0 : i32
    %dma_wait3A_28 = arith.constant 0 : i32
    %dma_wait3A_29 = tpu.memref_slice %arg8[%dma_wait3A_26, %dma_wait3A_27, %dma_wait3A_28] : memref<4x128x32xf32, #tpu.memory_space<vmem>> -> memref<1x128x32xf32, #tpu.memory_space<vmem>>
    %dma_wait3A_30 = tpu.memref_squeeze %dma_wait3A_29 : memref<1x128x32xf32, #tpu.memory_space<vmem>> -> memref<128x32xf32, #tpu.memory_space<vmem>>
    %dma_wait3A_31 = arith.constant 0 : i32
    %dma_wait3A_32 = tpu.memref_slice %arg6[%dma_wait3A, %dma_wait3A_31] : memref<160x128xi32, #tpu.memory_space<vmem>> -> memref<1x128xi32, #tpu.memory_space<vmem>>
    %dma_wait3A_33 = tpu.memref_squeeze %dma_wait3A_32 : memref<1x128xi32, #tpu.memory_space<vmem>> -> memref<128xi32, #tpu.memory_space<vmem>>
    %dma_wait3A_34 = arith.constant 0 : i32
    %dma_wait3A_35 = arith.constant 0 : i32
    %dma_wait3A_36 = tpu.memref_slice %arg18[%dma_wait3A_34, %dma_wait3A_35] : memref<10112x32xf32, #tpu.memory_space<vmem_shared>> -> memref<10112x32xf32, #tpu.memory_space<vmem_shared>>
    tpu.wait_indirect_dma semaphore(%arg9 : memref<!tpu.dma_semaphore, #tpu.memory_space<semaphore_mem>>) src(%dma_wait3A_36 : memref<10112x32xf32, #tpu.memory_space<vmem_shared>>) dst(%dma_wait3A_30 : memref<128x32xf32, #tpu.memory_space<vmem>>)
    %dma_start3A_37 = arith.constant 0 : i32
    %dma_start3A_38 = arith.constant 0 : i32
    %dma_start3A_39 = arith.constant 0 : i32
    %dma_start3A_40 = arith.constant 0 : i32
    %dma_start3A_41 = tpu.memref_slice %arg8[%dma_start3A_37, %dma_start3A_39, %dma_start3A_40] : memref<4x128x32xf32, #tpu.memory_space<vmem>> -> memref<1x128x32xf32, #tpu.memory_space<vmem>>
    %dma_start3A_42 = tpu.memref_squeeze %dma_start3A_41 : memref<1x128x32xf32, #tpu.memory_space<vmem>> -> memref<128x32xf32, #tpu.memory_space<vmem>>
    %dma_start3A_43 = arith.constant 0 : i32
    %dma_start3A_44 = tpu.memref_slice %arg7[%dma_start3A_38, %dma_start3A_43] : memref<160x128xi32, #tpu.memory_space<vmem>> -> memref<1x128xi32, #tpu.memory_space<vmem>>
    %dma_start3A_45 = tpu.memref_squeeze %dma_start3A_44 : memref<1x128xi32, #tpu.memory_space<vmem>> -> memref<128xi32, #tpu.memory_space<vmem>>
    %dma_start3A_46 = arith.constant 0 : i32
    %dma_start3A_47 = arith.constant 0 : i32
    %dma_start3A_48 = tpu.memref_slice %arg17[%dma_start3A_46, %dma_start3A_47] : memref<10112x32xf32, #tpu.memory_space<vmem_shared>> -> memref<10112x32xf32, #tpu.memory_space<vmem_shared>>
    tpu.enqueue_indirect_dma source(%dma_start3A_42 : memref<128x32xf32, #tpu.memory_space<vmem>>) target(%dma_start3A_48 : memref<10112x32xf32, #tpu.memory_space<vmem_shared>>) offsets(%dma_start3A_45 : memref<128xi32, #tpu.memory_space<vmem>>) semaphore(%arg13 : memref<!tpu.dma_semaphore, #tpu.memory_space<semaphore_mem>>) {add = true}
    %dma_start3A_49 = arith.constant 2 : i32
    %dma_start3A_50 = arith.constant 2 : i32
    %dma_start3A_51 = arith.constant 0 : i32
    %dma_start3A_52 = arith.constant 0 : i32
    %dma_start3A_53 = tpu.memref_slice %arg8[%dma_start3A_50, %dma_start3A_51, %dma_start3A_52] : memref<4x128x32xf32, #tpu.memory_space<vmem>> -> memref<1x128x32xf32, #tpu.memory_space<vmem>>
    %dma_start3A_54 = tpu.memref_squeeze %dma_start3A_53 : memref<1x128x32xf32, #tpu.memory_space<vmem>> -> memref<128x32xf32, #tpu.memory_space<vmem>>
    %dma_start3A_55 = arith.constant 0 : i32
    %dma_start3A_56 = tpu.memref_slice %arg6[%dma_start3A_49, %dma_start3A_55] : memref<160x128xi32, #tpu.memory_space<vmem>> -> memref<1x128xi32, #tpu.memory_space<vmem>>
    %dma_start3A_57 = tpu.memref_squeeze %dma_start3A_56 : memref<1x128xi32, #tpu.memory_space<vmem>> -> memref<128xi32, #tpu.memory_space<vmem>>
    %dma_start3A_58 = arith.constant 0 : i32
    %dma_start3A_59 = arith.constant 0 : i32
    %dma_start3A_60 = tpu.memref_slice %arg18[%dma_start3A_58, %dma_start3A_59] : memref<10112x32xf32, #tpu.memory_space<vmem_shared>> -> memref<10112x32xf32, #tpu.memory_space<vmem_shared>>
    tpu.enqueue_indirect_dma source(%dma_start3A_60 : memref<10112x32xf32, #tpu.memory_space<vmem_shared>>) target(%dma_start3A_54 : memref<128x32xf32, #tpu.memory_space<vmem>>) offsets(%dma_start3A_57 : memref<128xi32, #tpu.memory_space<vmem>>) semaphore(%arg11 : memref<!tpu.dma_semaphore, #tpu.memory_space<semaphore_mem>>)
    %dma_wait3A_61 = arith.constant 0 : i32
    %dma_wait3A_62 = arith.constant 1 : i32
    %dma_wait3A_63 = arith.constant 0 : i32
    %dma_wait3A_64 = arith.constant 0 : i32
    %dma_wait3A_65 = tpu.memref_slice %arg8[%dma_wait3A_62, %dma_wait3A_63, %dma_wait3A_64] : memref<4x128x32xf32, #tpu.memory_space<vmem>> -> memref<1x128x32xf32, #tpu.memory_space<vmem>>
    %dma_wait3A_66 = tpu.memref_squeeze %dma_wait3A_65 : memref<1x128x32xf32, #tpu.memory_space<vmem>> -> memref<128x32xf32, #tpu.memory_space<vmem>>
    %dma_wait3A_67 = arith.constant 0 : i32
    %dma_wait3A_68 = tpu.memref_slice %arg6[%dma_wait3A_61, %dma_wait3A_67] : memref<160x128xi32, #tpu.memory_space<vmem>> -> memref<1x128xi32, #tpu.memory_space<vmem>>
    %dma_wait3A_69 = tpu.memref_squeeze %dma_wait3A_68 : memref<1x128xi32, #tpu.memory_space<vmem>> -> memref<128xi32, #tpu.memory_space<vmem>>
    %dma_wait3A_70 = arith.constant 0 : i32
    %dma_wait3A_71 = arith.constant 0 : i32
    %dma_wait3A_72 = tpu.memref_slice %arg18[%dma_wait3A_70, %dma_wait3A_71] : memref<10112x32xf32, #tpu.memory_space<vmem_shared>> -> memref<10112x32xf32, #tpu.memory_space<vmem_shared>>
    tpu.wait_indirect_dma semaphore(%arg10 : memref<!tpu.dma_semaphore, #tpu.memory_space<semaphore_mem>>) src(%dma_wait3A_72 : memref<10112x32xf32, #tpu.memory_space<vmem_shared>>) dst(%dma_wait3A_66 : memref<128x32xf32, #tpu.memory_space<vmem>>)
    %dma_start3A_73 = arith.constant 1 : i32
    %dma_start3A_74 = arith.constant 1 : i32
    %dma_start3A_75 = arith.constant 0 : i32
    %dma_start3A_76 = arith.constant 0 : i32
    %dma_start3A_77 = tpu.memref_slice %arg8[%dma_start3A_73, %dma_start3A_75, %dma_start3A_76] : memref<4x128x32xf32, #tpu.memory_space<vmem>> -> memref<1x128x32xf32, #tpu.memory_space<vmem>>
    %dma_start3A_78 = tpu.memref_squeeze %dma_start3A_77 : memref<1x128x32xf32, #tpu.memory_space<vmem>> -> memref<128x32xf32, #tpu.memory_space<vmem>>
    %dma_start3A_79 = arith.constant 0 : i32
    %dma_start3A_80 = tpu.memref_slice %arg7[%dma_start3A_74, %dma_start3A_79] : memref<160x128xi32, #tpu.memory_space<vmem>> -> memref<1x128xi32, #tpu.memory_space<vmem>>
    %dma_start3A_81 = tpu.memref_squeeze %dma_start3A_80 : memref<1x128xi32, #tpu.memory_space<vmem>> -> memref<128xi32, #tpu.memory_space<vmem>>
    %dma_start3A_82 = arith.constant 0 : i32
    %dma_start3A_83 = arith.constant 0 : i32
    %dma_start3A_84 = tpu.memref_slice %arg17[%dma_start3A_82, %dma_start3A_83] : memref<10112x32xf32, #tpu.memory_space<vmem_shared>> -> memref<10112x32xf32, #tpu.memory_space<vmem_shared>>
    tpu.enqueue_indirect_dma source(%dma_start3A_78 : memref<128x32xf32, #tpu.memory_space<vmem>>) target(%dma_start3A_84 : memref<10112x32xf32, #tpu.memory_space<vmem_shared>>) offsets(%dma_start3A_81 : memref<128xi32, #tpu.memory_space<vmem>>) semaphore(%arg14 : memref<!tpu.dma_semaphore, #tpu.memory_space<semaphore_mem>>) {add = true}
    %dma_start3A_85 = arith.constant 3 : i32
    %dma_start3A_86 = arith.constant 3 : i32
    %dma_start3A_87 = arith.constant 0 : i32
    %dma_start3A_88 = arith.constant 0 : i32
    %dma_start3A_89 = tpu.memref_slice %arg8[%dma_start3A_86, %dma_start3A_87, %dma_start3A_88] : memref<4x128x32xf32, #tpu.memory_space<vmem>> -> memref<1x128x32xf32, #tpu.memory_space<vmem>>
    %dma_start3A_90 = tpu.memref_squeeze %dma_start3A_89 : memref<1x128x32xf32, #tpu.memory_space<vmem>> -> memref<128x32xf32, #tpu.memory_space<vmem>>
    %dma_start3A_91 = arith.constant 0 : i32
    %dma_start3A_92 = tpu.memref_slice %arg6[%dma_start3A_85, %dma_start3A_91] : memref<160x128xi32, #tpu.memory_space<vmem>> -> memref<1x128xi32, #tpu.memory_space<vmem>>
    %dma_start3A_93 = tpu.memref_squeeze %dma_start3A_92 : memref<1x128xi32, #tpu.memory_space<vmem>> -> memref<128xi32, #tpu.memory_space<vmem>>
    %dma_start3A_94 = arith.constant 0 : i32
    %dma_start3A_95 = arith.constant 0 : i32
    %dma_start3A_96 = tpu.memref_slice %arg18[%dma_start3A_94, %dma_start3A_95] : memref<10112x32xf32, #tpu.memory_space<vmem_shared>> -> memref<10112x32xf32, #tpu.memory_space<vmem_shared>>
    tpu.enqueue_indirect_dma source(%dma_start3A_96 : memref<10112x32xf32, #tpu.memory_space<vmem_shared>>) target(%dma_start3A_90 : memref<128x32xf32, #tpu.memory_space<vmem>>) offsets(%dma_start3A_93 : memref<128xi32, #tpu.memory_space<vmem>>) semaphore(%arg12 : memref<!tpu.dma_semaphore, #tpu.memory_space<semaphore_mem>>)
    %scan3A = arith.constant 0 : i32
    %scan3A_97 = arith.constant 0 : i32
    %scan3A_98 = arith.constant 39 : i32
    %scan3A_99 = arith.addi %scan3A_97, %scan3A_98 : i32
    %scan3A_100 = arith.constant 1 : i32
    %scan3A_101 = scf.for %scan3A_200 = %scan3A_97 to %scan3A_99 step %scan3A_100 iter_args(%scan3A_201 = %scan3A) -> (i32)  : i32 {
      %mul3A_202 = arith.constant 4 : i32
      %mul3A_203 = arith.muli %mul3A_202, %scan3A_200 : i32
      %add3A = arith.constant 2 : i32
      %add3A_204 = arith.addi %mul3A_203, %add3A : i32
      %add3A_205 = arith.constant 0 : i32
      %add3A_206 = arith.addi %add3A_204, %add3A_205 : i32
      %dma_wait3A_207 = arith.constant 0 : i32
      %dma_wait3A_208 = arith.constant 2 : i32
      %dma_wait3A_209 = arith.constant 0 : i32
      %dma_wait3A_210 = arith.constant 0 : i32
      %dma_wait3A_211 = tpu.memref_slice %arg8[%dma_wait3A_208, %dma_wait3A_209, %dma_wait3A_210] : memref<4x128x32xf32, #tpu.memory_space<vmem>> -> memref<1x128x32xf32, #tpu.memory_space<vmem>>
      %dma_wait3A_212 = tpu.memref_squeeze %dma_wait3A_211 : memref<1x128x32xf32, #tpu.memory_space<vmem>> -> memref<128x32xf32, #tpu.memory_space<vmem>>
      %dma_wait3A_213 = arith.constant 0 : i32
      %dma_wait3A_214 = tpu.memref_slice %arg6[%dma_wait3A_207, %dma_wait3A_213] : memref<160x128xi32, #tpu.memory_space<vmem>> -> memref<1x128xi32, #tpu.memory_space<vmem>>
      %dma_wait3A_215 = tpu.memref_squeeze %dma_wait3A_214 : memref<1x128xi32, #tpu.memory_space<vmem>> -> memref<128xi32, #tpu.memory_space<vmem>>
      %dma_wait3A_216 = arith.constant 0 : i32
      %dma_wait3A_217 = arith.constant 0 : i32
      %dma_wait3A_218 = tpu.memref_slice %arg18[%dma_wait3A_216, %dma_wait3A_217] : memref<10112x32xf32, #tpu.memory_space<vmem_shared>> -> memref<10112x32xf32, #tpu.memory_space<vmem_shared>>
      tpu.wait_indirect_dma semaphore(%arg11 : memref<!tpu.dma_semaphore, #tpu.memory_space<semaphore_mem>>) src(%dma_wait3A_218 : memref<10112x32xf32, #tpu.memory_space<vmem_shared>>) dst(%dma_wait3A_212 : memref<128x32xf32, #tpu.memory_space<vmem>>)
      %dma_start3A_219 = arith.constant 2 : i32
      %dma_start3A_220 = arith.constant 0 : i32
      %dma_start3A_221 = arith.constant 0 : i32
      %dma_start3A_222 = tpu.memref_slice %arg8[%dma_start3A_219, %dma_start3A_220, %dma_start3A_221] : memref<4x128x32xf32, #tpu.memory_space<vmem>> -> memref<1x128x32xf32, #tpu.memory_space<vmem>>
      %dma_start3A_223 = tpu.memref_squeeze %dma_start3A_222 : memref<1x128x32xf32, #tpu.memory_space<vmem>> -> memref<128x32xf32, #tpu.memory_space<vmem>>
      %dma_start3A_224 = arith.constant 0 : i32
      %dma_start3A_225 = tpu.memref_slice %arg7[%add3A_206, %dma_start3A_224] : memref<160x128xi32, #tpu.memory_space<vmem>> -> memref<1x128xi32, #tpu.memory_space<vmem>>
      %dma_start3A_226 = tpu.memref_squeeze %dma_start3A_225 : memref<1x128xi32, #tpu.memory_space<vmem>> -> memref<128xi32, #tpu.memory_space<vmem>>
      %dma_start3A_227 = arith.constant 0 : i32
      %dma_start3A_228 = arith.constant 0 : i32
      %dma_start3A_229 = tpu.memref_slice %arg17[%dma_start3A_227, %dma_start3A_228] : memref<10112x32xf32, #tpu.memory_space<vmem_shared>> -> memref<10112x32xf32, #tpu.memory_space<vmem_shared>>
      tpu.enqueue_indirect_dma source(%dma_start3A_223 : memref<128x32xf32, #tpu.memory_space<vmem>>) target(%dma_start3A_229 : memref<10112x32xf32, #tpu.memory_space<vmem_shared>>) offsets(%dma_start3A_226 : memref<128xi32, #tpu.memory_space<vmem>>) semaphore(%arg15 : memref<!tpu.dma_semaphore, #tpu.memory_space<semaphore_mem>>) {add = true}
      %dma_wait3A_230 = arith.constant 0 : i32
      %dma_wait3A_231 = arith.constant 0 : i32
      %dma_wait3A_232 = arith.constant 0 : i32
      %dma_wait3A_233 = arith.constant 0 : i32
      %dma_wait3A_234 = tpu.memref_slice %arg8[%dma_wait3A_230, %dma_wait3A_232, %dma_wait3A_233] : memref<4x128x32xf32, #tpu.memory_space<vmem>> -> memref<1x128x32xf32, #tpu.memory_space<vmem>>
      %dma_wait3A_235 = tpu.memref_squeeze %dma_wait3A_234 : memref<1x128x32xf32, #tpu.memory_space<vmem>> -> memref<128x32xf32, #tpu.memory_space<vmem>>
      %dma_wait3A_236 = arith.constant 0 : i32
      %dma_wait3A_237 = tpu.memref_slice %arg7[%dma_wait3A_231, %dma_wait3A_236] : memref<160x128xi32, #tpu.memory_space<vmem>> -> memref<1x128xi32, #tpu.memory_space<vmem>>
      %dma_wait3A_238 = tpu.memref_squeeze %dma_wait3A_237 : memref<1x128xi32, #tpu.memory_space<vmem>> -> memref<128xi32, #tpu.memory_space<vmem>>
      %dma_wait3A_239 = arith.constant 0 : i32
      %dma_wait3A_240 = arith.constant 0 : i32
      %dma_wait3A_241 = tpu.memref_slice %arg17[%dma_wait3A_239, %dma_wait3A_240] : memref<10112x32xf32, #tpu.memory_space<vmem_shared>> -> memref<10112x32xf32, #tpu.memory_space<vmem_shared>>
      tpu.wait_indirect_dma semaphore(%arg13 : memref<!tpu.dma_semaphore, #tpu.memory_space<semaphore_mem>>) src(%dma_wait3A_235 : memref<128x32xf32, #tpu.memory_space<vmem>>) dst(%dma_wait3A_241 : memref<10112x32xf32, #tpu.memory_space<vmem_shared>>)
      %add3A_242 = arith.constant 2 : i32
      %add3A_243 = arith.addi %add3A_206, %add3A_242 : i32
      %dma_start3A_244 = arith.constant 0 : i32
      %dma_start3A_245 = arith.constant 0 : i32
      %dma_start3A_246 = arith.constant 0 : i32
      %dma_start3A_247 = tpu.memref_slice %arg8[%dma_start3A_244, %dma_start3A_245, %dma_start3A_246] : memref<4x128x32xf32, #tpu.memory_space<vmem>> -> memref<1x128x32xf32, #tpu.memory_space<vmem>>
      %dma_start3A_248 = tpu.memref_squeeze %dma_start3A_247 : memref<1x128x32xf32, #tpu.memory_space<vmem>> -> memref<128x32xf32, #tpu.memory_space<vmem>>
      %dma_start3A_249 = arith.constant 0 : i32
      %dma_start3A_250 = tpu.memref_slice %arg6[%add3A_243, %dma_start3A_249] : memref<160x128xi32, #tpu.memory_space<vmem>> -> memref<1x128xi32, #tpu.memory_space<vmem>>
      %dma_start3A_251 = tpu.memref_squeeze %dma_start3A_250 : memref<1x128xi32, #tpu.memory_space<vmem>> -> memref<128xi32, #tpu.memory_space<vmem>>
      %dma_start3A_252 = arith.constant 0 : i32
      %dma_start3A_253 = arith.constant 0 : i32
      %dma_start3A_254 = tpu.memref_slice %arg18[%dma_start3A_252, %dma_start3A_253] : memref<10112x32xf32, #tpu.memory_space<vmem_shared>> -> memref<10112x32xf32, #tpu.memory_space<vmem_shared>>
      tpu.enqueue_indirect_dma source(%dma_start3A_254 : memref<10112x32xf32, #tpu.memory_space<vmem_shared>>) target(%dma_start3A_248 : memref<128x32xf32, #tpu.memory_space<vmem>>) offsets(%dma_start3A_251 : memref<128xi32, #tpu.memory_space<vmem>>) semaphore(%arg9 : memref<!tpu.dma_semaphore, #tpu.memory_space<semaphore_mem>>)
      %mul3A_255 = arith.constant 4 : i32
      %mul3A_256 = arith.muli %mul3A_255, %scan3A_200 : i32
      %add3A_257 = arith.constant 2 : i32
      %add3A_258 = arith.addi %mul3A_256, %add3A_257 : i32
      %add3A_259 = arith.constant 1 : i32
      %add3A_260 = arith.addi %add3A_258, %add3A_259 : i32
      %dma_wait3A_261 = arith.constant 0 : i32
      %dma_wait3A_262 = arith.constant 3 : i32
      %dma_wait3A_263 = arith.constant 0 : i32
      %dma_wait3A_264 = arith.constant 0 : i32
      %dma_wait3A_265 = tpu.memref_slice %arg8[%dma_wait3A_262, %dma_wait3A_263, %dma_wait3A_264] : memref<4x128x32xf32, #tpu.memory_space<vmem>> -> memref<1x128x32xf32, #tpu.memory_space<vmem>>
      %dma_wait3A_266 = tpu.memref_squeeze %dma_wait3A_265 : memref<1x128x32xf32, #tpu.memory_space<vmem>> -> memref<128x32xf32, #tpu.memory_space<vmem>>
      %dma_wait3A_267 = arith.constant 0 : i32
      %dma_wait3A_268 = tpu.memref_slice %arg6[%dma_wait3A_261, %dma_wait3A_267] : memref<160x128xi32, #tpu.memory_space<vmem>> -> memref<1x128xi32, #tpu.memory_space<vmem>>
      %dma_wait3A_269 = tpu.memref_squeeze %dma_wait3A_268 : memref<1x128xi32, #tpu.memory_space<vmem>> -> memref<128xi32, #tpu.memory_space<vmem>>
      %dma_wait3A_270 = arith.constant 0 : i32
      %dma_wait3A_271 = arith.constant 0 : i32
      %dma_wait3A_272 = tpu.memref_slice %arg18[%dma_wait3A_270, %dma_wait3A_271] : memref<10112x32xf32, #tpu.memory_space<vmem_shared>> -> memref<10112x32xf32, #tpu.memory_space<vmem_shared>>
      tpu.wait_indirect_dma semaphore(%arg12 : memref<!tpu.dma_semaphore, #tpu.memory_space<semaphore_mem>>) src(%dma_wait3A_272 : memref<10112x32xf32, #tpu.memory_space<vmem_shared>>) dst(%dma_wait3A_266 : memref<128x32xf32, #tpu.memory_space<vmem>>)
      %dma_start3A_273 = arith.constant 3 : i32
      %dma_start3A_274 = arith.constant 0 : i32
      %dma_start3A_275 = arith.constant 0 : i32
      %dma_start3A_276 = tpu.memref_slice %arg8[%dma_start3A_273, %dma_start3A_274, %dma_start3A_275] : memref<4x128x32xf32, #tpu.memory_space<vmem>> -> memref<1x128x32xf32, #tpu.memory_space<vmem>>
      %dma_start3A_277 = tpu.memref_squeeze %dma_start3A_276 : memref<1x128x32xf32, #tpu.memory_space<vmem>> -> memref<128x32xf32, #tpu.memory_space<vmem>>
      %dma_start3A_278 = arith.constant 0 : i32
      %dma_start3A_279 = tpu.memref_slice %arg7[%add3A_260, %dma_start3A_278] : memref<160x128xi32, #tpu.memory_space<vmem>> -> memref<1x128xi32, #tpu.memory_space<vmem>>
      %dma_start3A_280 = tpu.memref_squeeze %dma_start3A_279 : memref<1x128xi32, #tpu.memory_space<vmem>> -> memref<128xi32, #tpu.memory_space<vmem>>
      %dma_start3A_281 = arith.constant 0 : i32
      %dma_start3A_282 = arith.constant 0 : i32
      %dma_start3A_283 = tpu.memref_slice %arg17[%dma_start3A_281, %dma_start3A_282] : memref<10112x32xf32, #tpu.memory_space<vmem_shared>> -> memref<10112x32xf32, #tpu.memory_space<vmem_shared>>
      tpu.enqueue_indirect_dma source(%dma_start3A_277 : memref<128x32xf32, #tpu.memory_space<vmem>>) target(%dma_start3A_283 : memref<10112x32xf32, #tpu.memory_space<vmem_shared>>) offsets(%dma_start3A_280 : memref<128xi32, #tpu.memory_space<vmem>>) semaphore(%arg16 : memref<!tpu.dma_semaphore, #tpu.memory_space<semaphore_mem>>) {add = true}
      %dma_wait3A_284 = arith.constant 1 : i32
      %dma_wait3A_285 = arith.constant 0 : i32
      %dma_wait3A_286 = arith.constant 0 : i32
      %dma_wait3A_287 = arith.constant 0 : i32
      %dma_wait3A_288 = tpu.memref_slice %arg8[%dma_wait3A_284, %dma_wait3A_286, %dma_wait3A_287] : memref<4x128x32xf32, #tpu.memory_space<vmem>> -> memref<1x128x32xf32, #tpu.memory_space<vmem>>
      %dma_wait3A_289 = tpu.memref_squeeze %dma_wait3A_288 : memref<1x128x32xf32, #tpu.memory_space<vmem>> -> memref<128x32xf32, #tpu.memory_space<vmem>>
      %dma_wait3A_290 = arith.constant 0 : i32
      %dma_wait3A_291 = tpu.memref_slice %arg7[%dma_wait3A_285, %dma_wait3A_290] : memref<160x128xi32, #tpu.memory_space<vmem>> -> memref<1x128xi32, #tpu.memory_space<vmem>>
      %dma_wait3A_292 = tpu.memref_squeeze %dma_wait3A_291 : memref<1x128xi32, #tpu.memory_space<vmem>> -> memref<128xi32, #tpu.memory_space<vmem>>
      %dma_wait3A_293 = arith.constant 0 : i32
      %dma_wait3A_294 = arith.constant 0 : i32
      %dma_wait3A_295 = tpu.memref_slice %arg17[%dma_wait3A_293, %dma_wait3A_294] : memref<10112x32xf32, #tpu.memory_space<vmem_shared>> -> memref<10112x32xf32, #tpu.memory_space<vmem_shared>>
      tpu.wait_indirect_dma semaphore(%arg14 : memref<!tpu.dma_semaphore, #tpu.memory_space<semaphore_mem>>) src(%dma_wait3A_289 : memref<128x32xf32, #tpu.memory_space<vmem>>) dst(%dma_wait3A_295 : memref<10112x32xf32, #tpu.memory_space<vmem_shared>>)
      %add3A_296 = arith.constant 2 : i32
      %add3A_297 = arith.addi %add3A_260, %add3A_296 : i32
      %dma_start3A_298 = arith.constant 1 : i32
      %dma_start3A_299 = arith.constant 0 : i32
      %dma_start3A_300 = arith.constant 0 : i32
      %dma_start3A_301 = tpu.memref_slice %arg8[%dma_start3A_298, %dma_start3A_299, %dma_start3A_300] : memref<4x128x32xf32, #tpu.memory_space<vmem>> -> memref<1x128x32xf32, #tpu.memory_space<vmem>>
      %dma_start3A_302 = tpu.memref_squeeze %dma_start3A_301 : memref<1x128x32xf32, #tpu.memory_space<vmem>> -> memref<128x32xf32, #tpu.memory_space<vmem>>
      %dma_start3A_303 = arith.constant 0 : i32
      %dma_start3A_304 = tpu.memref_slice %arg6[%add3A_297, %dma_start3A_303] : memref<160x128xi32, #tpu.memory_space<vmem>> -> memref<1x128xi32, #tpu.memory_space<vmem>>
      %dma_start3A_305 = tpu.memref_squeeze %dma_start3A_304 : memref<1x128xi32, #tpu.memory_space<vmem>> -> memref<128xi32, #tpu.memory_space<vmem>>
      %dma_start3A_306 = arith.constant 0 : i32
      %dma_start3A_307 = arith.constant 0 : i32
      %dma_start3A_308 = tpu.memref_slice %arg18[%dma_start3A_306, %dma_start3A_307] : memref<10112x32xf32, #tpu.memory_space<vmem_shared>> -> memref<10112x32xf32, #tpu.memory_space<vmem_shared>>
      tpu.enqueue_indirect_dma source(%dma_start3A_308 : memref<10112x32xf32, #tpu.memory_space<vmem_shared>>) target(%dma_start3A_302 : memref<128x32xf32, #tpu.memory_space<vmem>>) offsets(%dma_start3A_305 : memref<128xi32, #tpu.memory_space<vmem>>) semaphore(%arg10 : memref<!tpu.dma_semaphore, #tpu.memory_space<semaphore_mem>>)
      %mul3A_309 = arith.constant 4 : i32
      %mul3A_310 = arith.muli %mul3A_309, %scan3A_200 : i32
      %add3A_311 = arith.constant 2 : i32
      %add3A_312 = arith.addi %mul3A_310, %add3A_311 : i32
      %add3A_313 = arith.constant 2 : i32
      %add3A_314 = arith.addi %add3A_312, %add3A_313 : i32
      %dma_wait3A_315 = arith.constant 0 : i32
      %dma_wait3A_316 = arith.constant 0 : i32
      %dma_wait3A_317 = arith.constant 0 : i32
      %dma_wait3A_318 = arith.constant 0 : i32
      %dma_wait3A_319 = tpu.memref_slice %arg8[%dma_wait3A_316, %dma_wait3A_317, %dma_wait3A_318] : memref<4x128x32xf32, #tpu.memory_space<vmem>> -> memref<1x128x32xf32, #tpu.memory_space<vmem>>
      %dma_wait3A_320 = tpu.memref_squeeze %dma_wait3A_319 : memref<1x128x32xf32, #tpu.memory_space<vmem>> -> memref<128x32xf32, #tpu.memory_space<vmem>>
      %dma_wait3A_321 = arith.constant 0 : i32
      %dma_wait3A_322 = tpu.memref_slice %arg6[%dma_wait3A_315, %dma_wait3A_321] : memref<160x128xi32, #tpu.memory_space<vmem>> -> memref<1x128xi32, #tpu.memory_space<vmem>>
      %dma_wait3A_323 = tpu.memref_squeeze %dma_wait3A_322 : memref<1x128xi32, #tpu.memory_space<vmem>> -> memref<128xi32, #tpu.memory_space<vmem>>
      %dma_wait3A_324 = arith.constant 0 : i32
      %dma_wait3A_325 = arith.constant 0 : i32
      %dma_wait3A_326 = tpu.memref_slice %arg18[%dma_wait3A_324, %dma_wait3A_325] : memref<10112x32xf32, #tpu.memory_space<vmem_shared>> -> memref<10112x32xf32, #tpu.memory_space<vmem_shared>>
      tpu.wait_indirect_dma semaphore(%arg9 : memref<!tpu.dma_semaphore, #tpu.memory_space<semaphore_mem>>) src(%dma_wait3A_326 : memref<10112x32xf32, #tpu.memory_space<vmem_shared>>) dst(%dma_wait3A_320 : memref<128x32xf32, #tpu.memory_space<vmem>>)
      %dma_start3A_327 = arith.constant 0 : i32
      %dma_start3A_328 = arith.constant 0 : i32
      %dma_start3A_329 = arith.constant 0 : i32
      %dma_start3A_330 = tpu.memref_slice %arg8[%dma_start3A_327, %dma_start3A_328, %dma_start3A_329] : memref<4x128x32xf32, #tpu.memory_space<vmem>> -> memref<1x128x32xf32, #tpu.memory_space<vmem>>
      %dma_start3A_331 = tpu.memref_squeeze %dma_start3A_330 : memref<1x128x32xf32, #tpu.memory_space<vmem>> -> memref<128x32xf32, #tpu.memory_space<vmem>>
      %dma_start3A_332 = arith.constant 0 : i32
      %dma_start3A_333 = tpu.memref_slice %arg7[%add3A_314, %dma_start3A_332] : memref<160x128xi32, #tpu.memory_space<vmem>> -> memref<1x128xi32, #tpu.memory_space<vmem>>
      %dma_start3A_334 = tpu.memref_squeeze %dma_start3A_333 : memref<1x128xi32, #tpu.memory_space<vmem>> -> memref<128xi32, #tpu.memory_space<vmem>>
      %dma_start3A_335 = arith.constant 0 : i32
      %dma_start3A_336 = arith.constant 0 : i32
      %dma_start3A_337 = tpu.memref_slice %arg17[%dma_start3A_335, %dma_start3A_336] : memref<10112x32xf32, #tpu.memory_space<vmem_shared>> -> memref<10112x32xf32, #tpu.memory_space<vmem_shared>>
      tpu.enqueue_indirect_dma source(%dma_start3A_331 : memref<128x32xf32, #tpu.memory_space<vmem>>) target(%dma_start3A_337 : memref<10112x32xf32, #tpu.memory_space<vmem_shared>>) offsets(%dma_start3A_334 : memref<128xi32, #tpu.memory_space<vmem>>) semaphore(%arg13 : memref<!tpu.dma_semaphore, #tpu.memory_space<semaphore_mem>>) {add = true}
      %dma_wait3A_338 = arith.constant 2 : i32
      %dma_wait3A_339 = arith.constant 0 : i32
      %dma_wait3A_340 = arith.constant 0 : i32
      %dma_wait3A_341 = arith.constant 0 : i32
      %dma_wait3A_342 = tpu.memref_slice %arg8[%dma_wait3A_338, %dma_wait3A_340, %dma_wait3A_341] : memref<4x128x32xf32, #tpu.memory_space<vmem>> -> memref<1x128x32xf32, #tpu.memory_space<vmem>>
      %dma_wait3A_343 = tpu.memref_squeeze %dma_wait3A_342 : memref<1x128x32xf32, #tpu.memory_space<vmem>> -> memref<128x32xf32, #tpu.memory_space<vmem>>
      %dma_wait3A_344 = arith.constant 0 : i32
      %dma_wait3A_345 = tpu.memref_slice %arg7[%dma_wait3A_339, %dma_wait3A_344] : memref<160x128xi32, #tpu.memory_space<vmem>> -> memref<1x128xi32, #tpu.memory_space<vmem>>
      %dma_wait3A_346 = tpu.memref_squeeze %dma_wait3A_345 : memref<1x128xi32, #tpu.memory_space<vmem>> -> memref<128xi32, #tpu.memory_space<vmem>>
      %dma_wait3A_347 = arith.constant 0 : i32
      %dma_wait3A_348 = arith.constant 0 : i32
      %dma_wait3A_349 = tpu.memref_slice %arg17[%dma_wait3A_347, %dma_wait3A_348] : memref<10112x32xf32, #tpu.memory_space<vmem_shared>> -> memref<10112x32xf32, #tpu.memory_space<vmem_shared>>
      tpu.wait_indirect_dma semaphore(%arg15 : memref<!tpu.dma_semaphore, #tpu.memory_space<semaphore_mem>>) src(%dma_wait3A_343 : memref<128x32xf32, #tpu.memory_space<vmem>>) dst(%dma_wait3A_349 : memref<10112x32xf32, #tpu.memory_space<vmem_shared>>)
      %add3A_350 = arith.constant 2 : i32
      %add3A_351 = arith.addi %add3A_314, %add3A_350 : i32
      %dma_start3A_352 = arith.constant 2 : i32
      %dma_start3A_353 = arith.constant 0 : i32
      %dma_start3A_354 = arith.constant 0 : i32
      %dma_start3A_355 = tpu.memref_slice %arg8[%dma_start3A_352, %dma_start3A_353, %dma_start3A_354] : memref<4x128x32xf32, #tpu.memory_space<vmem>> -> memref<1x128x32xf32, #tpu.memory_space<vmem>>
      %dma_start3A_356 = tpu.memref_squeeze %dma_start3A_355 : memref<1x128x32xf32, #tpu.memory_space<vmem>> -> memref<128x32xf32, #tpu.memory_space<vmem>>
      %dma_start3A_357 = arith.constant 0 : i32
      %dma_start3A_358 = tpu.memref_slice %arg6[%add3A_351, %dma_start3A_357] : memref<160x128xi32, #tpu.memory_space<vmem>> -> memref<1x128xi32, #tpu.memory_space<vmem>>
      %dma_start3A_359 = tpu.memref_squeeze %dma_start3A_358 : memref<1x128xi32, #tpu.memory_space<vmem>> -> memref<128xi32, #tpu.memory_space<vmem>>
      %dma_start3A_360 = arith.constant 0 : i32
      %dma_start3A_361 = arith.constant 0 : i32
      %dma_start3A_362 = tpu.memref_slice %arg18[%dma_start3A_360, %dma_start3A_361] : memref<10112x32xf32, #tpu.memory_space<vmem_shared>> -> memref<10112x32xf32, #tpu.memory_space<vmem_shared>>
      tpu.enqueue_indirect_dma source(%dma_start3A_362 : memref<10112x32xf32, #tpu.memory_space<vmem_shared>>) target(%dma_start3A_356 : memref<128x32xf32, #tpu.memory_space<vmem>>) offsets(%dma_start3A_359 : memref<128xi32, #tpu.memory_space<vmem>>) semaphore(%arg11 : memref<!tpu.dma_semaphore, #tpu.memory_space<semaphore_mem>>)
      %mul3A_363 = arith.constant 4 : i32
      %mul3A_364 = arith.muli %mul3A_363, %scan3A_200 : i32
      %add3A_365 = arith.constant 2 : i32
      %add3A_366 = arith.addi %mul3A_364, %add3A_365 : i32
      %add3A_367 = arith.constant 3 : i32
      %add3A_368 = arith.addi %add3A_366, %add3A_367 : i32
      %dma_wait3A_369 = arith.constant 0 : i32
      %dma_wait3A_370 = arith.constant 1 : i32
      %dma_wait3A_371 = arith.constant 0 : i32
      %dma_wait3A_372 = arith.constant 0 : i32
      %dma_wait3A_373 = tpu.memref_slice %arg8[%dma_wait3A_370, %dma_wait3A_371, %dma_wait3A_372] : memref<4x128x32xf32, #tpu.memory_space<vmem>> -> memref<1x128x32xf32, #tpu.memory_space<vmem>>
      %dma_wait3A_374 = tpu.memref_squeeze %dma_wait3A_373 : memref<1x128x32xf32, #tpu.memory_space<vmem>> -> memref<128x32xf32, #tpu.memory_space<vmem>>
      %dma_wait3A_375 = arith.constant 0 : i32
      %dma_wait3A_376 = tpu.memref_slice %arg6[%dma_wait3A_369, %dma_wait3A_375] : memref<160x128xi32, #tpu.memory_space<vmem>> -> memref<1x128xi32, #tpu.memory_space<vmem>>
      %dma_wait3A_377 = tpu.memref_squeeze %dma_wait3A_376 : memref<1x128xi32, #tpu.memory_space<vmem>> -> memref<128xi32, #tpu.memory_space<vmem>>
      %dma_wait3A_378 = arith.constant 0 : i32
      %dma_wait3A_379 = arith.constant 0 : i32
      %dma_wait3A_380 = tpu.memref_slice %arg18[%dma_wait3A_378, %dma_wait3A_379] : memref<10112x32xf32, #tpu.memory_space<vmem_shared>> -> memref<10112x32xf32, #tpu.memory_space<vmem_shared>>
      tpu.wait_indirect_dma semaphore(%arg10 : memref<!tpu.dma_semaphore, #tpu.memory_space<semaphore_mem>>) src(%dma_wait3A_380 : memref<10112x32xf32, #tpu.memory_space<vmem_shared>>) dst(%dma_wait3A_374 : memref<128x32xf32, #tpu.memory_space<vmem>>)
      %dma_start3A_381 = arith.constant 1 : i32
      %dma_start3A_382 = arith.constant 0 : i32
      %dma_start3A_383 = arith.constant 0 : i32
      %dma_start3A_384 = tpu.memref_slice %arg8[%dma_start3A_381, %dma_start3A_382, %dma_start3A_383] : memref<4x128x32xf32, #tpu.memory_space<vmem>> -> memref<1x128x32xf32, #tpu.memory_space<vmem>>
      %dma_start3A_385 = tpu.memref_squeeze %dma_start3A_384 : memref<1x128x32xf32, #tpu.memory_space<vmem>> -> memref<128x32xf32, #tpu.memory_space<vmem>>
      %dma_start3A_386 = arith.constant 0 : i32
      %dma_start3A_387 = tpu.memref_slice %arg7[%add3A_368, %dma_start3A_386] : memref<160x128xi32, #tpu.memory_space<vmem>> -> memref<1x128xi32, #tpu.memory_space<vmem>>
      %dma_start3A_388 = tpu.memref_squeeze %dma_start3A_387 : memref<1x128xi32, #tpu.memory_space<vmem>> -> memref<128xi32, #tpu.memory_space<vmem>>
      %dma_start3A_389 = arith.constant 0 : i32
      %dma_start3A_390 = arith.constant 0 : i32
      %dma_start3A_391 = tpu.memref_slice %arg17[%dma_start3A_389, %dma_start3A_390] : memref<10112x32xf32, #tpu.memory_space<vmem_shared>> -> memref<10112x32xf32, #tpu.memory_space<vmem_shared>>
      tpu.enqueue_indirect_dma source(%dma_start3A_385 : memref<128x32xf32, #tpu.memory_space<vmem>>) target(%dma_start3A_391 : memref<10112x32xf32, #tpu.memory_space<vmem_shared>>) offsets(%dma_start3A_388 : memref<128xi32, #tpu.memory_space<vmem>>) semaphore(%arg14 : memref<!tpu.dma_semaphore, #tpu.memory_space<semaphore_mem>>) {add = true}
      %dma_wait3A_392 = arith.constant 3 : i32
      %dma_wait3A_393 = arith.constant 0 : i32
      %dma_wait3A_394 = arith.constant 0 : i32
      %dma_wait3A_395 = arith.constant 0 : i32
      %dma_wait3A_396 = tpu.memref_slice %arg8[%dma_wait3A_392, %dma_wait3A_394, %dma_wait3A_395] : memref<4x128x32xf32, #tpu.memory_space<vmem>> -> memref<1x128x32xf32, #tpu.memory_space<vmem>>
      %dma_wait3A_397 = tpu.memref_squeeze %dma_wait3A_396 : memref<1x128x32xf32, #tpu.memory_space<vmem>> -> memref<128x32xf32, #tpu.memory_space<vmem>>
      %dma_wait3A_398 = arith.constant 0 : i32
      %dma_wait3A_399 = tpu.memref_slice %arg7[%dma_wait3A_393, %dma_wait3A_398] : memref<160x128xi32, #tpu.memory_space<vmem>> -> memref<1x128xi32, #tpu.memory_space<vmem>>
      %dma_wait3A_400 = tpu.memref_squeeze %dma_wait3A_399 : memref<1x128xi32, #tpu.memory_space<vmem>> -> memref<128xi32, #tpu.memory_space<vmem>>
      %dma_wait3A_401 = arith.constant 0 : i32
      %dma_wait3A_402 = arith.constant 0 : i32
      %dma_wait3A_403 = tpu.memref_slice %arg17[%dma_wait3A_401, %dma_wait3A_402] : memref<10112x32xf32, #tpu.memory_space<vmem_shared>> -> memref<10112x32xf32, #tpu.memory_space<vmem_shared>>
      tpu.wait_indirect_dma semaphore(%arg16 : memref<!tpu.dma_semaphore, #tpu.memory_space<semaphore_mem>>) src(%dma_wait3A_397 : memref<128x32xf32, #tpu.memory_space<vmem>>) dst(%dma_wait3A_403 : memref<10112x32xf32, #tpu.memory_space<vmem_shared>>)
      %add3A_404 = arith.constant 2 : i32
      %add3A_405 = arith.addi %add3A_368, %add3A_404 : i32
      %dma_start3A_406 = arith.constant 3 : i32
      %dma_start3A_407 = arith.constant 0 : i32
      %dma_start3A_408 = arith.constant 0 : i32
      %dma_start3A_409 = tpu.memref_slice %arg8[%dma_start3A_406, %dma_start3A_407, %dma_start3A_408] : memref<4x128x32xf32, #tpu.memory_space<vmem>> -> memref<1x128x32xf32, #tpu.memory_space<vmem>>
      %dma_start3A_410 = tpu.memref_squeeze %dma_start3A_409 : memref<1x128x32xf32, #tpu.memory_space<vmem>> -> memref<128x32xf32, #tpu.memory_space<vmem>>
      %dma_start3A_411 = arith.constant 0 : i32
      %dma_start3A_412 = tpu.memref_slice %arg6[%add3A_405, %dma_start3A_411] : memref<160x128xi32, #tpu.memory_space<vmem>> -> memref<1x128xi32, #tpu.memory_space<vmem>>
      %dma_start3A_413 = tpu.memref_squeeze %dma_start3A_412 : memref<1x128xi32, #tpu.memory_space<vmem>> -> memref<128xi32, #tpu.memory_space<vmem>>
      %dma_start3A_414 = arith.constant 0 : i32
      %dma_start3A_415 = arith.constant 0 : i32
      %dma_start3A_416 = tpu.memref_slice %arg18[%dma_start3A_414, %dma_start3A_415] : memref<10112x32xf32, #tpu.memory_space<vmem_shared>> -> memref<10112x32xf32, #tpu.memory_space<vmem_shared>>
      tpu.enqueue_indirect_dma source(%dma_start3A_416 : memref<10112x32xf32, #tpu.memory_space<vmem_shared>>) target(%dma_start3A_410 : memref<128x32xf32, #tpu.memory_space<vmem>>) offsets(%dma_start3A_413 : memref<128xi32, #tpu.memory_space<vmem>>) semaphore(%arg12 : memref<!tpu.dma_semaphore, #tpu.memory_space<semaphore_mem>>)
      %scan3A_417 = arith.constant 0 : i32
      scf.yield %scan3A_417 : i32
    }
    %scan3A_102 = arith.constant 39 : i32
    %dma_wait3A_103 = arith.constant 0 : i32
    %dma_wait3A_104 = arith.constant 2 : i32
    %dma_wait3A_105 = arith.constant 0 : i32
    %dma_wait3A_106 = arith.constant 0 : i32
    %dma_wait3A_107 = tpu.memref_slice %arg8[%dma_wait3A_104, %dma_wait3A_105, %dma_wait3A_106] : memref<4x128x32xf32, #tpu.memory_space<vmem>> -> memref<1x128x32xf32, #tpu.memory_space<vmem>>
    %dma_wait3A_108 = tpu.memref_squeeze %dma_wait3A_107 : memref<1x128x32xf32, #tpu.memory_space<vmem>> -> memref<128x32xf32, #tpu.memory_space<vmem>>
    %dma_wait3A_109 = arith.constant 0 : i32
    %dma_wait3A_110 = tpu.memref_slice %arg6[%dma_wait3A_103, %dma_wait3A_109] : memref<160x128xi32, #tpu.memory_space<vmem>> -> memref<1x128xi32, #tpu.memory_space<vmem>>
    %dma_wait3A_111 = tpu.memref_squeeze %dma_wait3A_110 : memref<1x128xi32, #tpu.memory_space<vmem>> -> memref<128xi32, #tpu.memory_space<vmem>>
    %dma_wait3A_112 = arith.constant 0 : i32
    %dma_wait3A_113 = arith.constant 0 : i32
    %dma_wait3A_114 = tpu.memref_slice %arg18[%dma_wait3A_112, %dma_wait3A_113] : memref<10112x32xf32, #tpu.memory_space<vmem_shared>> -> memref<10112x32xf32, #tpu.memory_space<vmem_shared>>
    tpu.wait_indirect_dma semaphore(%arg11 : memref<!tpu.dma_semaphore, #tpu.memory_space<semaphore_mem>>) src(%dma_wait3A_114 : memref<10112x32xf32, #tpu.memory_space<vmem_shared>>) dst(%dma_wait3A_108 : memref<128x32xf32, #tpu.memory_space<vmem>>)
    %dma_start3A_115 = arith.constant 2 : i32
    %dma_start3A_116 = arith.constant 158 : i32
    %dma_start3A_117 = arith.constant 0 : i32
    %dma_start3A_118 = arith.constant 0 : i32
    %dma_start3A_119 = tpu.memref_slice %arg8[%dma_start3A_115, %dma_start3A_117, %dma_start3A_118] : memref<4x128x32xf32, #tpu.memory_space<vmem>> -> memref<1x128x32xf32, #tpu.memory_space<vmem>>
    %dma_start3A_120 = tpu.memref_squeeze %dma_start3A_119 : memref<1x128x32xf32, #tpu.memory_space<vmem>> -> memref<128x32xf32, #tpu.memory_space<vmem>>
    %dma_start3A_121 = arith.constant 0 : i32
    %dma_start3A_122 = tpu.memref_slice %arg7[%dma_start3A_116, %dma_start3A_121] : memref<160x128xi32, #tpu.memory_space<vmem>> -> memref<1x128xi32, #tpu.memory_space<vmem>>
    %dma_start3A_123 = tpu.memref_squeeze %dma_start3A_122 : memref<1x128xi32, #tpu.memory_space<vmem>> -> memref<128xi32, #tpu.memory_space<vmem>>
    %dma_start3A_124 = arith.constant 0 : i32
    %dma_start3A_125 = arith.constant 0 : i32
    %dma_start3A_126 = tpu.memref_slice %arg17[%dma_start3A_124, %dma_start3A_125] : memref<10112x32xf32, #tpu.memory_space<vmem_shared>> -> memref<10112x32xf32, #tpu.memory_space<vmem_shared>>
    tpu.enqueue_indirect_dma source(%dma_start3A_120 : memref<128x32xf32, #tpu.memory_space<vmem>>) target(%dma_start3A_126 : memref<10112x32xf32, #tpu.memory_space<vmem_shared>>) offsets(%dma_start3A_123 : memref<128xi32, #tpu.memory_space<vmem>>) semaphore(%arg15 : memref<!tpu.dma_semaphore, #tpu.memory_space<semaphore_mem>>) {add = true}
    %dma_wait3A_127 = arith.constant 0 : i32
    %dma_wait3A_128 = arith.constant 0 : i32
    %dma_wait3A_129 = arith.constant 0 : i32
    %dma_wait3A_130 = arith.constant 0 : i32
    %dma_wait3A_131 = tpu.memref_slice %arg8[%dma_wait3A_127, %dma_wait3A_129, %dma_wait3A_130] : memref<4x128x32xf32, #tpu.memory_space<vmem>> -> memref<1x128x32xf32, #tpu.memory_space<vmem>>
    %dma_wait3A_132 = tpu.memref_squeeze %dma_wait3A_131 : memref<1x128x32xf32, #tpu.memory_space<vmem>> -> memref<128x32xf32, #tpu.memory_space<vmem>>
    %dma_wait3A_133 = arith.constant 0 : i32
    %dma_wait3A_134 = tpu.memref_slice %arg7[%dma_wait3A_128, %dma_wait3A_133] : memref<160x128xi32, #tpu.memory_space<vmem>> -> memref<1x128xi32, #tpu.memory_space<vmem>>
    %dma_wait3A_135 = tpu.memref_squeeze %dma_wait3A_134 : memref<1x128xi32, #tpu.memory_space<vmem>> -> memref<128xi32, #tpu.memory_space<vmem>>
    %dma_wait3A_136 = arith.constant 0 : i32
    %dma_wait3A_137 = arith.constant 0 : i32
    %dma_wait3A_138 = tpu.memref_slice %arg17[%dma_wait3A_136, %dma_wait3A_137] : memref<10112x32xf32, #tpu.memory_space<vmem_shared>> -> memref<10112x32xf32, #tpu.memory_space<vmem_shared>>
    tpu.wait_indirect_dma semaphore(%arg13 : memref<!tpu.dma_semaphore, #tpu.memory_space<semaphore_mem>>) src(%dma_wait3A_132 : memref<128x32xf32, #tpu.memory_space<vmem>>) dst(%dma_wait3A_138 : memref<10112x32xf32, #tpu.memory_space<vmem_shared>>)
    %dma_wait3A_139 = arith.constant 0 : i32
    %dma_wait3A_140 = arith.constant 3 : i32
    %dma_wait3A_141 = arith.constant 0 : i32
    %dma_wait3A_142 = arith.constant 0 : i32
    %dma_wait3A_143 = tpu.memref_slice %arg8[%dma_wait3A_140, %dma_wait3A_141, %dma_wait3A_142] : memref<4x128x32xf32, #tpu.memory_space<vmem>> -> memref<1x128x32xf32, #tpu.memory_space<vmem>>
    %dma_wait3A_144 = tpu.memref_squeeze %dma_wait3A_143 : memref<1x128x32xf32, #tpu.memory_space<vmem>> -> memref<128x32xf32, #tpu.memory_space<vmem>>
    %dma_wait3A_145 = arith.constant 0 : i32
    %dma_wait3A_146 = tpu.memref_slice %arg6[%dma_wait3A_139, %dma_wait3A_145] : memref<160x128xi32, #tpu.memory_space<vmem>> -> memref<1x128xi32, #tpu.memory_space<vmem>>
    %dma_wait3A_147 = tpu.memref_squeeze %dma_wait3A_146 : memref<1x128xi32, #tpu.memory_space<vmem>> -> memref<128xi32, #tpu.memory_space<vmem>>
    %dma_wait3A_148 = arith.constant 0 : i32
    %dma_wait3A_149 = arith.constant 0 : i32
    %dma_wait3A_150 = tpu.memref_slice %arg18[%dma_wait3A_148, %dma_wait3A_149] : memref<10112x32xf32, #tpu.memory_space<vmem_shared>> -> memref<10112x32xf32, #tpu.memory_space<vmem_shared>>
    tpu.wait_indirect_dma semaphore(%arg12 : memref<!tpu.dma_semaphore, #tpu.memory_space<semaphore_mem>>) src(%dma_wait3A_150 : memref<10112x32xf32, #tpu.memory_space<vmem_shared>>) dst(%dma_wait3A_144 : memref<128x32xf32, #tpu.memory_space<vmem>>)
    %dma_start3A_151 = arith.constant 3 : i32
    %dma_start3A_152 = arith.constant 159 : i32
    %dma_start3A_153 = arith.constant 0 : i32
    %dma_start3A_154 = arith.constant 0 : i32
    %dma_start3A_155 = tpu.memref_slice %arg8[%dma_start3A_151, %dma_start3A_153, %dma_start3A_154] : memref<4x128x32xf32, #tpu.memory_space<vmem>> -> memref<1x128x32xf32, #tpu.memory_space<vmem>>
    %dma_start3A_156 = tpu.memref_squeeze %dma_start3A_155 : memref<1x128x32xf32, #tpu.memory_space<vmem>> -> memref<128x32xf32, #tpu.memory_space<vmem>>
    %dma_start3A_157 = arith.constant 0 : i32
    %dma_start3A_158 = tpu.memref_slice %arg7[%dma_start3A_152, %dma_start3A_157] : memref<160x128xi32, #tpu.memory_space<vmem>> -> memref<1x128xi32, #tpu.memory_space<vmem>>
    %dma_start3A_159 = tpu.memref_squeeze %dma_start3A_158 : memref<1x128xi32, #tpu.memory_space<vmem>> -> memref<128xi32, #tpu.memory_space<vmem>>
    %dma_start3A_160 = arith.constant 0 : i32
    %dma_start3A_161 = arith.constant 0 : i32
    %dma_start3A_162 = tpu.memref_slice %arg17[%dma_start3A_160, %dma_start3A_161] : memref<10112x32xf32, #tpu.memory_space<vmem_shared>> -> memref<10112x32xf32, #tpu.memory_space<vmem_shared>>
    tpu.enqueue_indirect_dma source(%dma_start3A_156 : memref<128x32xf32, #tpu.memory_space<vmem>>) target(%dma_start3A_162 : memref<10112x32xf32, #tpu.memory_space<vmem_shared>>) offsets(%dma_start3A_159 : memref<128xi32, #tpu.memory_space<vmem>>) semaphore(%arg16 : memref<!tpu.dma_semaphore, #tpu.memory_space<semaphore_mem>>) {add = true}
    %dma_wait3A_163 = arith.constant 1 : i32
    %dma_wait3A_164 = arith.constant 0 : i32
    %dma_wait3A_165 = arith.constant 0 : i32
    %dma_wait3A_166 = arith.constant 0 : i32
    %dma_wait3A_167 = tpu.memref_slice %arg8[%dma_wait3A_163, %dma_wait3A_165, %dma_wait3A_166] : memref<4x128x32xf32, #tpu.memory_space<vmem>> -> memref<1x128x32xf32, #tpu.memory_space<vmem>>
    %dma_wait3A_168 = tpu.memref_squeeze %dma_wait3A_167 : memref<1x128x32xf32, #tpu.memory_space<vmem>> -> memref<128x32xf32, #tpu.memory_space<vmem>>
    %dma_wait3A_169 = arith.constant 0 : i32
    %dma_wait3A_170 = tpu.memref_slice %arg7[%dma_wait3A_164, %dma_wait3A_169] : memref<160x128xi32, #tpu.memory_space<vmem>> -> memref<1x128xi32, #tpu.memory_space<vmem>>
    %dma_wait3A_171 = tpu.memref_squeeze %dma_wait3A_170 : memref<1x128xi32, #tpu.memory_space<vmem>> -> memref<128xi32, #tpu.memory_space<vmem>>
    %dma_wait3A_172 = arith.constant 0 : i32
    %dma_wait3A_173 = arith.constant 0 : i32
    %dma_wait3A_174 = tpu.memref_slice %arg17[%dma_wait3A_172, %dma_wait3A_173] : memref<10112x32xf32, #tpu.memory_space<vmem_shared>> -> memref<10112x32xf32, #tpu.memory_space<vmem_shared>>
    tpu.wait_indirect_dma semaphore(%arg14 : memref<!tpu.dma_semaphore, #tpu.memory_space<semaphore_mem>>) src(%dma_wait3A_168 : memref<128x32xf32, #tpu.memory_space<vmem>>) dst(%dma_wait3A_174 : memref<10112x32xf32, #tpu.memory_space<vmem_shared>>)
    %dma_wait3A_175 = arith.constant 2 : i32
    %dma_wait3A_176 = arith.constant 0 : i32
    %dma_wait3A_177 = arith.constant 0 : i32
    %dma_wait3A_178 = arith.constant 0 : i32
    %dma_wait3A_179 = tpu.memref_slice %arg8[%dma_wait3A_175, %dma_wait3A_177, %dma_wait3A_178] : memref<4x128x32xf32, #tpu.memory_space<vmem>> -> memref<1x128x32xf32, #tpu.memory_space<vmem>>
    %dma_wait3A_180 = tpu.memref_squeeze %dma_wait3A_179 : memref<1x128x32xf32, #tpu.memory_space<vmem>> -> memref<128x32xf32, #tpu.memory_space<vmem>>
    %dma_wait3A_181 = arith.constant 0 : i32
    %dma_wait3A_182 = tpu.memref_slice %arg7[%dma_wait3A_176, %dma_wait3A_181] : memref<160x128xi32, #tpu.memory_space<vmem>> -> memref<1x128xi32, #tpu.memory_space<vmem>>
    %dma_wait3A_183 = tpu.memref_squeeze %dma_wait3A_182 : memref<1x128xi32, #tpu.memory_space<vmem>> -> memref<128xi32, #tpu.memory_space<vmem>>
    %dma_wait3A_184 = arith.constant 0 : i32
    %dma_wait3A_185 = arith.constant 0 : i32
    %dma_wait3A_186 = tpu.memref_slice %arg17[%dma_wait3A_184, %dma_wait3A_185] : memref<10112x32xf32, #tpu.memory_space<vmem_shared>> -> memref<10112x32xf32, #tpu.memory_space<vmem_shared>>
    tpu.wait_indirect_dma semaphore(%arg15 : memref<!tpu.dma_semaphore, #tpu.memory_space<semaphore_mem>>) src(%dma_wait3A_180 : memref<128x32xf32, #tpu.memory_space<vmem>>) dst(%dma_wait3A_186 : memref<10112x32xf32, #tpu.memory_space<vmem_shared>>)
    %dma_wait3A_187 = arith.constant 3 : i32
    %dma_wait3A_188 = arith.constant 0 : i32
    %dma_wait3A_189 = arith.constant 0 : i32
    %dma_wait3A_190 = arith.constant 0 : i32
    %dma_wait3A_191 = tpu.memref_slice %arg8[%dma_wait3A_187, %dma_wait3A_189, %dma_wait3A_190] : memref<4x128x32xf32, #tpu.memory_space<vmem>> -> memref<1x128x32xf32, #tpu.memory_space<vmem>>
    %dma_wait3A_192 = tpu.memref_squeeze %dma_wait3A_191 : memref<1x128x32xf32, #tpu.memory_space<vmem>> -> memref<128x32xf32, #tpu.memory_space<vmem>>
    %dma_wait3A_193 = arith.constant 0 : i32
    %dma_wait3A_194 = tpu.memref_slice %arg7[%dma_wait3A_188, %dma_wait3A_193] : memref<160x128xi32, #tpu.memory_space<vmem>> -> memref<1x128xi32, #tpu.memory_space<vmem>>
    %dma_wait3A_195 = tpu.memref_squeeze %dma_wait3A_194 : memref<1x128xi32, #tpu.memory_space<vmem>> -> memref<128xi32, #tpu.memory_space<vmem>>
    %dma_wait3A_196 = arith.constant 0 : i32
    %dma_wait3A_197 = arith.constant 0 : i32
    %dma_wait3A_198 = tpu.memref_slice %arg17[%dma_wait3A_196, %dma_wait3A_197] : memref<10112x32xf32, #tpu.memory_space<vmem_shared>> -> memref<10112x32xf32, #tpu.memory_space<vmem_shared>>
    tpu.wait_indirect_dma semaphore(%arg16 : memref<!tpu.dma_semaphore, #tpu.memory_space<semaphore_mem>>) src(%dma_wait3A_192 : memref<128x32xf32, #tpu.memory_space<vmem>>) dst(%dma_wait3A_198 : memref<10112x32xf32, #tpu.memory_space<vmem_shared>>)
    %barrier3A_199 = arith.constant 0 : index
    tpu.barrier barrier_id(%barrier3A_199)
    "tpu.region"() ({
      %run_scoped3A = tpu.sem_alloc : memref<!tpu.dma_semaphore, #tpu.memory_space<semaphore_mem>>
      %dma_start3A_200 = tpu.memref_slice %arg5[%mul3A_0, %mul3A_2] : memref<10112x128xf32, #tpu.memory_space<hbm>> -> memref<632x32xf32, #tpu.memory_space<hbm>>
      %dma_start3A_201 = arith.constant 0 : i32
      %dma_start3A_202 = tpu.memref_slice %arg17[%mul3A_0, %dma_start3A_201] : memref<10112x32xf32, #tpu.memory_space<vmem_shared>> -> memref<632x32xf32, #tpu.memory_space<vmem_shared>>
      tpu.enqueue_dma source(%dma_start3A_202 : memref<632x32xf32, #tpu.memory_space<vmem_shared>>) target(%dma_start3A_200 : memref<632x32xf32, #tpu.memory_space<hbm>>) target_semaphore(%run_scoped3A : memref<!tpu.dma_semaphore, #tpu.memory_space<semaphore_mem>>)
      %dma_wait3A_203 = tpu.memref_slice %arg5[%mul3A_0, %mul3A_2] : memref<10112x128xf32, #tpu.memory_space<hbm>> -> memref<632x32xf32, #tpu.memory_space<hbm>>
      %dma_wait3A_204 = arith.constant 0 : i32
      %dma_wait3A_205 = tpu.memref_slice %arg17[%mul3A_0, %dma_wait3A_204] : memref<10112x32xf32, #tpu.memory_space<vmem_shared>> -> memref<632x32xf32, #tpu.memory_space<vmem_shared>>
      tpu.wait_dma2 semaphore(%run_scoped3A : memref<!tpu.dma_semaphore, #tpu.memory_space<semaphore_mem>>) src(%dma_wait3A_205 : memref<632x32xf32, #tpu.memory_space<vmem_shared>>) dst(%dma_wait3A_203 : memref<632x32xf32, #tpu.memory_space<hbm>>)
      tpu.yield
    }) : () -> ()
    return
  }
}

#map = affine_map<(d0, d1) -> (0, 0, 0)>
#map1 = affine_map<(d0, d1) -> (0, 0)>
module attributes {stable_mosaic.version = 14 : i64} {
  func.func @_agg_body(%arg0: i32, %arg1: i32, %arg2: memref<16x160x128xi32, #tpu.memory_space<hbm>>, %arg3: memref<16x160x128xi32, #tpu.memory_space<hbm>>, %arg4: memref<10112x128xf32, #tpu.memory_space<hbm>>, %arg5: memref<10112x128xf32, #tpu.memory_space<hbm>>, %arg6: memref<160x128xi32, #tpu.memory_space<vmem>>, %arg7: memref<160x128xi32, #tpu.memory_space<vmem>>, %arg8: memref<4x128x32xf32, #tpu.memory_space<vmem>>, %arg9: memref<!tpu.dma_semaphore, #tpu.memory_space<semaphore_mem>>, %arg10: memref<!tpu.dma_semaphore, #tpu.memory_space<semaphore_mem>>, %arg11: memref<!tpu.dma_semaphore, #tpu.memory_space<semaphore_mem>>, %arg12: memref<!tpu.dma_semaphore, #tpu.memory_space<semaphore_mem>>, %arg13: memref<!tpu.dma_semaphore, #tpu.memory_space<semaphore_mem>>, %arg14: memref<!tpu.dma_semaphore, #tpu.memory_space<semaphore_mem>>, %arg15: memref<!tpu.dma_semaphore, #tpu.memory_space<semaphore_mem>>, %arg16: memref<!tpu.dma_semaphore, #tpu.memory_space<semaphore_mem>>, %arg17: memref<10112x32xf32, #tpu.memory_space<vmem_shared>>, %arg18: memref<10112x32xf32, #tpu.memory_space<vmem_shared>>) attributes {dimension_semantics = [#tpu.dimension_semantics<core_parallel>, #tpu.dimension_semantics<subcore_parallel>], iteration_bounds = array<i64: 2, 16>, scalar_prefetch = 0 : i64, scratch_operands = 13 : i64, tpu.core_type = #tpu.core_type<sc_vector_subcore>, window_params = [{transform_indices = #map}, {transform_indices = #map}, {transform_indices = #map1}, {transform_indices = #map1}]} {
    %mul3A = arith.constant 632 : i32
    %mul3A_0 = arith.muli %arg1, %mul3A : i32
    %mul3A_1 = arith.constant 32 : i32
    %mul3A_2 = arith.muli %arg0, %mul3A_1 : i32
    "tpu.region"() ({
      %run_scoped3A = tpu.sem_alloc : memref<!tpu.dma_semaphore, #tpu.memory_space<semaphore_mem>>
      %dma_start3A_200 = arith.constant 0 : i32
      %dma_start3A_201 = tpu.memref_slice %arg18[%mul3A_0, %dma_start3A_200] : memref<10112x32xf32, #tpu.memory_space<vmem_shared>> -> memref<632x32xf32, #tpu.memory_space<vmem_shared>>
      %dma_start3A_202 = tpu.memref_slice %arg4[%mul3A_0, %mul3A_2] : memref<10112x128xf32, #tpu.memory_space<hbm>> -> memref<632x32xf32, #tpu.memory_space<hbm>>
      tpu.enqueue_dma source(%dma_start3A_202 : memref<632x32xf32, #tpu.memory_space<hbm>>) target(%dma_start3A_201 : memref<632x32xf32, #tpu.memory_space<vmem_shared>>) target_semaphore(%run_scoped3A : memref<!tpu.dma_semaphore, #tpu.memory_space<semaphore_mem>>)
      %dma_wait3A_203 = arith.constant 0 : i32
      %dma_wait3A_204 = tpu.memref_slice %arg18[%mul3A_0, %dma_wait3A_203] : memref<10112x32xf32, #tpu.memory_space<vmem_shared>> -> memref<632x32xf32, #tpu.memory_space<vmem_shared>>
      %dma_wait3A_205 = tpu.memref_slice %arg4[%mul3A_0, %mul3A_2] : memref<10112x128xf32, #tpu.memory_space<hbm>> -> memref<632x32xf32, #tpu.memory_space<hbm>>
      tpu.wait_dma2 semaphore(%run_scoped3A : memref<!tpu.dma_semaphore, #tpu.memory_space<semaphore_mem>>) src(%dma_wait3A_205 : memref<632x32xf32, #tpu.memory_space<hbm>>) dst(%dma_wait3A_204 : memref<632x32xf32, #tpu.memory_space<vmem_shared>>)
      tpu.yield
    }) : () -> ()
    "tpu.region"() ({
      %run_scoped3A = tpu.sem_alloc : memref<!tpu.dma_semaphore, #tpu.memory_space<semaphore_mem>>
      %dma_start3A_200 = arith.constant 0 : i32
      %dma_start3A_201 = tpu.memref_slice %arg17[%mul3A_0, %dma_start3A_200] : memref<10112x32xf32, #tpu.memory_space<vmem_shared>> -> memref<632x32xf32, #tpu.memory_space<vmem_shared>>
      %dma_start3A_202 = tpu.memref_slice %arg4[%mul3A_0, %mul3A_2] : memref<10112x128xf32, #tpu.memory_space<hbm>> -> memref<632x32xf32, #tpu.memory_space<hbm>>
      tpu.enqueue_dma source(%dma_start3A_202 : memref<632x32xf32, #tpu.memory_space<hbm>>) target(%dma_start3A_201 : memref<632x32xf32, #tpu.memory_space<vmem_shared>>) target_semaphore(%run_scoped3A : memref<!tpu.dma_semaphore, #tpu.memory_space<semaphore_mem>>)
      %dma_wait3A_203 = arith.constant 0 : i32
      %dma_wait3A_204 = tpu.memref_slice %arg17[%mul3A_0, %dma_wait3A_203] : memref<10112x32xf32, #tpu.memory_space<vmem_shared>> -> memref<632x32xf32, #tpu.memory_space<vmem_shared>>
      %dma_wait3A_205 = tpu.memref_slice %arg4[%mul3A_0, %mul3A_2] : memref<10112x128xf32, #tpu.memory_space<hbm>> -> memref<632x32xf32, #tpu.memory_space<hbm>>
      tpu.wait_dma2 semaphore(%run_scoped3A : memref<!tpu.dma_semaphore, #tpu.memory_space<semaphore_mem>>) src(%dma_wait3A_205 : memref<632x32xf32, #tpu.memory_space<hbm>>) dst(%dma_wait3A_204 : memref<632x32xf32, #tpu.memory_space<vmem_shared>>)
      tpu.yield
    }) : () -> ()
    "tpu.region"() ({
      %run_scoped3A = tpu.sem_alloc : memref<!tpu.dma_semaphore, #tpu.memory_space<semaphore_mem>>
      %dma_start3A_200 = arith.constant 0 : i32
      %dma_start3A_201 = arith.constant 0 : i32
      %dma_start3A_202 = tpu.memref_slice %arg2[%arg1, %dma_start3A_200, %dma_start3A_201] : memref<16x160x128xi32, #tpu.memory_space<hbm>> -> memref<1x160x128xi32, #tpu.memory_space<hbm>>
      %dma_start3A_203 = tpu.memref_squeeze %dma_start3A_202 : memref<1x160x128xi32, #tpu.memory_space<hbm>> -> memref<160x128xi32, #tpu.memory_space<hbm>>
      %dma_start3A_204 = arith.constant 0 : i32
      %dma_start3A_205 = arith.constant 0 : i32
      %dma_start3A_206 = tpu.memref_slice %arg2[%arg1, %dma_start3A_204, %dma_start3A_205] : memref<16x160x128xi32, #tpu.memory_space<hbm>> -> memref<1x160x128xi32, #tpu.memory_space<hbm>>
      %dma_start3A_207 = tpu.memref_squeeze %dma_start3A_206 : memref<1x160x128xi32, #tpu.memory_space<hbm>> -> memref<160x128xi32, #tpu.memory_space<hbm>>
      tpu.enqueue_dma source(%dma_start3A_207 : memref<160x128xi32, #tpu.memory_space<hbm>>) target(%arg6 : memref<160x128xi32, #tpu.memory_space<vmem>>) target_semaphore(%run_scoped3A : memref<!tpu.dma_semaphore, #tpu.memory_space<semaphore_mem>>)
      %dma_wait3A_208 = arith.constant 0 : i32
      %dma_wait3A_209 = arith.constant 0 : i32
      %dma_wait3A_210 = tpu.memref_slice %arg2[%arg1, %dma_wait3A_208, %dma_wait3A_209] : memref<16x160x128xi32, #tpu.memory_space<hbm>> -> memref<1x160x128xi32, #tpu.memory_space<hbm>>
      %dma_wait3A_211 = tpu.memref_squeeze %dma_wait3A_210 : memref<1x160x128xi32, #tpu.memory_space<hbm>> -> memref<160x128xi32, #tpu.memory_space<hbm>>
      %dma_wait3A_212 = arith.constant 0 : i32
      %dma_wait3A_213 = arith.constant 0 : i32
      %dma_wait3A_214 = tpu.memref_slice %arg2[%arg1, %dma_wait3A_212, %dma_wait3A_213] : memref<16x160x128xi32, #tpu.memory_space<hbm>> -> memref<1x160x128xi32, #tpu.memory_space<hbm>>
      %dma_wait3A_215 = tpu.memref_squeeze %dma_wait3A_214 : memref<1x160x128xi32, #tpu.memory_space<hbm>> -> memref<160x128xi32, #tpu.memory_space<hbm>>
      tpu.wait_dma2 semaphore(%run_scoped3A : memref<!tpu.dma_semaphore, #tpu.memory_space<semaphore_mem>>) src(%dma_wait3A_215 : memref<160x128xi32, #tpu.memory_space<hbm>>) dst(%arg6 : memref<160x128xi32, #tpu.memory_space<vmem>>)
      tpu.yield
    }) : () -> ()
    "tpu.region"() ({
      %run_scoped3A = tpu.sem_alloc : memref<!tpu.dma_semaphore, #tpu.memory_space<semaphore_mem>>
      %dma_start3A_200 = arith.constant 0 : i32
      %dma_start3A_201 = arith.constant 0 : i32
      %dma_start3A_202 = tpu.memref_slice %arg3[%arg1, %dma_start3A_200, %dma_start3A_201] : memref<16x160x128xi32, #tpu.memory_space<hbm>> -> memref<1x160x128xi32, #tpu.memory_space<hbm>>
      %dma_start3A_203 = tpu.memref_squeeze %dma_start3A_202 : memref<1x160x128xi32, #tpu.memory_space<hbm>> -> memref<160x128xi32, #tpu.memory_space<hbm>>
      %dma_start3A_204 = arith.constant 0 : i32
      %dma_start3A_205 = arith.constant 0 : i32
      %dma_start3A_206 = tpu.memref_slice %arg3[%arg1, %dma_start3A_204, %dma_start3A_205] : memref<16x160x128xi32, #tpu.memory_space<hbm>> -> memref<1x160x128xi32, #tpu.memory_space<hbm>>
      %dma_start3A_207 = tpu.memref_squeeze %dma_start3A_206 : memref<1x160x128xi32, #tpu.memory_space<hbm>> -> memref<160x128xi32, #tpu.memory_space<hbm>>
      tpu.enqueue_dma source(%dma_start3A_207 : memref<160x128xi32, #tpu.memory_space<hbm>>) target(%arg7 : memref<160x128xi32, #tpu.memory_space<vmem>>) target_semaphore(%run_scoped3A : memref<!tpu.dma_semaphore, #tpu.memory_space<semaphore_mem>>)
      %dma_wait3A_208 = arith.constant 0 : i32
      %dma_wait3A_209 = arith.constant 0 : i32
      %dma_wait3A_210 = tpu.memref_slice %arg3[%arg1, %dma_wait3A_208, %dma_wait3A_209] : memref<16x160x128xi32, #tpu.memory_space<hbm>> -> memref<1x160x128xi32, #tpu.memory_space<hbm>>
      %dma_wait3A_211 = tpu.memref_squeeze %dma_wait3A_210 : memref<1x160x128xi32, #tpu.memory_space<hbm>> -> memref<160x128xi32, #tpu.memory_space<hbm>>
      %dma_wait3A_212 = arith.constant 0 : i32
      %dma_wait3A_213 = arith.constant 0 : i32
      %dma_wait3A_214 = tpu.memref_slice %arg3[%arg1, %dma_wait3A_212, %dma_wait3A_213] : memref<16x160x128xi32, #tpu.memory_space<hbm>> -> memref<1x160x128xi32, #tpu.memory_space<hbm>>
      %dma_wait3A_215 = tpu.memref_squeeze %dma_wait3A_214 : memref<1x160x128xi32, #tpu.memory_space<hbm>> -> memref<160x128xi32, #tpu.memory_space<hbm>>
      tpu.wait_dma2 semaphore(%run_scoped3A : memref<!tpu.dma_semaphore, #tpu.memory_space<semaphore_mem>>) src(%dma_wait3A_215 : memref<160x128xi32, #tpu.memory_space<hbm>>) dst(%arg7 : memref<160x128xi32, #tpu.memory_space<vmem>>)
      tpu.yield
    }) : () -> ()
    %barrier3A = arith.constant 0 : index
    tpu.barrier barrier_id(%barrier3A)
    %dma_start3A = arith.constant 0 : i32
    %dma_start3A_3 = arith.constant 0 : i32
    %dma_start3A_4 = arith.constant 0 : i32
    %dma_start3A_5 = arith.constant 0 : i32
    %dma_start3A_6 = tpu.memref_slice %arg8[%dma_start3A_3, %dma_start3A_4, %dma_start3A_5] : memref<4x128x32xf32, #tpu.memory_space<vmem>> -> memref<1x128x32xf32, #tpu.memory_space<vmem>>
    %dma_start3A_7 = tpu.memref_squeeze %dma_start3A_6 : memref<1x128x32xf32, #tpu.memory_space<vmem>> -> memref<128x32xf32, #tpu.memory_space<vmem>>
    %dma_start3A_8 = arith.constant 0 : i32
    %dma_start3A_9 = tpu.memref_slice %arg6[%dma_start3A, %dma_start3A_8] : memref<160x128xi32, #tpu.memory_space<vmem>> -> memref<1x128xi32, #tpu.memory_space<vmem>>
    %dma_start3A_10 = tpu.memref_squeeze %dma_start3A_9 : memref<1x128xi32, #tpu.memory_space<vmem>> -> memref<128xi32, #tpu.memory_space<vmem>>
    %dma_start3A_11 = arith.constant 0 : i32
    %dma_start3A_12 = arith.constant 0 : i32
    %dma_start3A_13 = tpu.memref_slice %arg18[%dma_start3A_11, %dma_start3A_12] : memref<10112x32xf32, #tpu.memory_space<vmem_shared>> -> memref<10112x32xf32, #tpu.memory_space<vmem_shared>>
    tpu.enqueue_indirect_dma source(%dma_start3A_13 : memref<10112x32xf32, #tpu.memory_space<vmem_shared>>) target(%dma_start3A_7 : memref<128x32xf32, #tpu.memory_space<vmem>>) offsets(%dma_start3A_10 : memref<128xi32, #tpu.memory_space<vmem>>) semaphore(%arg9 : memref<!tpu.dma_semaphore, #tpu.memory_space<semaphore_mem>>)
    %dma_start3A_14 = arith.constant 1 : i32
    %dma_start3A_15 = arith.constant 1 : i32
    %dma_start3A_16 = arith.constant 0 : i32
    %dma_start3A_17 = arith.constant 0 : i32
    %dma_start3A_18 = tpu.memref_slice %arg8[%dma_start3A_15, %dma_start3A_16, %dma_start3A_17] : memref<4x128x32xf32, #tpu.memory_space<vmem>> -> memref<1x128x32xf32, #tpu.memory_space<vmem>>
    %dma_start3A_19 = tpu.memref_squeeze %dma_start3A_18 : memref<1x128x32xf32, #tpu.memory_space<vmem>> -> memref<128x32xf32, #tpu.memory_space<vmem>>
    %dma_start3A_20 = arith.constant 0 : i32
    %dma_start3A_21 = tpu.memref_slice %arg6[%dma_start3A_14, %dma_start3A_20] : memref<160x128xi32, #tpu.memory_space<vmem>> -> memref<1x128xi32, #tpu.memory_space<vmem>>
    %dma_start3A_22 = tpu.memref_squeeze %dma_start3A_21 : memref<1x128xi32, #tpu.memory_space<vmem>> -> memref<128xi32, #tpu.memory_space<vmem>>
    %dma_start3A_23 = arith.constant 0 : i32
    %dma_start3A_24 = arith.constant 0 : i32
    %dma_start3A_25 = tpu.memref_slice %arg18[%dma_start3A_23, %dma_start3A_24] : memref<10112x32xf32, #tpu.memory_space<vmem_shared>> -> memref<10112x32xf32, #tpu.memory_space<vmem_shared>>
    tpu.enqueue_indirect_dma source(%dma_start3A_25 : memref<10112x32xf32, #tpu.memory_space<vmem_shared>>) target(%dma_start3A_19 : memref<128x32xf32, #tpu.memory_space<vmem>>) offsets(%dma_start3A_22 : memref<128xi32, #tpu.memory_space<vmem>>) semaphore(%arg10 : memref<!tpu.dma_semaphore, #tpu.memory_space<semaphore_mem>>)
    %dma_wait3A = arith.constant 0 : i32
    %dma_wait3A_26 = arith.constant 0 : i32
    %dma_wait3A_27 = arith.constant 0 : i32
    %dma_wait3A_28 = arith.constant 0 : i32
    %dma_wait3A_29 = tpu.memref_slice %arg8[%dma_wait3A_26, %dma_wait3A_27, %dma_wait3A_28] : memref<4x128x32xf32, #tpu.memory_space<vmem>> -> memref<1x128x32xf32, #tpu.memory_space<vmem>>
    %dma_wait3A_30 = tpu.memref_squeeze %dma_wait3A_29 : memref<1x128x32xf32, #tpu.memory_space<vmem>> -> memref<128x32xf32, #tpu.memory_space<vmem>>
    %dma_wait3A_31 = arith.constant 0 : i32
    %dma_wait3A_32 = tpu.memref_slice %arg6[%dma_wait3A, %dma_wait3A_31] : memref<160x128xi32, #tpu.memory_space<vmem>> -> memref<1x128xi32, #tpu.memory_space<vmem>>
    %dma_wait3A_33 = tpu.memref_squeeze %dma_wait3A_32 : memref<1x128xi32, #tpu.memory_space<vmem>> -> memref<128xi32, #tpu.memory_space<vmem>>
    %dma_wait3A_34 = arith.constant 0 : i32
    %dma_wait3A_35 = arith.constant 0 : i32
    %dma_wait3A_36 = tpu.memref_slice %arg18[%dma_wait3A_34, %dma_wait3A_35] : memref<10112x32xf32, #tpu.memory_space<vmem_shared>> -> memref<10112x32xf32, #tpu.memory_space<vmem_shared>>
    tpu.wait_indirect_dma semaphore(%arg9 : memref<!tpu.dma_semaphore, #tpu.memory_space<semaphore_mem>>) src(%dma_wait3A_36 : memref<10112x32xf32, #tpu.memory_space<vmem_shared>>) dst(%dma_wait3A_30 : memref<128x32xf32, #tpu.memory_space<vmem>>)
    %dma_start3A_37 = arith.constant 0 : i32
    %dma_start3A_38 = arith.constant 0 : i32
    %dma_start3A_39 = arith.constant 0 : i32
    %dma_start3A_40 = arith.constant 0 : i32
    %dma_start3A_41 = tpu.memref_slice %arg8[%dma_start3A_37, %dma_start3A_39, %dma_start3A_40] : memref<4x128x32xf32, #tpu.memory_space<vmem>> -> memref<1x128x32xf32, #tpu.memory_space<vmem>>
    %dma_start3A_42 = tpu.memref_squeeze %dma_start3A_41 : memref<1x128x32xf32, #tpu.memory_space<vmem>> -> memref<128x32xf32, #tpu.memory_space<vmem>>
    %dma_start3A_43 = arith.constant 0 : i32
    %dma_start3A_44 = tpu.memref_slice %arg7[%dma_start3A_38, %dma_start3A_43] : memref<160x128xi32, #tpu.memory_space<vmem>> -> memref<1x128xi32, #tpu.memory_space<vmem>>
    %dma_start3A_45 = tpu.memref_squeeze %dma_start3A_44 : memref<1x128xi32, #tpu.memory_space<vmem>> -> memref<128xi32, #tpu.memory_space<vmem>>
    %dma_start3A_46 = arith.constant 0 : i32
    %dma_start3A_47 = arith.constant 0 : i32
    %dma_start3A_48 = tpu.memref_slice %arg17[%dma_start3A_46, %dma_start3A_47] : memref<10112x32xf32, #tpu.memory_space<vmem_shared>> -> memref<10112x32xf32, #tpu.memory_space<vmem_shared>>
    tpu.enqueue_indirect_dma source(%dma_start3A_42 : memref<128x32xf32, #tpu.memory_space<vmem>>) target(%dma_start3A_48 : memref<10112x32xf32, #tpu.memory_space<vmem_shared>>) offsets(%dma_start3A_45 : memref<128xi32, #tpu.memory_space<vmem>>) semaphore(%arg13 : memref<!tpu.dma_semaphore, #tpu.memory_space<semaphore_mem>>) {add = true}
    %dma_start3A_49 = arith.constant 2 : i32
    %dma_start3A_50 = arith.constant 2 : i32
    %dma_start3A_51 = arith.constant 0 : i32
    %dma_start3A_52 = arith.constant 0 : i32
    %dma_start3A_53 = tpu.memref_slice %arg8[%dma_start3A_50, %dma_start3A_51, %dma_start3A_52] : memref<4x128x32xf32, #tpu.memory_space<vmem>> -> memref<1x128x32xf32, #tpu.memory_space<vmem>>
    %dma_start3A_54 = tpu.memref_squeeze %dma_start3A_53 : memref<1x128x32xf32, #tpu.memory_space<vmem>> -> memref<128x32xf32, #tpu.memory_space<vmem>>
    %dma_start3A_55 = arith.constant 0 : i32
    %dma_start3A_56 = tpu.memref_slice %arg6[%dma_start3A_49, %dma_start3A_55] : memref<160x128xi32, #tpu.memory_space<vmem>> -> memref<1x128xi32, #tpu.memory_space<vmem>>
    %dma_start3A_57 = tpu.memref_squeeze %dma_start3A_56 : memref<1x128xi32, #tpu.memory_space<vmem>> -> memref<128xi32, #tpu.memory_space<vmem>>
    %dma_start3A_58 = arith.constant 0 : i32
    %dma_start3A_59 = arith.constant 0 : i32
    %dma_start3A_60 = tpu.memref_slice %arg18[%dma_start3A_58, %dma_start3A_59] : memref<10112x32xf32, #tpu.memory_space<vmem_shared>> -> memref<10112x32xf32, #tpu.memory_space<vmem_shared>>
    tpu.enqueue_indirect_dma source(%dma_start3A_60 : memref<10112x32xf32, #tpu.memory_space<vmem_shared>>) target(%dma_start3A_54 : memref<128x32xf32, #tpu.memory_space<vmem>>) offsets(%dma_start3A_57 : memref<128xi32, #tpu.memory_space<vmem>>) semaphore(%arg11 : memref<!tpu.dma_semaphore, #tpu.memory_space<semaphore_mem>>)
    %dma_wait3A_61 = arith.constant 0 : i32
    %dma_wait3A_62 = arith.constant 1 : i32
    %dma_wait3A_63 = arith.constant 0 : i32
    %dma_wait3A_64 = arith.constant 0 : i32
    %dma_wait3A_65 = tpu.memref_slice %arg8[%dma_wait3A_62, %dma_wait3A_63, %dma_wait3A_64] : memref<4x128x32xf32, #tpu.memory_space<vmem>> -> memref<1x128x32xf32, #tpu.memory_space<vmem>>
    %dma_wait3A_66 = tpu.memref_squeeze %dma_wait3A_65 : memref<1x128x32xf32, #tpu.memory_space<vmem>> -> memref<128x32xf32, #tpu.memory_space<vmem>>
    %dma_wait3A_67 = arith.constant 0 : i32
    %dma_wait3A_68 = tpu.memref_slice %arg6[%dma_wait3A_61, %dma_wait3A_67] : memref<160x128xi32, #tpu.memory_space<vmem>> -> memref<1x128xi32, #tpu.memory_space<vmem>>
    %dma_wait3A_69 = tpu.memref_squeeze %dma_wait3A_68 : memref<1x128xi32, #tpu.memory_space<vmem>> -> memref<128xi32, #tpu.memory_space<vmem>>
    %dma_wait3A_70 = arith.constant 0 : i32
    %dma_wait3A_71 = arith.constant 0 : i32
    %dma_wait3A_72 = tpu.memref_slice %arg18[%dma_wait3A_70, %dma_wait3A_71] : memref<10112x32xf32, #tpu.memory_space<vmem_shared>> -> memref<10112x32xf32, #tpu.memory_space<vmem_shared>>
    tpu.wait_indirect_dma semaphore(%arg10 : memref<!tpu.dma_semaphore, #tpu.memory_space<semaphore_mem>>) src(%dma_wait3A_72 : memref<10112x32xf32, #tpu.memory_space<vmem_shared>>) dst(%dma_wait3A_66 : memref<128x32xf32, #tpu.memory_space<vmem>>)
    %dma_start3A_73 = arith.constant 1 : i32
    %dma_start3A_74 = arith.constant 1 : i32
    %dma_start3A_75 = arith.constant 0 : i32
    %dma_start3A_76 = arith.constant 0 : i32
    %dma_start3A_77 = tpu.memref_slice %arg8[%dma_start3A_73, %dma_start3A_75, %dma_start3A_76] : memref<4x128x32xf32, #tpu.memory_space<vmem>> -> memref<1x128x32xf32, #tpu.memory_space<vmem>>
    %dma_start3A_78 = tpu.memref_squeeze %dma_start3A_77 : memref<1x128x32xf32, #tpu.memory_space<vmem>> -> memref<128x32xf32, #tpu.memory_space<vmem>>
    %dma_start3A_79 = arith.constant 0 : i32
    %dma_start3A_80 = tpu.memref_slice %arg7[%dma_start3A_74, %dma_start3A_79] : memref<160x128xi32, #tpu.memory_space<vmem>> -> memref<1x128xi32, #tpu.memory_space<vmem>>
    %dma_start3A_81 = tpu.memref_squeeze %dma_start3A_80 : memref<1x128xi32, #tpu.memory_space<vmem>> -> memref<128xi32, #tpu.memory_space<vmem>>
    %dma_start3A_82 = arith.constant 0 : i32
    %dma_start3A_83 = arith.constant 0 : i32
    %dma_start3A_84 = tpu.memref_slice %arg17[%dma_start3A_82, %dma_start3A_83] : memref<10112x32xf32, #tpu.memory_space<vmem_shared>> -> memref<10112x32xf32, #tpu.memory_space<vmem_shared>>
    tpu.enqueue_indirect_dma source(%dma_start3A_78 : memref<128x32xf32, #tpu.memory_space<vmem>>) target(%dma_start3A_84 : memref<10112x32xf32, #tpu.memory_space<vmem_shared>>) offsets(%dma_start3A_81 : memref<128xi32, #tpu.memory_space<vmem>>) semaphore(%arg14 : memref<!tpu.dma_semaphore, #tpu.memory_space<semaphore_mem>>) {add = true}
    %dma_start3A_85 = arith.constant 3 : i32
    %dma_start3A_86 = arith.constant 3 : i32
    %dma_start3A_87 = arith.constant 0 : i32
    %dma_start3A_88 = arith.constant 0 : i32
    %dma_start3A_89 = tpu.memref_slice %arg8[%dma_start3A_86, %dma_start3A_87, %dma_start3A_88] : memref<4x128x32xf32, #tpu.memory_space<vmem>> -> memref<1x128x32xf32, #tpu.memory_space<vmem>>
    %dma_start3A_90 = tpu.memref_squeeze %dma_start3A_89 : memref<1x128x32xf32, #tpu.memory_space<vmem>> -> memref<128x32xf32, #tpu.memory_space<vmem>>
    %dma_start3A_91 = arith.constant 0 : i32
    %dma_start3A_92 = tpu.memref_slice %arg6[%dma_start3A_85, %dma_start3A_91] : memref<160x128xi32, #tpu.memory_space<vmem>> -> memref<1x128xi32, #tpu.memory_space<vmem>>
    %dma_start3A_93 = tpu.memref_squeeze %dma_start3A_92 : memref<1x128xi32, #tpu.memory_space<vmem>> -> memref<128xi32, #tpu.memory_space<vmem>>
    %dma_start3A_94 = arith.constant 0 : i32
    %dma_start3A_95 = arith.constant 0 : i32
    %dma_start3A_96 = tpu.memref_slice %arg18[%dma_start3A_94, %dma_start3A_95] : memref<10112x32xf32, #tpu.memory_space<vmem_shared>> -> memref<10112x32xf32, #tpu.memory_space<vmem_shared>>
    tpu.enqueue_indirect_dma source(%dma_start3A_96 : memref<10112x32xf32, #tpu.memory_space<vmem_shared>>) target(%dma_start3A_90 : memref<128x32xf32, #tpu.memory_space<vmem>>) offsets(%dma_start3A_93 : memref<128xi32, #tpu.memory_space<vmem>>) semaphore(%arg12 : memref<!tpu.dma_semaphore, #tpu.memory_space<semaphore_mem>>)
    %scan3A = arith.constant 0 : i32
    %scan3A_97 = arith.constant 0 : i32
    %scan3A_98 = arith.constant 39 : i32
    %scan3A_99 = arith.addi %scan3A_97, %scan3A_98 : i32
    %scan3A_100 = arith.constant 1 : i32
    %scan3A_101 = scf.for %scan3A_200 = %scan3A_97 to %scan3A_99 step %scan3A_100 iter_args(%scan3A_201 = %scan3A) -> (i32)  : i32 {
      %mul3A_202 = arith.constant 4 : i32
      %mul3A_203 = arith.muli %mul3A_202, %scan3A_200 : i32
      %add3A = arith.constant 2 : i32
      %add3A_204 = arith.addi %mul3A_203, %add3A : i32
      %add3A_205 = arith.constant 0 : i32
      %add3A_206 = arith.addi %add3A_204, %add3A_205 : i32
      %dma_wait3A_207 = arith.constant 0 : i32
      %dma_wait3A_208 = arith.constant 2 : i32
      %dma_wait3A_209 = arith.constant 0 : i32
      %dma_wait3A_210 = arith.constant 0 : i32
      %dma_wait3A_211 = tpu.memref_slice %arg8[%dma_wait3A_208, %dma_wait3A_209, %dma_wait3A_210] : memref<4x128x32xf32, #tpu.memory_space<vmem>> -> memref<1x128x32xf32, #tpu.memory_space<vmem>>
      %dma_wait3A_212 = tpu.memref_squeeze %dma_wait3A_211 : memref<1x128x32xf32, #tpu.memory_space<vmem>> -> memref<128x32xf32, #tpu.memory_space<vmem>>
      %dma_wait3A_213 = arith.constant 0 : i32
      %dma_wait3A_214 = tpu.memref_slice %arg6[%dma_wait3A_207, %dma_wait3A_213] : memref<160x128xi32, #tpu.memory_space<vmem>> -> memref<1x128xi32, #tpu.memory_space<vmem>>
      %dma_wait3A_215 = tpu.memref_squeeze %dma_wait3A_214 : memref<1x128xi32, #tpu.memory_space<vmem>> -> memref<128xi32, #tpu.memory_space<vmem>>
      %dma_wait3A_216 = arith.constant 0 : i32
      %dma_wait3A_217 = arith.constant 0 : i32
      %dma_wait3A_218 = tpu.memref_slice %arg18[%dma_wait3A_216, %dma_wait3A_217] : memref<10112x32xf32, #tpu.memory_space<vmem_shared>> -> memref<10112x32xf32, #tpu.memory_space<vmem_shared>>
      tpu.wait_indirect_dma semaphore(%arg11 : memref<!tpu.dma_semaphore, #tpu.memory_space<semaphore_mem>>) src(%dma_wait3A_218 : memref<10112x32xf32, #tpu.memory_space<vmem_shared>>) dst(%dma_wait3A_212 : memref<128x32xf32, #tpu.memory_space<vmem>>)
      %dma_start3A_219 = arith.constant 2 : i32
      %dma_start3A_220 = arith.constant 0 : i32
      %dma_start3A_221 = arith.constant 0 : i32
      %dma_start3A_222 = tpu.memref_slice %arg8[%dma_start3A_219, %dma_start3A_220, %dma_start3A_221] : memref<4x128x32xf32, #tpu.memory_space<vmem>> -> memref<1x128x32xf32, #tpu.memory_space<vmem>>
      %dma_start3A_223 = tpu.memref_squeeze %dma_start3A_222 : memref<1x128x32xf32, #tpu.memory_space<vmem>> -> memref<128x32xf32, #tpu.memory_space<vmem>>
      %dma_start3A_224 = arith.constant 0 : i32
      %dma_start3A_225 = tpu.memref_slice %arg7[%add3A_206, %dma_start3A_224] : memref<160x128xi32, #tpu.memory_space<vmem>> -> memref<1x128xi32, #tpu.memory_space<vmem>>
      %dma_start3A_226 = tpu.memref_squeeze %dma_start3A_225 : memref<1x128xi32, #tpu.memory_space<vmem>> -> memref<128xi32, #tpu.memory_space<vmem>>
      %dma_start3A_227 = arith.constant 0 : i32
      %dma_start3A_228 = arith.constant 0 : i32
      %dma_start3A_229 = tpu.memref_slice %arg17[%dma_start3A_227, %dma_start3A_228] : memref<10112x32xf32, #tpu.memory_space<vmem_shared>> -> memref<10112x32xf32, #tpu.memory_space<vmem_shared>>
      tpu.enqueue_indirect_dma source(%dma_start3A_223 : memref<128x32xf32, #tpu.memory_space<vmem>>) target(%dma_start3A_229 : memref<10112x32xf32, #tpu.memory_space<vmem_shared>>) offsets(%dma_start3A_226 : memref<128xi32, #tpu.memory_space<vmem>>) semaphore(%arg15 : memref<!tpu.dma_semaphore, #tpu.memory_space<semaphore_mem>>) {add = true}
      %dma_wait3A_230 = arith.constant 0 : i32
      %dma_wait3A_231 = arith.constant 0 : i32
      %dma_wait3A_232 = arith.constant 0 : i32
      %dma_wait3A_233 = arith.constant 0 : i32
      %dma_wait3A_234 = tpu.memref_slice %arg8[%dma_wait3A_230, %dma_wait3A_232, %dma_wait3A_233] : memref<4x128x32xf32, #tpu.memory_space<vmem>> -> memref<1x128x32xf32, #tpu.memory_space<vmem>>
      %dma_wait3A_235 = tpu.memref_squeeze %dma_wait3A_234 : memref<1x128x32xf32, #tpu.memory_space<vmem>> -> memref<128x32xf32, #tpu.memory_space<vmem>>
      %dma_wait3A_236 = arith.constant 0 : i32
      %dma_wait3A_237 = tpu.memref_slice %arg7[%dma_wait3A_231, %dma_wait3A_236] : memref<160x128xi32, #tpu.memory_space<vmem>> -> memref<1x128xi32, #tpu.memory_space<vmem>>
      %dma_wait3A_238 = tpu.memref_squeeze %dma_wait3A_237 : memref<1x128xi32, #tpu.memory_space<vmem>> -> memref<128xi32, #tpu.memory_space<vmem>>
      %dma_wait3A_239 = arith.constant 0 : i32
      %dma_wait3A_240 = arith.constant 0 : i32
      %dma_wait3A_241 = tpu.memref_slice %arg17[%dma_wait3A_239, %dma_wait3A_240] : memref<10112x32xf32, #tpu.memory_space<vmem_shared>> -> memref<10112x32xf32, #tpu.memory_space<vmem_shared>>
      tpu.wait_indirect_dma semaphore(%arg13 : memref<!tpu.dma_semaphore, #tpu.memory_space<semaphore_mem>>) src(%dma_wait3A_235 : memref<128x32xf32, #tpu.memory_space<vmem>>) dst(%dma_wait3A_241 : memref<10112x32xf32, #tpu.memory_space<vmem_shared>>)
      %add3A_242 = arith.constant 2 : i32
      %add3A_243 = arith.addi %add3A_206, %add3A_242 : i32
      %dma_start3A_244 = arith.constant 0 : i32
      %dma_start3A_245 = arith.constant 0 : i32
      %dma_start3A_246 = arith.constant 0 : i32
      %dma_start3A_247 = tpu.memref_slice %arg8[%dma_start3A_244, %dma_start3A_245, %dma_start3A_246] : memref<4x128x32xf32, #tpu.memory_space<vmem>> -> memref<1x128x32xf32, #tpu.memory_space<vmem>>
      %dma_start3A_248 = tpu.memref_squeeze %dma_start3A_247 : memref<1x128x32xf32, #tpu.memory_space<vmem>> -> memref<128x32xf32, #tpu.memory_space<vmem>>
      %dma_start3A_249 = arith.constant 0 : i32
      %dma_start3A_250 = tpu.memref_slice %arg6[%add3A_243, %dma_start3A_249] : memref<160x128xi32, #tpu.memory_space<vmem>> -> memref<1x128xi32, #tpu.memory_space<vmem>>
      %dma_start3A_251 = tpu.memref_squeeze %dma_start3A_250 : memref<1x128xi32, #tpu.memory_space<vmem>> -> memref<128xi32, #tpu.memory_space<vmem>>
      %dma_start3A_252 = arith.constant 0 : i32
      %dma_start3A_253 = arith.constant 0 : i32
      %dma_start3A_254 = tpu.memref_slice %arg18[%dma_start3A_252, %dma_start3A_253] : memref<10112x32xf32, #tpu.memory_space<vmem_shared>> -> memref<10112x32xf32, #tpu.memory_space<vmem_shared>>
      tpu.enqueue_indirect_dma source(%dma_start3A_254 : memref<10112x32xf32, #tpu.memory_space<vmem_shared>>) target(%dma_start3A_248 : memref<128x32xf32, #tpu.memory_space<vmem>>) offsets(%dma_start3A_251 : memref<128xi32, #tpu.memory_space<vmem>>) semaphore(%arg9 : memref<!tpu.dma_semaphore, #tpu.memory_space<semaphore_mem>>)
      %mul3A_255 = arith.constant 4 : i32
      %mul3A_256 = arith.muli %mul3A_255, %scan3A_200 : i32
      %add3A_257 = arith.constant 2 : i32
      %add3A_258 = arith.addi %mul3A_256, %add3A_257 : i32
      %add3A_259 = arith.constant 1 : i32
      %add3A_260 = arith.addi %add3A_258, %add3A_259 : i32
      %dma_wait3A_261 = arith.constant 0 : i32
      %dma_wait3A_262 = arith.constant 3 : i32
      %dma_wait3A_263 = arith.constant 0 : i32
      %dma_wait3A_264 = arith.constant 0 : i32
      %dma_wait3A_265 = tpu.memref_slice %arg8[%dma_wait3A_262, %dma_wait3A_263, %dma_wait3A_264] : memref<4x128x32xf32, #tpu.memory_space<vmem>> -> memref<1x128x32xf32, #tpu.memory_space<vmem>>
      %dma_wait3A_266 = tpu.memref_squeeze %dma_wait3A_265 : memref<1x128x32xf32, #tpu.memory_space<vmem>> -> memref<128x32xf32, #tpu.memory_space<vmem>>
      %dma_wait3A_267 = arith.constant 0 : i32
      %dma_wait3A_268 = tpu.memref_slice %arg6[%dma_wait3A_261, %dma_wait3A_267] : memref<160x128xi32, #tpu.memory_space<vmem>> -> memref<1x128xi32, #tpu.memory_space<vmem>>
      %dma_wait3A_269 = tpu.memref_squeeze %dma_wait3A_268 : memref<1x128xi32, #tpu.memory_space<vmem>> -> memref<128xi32, #tpu.memory_space<vmem>>
      %dma_wait3A_270 = arith.constant 0 : i32
      %dma_wait3A_271 = arith.constant 0 : i32
      %dma_wait3A_272 = tpu.memref_slice %arg18[%dma_wait3A_270, %dma_wait3A_271] : memref<10112x32xf32, #tpu.memory_space<vmem_shared>> -> memref<10112x32xf32, #tpu.memory_space<vmem_shared>>
      tpu.wait_indirect_dma semaphore(%arg12 : memref<!tpu.dma_semaphore, #tpu.memory_space<semaphore_mem>>) src(%dma_wait3A_272 : memref<10112x32xf32, #tpu.memory_space<vmem_shared>>) dst(%dma_wait3A_266 : memref<128x32xf32, #tpu.memory_space<vmem>>)
      %dma_start3A_273 = arith.constant 3 : i32
      %dma_start3A_274 = arith.constant 0 : i32
      %dma_start3A_275 = arith.constant 0 : i32
      %dma_start3A_276 = tpu.memref_slice %arg8[%dma_start3A_273, %dma_start3A_274, %dma_start3A_275] : memref<4x128x32xf32, #tpu.memory_space<vmem>> -> memref<1x128x32xf32, #tpu.memory_space<vmem>>
      %dma_start3A_277 = tpu.memref_squeeze %dma_start3A_276 : memref<1x128x32xf32, #tpu.memory_space<vmem>> -> memref<128x32xf32, #tpu.memory_space<vmem>>
      %dma_start3A_278 = arith.constant 0 : i32
      %dma_start3A_279 = tpu.memref_slice %arg7[%add3A_260, %dma_start3A_278] : memref<160x128xi32, #tpu.memory_space<vmem>> -> memref<1x128xi32, #tpu.memory_space<vmem>>
      %dma_start3A_280 = tpu.memref_squeeze %dma_start3A_279 : memref<1x128xi32, #tpu.memory_space<vmem>> -> memref<128xi32, #tpu.memory_space<vmem>>
      %dma_start3A_281 = arith.constant 0 : i32
      %dma_start3A_282 = arith.constant 0 : i32
      %dma_start3A_283 = tpu.memref_slice %arg17[%dma_start3A_281, %dma_start3A_282] : memref<10112x32xf32, #tpu.memory_space<vmem_shared>> -> memref<10112x32xf32, #tpu.memory_space<vmem_shared>>
      tpu.enqueue_indirect_dma source(%dma_start3A_277 : memref<128x32xf32, #tpu.memory_space<vmem>>) target(%dma_start3A_283 : memref<10112x32xf32, #tpu.memory_space<vmem_shared>>) offsets(%dma_start3A_280 : memref<128xi32, #tpu.memory_space<vmem>>) semaphore(%arg16 : memref<!tpu.dma_semaphore, #tpu.memory_space<semaphore_mem>>) {add = true}
      %dma_wait3A_284 = arith.constant 1 : i32
      %dma_wait3A_285 = arith.constant 0 : i32
      %dma_wait3A_286 = arith.constant 0 : i32
      %dma_wait3A_287 = arith.constant 0 : i32
      %dma_wait3A_288 = tpu.memref_slice %arg8[%dma_wait3A_284, %dma_wait3A_286, %dma_wait3A_287] : memref<4x128x32xf32, #tpu.memory_space<vmem>> -> memref<1x128x32xf32, #tpu.memory_space<vmem>>
      %dma_wait3A_289 = tpu.memref_squeeze %dma_wait3A_288 : memref<1x128x32xf32, #tpu.memory_space<vmem>> -> memref<128x32xf32, #tpu.memory_space<vmem>>
      %dma_wait3A_290 = arith.constant 0 : i32
      %dma_wait3A_291 = tpu.memref_slice %arg7[%dma_wait3A_285, %dma_wait3A_290] : memref<160x128xi32, #tpu.memory_space<vmem>> -> memref<1x128xi32, #tpu.memory_space<vmem>>
      %dma_wait3A_292 = tpu.memref_squeeze %dma_wait3A_291 : memref<1x128xi32, #tpu.memory_space<vmem>> -> memref<128xi32, #tpu.memory_space<vmem>>
      %dma_wait3A_293 = arith.constant 0 : i32
      %dma_wait3A_294 = arith.constant 0 : i32
      %dma_wait3A_295 = tpu.memref_slice %arg17[%dma_wait3A_293, %dma_wait3A_294] : memref<10112x32xf32, #tpu.memory_space<vmem_shared>> -> memref<10112x32xf32, #tpu.memory_space<vmem_shared>>
      tpu.wait_indirect_dma semaphore(%arg14 : memref<!tpu.dma_semaphore, #tpu.memory_space<semaphore_mem>>) src(%dma_wait3A_289 : memref<128x32xf32, #tpu.memory_space<vmem>>) dst(%dma_wait3A_295 : memref<10112x32xf32, #tpu.memory_space<vmem_shared>>)
      %add3A_296 = arith.constant 2 : i32
      %add3A_297 = arith.addi %add3A_260, %add3A_296 : i32
      %dma_start3A_298 = arith.constant 1 : i32
      %dma_start3A_299 = arith.constant 0 : i32
      %dma_start3A_300 = arith.constant 0 : i32
      %dma_start3A_301 = tpu.memref_slice %arg8[%dma_start3A_298, %dma_start3A_299, %dma_start3A_300] : memref<4x128x32xf32, #tpu.memory_space<vmem>> -> memref<1x128x32xf32, #tpu.memory_space<vmem>>
      %dma_start3A_302 = tpu.memref_squeeze %dma_start3A_301 : memref<1x128x32xf32, #tpu.memory_space<vmem>> -> memref<128x32xf32, #tpu.memory_space<vmem>>
      %dma_start3A_303 = arith.constant 0 : i32
      %dma_start3A_304 = tpu.memref_slice %arg6[%add3A_297, %dma_start3A_303] : memref<160x128xi32, #tpu.memory_space<vmem>> -> memref<1x128xi32, #tpu.memory_space<vmem>>
      %dma_start3A_305 = tpu.memref_squeeze %dma_start3A_304 : memref<1x128xi32, #tpu.memory_space<vmem>> -> memref<128xi32, #tpu.memory_space<vmem>>
      %dma_start3A_306 = arith.constant 0 : i32
      %dma_start3A_307 = arith.constant 0 : i32
      %dma_start3A_308 = tpu.memref_slice %arg18[%dma_start3A_306, %dma_start3A_307] : memref<10112x32xf32, #tpu.memory_space<vmem_shared>> -> memref<10112x32xf32, #tpu.memory_space<vmem_shared>>
      tpu.enqueue_indirect_dma source(%dma_start3A_308 : memref<10112x32xf32, #tpu.memory_space<vmem_shared>>) target(%dma_start3A_302 : memref<128x32xf32, #tpu.memory_space<vmem>>) offsets(%dma_start3A_305 : memref<128xi32, #tpu.memory_space<vmem>>) semaphore(%arg10 : memref<!tpu.dma_semaphore, #tpu.memory_space<semaphore_mem>>)
      %mul3A_309 = arith.constant 4 : i32
      %mul3A_310 = arith.muli %mul3A_309, %scan3A_200 : i32
      %add3A_311 = arith.constant 2 : i32
      %add3A_312 = arith.addi %mul3A_310, %add3A_311 : i32
      %add3A_313 = arith.constant 2 : i32
      %add3A_314 = arith.addi %add3A_312, %add3A_313 : i32
      %dma_wait3A_315 = arith.constant 0 : i32
      %dma_wait3A_316 = arith.constant 0 : i32
      %dma_wait3A_317 = arith.constant 0 : i32
      %dma_wait3A_318 = arith.constant 0 : i32
      %dma_wait3A_319 = tpu.memref_slice %arg8[%dma_wait3A_316, %dma_wait3A_317, %dma_wait3A_318] : memref<4x128x32xf32, #tpu.memory_space<vmem>> -> memref<1x128x32xf32, #tpu.memory_space<vmem>>
      %dma_wait3A_320 = tpu.memref_squeeze %dma_wait3A_319 : memref<1x128x32xf32, #tpu.memory_space<vmem>> -> memref<128x32xf32, #tpu.memory_space<vmem>>
      %dma_wait3A_321 = arith.constant 0 : i32
      %dma_wait3A_322 = tpu.memref_slice %arg6[%dma_wait3A_315, %dma_wait3A_321] : memref<160x128xi32, #tpu.memory_space<vmem>> -> memref<1x128xi32, #tpu.memory_space<vmem>>
      %dma_wait3A_323 = tpu.memref_squeeze %dma_wait3A_322 : memref<1x128xi32, #tpu.memory_space<vmem>> -> memref<128xi32, #tpu.memory_space<vmem>>
      %dma_wait3A_324 = arith.constant 0 : i32
      %dma_wait3A_325 = arith.constant 0 : i32
      %dma_wait3A_326 = tpu.memref_slice %arg18[%dma_wait3A_324, %dma_wait3A_325] : memref<10112x32xf32, #tpu.memory_space<vmem_shared>> -> memref<10112x32xf32, #tpu.memory_space<vmem_shared>>
      tpu.wait_indirect_dma semaphore(%arg9 : memref<!tpu.dma_semaphore, #tpu.memory_space<semaphore_mem>>) src(%dma_wait3A_326 : memref<10112x32xf32, #tpu.memory_space<vmem_shared>>) dst(%dma_wait3A_320 : memref<128x32xf32, #tpu.memory_space<vmem>>)
      %dma_start3A_327 = arith.constant 0 : i32
      %dma_start3A_328 = arith.constant 0 : i32
      %dma_start3A_329 = arith.constant 0 : i32
      %dma_start3A_330 = tpu.memref_slice %arg8[%dma_start3A_327, %dma_start3A_328, %dma_start3A_329] : memref<4x128x32xf32, #tpu.memory_space<vmem>> -> memref<1x128x32xf32, #tpu.memory_space<vmem>>
      %dma_start3A_331 = tpu.memref_squeeze %dma_start3A_330 : memref<1x128x32xf32, #tpu.memory_space<vmem>> -> memref<128x32xf32, #tpu.memory_space<vmem>>
      %dma_start3A_332 = arith.constant 0 : i32
      %dma_start3A_333 = tpu.memref_slice %arg7[%add3A_314, %dma_start3A_332] : memref<160x128xi32, #tpu.memory_space<vmem>> -> memref<1x128xi32, #tpu.memory_space<vmem>>
      %dma_start3A_334 = tpu.memref_squeeze %dma_start3A_333 : memref<1x128xi32, #tpu.memory_space<vmem>> -> memref<128xi32, #tpu.memory_space<vmem>>
      %dma_start3A_335 = arith.constant 0 : i32
      %dma_start3A_336 = arith.constant 0 : i32
      %dma_start3A_337 = tpu.memref_slice %arg17[%dma_start3A_335, %dma_start3A_336] : memref<10112x32xf32, #tpu.memory_space<vmem_shared>> -> memref<10112x32xf32, #tpu.memory_space<vmem_shared>>
      tpu.enqueue_indirect_dma source(%dma_start3A_331 : memref<128x32xf32, #tpu.memory_space<vmem>>) target(%dma_start3A_337 : memref<10112x32xf32, #tpu.memory_space<vmem_shared>>) offsets(%dma_start3A_334 : memref<128xi32, #tpu.memory_space<vmem>>) semaphore(%arg13 : memref<!tpu.dma_semaphore, #tpu.memory_space<semaphore_mem>>) {add = true}
      %dma_wait3A_338 = arith.constant 2 : i32
      %dma_wait3A_339 = arith.constant 0 : i32
      %dma_wait3A_340 = arith.constant 0 : i32
      %dma_wait3A_341 = arith.constant 0 : i32
      %dma_wait3A_342 = tpu.memref_slice %arg8[%dma_wait3A_338, %dma_wait3A_340, %dma_wait3A_341] : memref<4x128x32xf32, #tpu.memory_space<vmem>> -> memref<1x128x32xf32, #tpu.memory_space<vmem>>
      %dma_wait3A_343 = tpu.memref_squeeze %dma_wait3A_342 : memref<1x128x32xf32, #tpu.memory_space<vmem>> -> memref<128x32xf32, #tpu.memory_space<vmem>>
      %dma_wait3A_344 = arith.constant 0 : i32
      %dma_wait3A_345 = tpu.memref_slice %arg7[%dma_wait3A_339, %dma_wait3A_344] : memref<160x128xi32, #tpu.memory_space<vmem>> -> memref<1x128xi32, #tpu.memory_space<vmem>>
      %dma_wait3A_346 = tpu.memref_squeeze %dma_wait3A_345 : memref<1x128xi32, #tpu.memory_space<vmem>> -> memref<128xi32, #tpu.memory_space<vmem>>
      %dma_wait3A_347 = arith.constant 0 : i32
      %dma_wait3A_348 = arith.constant 0 : i32
      %dma_wait3A_349 = tpu.memref_slice %arg17[%dma_wait3A_347, %dma_wait3A_348] : memref<10112x32xf32, #tpu.memory_space<vmem_shared>> -> memref<10112x32xf32, #tpu.memory_space<vmem_shared>>
      tpu.wait_indirect_dma semaphore(%arg15 : memref<!tpu.dma_semaphore, #tpu.memory_space<semaphore_mem>>) src(%dma_wait3A_343 : memref<128x32xf32, #tpu.memory_space<vmem>>) dst(%dma_wait3A_349 : memref<10112x32xf32, #tpu.memory_space<vmem_shared>>)
      %add3A_350 = arith.constant 2 : i32
      %add3A_351 = arith.addi %add3A_314, %add3A_350 : i32
      %dma_start3A_352 = arith.constant 2 : i32
      %dma_start3A_353 = arith.constant 0 : i32
      %dma_start3A_354 = arith.constant 0 : i32
      %dma_start3A_355 = tpu.memref_slice %arg8[%dma_start3A_352, %dma_start3A_353, %dma_start3A_354] : memref<4x128x32xf32, #tpu.memory_space<vmem>> -> memref<1x128x32xf32, #tpu.memory_space<vmem>>
      %dma_start3A_356 = tpu.memref_squeeze %dma_start3A_355 : memref<1x128x32xf32, #tpu.memory_space<vmem>> -> memref<128x32xf32, #tpu.memory_space<vmem>>
      %dma_start3A_357 = arith.constant 0 : i32
      %dma_start3A_358 = tpu.memref_slice %arg6[%add3A_351, %dma_start3A_357] : memref<160x128xi32, #tpu.memory_space<vmem>> -> memref<1x128xi32, #tpu.memory_space<vmem>>
      %dma_start3A_359 = tpu.memref_squeeze %dma_start3A_358 : memref<1x128xi32, #tpu.memory_space<vmem>> -> memref<128xi32, #tpu.memory_space<vmem>>
      %dma_start3A_360 = arith.constant 0 : i32
      %dma_start3A_361 = arith.constant 0 : i32
      %dma_start3A_362 = tpu.memref_slice %arg18[%dma_start3A_360, %dma_start3A_361] : memref<10112x32xf32, #tpu.memory_space<vmem_shared>> -> memref<10112x32xf32, #tpu.memory_space<vmem_shared>>
      tpu.enqueue_indirect_dma source(%dma_start3A_362 : memref<10112x32xf32, #tpu.memory_space<vmem_shared>>) target(%dma_start3A_356 : memref<128x32xf32, #tpu.memory_space<vmem>>) offsets(%dma_start3A_359 : memref<128xi32, #tpu.memory_space<vmem>>) semaphore(%arg11 : memref<!tpu.dma_semaphore, #tpu.memory_space<semaphore_mem>>)
      %mul3A_363 = arith.constant 4 : i32
      %mul3A_364 = arith.muli %mul3A_363, %scan3A_200 : i32
      %add3A_365 = arith.constant 2 : i32
      %add3A_366 = arith.addi %mul3A_364, %add3A_365 : i32
      %add3A_367 = arith.constant 3 : i32
      %add3A_368 = arith.addi %add3A_366, %add3A_367 : i32
      %dma_wait3A_369 = arith.constant 0 : i32
      %dma_wait3A_370 = arith.constant 1 : i32
      %dma_wait3A_371 = arith.constant 0 : i32
      %dma_wait3A_372 = arith.constant 0 : i32
      %dma_wait3A_373 = tpu.memref_slice %arg8[%dma_wait3A_370, %dma_wait3A_371, %dma_wait3A_372] : memref<4x128x32xf32, #tpu.memory_space<vmem>> -> memref<1x128x32xf32, #tpu.memory_space<vmem>>
      %dma_wait3A_374 = tpu.memref_squeeze %dma_wait3A_373 : memref<1x128x32xf32, #tpu.memory_space<vmem>> -> memref<128x32xf32, #tpu.memory_space<vmem>>
      %dma_wait3A_375 = arith.constant 0 : i32
      %dma_wait3A_376 = tpu.memref_slice %arg6[%dma_wait3A_369, %dma_wait3A_375] : memref<160x128xi32, #tpu.memory_space<vmem>> -> memref<1x128xi32, #tpu.memory_space<vmem>>
      %dma_wait3A_377 = tpu.memref_squeeze %dma_wait3A_376 : memref<1x128xi32, #tpu.memory_space<vmem>> -> memref<128xi32, #tpu.memory_space<vmem>>
      %dma_wait3A_378 = arith.constant 0 : i32
      %dma_wait3A_379 = arith.constant 0 : i32
      %dma_wait3A_380 = tpu.memref_slice %arg18[%dma_wait3A_378, %dma_wait3A_379] : memref<10112x32xf32, #tpu.memory_space<vmem_shared>> -> memref<10112x32xf32, #tpu.memory_space<vmem_shared>>
      tpu.wait_indirect_dma semaphore(%arg10 : memref<!tpu.dma_semaphore, #tpu.memory_space<semaphore_mem>>) src(%dma_wait3A_380 : memref<10112x32xf32, #tpu.memory_space<vmem_shared>>) dst(%dma_wait3A_374 : memref<128x32xf32, #tpu.memory_space<vmem>>)
      %dma_start3A_381 = arith.constant 1 : i32
      %dma_start3A_382 = arith.constant 0 : i32
      %dma_start3A_383 = arith.constant 0 : i32
      %dma_start3A_384 = tpu.memref_slice %arg8[%dma_start3A_381, %dma_start3A_382, %dma_start3A_383] : memref<4x128x32xf32, #tpu.memory_space<vmem>> -> memref<1x128x32xf32, #tpu.memory_space<vmem>>
      %dma_start3A_385 = tpu.memref_squeeze %dma_start3A_384 : memref<1x128x32xf32, #tpu.memory_space<vmem>> -> memref<128x32xf32, #tpu.memory_space<vmem>>
      %dma_start3A_386 = arith.constant 0 : i32
      %dma_start3A_387 = tpu.memref_slice %arg7[%add3A_368, %dma_start3A_386] : memref<160x128xi32, #tpu.memory_space<vmem>> -> memref<1x128xi32, #tpu.memory_space<vmem>>
      %dma_start3A_388 = tpu.memref_squeeze %dma_start3A_387 : memref<1x128xi32, #tpu.memory_space<vmem>> -> memref<128xi32, #tpu.memory_space<vmem>>
      %dma_start3A_389 = arith.constant 0 : i32
      %dma_start3A_390 = arith.constant 0 : i32
      %dma_start3A_391 = tpu.memref_slice %arg17[%dma_start3A_389, %dma_start3A_390] : memref<10112x32xf32, #tpu.memory_space<vmem_shared>> -> memref<10112x32xf32, #tpu.memory_space<vmem_shared>>
      tpu.enqueue_indirect_dma source(%dma_start3A_385 : memref<128x32xf32, #tpu.memory_space<vmem>>) target(%dma_start3A_391 : memref<10112x32xf32, #tpu.memory_space<vmem_shared>>) offsets(%dma_start3A_388 : memref<128xi32, #tpu.memory_space<vmem>>) semaphore(%arg14 : memref<!tpu.dma_semaphore, #tpu.memory_space<semaphore_mem>>) {add = true}
      %dma_wait3A_392 = arith.constant 3 : i32
      %dma_wait3A_393 = arith.constant 0 : i32
      %dma_wait3A_394 = arith.constant 0 : i32
      %dma_wait3A_395 = arith.constant 0 : i32
      %dma_wait3A_396 = tpu.memref_slice %arg8[%dma_wait3A_392, %dma_wait3A_394, %dma_wait3A_395] : memref<4x128x32xf32, #tpu.memory_space<vmem>> -> memref<1x128x32xf32, #tpu.memory_space<vmem>>
      %dma_wait3A_397 = tpu.memref_squeeze %dma_wait3A_396 : memref<1x128x32xf32, #tpu.memory_space<vmem>> -> memref<128x32xf32, #tpu.memory_space<vmem>>
      %dma_wait3A_398 = arith.constant 0 : i32
      %dma_wait3A_399 = tpu.memref_slice %arg7[%dma_wait3A_393, %dma_wait3A_398] : memref<160x128xi32, #tpu.memory_space<vmem>> -> memref<1x128xi32, #tpu.memory_space<vmem>>
      %dma_wait3A_400 = tpu.memref_squeeze %dma_wait3A_399 : memref<1x128xi32, #tpu.memory_space<vmem>> -> memref<128xi32, #tpu.memory_space<vmem>>
      %dma_wait3A_401 = arith.constant 0 : i32
      %dma_wait3A_402 = arith.constant 0 : i32
      %dma_wait3A_403 = tpu.memref_slice %arg17[%dma_wait3A_401, %dma_wait3A_402] : memref<10112x32xf32, #tpu.memory_space<vmem_shared>> -> memref<10112x32xf32, #tpu.memory_space<vmem_shared>>
      tpu.wait_indirect_dma semaphore(%arg16 : memref<!tpu.dma_semaphore, #tpu.memory_space<semaphore_mem>>) src(%dma_wait3A_397 : memref<128x32xf32, #tpu.memory_space<vmem>>) dst(%dma_wait3A_403 : memref<10112x32xf32, #tpu.memory_space<vmem_shared>>)
      %add3A_404 = arith.constant 2 : i32
      %add3A_405 = arith.addi %add3A_368, %add3A_404 : i32
      %dma_start3A_406 = arith.constant 3 : i32
      %dma_start3A_407 = arith.constant 0 : i32
      %dma_start3A_408 = arith.constant 0 : i32
      %dma_start3A_409 = tpu.memref_slice %arg8[%dma_start3A_406, %dma_start3A_407, %dma_start3A_408] : memref<4x128x32xf32, #tpu.memory_space<vmem>> -> memref<1x128x32xf32, #tpu.memory_space<vmem>>
      %dma_start3A_410 = tpu.memref_squeeze %dma_start3A_409 : memref<1x128x32xf32, #tpu.memory_space<vmem>> -> memref<128x32xf32, #tpu.memory_space<vmem>>
      %dma_start3A_411 = arith.constant 0 : i32
      %dma_start3A_412 = tpu.memref_slice %arg6[%add3A_405, %dma_start3A_411] : memref<160x128xi32, #tpu.memory_space<vmem>> -> memref<1x128xi32, #tpu.memory_space<vmem>>
      %dma_start3A_413 = tpu.memref_squeeze %dma_start3A_412 : memref<1x128xi32, #tpu.memory_space<vmem>> -> memref<128xi32, #tpu.memory_space<vmem>>
      %dma_start3A_414 = arith.constant 0 : i32
      %dma_start3A_415 = arith.constant 0 : i32
      %dma_start3A_416 = tpu.memref_slice %arg18[%dma_start3A_414, %dma_start3A_415] : memref<10112x32xf32, #tpu.memory_space<vmem_shared>> -> memref<10112x32xf32, #tpu.memory_space<vmem_shared>>
      tpu.enqueue_indirect_dma source(%dma_start3A_416 : memref<10112x32xf32, #tpu.memory_space<vmem_shared>>) target(%dma_start3A_410 : memref<128x32xf32, #tpu.memory_space<vmem>>) offsets(%dma_start3A_413 : memref<128xi32, #tpu.memory_space<vmem>>) semaphore(%arg12 : memref<!tpu.dma_semaphore, #tpu.memory_space<semaphore_mem>>)
      %scan3A_417 = arith.constant 0 : i32
      scf.yield %scan3A_417 : i32
    }
    %scan3A_102 = arith.constant 39 : i32
    %dma_wait3A_103 = arith.constant 0 : i32
    %dma_wait3A_104 = arith.constant 2 : i32
    %dma_wait3A_105 = arith.constant 0 : i32
    %dma_wait3A_106 = arith.constant 0 : i32
    %dma_wait3A_107 = tpu.memref_slice %arg8[%dma_wait3A_104, %dma_wait3A_105, %dma_wait3A_106] : memref<4x128x32xf32, #tpu.memory_space<vmem>> -> memref<1x128x32xf32, #tpu.memory_space<vmem>>
    %dma_wait3A_108 = tpu.memref_squeeze %dma_wait3A_107 : memref<1x128x32xf32, #tpu.memory_space<vmem>> -> memref<128x32xf32, #tpu.memory_space<vmem>>
    %dma_wait3A_109 = arith.constant 0 : i32
    %dma_wait3A_110 = tpu.memref_slice %arg6[%dma_wait3A_103, %dma_wait3A_109] : memref<160x128xi32, #tpu.memory_space<vmem>> -> memref<1x128xi32, #tpu.memory_space<vmem>>
    %dma_wait3A_111 = tpu.memref_squeeze %dma_wait3A_110 : memref<1x128xi32, #tpu.memory_space<vmem>> -> memref<128xi32, #tpu.memory_space<vmem>>
    %dma_wait3A_112 = arith.constant 0 : i32
    %dma_wait3A_113 = arith.constant 0 : i32
    %dma_wait3A_114 = tpu.memref_slice %arg18[%dma_wait3A_112, %dma_wait3A_113] : memref<10112x32xf32, #tpu.memory_space<vmem_shared>> -> memref<10112x32xf32, #tpu.memory_space<vmem_shared>>
    tpu.wait_indirect_dma semaphore(%arg11 : memref<!tpu.dma_semaphore, #tpu.memory_space<semaphore_mem>>) src(%dma_wait3A_114 : memref<10112x32xf32, #tpu.memory_space<vmem_shared>>) dst(%dma_wait3A_108 : memref<128x32xf32, #tpu.memory_space<vmem>>)
    %dma_start3A_115 = arith.constant 2 : i32
    %dma_start3A_116 = arith.constant 158 : i32
    %dma_start3A_117 = arith.constant 0 : i32
    %dma_start3A_118 = arith.constant 0 : i32
    %dma_start3A_119 = tpu.memref_slice %arg8[%dma_start3A_115, %dma_start3A_117, %dma_start3A_118] : memref<4x128x32xf32, #tpu.memory_space<vmem>> -> memref<1x128x32xf32, #tpu.memory_space<vmem>>
    %dma_start3A_120 = tpu.memref_squeeze %dma_start3A_119 : memref<1x128x32xf32, #tpu.memory_space<vmem>> -> memref<128x32xf32, #tpu.memory_space<vmem>>
    %dma_start3A_121 = arith.constant 0 : i32
    %dma_start3A_122 = tpu.memref_slice %arg7[%dma_start3A_116, %dma_start3A_121] : memref<160x128xi32, #tpu.memory_space<vmem>> -> memref<1x128xi32, #tpu.memory_space<vmem>>
    %dma_start3A_123 = tpu.memref_squeeze %dma_start3A_122 : memref<1x128xi32, #tpu.memory_space<vmem>> -> memref<128xi32, #tpu.memory_space<vmem>>
    %dma_start3A_124 = arith.constant 0 : i32
    %dma_start3A_125 = arith.constant 0 : i32
    %dma_start3A_126 = tpu.memref_slice %arg17[%dma_start3A_124, %dma_start3A_125] : memref<10112x32xf32, #tpu.memory_space<vmem_shared>> -> memref<10112x32xf32, #tpu.memory_space<vmem_shared>>
    tpu.enqueue_indirect_dma source(%dma_start3A_120 : memref<128x32xf32, #tpu.memory_space<vmem>>) target(%dma_start3A_126 : memref<10112x32xf32, #tpu.memory_space<vmem_shared>>) offsets(%dma_start3A_123 : memref<128xi32, #tpu.memory_space<vmem>>) semaphore(%arg15 : memref<!tpu.dma_semaphore, #tpu.memory_space<semaphore_mem>>) {add = true}
    %dma_wait3A_127 = arith.constant 0 : i32
    %dma_wait3A_128 = arith.constant 0 : i32
    %dma_wait3A_129 = arith.constant 0 : i32
    %dma_wait3A_130 = arith.constant 0 : i32
    %dma_wait3A_131 = tpu.memref_slice %arg8[%dma_wait3A_127, %dma_wait3A_129, %dma_wait3A_130] : memref<4x128x32xf32, #tpu.memory_space<vmem>> -> memref<1x128x32xf32, #tpu.memory_space<vmem>>
    %dma_wait3A_132 = tpu.memref_squeeze %dma_wait3A_131 : memref<1x128x32xf32, #tpu.memory_space<vmem>> -> memref<128x32xf32, #tpu.memory_space<vmem>>
    %dma_wait3A_133 = arith.constant 0 : i32
    %dma_wait3A_134 = tpu.memref_slice %arg7[%dma_wait3A_128, %dma_wait3A_133] : memref<160x128xi32, #tpu.memory_space<vmem>> -> memref<1x128xi32, #tpu.memory_space<vmem>>
    %dma_wait3A_135 = tpu.memref_squeeze %dma_wait3A_134 : memref<1x128xi32, #tpu.memory_space<vmem>> -> memref<128xi32, #tpu.memory_space<vmem>>
    %dma_wait3A_136 = arith.constant 0 : i32
    %dma_wait3A_137 = arith.constant 0 : i32
    %dma_wait3A_138 = tpu.memref_slice %arg17[%dma_wait3A_136, %dma_wait3A_137] : memref<10112x32xf32, #tpu.memory_space<vmem_shared>> -> memref<10112x32xf32, #tpu.memory_space<vmem_shared>>
    tpu.wait_indirect_dma semaphore(%arg13 : memref<!tpu.dma_semaphore, #tpu.memory_space<semaphore_mem>>) src(%dma_wait3A_132 : memref<128x32xf32, #tpu.memory_space<vmem>>) dst(%dma_wait3A_138 : memref<10112x32xf32, #tpu.memory_space<vmem_shared>>)
    %dma_wait3A_139 = arith.constant 0 : i32
    %dma_wait3A_140 = arith.constant 3 : i32
    %dma_wait3A_141 = arith.constant 0 : i32
    %dma_wait3A_142 = arith.constant 0 : i32
    %dma_wait3A_143 = tpu.memref_slice %arg8[%dma_wait3A_140, %dma_wait3A_141, %dma_wait3A_142] : memref<4x128x32xf32, #tpu.memory_space<vmem>> -> memref<1x128x32xf32, #tpu.memory_space<vmem>>
    %dma_wait3A_144 = tpu.memref_squeeze %dma_wait3A_143 : memref<1x128x32xf32, #tpu.memory_space<vmem>> -> memref<128x32xf32, #tpu.memory_space<vmem>>
    %dma_wait3A_145 = arith.constant 0 : i32
    %dma_wait3A_146 = tpu.memref_slice %arg6[%dma_wait3A_139, %dma_wait3A_145] : memref<160x128xi32, #tpu.memory_space<vmem>> -> memref<1x128xi32, #tpu.memory_space<vmem>>
    %dma_wait3A_147 = tpu.memref_squeeze %dma_wait3A_146 : memref<1x128xi32, #tpu.memory_space<vmem>> -> memref<128xi32, #tpu.memory_space<vmem>>
    %dma_wait3A_148 = arith.constant 0 : i32
    %dma_wait3A_149 = arith.constant 0 : i32
    %dma_wait3A_150 = tpu.memref_slice %arg18[%dma_wait3A_148, %dma_wait3A_149] : memref<10112x32xf32, #tpu.memory_space<vmem_shared>> -> memref<10112x32xf32, #tpu.memory_space<vmem_shared>>
    tpu.wait_indirect_dma semaphore(%arg12 : memref<!tpu.dma_semaphore, #tpu.memory_space<semaphore_mem>>) src(%dma_wait3A_150 : memref<10112x32xf32, #tpu.memory_space<vmem_shared>>) dst(%dma_wait3A_144 : memref<128x32xf32, #tpu.memory_space<vmem>>)
    %dma_start3A_151 = arith.constant 3 : i32
    %dma_start3A_152 = arith.constant 159 : i32
    %dma_start3A_153 = arith.constant 0 : i32
    %dma_start3A_154 = arith.constant 0 : i32
    %dma_start3A_155 = tpu.memref_slice %arg8[%dma_start3A_151, %dma_start3A_153, %dma_start3A_154] : memref<4x128x32xf32, #tpu.memory_space<vmem>> -> memref<1x128x32xf32, #tpu.memory_space<vmem>>
    %dma_start3A_156 = tpu.memref_squeeze %dma_start3A_155 : memref<1x128x32xf32, #tpu.memory_space<vmem>> -> memref<128x32xf32, #tpu.memory_space<vmem>>
    %dma_start3A_157 = arith.constant 0 : i32
    %dma_start3A_158 = tpu.memref_slice %arg7[%dma_start3A_152, %dma_start3A_157] : memref<160x128xi32, #tpu.memory_space<vmem>> -> memref<1x128xi32, #tpu.memory_space<vmem>>
    %dma_start3A_159 = tpu.memref_squeeze %dma_start3A_158 : memref<1x128xi32, #tpu.memory_space<vmem>> -> memref<128xi32, #tpu.memory_space<vmem>>
    %dma_start3A_160 = arith.constant 0 : i32
    %dma_start3A_161 = arith.constant 0 : i32
    %dma_start3A_162 = tpu.memref_slice %arg17[%dma_start3A_160, %dma_start3A_161] : memref<10112x32xf32, #tpu.memory_space<vmem_shared>> -> memref<10112x32xf32, #tpu.memory_space<vmem_shared>>
    tpu.enqueue_indirect_dma source(%dma_start3A_156 : memref<128x32xf32, #tpu.memory_space<vmem>>) target(%dma_start3A_162 : memref<10112x32xf32, #tpu.memory_space<vmem_shared>>) offsets(%dma_start3A_159 : memref<128xi32, #tpu.memory_space<vmem>>) semaphore(%arg16 : memref<!tpu.dma_semaphore, #tpu.memory_space<semaphore_mem>>) {add = true}
    %dma_wait3A_163 = arith.constant 1 : i32
    %dma_wait3A_164 = arith.constant 0 : i32
    %dma_wait3A_165 = arith.constant 0 : i32
    %dma_wait3A_166 = arith.constant 0 : i32
    %dma_wait3A_167 = tpu.memref_slice %arg8[%dma_wait3A_163, %dma_wait3A_165, %dma_wait3A_166] : memref<4x128x32xf32, #tpu.memory_space<vmem>> -> memref<1x128x32xf32, #tpu.memory_space<vmem>>
    %dma_wait3A_168 = tpu.memref_squeeze %dma_wait3A_167 : memref<1x128x32xf32, #tpu.memory_space<vmem>> -> memref<128x32xf32, #tpu.memory_space<vmem>>
    %dma_wait3A_169 = arith.constant 0 : i32
    %dma_wait3A_170 = tpu.memref_slice %arg7[%dma_wait3A_164, %dma_wait3A_169] : memref<160x128xi32, #tpu.memory_space<vmem>> -> memref<1x128xi32, #tpu.memory_space<vmem>>
    %dma_wait3A_171 = tpu.memref_squeeze %dma_wait3A_170 : memref<1x128xi32, #tpu.memory_space<vmem>> -> memref<128xi32, #tpu.memory_space<vmem>>
    %dma_wait3A_172 = arith.constant 0 : i32
    %dma_wait3A_173 = arith.constant 0 : i32
    %dma_wait3A_174 = tpu.memref_slice %arg17[%dma_wait3A_172, %dma_wait3A_173] : memref<10112x32xf32, #tpu.memory_space<vmem_shared>> -> memref<10112x32xf32, #tpu.memory_space<vmem_shared>>
    tpu.wait_indirect_dma semaphore(%arg14 : memref<!tpu.dma_semaphore, #tpu.memory_space<semaphore_mem>>) src(%dma_wait3A_168 : memref<128x32xf32, #tpu.memory_space<vmem>>) dst(%dma_wait3A_174 : memref<10112x32xf32, #tpu.memory_space<vmem_shared>>)
    %dma_wait3A_175 = arith.constant 2 : i32
    %dma_wait3A_176 = arith.constant 0 : i32
    %dma_wait3A_177 = arith.constant 0 : i32
    %dma_wait3A_178 = arith.constant 0 : i32
    %dma_wait3A_179 = tpu.memref_slice %arg8[%dma_wait3A_175, %dma_wait3A_177, %dma_wait3A_178] : memref<4x128x32xf32, #tpu.memory_space<vmem>> -> memref<1x128x32xf32, #tpu.memory_space<vmem>>
    %dma_wait3A_180 = tpu.memref_squeeze %dma_wait3A_179 : memref<1x128x32xf32, #tpu.memory_space<vmem>> -> memref<128x32xf32, #tpu.memory_space<vmem>>
    %dma_wait3A_181 = arith.constant 0 : i32
    %dma_wait3A_182 = tpu.memref_slice %arg7[%dma_wait3A_176, %dma_wait3A_181] : memref<160x128xi32, #tpu.memory_space<vmem>> -> memref<1x128xi32, #tpu.memory_space<vmem>>
    %dma_wait3A_183 = tpu.memref_squeeze %dma_wait3A_182 : memref<1x128xi32, #tpu.memory_space<vmem>> -> memref<128xi32, #tpu.memory_space<vmem>>
    %dma_wait3A_184 = arith.constant 0 : i32
    %dma_wait3A_185 = arith.constant 0 : i32
    %dma_wait3A_186 = tpu.memref_slice %arg17[%dma_wait3A_184, %dma_wait3A_185] : memref<10112x32xf32, #tpu.memory_space<vmem_shared>> -> memref<10112x32xf32, #tpu.memory_space<vmem_shared>>
    tpu.wait_indirect_dma semaphore(%arg15 : memref<!tpu.dma_semaphore, #tpu.memory_space<semaphore_mem>>) src(%dma_wait3A_180 : memref<128x32xf32, #tpu.memory_space<vmem>>) dst(%dma_wait3A_186 : memref<10112x32xf32, #tpu.memory_space<vmem_shared>>)
    %dma_wait3A_187 = arith.constant 3 : i32
    %dma_wait3A_188 = arith.constant 0 : i32
    %dma_wait3A_189 = arith.constant 0 : i32
    %dma_wait3A_190 = arith.constant 0 : i32
    %dma_wait3A_191 = tpu.memref_slice %arg8[%dma_wait3A_187, %dma_wait3A_189, %dma_wait3A_190] : memref<4x128x32xf32, #tpu.memory_space<vmem>> -> memref<1x128x32xf32, #tpu.memory_space<vmem>>
    %dma_wait3A_192 = tpu.memref_squeeze %dma_wait3A_191 : memref<1x128x32xf32, #tpu.memory_space<vmem>> -> memref<128x32xf32, #tpu.memory_space<vmem>>
    %dma_wait3A_193 = arith.constant 0 : i32
    %dma_wait3A_194 = tpu.memref_slice %arg7[%dma_wait3A_188, %dma_wait3A_193] : memref<160x128xi32, #tpu.memory_space<vmem>> -> memref<1x128xi32, #tpu.memory_space<vmem>>
    %dma_wait3A_195 = tpu.memref_squeeze %dma_wait3A_194 : memref<1x128xi32, #tpu.memory_space<vmem>> -> memref<128xi32, #tpu.memory_space<vmem>>
    %dma_wait3A_196 = arith.constant 0 : i32
    %dma_wait3A_197 = arith.constant 0 : i32
    %dma_wait3A_198 = tpu.memref_slice %arg17[%dma_wait3A_196, %dma_wait3A_197] : memref<10112x32xf32, #tpu.memory_space<vmem_shared>> -> memref<10112x32xf32, #tpu.memory_space<vmem_shared>>
    tpu.wait_indirect_dma semaphore(%arg16 : memref<!tpu.dma_semaphore, #tpu.memory_space<semaphore_mem>>) src(%dma_wait3A_192 : memref<128x32xf32, #tpu.memory_space<vmem>>) dst(%dma_wait3A_198 : memref<10112x32xf32, #tpu.memory_space<vmem_shared>>)
    %barrier3A_199 = arith.constant 0 : index
    tpu.barrier barrier_id(%barrier3A_199)
    "tpu.region"() ({
      %run_scoped3A = tpu.sem_alloc : memref<!tpu.dma_semaphore, #tpu.memory_space<semaphore_mem>>
      %dma_start3A_200 = tpu.memref_slice %arg5[%mul3A_0, %mul3A_2] : memref<10112x128xf32, #tpu.memory_space<hbm>> -> memref<632x32xf32, #tpu.memory_space<hbm>>
      %dma_start3A_201 = arith.constant 0 : i32
      %dma_start3A_202 = tpu.memref_slice %arg17[%mul3A_0, %dma_start3A_201] : memref<10112x32xf32, #tpu.memory_space<vmem_shared>> -> memref<632x32xf32, #tpu.memory_space<vmem_shared>>
      tpu.enqueue_dma source(%dma_start3A_202 : memref<632x32xf32, #tpu.memory_space<vmem_shared>>) target(%dma_start3A_200 : memref<632x32xf32, #tpu.memory_space<hbm>>) target_semaphore(%run_scoped3A : memref<!tpu.dma_semaphore, #tpu.memory_space<semaphore_mem>>)
      %dma_wait3A_203 = tpu.memref_slice %arg5[%mul3A_0, %mul3A_2] : memref<10112x128xf32, #tpu.memory_space<hbm>> -> memref<632x32xf32, #tpu.memory_space<hbm>>
      %dma_wait3A_204 = arith.constant 0 : i32
      %dma_wait3A_205 = tpu.memref_slice %arg17[%mul3A_0, %dma_wait3A_204] : memref<10112x32xf32, #tpu.memory_space<vmem_shared>> -> memref<632x32xf32, #tpu.memory_space<vmem_shared>>
      tpu.wait_dma2 semaphore(%run_scoped3A : memref<!tpu.dma_semaphore, #tpu.memory_space<semaphore_mem>>) src(%dma_wait3A_205 : memref<632x32xf32, #tpu.memory_space<vmem_shared>>) dst(%dma_wait3A_203 : memref<632x32xf32, #tpu.memory_space<hbm>>)
      tpu.yield
    }) : () -> ()
    return
  }
}

#map = affine_map<(d0, d1) -> (0, 0, 0)>
#map1 = affine_map<(d0, d1) -> (0, 0)>
module attributes {stable_mosaic.version = 14 : i64} {
  func.func @_agg_body(%arg0: i32, %arg1: i32, %arg2: memref<16x160x128xi32, #tpu.memory_space<hbm>>, %arg3: memref<16x160x128xi32, #tpu.memory_space<hbm>>, %arg4: memref<10112x128xf32, #tpu.memory_space<hbm>>, %arg5: memref<10112x128xf32, #tpu.memory_space<hbm>>, %arg6: memref<160x128xi32, #tpu.memory_space<vmem>>, %arg7: memref<160x128xi32, #tpu.memory_space<vmem>>, %arg8: memref<4x128x32xf32, #tpu.memory_space<vmem>>, %arg9: memref<!tpu.dma_semaphore, #tpu.memory_space<semaphore_mem>>, %arg10: memref<!tpu.dma_semaphore, #tpu.memory_space<semaphore_mem>>, %arg11: memref<!tpu.dma_semaphore, #tpu.memory_space<semaphore_mem>>, %arg12: memref<!tpu.dma_semaphore, #tpu.memory_space<semaphore_mem>>, %arg13: memref<!tpu.dma_semaphore, #tpu.memory_space<semaphore_mem>>, %arg14: memref<!tpu.dma_semaphore, #tpu.memory_space<semaphore_mem>>, %arg15: memref<!tpu.dma_semaphore, #tpu.memory_space<semaphore_mem>>, %arg16: memref<!tpu.dma_semaphore, #tpu.memory_space<semaphore_mem>>, %arg17: memref<10112x32xf32, #tpu.memory_space<vmem_shared>>, %arg18: memref<10112x32xf32, #tpu.memory_space<vmem_shared>>) attributes {dimension_semantics = [#tpu.dimension_semantics<core_parallel>, #tpu.dimension_semantics<subcore_parallel>], iteration_bounds = array<i64: 2, 16>, scalar_prefetch = 0 : i64, scratch_operands = 13 : i64, tpu.core_type = #tpu.core_type<sc_vector_subcore>, window_params = [{transform_indices = #map}, {transform_indices = #map}, {transform_indices = #map1}, {transform_indices = #map1}]} {
    %mul3A = arith.constant 632 : i32
    %mul3A_0 = arith.muli %arg1, %mul3A : i32
    %mul3A_1 = arith.constant 32 : i32
    %mul3A_2 = arith.muli %arg0, %mul3A_1 : i32
    "tpu.region"() ({
      %run_scoped3A = tpu.sem_alloc : memref<!tpu.dma_semaphore, #tpu.memory_space<semaphore_mem>>
      %dma_start3A_200 = arith.constant 0 : i32
      %dma_start3A_201 = tpu.memref_slice %arg18[%mul3A_0, %dma_start3A_200] : memref<10112x32xf32, #tpu.memory_space<vmem_shared>> -> memref<632x32xf32, #tpu.memory_space<vmem_shared>>
      %dma_start3A_202 = tpu.memref_slice %arg4[%mul3A_0, %mul3A_2] : memref<10112x128xf32, #tpu.memory_space<hbm>> -> memref<632x32xf32, #tpu.memory_space<hbm>>
      tpu.enqueue_dma source(%dma_start3A_202 : memref<632x32xf32, #tpu.memory_space<hbm>>) target(%dma_start3A_201 : memref<632x32xf32, #tpu.memory_space<vmem_shared>>) target_semaphore(%run_scoped3A : memref<!tpu.dma_semaphore, #tpu.memory_space<semaphore_mem>>)
      %dma_wait3A_203 = arith.constant 0 : i32
      %dma_wait3A_204 = tpu.memref_slice %arg18[%mul3A_0, %dma_wait3A_203] : memref<10112x32xf32, #tpu.memory_space<vmem_shared>> -> memref<632x32xf32, #tpu.memory_space<vmem_shared>>
      %dma_wait3A_205 = tpu.memref_slice %arg4[%mul3A_0, %mul3A_2] : memref<10112x128xf32, #tpu.memory_space<hbm>> -> memref<632x32xf32, #tpu.memory_space<hbm>>
      tpu.wait_dma2 semaphore(%run_scoped3A : memref<!tpu.dma_semaphore, #tpu.memory_space<semaphore_mem>>) src(%dma_wait3A_205 : memref<632x32xf32, #tpu.memory_space<hbm>>) dst(%dma_wait3A_204 : memref<632x32xf32, #tpu.memory_space<vmem_shared>>)
      tpu.yield
    }) : () -> ()
    "tpu.region"() ({
      %run_scoped3A = tpu.sem_alloc : memref<!tpu.dma_semaphore, #tpu.memory_space<semaphore_mem>>
      %dma_start3A_200 = arith.constant 0 : i32
      %dma_start3A_201 = tpu.memref_slice %arg17[%mul3A_0, %dma_start3A_200] : memref<10112x32xf32, #tpu.memory_space<vmem_shared>> -> memref<632x32xf32, #tpu.memory_space<vmem_shared>>
      %dma_start3A_202 = tpu.memref_slice %arg4[%mul3A_0, %mul3A_2] : memref<10112x128xf32, #tpu.memory_space<hbm>> -> memref<632x32xf32, #tpu.memory_space<hbm>>
      tpu.enqueue_dma source(%dma_start3A_202 : memref<632x32xf32, #tpu.memory_space<hbm>>) target(%dma_start3A_201 : memref<632x32xf32, #tpu.memory_space<vmem_shared>>) target_semaphore(%run_scoped3A : memref<!tpu.dma_semaphore, #tpu.memory_space<semaphore_mem>>)
      %dma_wait3A_203 = arith.constant 0 : i32
      %dma_wait3A_204 = tpu.memref_slice %arg17[%mul3A_0, %dma_wait3A_203] : memref<10112x32xf32, #tpu.memory_space<vmem_shared>> -> memref<632x32xf32, #tpu.memory_space<vmem_shared>>
      %dma_wait3A_205 = tpu.memref_slice %arg4[%mul3A_0, %mul3A_2] : memref<10112x128xf32, #tpu.memory_space<hbm>> -> memref<632x32xf32, #tpu.memory_space<hbm>>
      tpu.wait_dma2 semaphore(%run_scoped3A : memref<!tpu.dma_semaphore, #tpu.memory_space<semaphore_mem>>) src(%dma_wait3A_205 : memref<632x32xf32, #tpu.memory_space<hbm>>) dst(%dma_wait3A_204 : memref<632x32xf32, #tpu.memory_space<vmem_shared>>)
      tpu.yield
    }) : () -> ()
    "tpu.region"() ({
      %run_scoped3A = tpu.sem_alloc : memref<!tpu.dma_semaphore, #tpu.memory_space<semaphore_mem>>
      %dma_start3A_200 = arith.constant 0 : i32
      %dma_start3A_201 = arith.constant 0 : i32
      %dma_start3A_202 = tpu.memref_slice %arg2[%arg1, %dma_start3A_200, %dma_start3A_201] : memref<16x160x128xi32, #tpu.memory_space<hbm>> -> memref<1x160x128xi32, #tpu.memory_space<hbm>>
      %dma_start3A_203 = tpu.memref_squeeze %dma_start3A_202 : memref<1x160x128xi32, #tpu.memory_space<hbm>> -> memref<160x128xi32, #tpu.memory_space<hbm>>
      %dma_start3A_204 = arith.constant 0 : i32
      %dma_start3A_205 = arith.constant 0 : i32
      %dma_start3A_206 = tpu.memref_slice %arg2[%arg1, %dma_start3A_204, %dma_start3A_205] : memref<16x160x128xi32, #tpu.memory_space<hbm>> -> memref<1x160x128xi32, #tpu.memory_space<hbm>>
      %dma_start3A_207 = tpu.memref_squeeze %dma_start3A_206 : memref<1x160x128xi32, #tpu.memory_space<hbm>> -> memref<160x128xi32, #tpu.memory_space<hbm>>
      tpu.enqueue_dma source(%dma_start3A_207 : memref<160x128xi32, #tpu.memory_space<hbm>>) target(%arg6 : memref<160x128xi32, #tpu.memory_space<vmem>>) target_semaphore(%run_scoped3A : memref<!tpu.dma_semaphore, #tpu.memory_space<semaphore_mem>>)
      %dma_wait3A_208 = arith.constant 0 : i32
      %dma_wait3A_209 = arith.constant 0 : i32
      %dma_wait3A_210 = tpu.memref_slice %arg2[%arg1, %dma_wait3A_208, %dma_wait3A_209] : memref<16x160x128xi32, #tpu.memory_space<hbm>> -> memref<1x160x128xi32, #tpu.memory_space<hbm>>
      %dma_wait3A_211 = tpu.memref_squeeze %dma_wait3A_210 : memref<1x160x128xi32, #tpu.memory_space<hbm>> -> memref<160x128xi32, #tpu.memory_space<hbm>>
      %dma_wait3A_212 = arith.constant 0 : i32
      %dma_wait3A_213 = arith.constant 0 : i32
      %dma_wait3A_214 = tpu.memref_slice %arg2[%arg1, %dma_wait3A_212, %dma_wait3A_213] : memref<16x160x128xi32, #tpu.memory_space<hbm>> -> memref<1x160x128xi32, #tpu.memory_space<hbm>>
      %dma_wait3A_215 = tpu.memref_squeeze %dma_wait3A_214 : memref<1x160x128xi32, #tpu.memory_space<hbm>> -> memref<160x128xi32, #tpu.memory_space<hbm>>
      tpu.wait_dma2 semaphore(%run_scoped3A : memref<!tpu.dma_semaphore, #tpu.memory_space<semaphore_mem>>) src(%dma_wait3A_215 : memref<160x128xi32, #tpu.memory_space<hbm>>) dst(%arg6 : memref<160x128xi32, #tpu.memory_space<vmem>>)
      tpu.yield
    }) : () -> ()
    "tpu.region"() ({
      %run_scoped3A = tpu.sem_alloc : memref<!tpu.dma_semaphore, #tpu.memory_space<semaphore_mem>>
      %dma_start3A_200 = arith.constant 0 : i32
      %dma_start3A_201 = arith.constant 0 : i32
      %dma_start3A_202 = tpu.memref_slice %arg3[%arg1, %dma_start3A_200, %dma_start3A_201] : memref<16x160x128xi32, #tpu.memory_space<hbm>> -> memref<1x160x128xi32, #tpu.memory_space<hbm>>
      %dma_start3A_203 = tpu.memref_squeeze %dma_start3A_202 : memref<1x160x128xi32, #tpu.memory_space<hbm>> -> memref<160x128xi32, #tpu.memory_space<hbm>>
      %dma_start3A_204 = arith.constant 0 : i32
      %dma_start3A_205 = arith.constant 0 : i32
      %dma_start3A_206 = tpu.memref_slice %arg3[%arg1, %dma_start3A_204, %dma_start3A_205] : memref<16x160x128xi32, #tpu.memory_space<hbm>> -> memref<1x160x128xi32, #tpu.memory_space<hbm>>
      %dma_start3A_207 = tpu.memref_squeeze %dma_start3A_206 : memref<1x160x128xi32, #tpu.memory_space<hbm>> -> memref<160x128xi32, #tpu.memory_space<hbm>>
      tpu.enqueue_dma source(%dma_start3A_207 : memref<160x128xi32, #tpu.memory_space<hbm>>) target(%arg7 : memref<160x128xi32, #tpu.memory_space<vmem>>) target_semaphore(%run_scoped3A : memref<!tpu.dma_semaphore, #tpu.memory_space<semaphore_mem>>)
      %dma_wait3A_208 = arith.constant 0 : i32
      %dma_wait3A_209 = arith.constant 0 : i32
      %dma_wait3A_210 = tpu.memref_slice %arg3[%arg1, %dma_wait3A_208, %dma_wait3A_209] : memref<16x160x128xi32, #tpu.memory_space<hbm>> -> memref<1x160x128xi32, #tpu.memory_space<hbm>>
      %dma_wait3A_211 = tpu.memref_squeeze %dma_wait3A_210 : memref<1x160x128xi32, #tpu.memory_space<hbm>> -> memref<160x128xi32, #tpu.memory_space<hbm>>
      %dma_wait3A_212 = arith.constant 0 : i32
      %dma_wait3A_213 = arith.constant 0 : i32
      %dma_wait3A_214 = tpu.memref_slice %arg3[%arg1, %dma_wait3A_212, %dma_wait3A_213] : memref<16x160x128xi32, #tpu.memory_space<hbm>> -> memref<1x160x128xi32, #tpu.memory_space<hbm>>
      %dma_wait3A_215 = tpu.memref_squeeze %dma_wait3A_214 : memref<1x160x128xi32, #tpu.memory_space<hbm>> -> memref<160x128xi32, #tpu.memory_space<hbm>>
      tpu.wait_dma2 semaphore(%run_scoped3A : memref<!tpu.dma_semaphore, #tpu.memory_space<semaphore_mem>>) src(%dma_wait3A_215 : memref<160x128xi32, #tpu.memory_space<hbm>>) dst(%arg7 : memref<160x128xi32, #tpu.memory_space<vmem>>)
      tpu.yield
    }) : () -> ()
    %barrier3A = arith.constant 0 : index
    tpu.barrier barrier_id(%barrier3A)
    %dma_start3A = arith.constant 0 : i32
    %dma_start3A_3 = arith.constant 0 : i32
    %dma_start3A_4 = arith.constant 0 : i32
    %dma_start3A_5 = arith.constant 0 : i32
    %dma_start3A_6 = tpu.memref_slice %arg8[%dma_start3A_3, %dma_start3A_4, %dma_start3A_5] : memref<4x128x32xf32, #tpu.memory_space<vmem>> -> memref<1x128x32xf32, #tpu.memory_space<vmem>>
    %dma_start3A_7 = tpu.memref_squeeze %dma_start3A_6 : memref<1x128x32xf32, #tpu.memory_space<vmem>> -> memref<128x32xf32, #tpu.memory_space<vmem>>
    %dma_start3A_8 = arith.constant 0 : i32
    %dma_start3A_9 = tpu.memref_slice %arg6[%dma_start3A, %dma_start3A_8] : memref<160x128xi32, #tpu.memory_space<vmem>> -> memref<1x128xi32, #tpu.memory_space<vmem>>
    %dma_start3A_10 = tpu.memref_squeeze %dma_start3A_9 : memref<1x128xi32, #tpu.memory_space<vmem>> -> memref<128xi32, #tpu.memory_space<vmem>>
    %dma_start3A_11 = arith.constant 0 : i32
    %dma_start3A_12 = arith.constant 0 : i32
    %dma_start3A_13 = tpu.memref_slice %arg18[%dma_start3A_11, %dma_start3A_12] : memref<10112x32xf32, #tpu.memory_space<vmem_shared>> -> memref<10112x32xf32, #tpu.memory_space<vmem_shared>>
    tpu.enqueue_indirect_dma source(%dma_start3A_13 : memref<10112x32xf32, #tpu.memory_space<vmem_shared>>) target(%dma_start3A_7 : memref<128x32xf32, #tpu.memory_space<vmem>>) offsets(%dma_start3A_10 : memref<128xi32, #tpu.memory_space<vmem>>) semaphore(%arg9 : memref<!tpu.dma_semaphore, #tpu.memory_space<semaphore_mem>>)
    %dma_start3A_14 = arith.constant 1 : i32
    %dma_start3A_15 = arith.constant 1 : i32
    %dma_start3A_16 = arith.constant 0 : i32
    %dma_start3A_17 = arith.constant 0 : i32
    %dma_start3A_18 = tpu.memref_slice %arg8[%dma_start3A_15, %dma_start3A_16, %dma_start3A_17] : memref<4x128x32xf32, #tpu.memory_space<vmem>> -> memref<1x128x32xf32, #tpu.memory_space<vmem>>
    %dma_start3A_19 = tpu.memref_squeeze %dma_start3A_18 : memref<1x128x32xf32, #tpu.memory_space<vmem>> -> memref<128x32xf32, #tpu.memory_space<vmem>>
    %dma_start3A_20 = arith.constant 0 : i32
    %dma_start3A_21 = tpu.memref_slice %arg6[%dma_start3A_14, %dma_start3A_20] : memref<160x128xi32, #tpu.memory_space<vmem>> -> memref<1x128xi32, #tpu.memory_space<vmem>>
    %dma_start3A_22 = tpu.memref_squeeze %dma_start3A_21 : memref<1x128xi32, #tpu.memory_space<vmem>> -> memref<128xi32, #tpu.memory_space<vmem>>
    %dma_start3A_23 = arith.constant 0 : i32
    %dma_start3A_24 = arith.constant 0 : i32
    %dma_start3A_25 = tpu.memref_slice %arg18[%dma_start3A_23, %dma_start3A_24] : memref<10112x32xf32, #tpu.memory_space<vmem_shared>> -> memref<10112x32xf32, #tpu.memory_space<vmem_shared>>
    tpu.enqueue_indirect_dma source(%dma_start3A_25 : memref<10112x32xf32, #tpu.memory_space<vmem_shared>>) target(%dma_start3A_19 : memref<128x32xf32, #tpu.memory_space<vmem>>) offsets(%dma_start3A_22 : memref<128xi32, #tpu.memory_space<vmem>>) semaphore(%arg10 : memref<!tpu.dma_semaphore, #tpu.memory_space<semaphore_mem>>)
    %dma_wait3A = arith.constant 0 : i32
    %dma_wait3A_26 = arith.constant 0 : i32
    %dma_wait3A_27 = arith.constant 0 : i32
    %dma_wait3A_28 = arith.constant 0 : i32
    %dma_wait3A_29 = tpu.memref_slice %arg8[%dma_wait3A_26, %dma_wait3A_27, %dma_wait3A_28] : memref<4x128x32xf32, #tpu.memory_space<vmem>> -> memref<1x128x32xf32, #tpu.memory_space<vmem>>
    %dma_wait3A_30 = tpu.memref_squeeze %dma_wait3A_29 : memref<1x128x32xf32, #tpu.memory_space<vmem>> -> memref<128x32xf32, #tpu.memory_space<vmem>>
    %dma_wait3A_31 = arith.constant 0 : i32
    %dma_wait3A_32 = tpu.memref_slice %arg6[%dma_wait3A, %dma_wait3A_31] : memref<160x128xi32, #tpu.memory_space<vmem>> -> memref<1x128xi32, #tpu.memory_space<vmem>>
    %dma_wait3A_33 = tpu.memref_squeeze %dma_wait3A_32 : memref<1x128xi32, #tpu.memory_space<vmem>> -> memref<128xi32, #tpu.memory_space<vmem>>
    %dma_wait3A_34 = arith.constant 0 : i32
    %dma_wait3A_35 = arith.constant 0 : i32
    %dma_wait3A_36 = tpu.memref_slice %arg18[%dma_wait3A_34, %dma_wait3A_35] : memref<10112x32xf32, #tpu.memory_space<vmem_shared>> -> memref<10112x32xf32, #tpu.memory_space<vmem_shared>>
    tpu.wait_indirect_dma semaphore(%arg9 : memref<!tpu.dma_semaphore, #tpu.memory_space<semaphore_mem>>) src(%dma_wait3A_36 : memref<10112x32xf32, #tpu.memory_space<vmem_shared>>) dst(%dma_wait3A_30 : memref<128x32xf32, #tpu.memory_space<vmem>>)
    %dma_start3A_37 = arith.constant 0 : i32
    %dma_start3A_38 = arith.constant 0 : i32
    %dma_start3A_39 = arith.constant 0 : i32
    %dma_start3A_40 = arith.constant 0 : i32
    %dma_start3A_41 = tpu.memref_slice %arg8[%dma_start3A_37, %dma_start3A_39, %dma_start3A_40] : memref<4x128x32xf32, #tpu.memory_space<vmem>> -> memref<1x128x32xf32, #tpu.memory_space<vmem>>
    %dma_start3A_42 = tpu.memref_squeeze %dma_start3A_41 : memref<1x128x32xf32, #tpu.memory_space<vmem>> -> memref<128x32xf32, #tpu.memory_space<vmem>>
    %dma_start3A_43 = arith.constant 0 : i32
    %dma_start3A_44 = tpu.memref_slice %arg7[%dma_start3A_38, %dma_start3A_43] : memref<160x128xi32, #tpu.memory_space<vmem>> -> memref<1x128xi32, #tpu.memory_space<vmem>>
    %dma_start3A_45 = tpu.memref_squeeze %dma_start3A_44 : memref<1x128xi32, #tpu.memory_space<vmem>> -> memref<128xi32, #tpu.memory_space<vmem>>
    %dma_start3A_46 = arith.constant 0 : i32
    %dma_start3A_47 = arith.constant 0 : i32
    %dma_start3A_48 = tpu.memref_slice %arg17[%dma_start3A_46, %dma_start3A_47] : memref<10112x32xf32, #tpu.memory_space<vmem_shared>> -> memref<10112x32xf32, #tpu.memory_space<vmem_shared>>
    tpu.enqueue_indirect_dma source(%dma_start3A_42 : memref<128x32xf32, #tpu.memory_space<vmem>>) target(%dma_start3A_48 : memref<10112x32xf32, #tpu.memory_space<vmem_shared>>) offsets(%dma_start3A_45 : memref<128xi32, #tpu.memory_space<vmem>>) semaphore(%arg13 : memref<!tpu.dma_semaphore, #tpu.memory_space<semaphore_mem>>) {add = true}
    %dma_start3A_49 = arith.constant 2 : i32
    %dma_start3A_50 = arith.constant 2 : i32
    %dma_start3A_51 = arith.constant 0 : i32
    %dma_start3A_52 = arith.constant 0 : i32
    %dma_start3A_53 = tpu.memref_slice %arg8[%dma_start3A_50, %dma_start3A_51, %dma_start3A_52] : memref<4x128x32xf32, #tpu.memory_space<vmem>> -> memref<1x128x32xf32, #tpu.memory_space<vmem>>
    %dma_start3A_54 = tpu.memref_squeeze %dma_start3A_53 : memref<1x128x32xf32, #tpu.memory_space<vmem>> -> memref<128x32xf32, #tpu.memory_space<vmem>>
    %dma_start3A_55 = arith.constant 0 : i32
    %dma_start3A_56 = tpu.memref_slice %arg6[%dma_start3A_49, %dma_start3A_55] : memref<160x128xi32, #tpu.memory_space<vmem>> -> memref<1x128xi32, #tpu.memory_space<vmem>>
    %dma_start3A_57 = tpu.memref_squeeze %dma_start3A_56 : memref<1x128xi32, #tpu.memory_space<vmem>> -> memref<128xi32, #tpu.memory_space<vmem>>
    %dma_start3A_58 = arith.constant 0 : i32
    %dma_start3A_59 = arith.constant 0 : i32
    %dma_start3A_60 = tpu.memref_slice %arg18[%dma_start3A_58, %dma_start3A_59] : memref<10112x32xf32, #tpu.memory_space<vmem_shared>> -> memref<10112x32xf32, #tpu.memory_space<vmem_shared>>
    tpu.enqueue_indirect_dma source(%dma_start3A_60 : memref<10112x32xf32, #tpu.memory_space<vmem_shared>>) target(%dma_start3A_54 : memref<128x32xf32, #tpu.memory_space<vmem>>) offsets(%dma_start3A_57 : memref<128xi32, #tpu.memory_space<vmem>>) semaphore(%arg11 : memref<!tpu.dma_semaphore, #tpu.memory_space<semaphore_mem>>)
    %dma_wait3A_61 = arith.constant 0 : i32
    %dma_wait3A_62 = arith.constant 1 : i32
    %dma_wait3A_63 = arith.constant 0 : i32
    %dma_wait3A_64 = arith.constant 0 : i32
    %dma_wait3A_65 = tpu.memref_slice %arg8[%dma_wait3A_62, %dma_wait3A_63, %dma_wait3A_64] : memref<4x128x32xf32, #tpu.memory_space<vmem>> -> memref<1x128x32xf32, #tpu.memory_space<vmem>>
    %dma_wait3A_66 = tpu.memref_squeeze %dma_wait3A_65 : memref<1x128x32xf32, #tpu.memory_space<vmem>> -> memref<128x32xf32, #tpu.memory_space<vmem>>
    %dma_wait3A_67 = arith.constant 0 : i32
    %dma_wait3A_68 = tpu.memref_slice %arg6[%dma_wait3A_61, %dma_wait3A_67] : memref<160x128xi32, #tpu.memory_space<vmem>> -> memref<1x128xi32, #tpu.memory_space<vmem>>
    %dma_wait3A_69 = tpu.memref_squeeze %dma_wait3A_68 : memref<1x128xi32, #tpu.memory_space<vmem>> -> memref<128xi32, #tpu.memory_space<vmem>>
    %dma_wait3A_70 = arith.constant 0 : i32
    %dma_wait3A_71 = arith.constant 0 : i32
    %dma_wait3A_72 = tpu.memref_slice %arg18[%dma_wait3A_70, %dma_wait3A_71] : memref<10112x32xf32, #tpu.memory_space<vmem_shared>> -> memref<10112x32xf32, #tpu.memory_space<vmem_shared>>
    tpu.wait_indirect_dma semaphore(%arg10 : memref<!tpu.dma_semaphore, #tpu.memory_space<semaphore_mem>>) src(%dma_wait3A_72 : memref<10112x32xf32, #tpu.memory_space<vmem_shared>>) dst(%dma_wait3A_66 : memref<128x32xf32, #tpu.memory_space<vmem>>)
    %dma_start3A_73 = arith.constant 1 : i32
    %dma_start3A_74 = arith.constant 1 : i32
    %dma_start3A_75 = arith.constant 0 : i32
    %dma_start3A_76 = arith.constant 0 : i32
    %dma_start3A_77 = tpu.memref_slice %arg8[%dma_start3A_73, %dma_start3A_75, %dma_start3A_76] : memref<4x128x32xf32, #tpu.memory_space<vmem>> -> memref<1x128x32xf32, #tpu.memory_space<vmem>>
    %dma_start3A_78 = tpu.memref_squeeze %dma_start3A_77 : memref<1x128x32xf32, #tpu.memory_space<vmem>> -> memref<128x32xf32, #tpu.memory_space<vmem>>
    %dma_start3A_79 = arith.constant 0 : i32
    %dma_start3A_80 = tpu.memref_slice %arg7[%dma_start3A_74, %dma_start3A_79] : memref<160x128xi32, #tpu.memory_space<vmem>> -> memref<1x128xi32, #tpu.memory_space<vmem>>
    %dma_start3A_81 = tpu.memref_squeeze %dma_start3A_80 : memref<1x128xi32, #tpu.memory_space<vmem>> -> memref<128xi32, #tpu.memory_space<vmem>>
    %dma_start3A_82 = arith.constant 0 : i32
    %dma_start3A_83 = arith.constant 0 : i32
    %dma_start3A_84 = tpu.memref_slice %arg17[%dma_start3A_82, %dma_start3A_83] : memref<10112x32xf32, #tpu.memory_space<vmem_shared>> -> memref<10112x32xf32, #tpu.memory_space<vmem_shared>>
    tpu.enqueue_indirect_dma source(%dma_start3A_78 : memref<128x32xf32, #tpu.memory_space<vmem>>) target(%dma_start3A_84 : memref<10112x32xf32, #tpu.memory_space<vmem_shared>>) offsets(%dma_start3A_81 : memref<128xi32, #tpu.memory_space<vmem>>) semaphore(%arg14 : memref<!tpu.dma_semaphore, #tpu.memory_space<semaphore_mem>>) {add = true}
    %dma_start3A_85 = arith.constant 3 : i32
    %dma_start3A_86 = arith.constant 3 : i32
    %dma_start3A_87 = arith.constant 0 : i32
    %dma_start3A_88 = arith.constant 0 : i32
    %dma_start3A_89 = tpu.memref_slice %arg8[%dma_start3A_86, %dma_start3A_87, %dma_start3A_88] : memref<4x128x32xf32, #tpu.memory_space<vmem>> -> memref<1x128x32xf32, #tpu.memory_space<vmem>>
    %dma_start3A_90 = tpu.memref_squeeze %dma_start3A_89 : memref<1x128x32xf32, #tpu.memory_space<vmem>> -> memref<128x32xf32, #tpu.memory_space<vmem>>
    %dma_start3A_91 = arith.constant 0 : i32
    %dma_start3A_92 = tpu.memref_slice %arg6[%dma_start3A_85, %dma_start3A_91] : memref<160x128xi32, #tpu.memory_space<vmem>> -> memref<1x128xi32, #tpu.memory_space<vmem>>
    %dma_start3A_93 = tpu.memref_squeeze %dma_start3A_92 : memref<1x128xi32, #tpu.memory_space<vmem>> -> memref<128xi32, #tpu.memory_space<vmem>>
    %dma_start3A_94 = arith.constant 0 : i32
    %dma_start3A_95 = arith.constant 0 : i32
    %dma_start3A_96 = tpu.memref_slice %arg18[%dma_start3A_94, %dma_start3A_95] : memref<10112x32xf32, #tpu.memory_space<vmem_shared>> -> memref<10112x32xf32, #tpu.memory_space<vmem_shared>>
    tpu.enqueue_indirect_dma source(%dma_start3A_96 : memref<10112x32xf32, #tpu.memory_space<vmem_shared>>) target(%dma_start3A_90 : memref<128x32xf32, #tpu.memory_space<vmem>>) offsets(%dma_start3A_93 : memref<128xi32, #tpu.memory_space<vmem>>) semaphore(%arg12 : memref<!tpu.dma_semaphore, #tpu.memory_space<semaphore_mem>>)
    %scan3A = arith.constant 0 : i32
    %scan3A_97 = arith.constant 0 : i32
    %scan3A_98 = arith.constant 39 : i32
    %scan3A_99 = arith.addi %scan3A_97, %scan3A_98 : i32
    %scan3A_100 = arith.constant 1 : i32
    %scan3A_101 = scf.for %scan3A_200 = %scan3A_97 to %scan3A_99 step %scan3A_100 iter_args(%scan3A_201 = %scan3A) -> (i32)  : i32 {
      %mul3A_202 = arith.constant 4 : i32
      %mul3A_203 = arith.muli %mul3A_202, %scan3A_200 : i32
      %add3A = arith.constant 2 : i32
      %add3A_204 = arith.addi %mul3A_203, %add3A : i32
      %add3A_205 = arith.constant 0 : i32
      %add3A_206 = arith.addi %add3A_204, %add3A_205 : i32
      %dma_wait3A_207 = arith.constant 0 : i32
      %dma_wait3A_208 = arith.constant 2 : i32
      %dma_wait3A_209 = arith.constant 0 : i32
      %dma_wait3A_210 = arith.constant 0 : i32
      %dma_wait3A_211 = tpu.memref_slice %arg8[%dma_wait3A_208, %dma_wait3A_209, %dma_wait3A_210] : memref<4x128x32xf32, #tpu.memory_space<vmem>> -> memref<1x128x32xf32, #tpu.memory_space<vmem>>
      %dma_wait3A_212 = tpu.memref_squeeze %dma_wait3A_211 : memref<1x128x32xf32, #tpu.memory_space<vmem>> -> memref<128x32xf32, #tpu.memory_space<vmem>>
      %dma_wait3A_213 = arith.constant 0 : i32
      %dma_wait3A_214 = tpu.memref_slice %arg6[%dma_wait3A_207, %dma_wait3A_213] : memref<160x128xi32, #tpu.memory_space<vmem>> -> memref<1x128xi32, #tpu.memory_space<vmem>>
      %dma_wait3A_215 = tpu.memref_squeeze %dma_wait3A_214 : memref<1x128xi32, #tpu.memory_space<vmem>> -> memref<128xi32, #tpu.memory_space<vmem>>
      %dma_wait3A_216 = arith.constant 0 : i32
      %dma_wait3A_217 = arith.constant 0 : i32
      %dma_wait3A_218 = tpu.memref_slice %arg18[%dma_wait3A_216, %dma_wait3A_217] : memref<10112x32xf32, #tpu.memory_space<vmem_shared>> -> memref<10112x32xf32, #tpu.memory_space<vmem_shared>>
      tpu.wait_indirect_dma semaphore(%arg11 : memref<!tpu.dma_semaphore, #tpu.memory_space<semaphore_mem>>) src(%dma_wait3A_218 : memref<10112x32xf32, #tpu.memory_space<vmem_shared>>) dst(%dma_wait3A_212 : memref<128x32xf32, #tpu.memory_space<vmem>>)
      %dma_start3A_219 = arith.constant 2 : i32
      %dma_start3A_220 = arith.constant 0 : i32
      %dma_start3A_221 = arith.constant 0 : i32
      %dma_start3A_222 = tpu.memref_slice %arg8[%dma_start3A_219, %dma_start3A_220, %dma_start3A_221] : memref<4x128x32xf32, #tpu.memory_space<vmem>> -> memref<1x128x32xf32, #tpu.memory_space<vmem>>
      %dma_start3A_223 = tpu.memref_squeeze %dma_start3A_222 : memref<1x128x32xf32, #tpu.memory_space<vmem>> -> memref<128x32xf32, #tpu.memory_space<vmem>>
      %dma_start3A_224 = arith.constant 0 : i32
      %dma_start3A_225 = tpu.memref_slice %arg7[%add3A_206, %dma_start3A_224] : memref<160x128xi32, #tpu.memory_space<vmem>> -> memref<1x128xi32, #tpu.memory_space<vmem>>
      %dma_start3A_226 = tpu.memref_squeeze %dma_start3A_225 : memref<1x128xi32, #tpu.memory_space<vmem>> -> memref<128xi32, #tpu.memory_space<vmem>>
      %dma_start3A_227 = arith.constant 0 : i32
      %dma_start3A_228 = arith.constant 0 : i32
      %dma_start3A_229 = tpu.memref_slice %arg17[%dma_start3A_227, %dma_start3A_228] : memref<10112x32xf32, #tpu.memory_space<vmem_shared>> -> memref<10112x32xf32, #tpu.memory_space<vmem_shared>>
      tpu.enqueue_indirect_dma source(%dma_start3A_223 : memref<128x32xf32, #tpu.memory_space<vmem>>) target(%dma_start3A_229 : memref<10112x32xf32, #tpu.memory_space<vmem_shared>>) offsets(%dma_start3A_226 : memref<128xi32, #tpu.memory_space<vmem>>) semaphore(%arg15 : memref<!tpu.dma_semaphore, #tpu.memory_space<semaphore_mem>>) {add = true}
      %dma_wait3A_230 = arith.constant 0 : i32
      %dma_wait3A_231 = arith.constant 0 : i32
      %dma_wait3A_232 = arith.constant 0 : i32
      %dma_wait3A_233 = arith.constant 0 : i32
      %dma_wait3A_234 = tpu.memref_slice %arg8[%dma_wait3A_230, %dma_wait3A_232, %dma_wait3A_233] : memref<4x128x32xf32, #tpu.memory_space<vmem>> -> memref<1x128x32xf32, #tpu.memory_space<vmem>>
      %dma_wait3A_235 = tpu.memref_squeeze %dma_wait3A_234 : memref<1x128x32xf32, #tpu.memory_space<vmem>> -> memref<128x32xf32, #tpu.memory_space<vmem>>
      %dma_wait3A_236 = arith.constant 0 : i32
      %dma_wait3A_237 = tpu.memref_slice %arg7[%dma_wait3A_231, %dma_wait3A_236] : memref<160x128xi32, #tpu.memory_space<vmem>> -> memref<1x128xi32, #tpu.memory_space<vmem>>
      %dma_wait3A_238 = tpu.memref_squeeze %dma_wait3A_237 : memref<1x128xi32, #tpu.memory_space<vmem>> -> memref<128xi32, #tpu.memory_space<vmem>>
      %dma_wait3A_239 = arith.constant 0 : i32
      %dma_wait3A_240 = arith.constant 0 : i32
      %dma_wait3A_241 = tpu.memref_slice %arg17[%dma_wait3A_239, %dma_wait3A_240] : memref<10112x32xf32, #tpu.memory_space<vmem_shared>> -> memref<10112x32xf32, #tpu.memory_space<vmem_shared>>
      tpu.wait_indirect_dma semaphore(%arg13 : memref<!tpu.dma_semaphore, #tpu.memory_space<semaphore_mem>>) src(%dma_wait3A_235 : memref<128x32xf32, #tpu.memory_space<vmem>>) dst(%dma_wait3A_241 : memref<10112x32xf32, #tpu.memory_space<vmem_shared>>)
      %add3A_242 = arith.constant 2 : i32
      %add3A_243 = arith.addi %add3A_206, %add3A_242 : i32
      %dma_start3A_244 = arith.constant 0 : i32
      %dma_start3A_245 = arith.constant 0 : i32
      %dma_start3A_246 = arith.constant 0 : i32
      %dma_start3A_247 = tpu.memref_slice %arg8[%dma_start3A_244, %dma_start3A_245, %dma_start3A_246] : memref<4x128x32xf32, #tpu.memory_space<vmem>> -> memref<1x128x32xf32, #tpu.memory_space<vmem>>
      %dma_start3A_248 = tpu.memref_squeeze %dma_start3A_247 : memref<1x128x32xf32, #tpu.memory_space<vmem>> -> memref<128x32xf32, #tpu.memory_space<vmem>>
      %dma_start3A_249 = arith.constant 0 : i32
      %dma_start3A_250 = tpu.memref_slice %arg6[%add3A_243, %dma_start3A_249] : memref<160x128xi32, #tpu.memory_space<vmem>> -> memref<1x128xi32, #tpu.memory_space<vmem>>
      %dma_start3A_251 = tpu.memref_squeeze %dma_start3A_250 : memref<1x128xi32, #tpu.memory_space<vmem>> -> memref<128xi32, #tpu.memory_space<vmem>>
      %dma_start3A_252 = arith.constant 0 : i32
      %dma_start3A_253 = arith.constant 0 : i32
      %dma_start3A_254 = tpu.memref_slice %arg18[%dma_start3A_252, %dma_start3A_253] : memref<10112x32xf32, #tpu.memory_space<vmem_shared>> -> memref<10112x32xf32, #tpu.memory_space<vmem_shared>>
      tpu.enqueue_indirect_dma source(%dma_start3A_254 : memref<10112x32xf32, #tpu.memory_space<vmem_shared>>) target(%dma_start3A_248 : memref<128x32xf32, #tpu.memory_space<vmem>>) offsets(%dma_start3A_251 : memref<128xi32, #tpu.memory_space<vmem>>) semaphore(%arg9 : memref<!tpu.dma_semaphore, #tpu.memory_space<semaphore_mem>>)
      %mul3A_255 = arith.constant 4 : i32
      %mul3A_256 = arith.muli %mul3A_255, %scan3A_200 : i32
      %add3A_257 = arith.constant 2 : i32
      %add3A_258 = arith.addi %mul3A_256, %add3A_257 : i32
      %add3A_259 = arith.constant 1 : i32
      %add3A_260 = arith.addi %add3A_258, %add3A_259 : i32
      %dma_wait3A_261 = arith.constant 0 : i32
      %dma_wait3A_262 = arith.constant 3 : i32
      %dma_wait3A_263 = arith.constant 0 : i32
      %dma_wait3A_264 = arith.constant 0 : i32
      %dma_wait3A_265 = tpu.memref_slice %arg8[%dma_wait3A_262, %dma_wait3A_263, %dma_wait3A_264] : memref<4x128x32xf32, #tpu.memory_space<vmem>> -> memref<1x128x32xf32, #tpu.memory_space<vmem>>
      %dma_wait3A_266 = tpu.memref_squeeze %dma_wait3A_265 : memref<1x128x32xf32, #tpu.memory_space<vmem>> -> memref<128x32xf32, #tpu.memory_space<vmem>>
      %dma_wait3A_267 = arith.constant 0 : i32
      %dma_wait3A_268 = tpu.memref_slice %arg6[%dma_wait3A_261, %dma_wait3A_267] : memref<160x128xi32, #tpu.memory_space<vmem>> -> memref<1x128xi32, #tpu.memory_space<vmem>>
      %dma_wait3A_269 = tpu.memref_squeeze %dma_wait3A_268 : memref<1x128xi32, #tpu.memory_space<vmem>> -> memref<128xi32, #tpu.memory_space<vmem>>
      %dma_wait3A_270 = arith.constant 0 : i32
      %dma_wait3A_271 = arith.constant 0 : i32
      %dma_wait3A_272 = tpu.memref_slice %arg18[%dma_wait3A_270, %dma_wait3A_271] : memref<10112x32xf32, #tpu.memory_space<vmem_shared>> -> memref<10112x32xf32, #tpu.memory_space<vmem_shared>>
      tpu.wait_indirect_dma semaphore(%arg12 : memref<!tpu.dma_semaphore, #tpu.memory_space<semaphore_mem>>) src(%dma_wait3A_272 : memref<10112x32xf32, #tpu.memory_space<vmem_shared>>) dst(%dma_wait3A_266 : memref<128x32xf32, #tpu.memory_space<vmem>>)
      %dma_start3A_273 = arith.constant 3 : i32
      %dma_start3A_274 = arith.constant 0 : i32
      %dma_start3A_275 = arith.constant 0 : i32
      %dma_start3A_276 = tpu.memref_slice %arg8[%dma_start3A_273, %dma_start3A_274, %dma_start3A_275] : memref<4x128x32xf32, #tpu.memory_space<vmem>> -> memref<1x128x32xf32, #tpu.memory_space<vmem>>
      %dma_start3A_277 = tpu.memref_squeeze %dma_start3A_276 : memref<1x128x32xf32, #tpu.memory_space<vmem>> -> memref<128x32xf32, #tpu.memory_space<vmem>>
      %dma_start3A_278 = arith.constant 0 : i32
      %dma_start3A_279 = tpu.memref_slice %arg7[%add3A_260, %dma_start3A_278] : memref<160x128xi32, #tpu.memory_space<vmem>> -> memref<1x128xi32, #tpu.memory_space<vmem>>
      %dma_start3A_280 = tpu.memref_squeeze %dma_start3A_279 : memref<1x128xi32, #tpu.memory_space<vmem>> -> memref<128xi32, #tpu.memory_space<vmem>>
      %dma_start3A_281 = arith.constant 0 : i32
      %dma_start3A_282 = arith.constant 0 : i32
      %dma_start3A_283 = tpu.memref_slice %arg17[%dma_start3A_281, %dma_start3A_282] : memref<10112x32xf32, #tpu.memory_space<vmem_shared>> -> memref<10112x32xf32, #tpu.memory_space<vmem_shared>>
      tpu.enqueue_indirect_dma source(%dma_start3A_277 : memref<128x32xf32, #tpu.memory_space<vmem>>) target(%dma_start3A_283 : memref<10112x32xf32, #tpu.memory_space<vmem_shared>>) offsets(%dma_start3A_280 : memref<128xi32, #tpu.memory_space<vmem>>) semaphore(%arg16 : memref<!tpu.dma_semaphore, #tpu.memory_space<semaphore_mem>>) {add = true}
      %dma_wait3A_284 = arith.constant 1 : i32
      %dma_wait3A_285 = arith.constant 0 : i32
      %dma_wait3A_286 = arith.constant 0 : i32
      %dma_wait3A_287 = arith.constant 0 : i32
      %dma_wait3A_288 = tpu.memref_slice %arg8[%dma_wait3A_284, %dma_wait3A_286, %dma_wait3A_287] : memref<4x128x32xf32, #tpu.memory_space<vmem>> -> memref<1x128x32xf32, #tpu.memory_space<vmem>>
      %dma_wait3A_289 = tpu.memref_squeeze %dma_wait3A_288 : memref<1x128x32xf32, #tpu.memory_space<vmem>> -> memref<128x32xf32, #tpu.memory_space<vmem>>
      %dma_wait3A_290 = arith.constant 0 : i32
      %dma_wait3A_291 = tpu.memref_slice %arg7[%dma_wait3A_285, %dma_wait3A_290] : memref<160x128xi32, #tpu.memory_space<vmem>> -> memref<1x128xi32, #tpu.memory_space<vmem>>
      %dma_wait3A_292 = tpu.memref_squeeze %dma_wait3A_291 : memref<1x128xi32, #tpu.memory_space<vmem>> -> memref<128xi32, #tpu.memory_space<vmem>>
      %dma_wait3A_293 = arith.constant 0 : i32
      %dma_wait3A_294 = arith.constant 0 : i32
      %dma_wait3A_295 = tpu.memref_slice %arg17[%dma_wait3A_293, %dma_wait3A_294] : memref<10112x32xf32, #tpu.memory_space<vmem_shared>> -> memref<10112x32xf32, #tpu.memory_space<vmem_shared>>
      tpu.wait_indirect_dma semaphore(%arg14 : memref<!tpu.dma_semaphore, #tpu.memory_space<semaphore_mem>>) src(%dma_wait3A_289 : memref<128x32xf32, #tpu.memory_space<vmem>>) dst(%dma_wait3A_295 : memref<10112x32xf32, #tpu.memory_space<vmem_shared>>)
      %add3A_296 = arith.constant 2 : i32
      %add3A_297 = arith.addi %add3A_260, %add3A_296 : i32
      %dma_start3A_298 = arith.constant 1 : i32
      %dma_start3A_299 = arith.constant 0 : i32
      %dma_start3A_300 = arith.constant 0 : i32
      %dma_start3A_301 = tpu.memref_slice %arg8[%dma_start3A_298, %dma_start3A_299, %dma_start3A_300] : memref<4x128x32xf32, #tpu.memory_space<vmem>> -> memref<1x128x32xf32, #tpu.memory_space<vmem>>
      %dma_start3A_302 = tpu.memref_squeeze %dma_start3A_301 : memref<1x128x32xf32, #tpu.memory_space<vmem>> -> memref<128x32xf32, #tpu.memory_space<vmem>>
      %dma_start3A_303 = arith.constant 0 : i32
      %dma_start3A_304 = tpu.memref_slice %arg6[%add3A_297, %dma_start3A_303] : memref<160x128xi32, #tpu.memory_space<vmem>> -> memref<1x128xi32, #tpu.memory_space<vmem>>
      %dma_start3A_305 = tpu.memref_squeeze %dma_start3A_304 : memref<1x128xi32, #tpu.memory_space<vmem>> -> memref<128xi32, #tpu.memory_space<vmem>>
      %dma_start3A_306 = arith.constant 0 : i32
      %dma_start3A_307 = arith.constant 0 : i32
      %dma_start3A_308 = tpu.memref_slice %arg18[%dma_start3A_306, %dma_start3A_307] : memref<10112x32xf32, #tpu.memory_space<vmem_shared>> -> memref<10112x32xf32, #tpu.memory_space<vmem_shared>>
      tpu.enqueue_indirect_dma source(%dma_start3A_308 : memref<10112x32xf32, #tpu.memory_space<vmem_shared>>) target(%dma_start3A_302 : memref<128x32xf32, #tpu.memory_space<vmem>>) offsets(%dma_start3A_305 : memref<128xi32, #tpu.memory_space<vmem>>) semaphore(%arg10 : memref<!tpu.dma_semaphore, #tpu.memory_space<semaphore_mem>>)
      %mul3A_309 = arith.constant 4 : i32
      %mul3A_310 = arith.muli %mul3A_309, %scan3A_200 : i32
      %add3A_311 = arith.constant 2 : i32
      %add3A_312 = arith.addi %mul3A_310, %add3A_311 : i32
      %add3A_313 = arith.constant 2 : i32
      %add3A_314 = arith.addi %add3A_312, %add3A_313 : i32
      %dma_wait3A_315 = arith.constant 0 : i32
      %dma_wait3A_316 = arith.constant 0 : i32
      %dma_wait3A_317 = arith.constant 0 : i32
      %dma_wait3A_318 = arith.constant 0 : i32
      %dma_wait3A_319 = tpu.memref_slice %arg8[%dma_wait3A_316, %dma_wait3A_317, %dma_wait3A_318] : memref<4x128x32xf32, #tpu.memory_space<vmem>> -> memref<1x128x32xf32, #tpu.memory_space<vmem>>
      %dma_wait3A_320 = tpu.memref_squeeze %dma_wait3A_319 : memref<1x128x32xf32, #tpu.memory_space<vmem>> -> memref<128x32xf32, #tpu.memory_space<vmem>>
      %dma_wait3A_321 = arith.constant 0 : i32
      %dma_wait3A_322 = tpu.memref_slice %arg6[%dma_wait3A_315, %dma_wait3A_321] : memref<160x128xi32, #tpu.memory_space<vmem>> -> memref<1x128xi32, #tpu.memory_space<vmem>>
      %dma_wait3A_323 = tpu.memref_squeeze %dma_wait3A_322 : memref<1x128xi32, #tpu.memory_space<vmem>> -> memref<128xi32, #tpu.memory_space<vmem>>
      %dma_wait3A_324 = arith.constant 0 : i32
      %dma_wait3A_325 = arith.constant 0 : i32
      %dma_wait3A_326 = tpu.memref_slice %arg18[%dma_wait3A_324, %dma_wait3A_325] : memref<10112x32xf32, #tpu.memory_space<vmem_shared>> -> memref<10112x32xf32, #tpu.memory_space<vmem_shared>>
      tpu.wait_indirect_dma semaphore(%arg9 : memref<!tpu.dma_semaphore, #tpu.memory_space<semaphore_mem>>) src(%dma_wait3A_326 : memref<10112x32xf32, #tpu.memory_space<vmem_shared>>) dst(%dma_wait3A_320 : memref<128x32xf32, #tpu.memory_space<vmem>>)
      %dma_start3A_327 = arith.constant 0 : i32
      %dma_start3A_328 = arith.constant 0 : i32
      %dma_start3A_329 = arith.constant 0 : i32
      %dma_start3A_330 = tpu.memref_slice %arg8[%dma_start3A_327, %dma_start3A_328, %dma_start3A_329] : memref<4x128x32xf32, #tpu.memory_space<vmem>> -> memref<1x128x32xf32, #tpu.memory_space<vmem>>
      %dma_start3A_331 = tpu.memref_squeeze %dma_start3A_330 : memref<1x128x32xf32, #tpu.memory_space<vmem>> -> memref<128x32xf32, #tpu.memory_space<vmem>>
      %dma_start3A_332 = arith.constant 0 : i32
      %dma_start3A_333 = tpu.memref_slice %arg7[%add3A_314, %dma_start3A_332] : memref<160x128xi32, #tpu.memory_space<vmem>> -> memref<1x128xi32, #tpu.memory_space<vmem>>
      %dma_start3A_334 = tpu.memref_squeeze %dma_start3A_333 : memref<1x128xi32, #tpu.memory_space<vmem>> -> memref<128xi32, #tpu.memory_space<vmem>>
      %dma_start3A_335 = arith.constant 0 : i32
      %dma_start3A_336 = arith.constant 0 : i32
      %dma_start3A_337 = tpu.memref_slice %arg17[%dma_start3A_335, %dma_start3A_336] : memref<10112x32xf32, #tpu.memory_space<vmem_shared>> -> memref<10112x32xf32, #tpu.memory_space<vmem_shared>>
      tpu.enqueue_indirect_dma source(%dma_start3A_331 : memref<128x32xf32, #tpu.memory_space<vmem>>) target(%dma_start3A_337 : memref<10112x32xf32, #tpu.memory_space<vmem_shared>>) offsets(%dma_start3A_334 : memref<128xi32, #tpu.memory_space<vmem>>) semaphore(%arg13 : memref<!tpu.dma_semaphore, #tpu.memory_space<semaphore_mem>>) {add = true}
      %dma_wait3A_338 = arith.constant 2 : i32
      %dma_wait3A_339 = arith.constant 0 : i32
      %dma_wait3A_340 = arith.constant 0 : i32
      %dma_wait3A_341 = arith.constant 0 : i32
      %dma_wait3A_342 = tpu.memref_slice %arg8[%dma_wait3A_338, %dma_wait3A_340, %dma_wait3A_341] : memref<4x128x32xf32, #tpu.memory_space<vmem>> -> memref<1x128x32xf32, #tpu.memory_space<vmem>>
      %dma_wait3A_343 = tpu.memref_squeeze %dma_wait3A_342 : memref<1x128x32xf32, #tpu.memory_space<vmem>> -> memref<128x32xf32, #tpu.memory_space<vmem>>
      %dma_wait3A_344 = arith.constant 0 : i32
      %dma_wait3A_345 = tpu.memref_slice %arg7[%dma_wait3A_339, %dma_wait3A_344] : memref<160x128xi32, #tpu.memory_space<vmem>> -> memref<1x128xi32, #tpu.memory_space<vmem>>
      %dma_wait3A_346 = tpu.memref_squeeze %dma_wait3A_345 : memref<1x128xi32, #tpu.memory_space<vmem>> -> memref<128xi32, #tpu.memory_space<vmem>>
      %dma_wait3A_347 = arith.constant 0 : i32
      %dma_wait3A_348 = arith.constant 0 : i32
      %dma_wait3A_349 = tpu.memref_slice %arg17[%dma_wait3A_347, %dma_wait3A_348] : memref<10112x32xf32, #tpu.memory_space<vmem_shared>> -> memref<10112x32xf32, #tpu.memory_space<vmem_shared>>
      tpu.wait_indirect_dma semaphore(%arg15 : memref<!tpu.dma_semaphore, #tpu.memory_space<semaphore_mem>>) src(%dma_wait3A_343 : memref<128x32xf32, #tpu.memory_space<vmem>>) dst(%dma_wait3A_349 : memref<10112x32xf32, #tpu.memory_space<vmem_shared>>)
      %add3A_350 = arith.constant 2 : i32
      %add3A_351 = arith.addi %add3A_314, %add3A_350 : i32
      %dma_start3A_352 = arith.constant 2 : i32
      %dma_start3A_353 = arith.constant 0 : i32
      %dma_start3A_354 = arith.constant 0 : i32
      %dma_start3A_355 = tpu.memref_slice %arg8[%dma_start3A_352, %dma_start3A_353, %dma_start3A_354] : memref<4x128x32xf32, #tpu.memory_space<vmem>> -> memref<1x128x32xf32, #tpu.memory_space<vmem>>
      %dma_start3A_356 = tpu.memref_squeeze %dma_start3A_355 : memref<1x128x32xf32, #tpu.memory_space<vmem>> -> memref<128x32xf32, #tpu.memory_space<vmem>>
      %dma_start3A_357 = arith.constant 0 : i32
      %dma_start3A_358 = tpu.memref_slice %arg6[%add3A_351, %dma_start3A_357] : memref<160x128xi32, #tpu.memory_space<vmem>> -> memref<1x128xi32, #tpu.memory_space<vmem>>
      %dma_start3A_359 = tpu.memref_squeeze %dma_start3A_358 : memref<1x128xi32, #tpu.memory_space<vmem>> -> memref<128xi32, #tpu.memory_space<vmem>>
      %dma_start3A_360 = arith.constant 0 : i32
      %dma_start3A_361 = arith.constant 0 : i32
      %dma_start3A_362 = tpu.memref_slice %arg18[%dma_start3A_360, %dma_start3A_361] : memref<10112x32xf32, #tpu.memory_space<vmem_shared>> -> memref<10112x32xf32, #tpu.memory_space<vmem_shared>>
      tpu.enqueue_indirect_dma source(%dma_start3A_362 : memref<10112x32xf32, #tpu.memory_space<vmem_shared>>) target(%dma_start3A_356 : memref<128x32xf32, #tpu.memory_space<vmem>>) offsets(%dma_start3A_359 : memref<128xi32, #tpu.memory_space<vmem>>) semaphore(%arg11 : memref<!tpu.dma_semaphore, #tpu.memory_space<semaphore_mem>>)
      %mul3A_363 = arith.constant 4 : i32
      %mul3A_364 = arith.muli %mul3A_363, %scan3A_200 : i32
      %add3A_365 = arith.constant 2 : i32
      %add3A_366 = arith.addi %mul3A_364, %add3A_365 : i32
      %add3A_367 = arith.constant 3 : i32
      %add3A_368 = arith.addi %add3A_366, %add3A_367 : i32
      %dma_wait3A_369 = arith.constant 0 : i32
      %dma_wait3A_370 = arith.constant 1 : i32
      %dma_wait3A_371 = arith.constant 0 : i32
      %dma_wait3A_372 = arith.constant 0 : i32
      %dma_wait3A_373 = tpu.memref_slice %arg8[%dma_wait3A_370, %dma_wait3A_371, %dma_wait3A_372] : memref<4x128x32xf32, #tpu.memory_space<vmem>> -> memref<1x128x32xf32, #tpu.memory_space<vmem>>
      %dma_wait3A_374 = tpu.memref_squeeze %dma_wait3A_373 : memref<1x128x32xf32, #tpu.memory_space<vmem>> -> memref<128x32xf32, #tpu.memory_space<vmem>>
      %dma_wait3A_375 = arith.constant 0 : i32
      %dma_wait3A_376 = tpu.memref_slice %arg6[%dma_wait3A_369, %dma_wait3A_375] : memref<160x128xi32, #tpu.memory_space<vmem>> -> memref<1x128xi32, #tpu.memory_space<vmem>>
      %dma_wait3A_377 = tpu.memref_squeeze %dma_wait3A_376 : memref<1x128xi32, #tpu.memory_space<vmem>> -> memref<128xi32, #tpu.memory_space<vmem>>
      %dma_wait3A_378 = arith.constant 0 : i32
      %dma_wait3A_379 = arith.constant 0 : i32
      %dma_wait3A_380 = tpu.memref_slice %arg18[%dma_wait3A_378, %dma_wait3A_379] : memref<10112x32xf32, #tpu.memory_space<vmem_shared>> -> memref<10112x32xf32, #tpu.memory_space<vmem_shared>>
      tpu.wait_indirect_dma semaphore(%arg10 : memref<!tpu.dma_semaphore, #tpu.memory_space<semaphore_mem>>) src(%dma_wait3A_380 : memref<10112x32xf32, #tpu.memory_space<vmem_shared>>) dst(%dma_wait3A_374 : memref<128x32xf32, #tpu.memory_space<vmem>>)
      %dma_start3A_381 = arith.constant 1 : i32
      %dma_start3A_382 = arith.constant 0 : i32
      %dma_start3A_383 = arith.constant 0 : i32
      %dma_start3A_384 = tpu.memref_slice %arg8[%dma_start3A_381, %dma_start3A_382, %dma_start3A_383] : memref<4x128x32xf32, #tpu.memory_space<vmem>> -> memref<1x128x32xf32, #tpu.memory_space<vmem>>
      %dma_start3A_385 = tpu.memref_squeeze %dma_start3A_384 : memref<1x128x32xf32, #tpu.memory_space<vmem>> -> memref<128x32xf32, #tpu.memory_space<vmem>>
      %dma_start3A_386 = arith.constant 0 : i32
      %dma_start3A_387 = tpu.memref_slice %arg7[%add3A_368, %dma_start3A_386] : memref<160x128xi32, #tpu.memory_space<vmem>> -> memref<1x128xi32, #tpu.memory_space<vmem>>
      %dma_start3A_388 = tpu.memref_squeeze %dma_start3A_387 : memref<1x128xi32, #tpu.memory_space<vmem>> -> memref<128xi32, #tpu.memory_space<vmem>>
      %dma_start3A_389 = arith.constant 0 : i32
      %dma_start3A_390 = arith.constant 0 : i32
      %dma_start3A_391 = tpu.memref_slice %arg17[%dma_start3A_389, %dma_start3A_390] : memref<10112x32xf32, #tpu.memory_space<vmem_shared>> -> memref<10112x32xf32, #tpu.memory_space<vmem_shared>>
      tpu.enqueue_indirect_dma source(%dma_start3A_385 : memref<128x32xf32, #tpu.memory_space<vmem>>) target(%dma_start3A_391 : memref<10112x32xf32, #tpu.memory_space<vmem_shared>>) offsets(%dma_start3A_388 : memref<128xi32, #tpu.memory_space<vmem>>) semaphore(%arg14 : memref<!tpu.dma_semaphore, #tpu.memory_space<semaphore_mem>>) {add = true}
      %dma_wait3A_392 = arith.constant 3 : i32
      %dma_wait3A_393 = arith.constant 0 : i32
      %dma_wait3A_394 = arith.constant 0 : i32
      %dma_wait3A_395 = arith.constant 0 : i32
      %dma_wait3A_396 = tpu.memref_slice %arg8[%dma_wait3A_392, %dma_wait3A_394, %dma_wait3A_395] : memref<4x128x32xf32, #tpu.memory_space<vmem>> -> memref<1x128x32xf32, #tpu.memory_space<vmem>>
      %dma_wait3A_397 = tpu.memref_squeeze %dma_wait3A_396 : memref<1x128x32xf32, #tpu.memory_space<vmem>> -> memref<128x32xf32, #tpu.memory_space<vmem>>
      %dma_wait3A_398 = arith.constant 0 : i32
      %dma_wait3A_399 = tpu.memref_slice %arg7[%dma_wait3A_393, %dma_wait3A_398] : memref<160x128xi32, #tpu.memory_space<vmem>> -> memref<1x128xi32, #tpu.memory_space<vmem>>
      %dma_wait3A_400 = tpu.memref_squeeze %dma_wait3A_399 : memref<1x128xi32, #tpu.memory_space<vmem>> -> memref<128xi32, #tpu.memory_space<vmem>>
      %dma_wait3A_401 = arith.constant 0 : i32
      %dma_wait3A_402 = arith.constant 0 : i32
      %dma_wait3A_403 = tpu.memref_slice %arg17[%dma_wait3A_401, %dma_wait3A_402] : memref<10112x32xf32, #tpu.memory_space<vmem_shared>> -> memref<10112x32xf32, #tpu.memory_space<vmem_shared>>
      tpu.wait_indirect_dma semaphore(%arg16 : memref<!tpu.dma_semaphore, #tpu.memory_space<semaphore_mem>>) src(%dma_wait3A_397 : memref<128x32xf32, #tpu.memory_space<vmem>>) dst(%dma_wait3A_403 : memref<10112x32xf32, #tpu.memory_space<vmem_shared>>)
      %add3A_404 = arith.constant 2 : i32
      %add3A_405 = arith.addi %add3A_368, %add3A_404 : i32
      %dma_start3A_406 = arith.constant 3 : i32
      %dma_start3A_407 = arith.constant 0 : i32
      %dma_start3A_408 = arith.constant 0 : i32
      %dma_start3A_409 = tpu.memref_slice %arg8[%dma_start3A_406, %dma_start3A_407, %dma_start3A_408] : memref<4x128x32xf32, #tpu.memory_space<vmem>> -> memref<1x128x32xf32, #tpu.memory_space<vmem>>
      %dma_start3A_410 = tpu.memref_squeeze %dma_start3A_409 : memref<1x128x32xf32, #tpu.memory_space<vmem>> -> memref<128x32xf32, #tpu.memory_space<vmem>>
      %dma_start3A_411 = arith.constant 0 : i32
      %dma_start3A_412 = tpu.memref_slice %arg6[%add3A_405, %dma_start3A_411] : memref<160x128xi32, #tpu.memory_space<vmem>> -> memref<1x128xi32, #tpu.memory_space<vmem>>
      %dma_start3A_413 = tpu.memref_squeeze %dma_start3A_412 : memref<1x128xi32, #tpu.memory_space<vmem>> -> memref<128xi32, #tpu.memory_space<vmem>>
      %dma_start3A_414 = arith.constant 0 : i32
      %dma_start3A_415 = arith.constant 0 : i32
      %dma_start3A_416 = tpu.memref_slice %arg18[%dma_start3A_414, %dma_start3A_415] : memref<10112x32xf32, #tpu.memory_space<vmem_shared>> -> memref<10112x32xf32, #tpu.memory_space<vmem_shared>>
      tpu.enqueue_indirect_dma source(%dma_start3A_416 : memref<10112x32xf32, #tpu.memory_space<vmem_shared>>) target(%dma_start3A_410 : memref<128x32xf32, #tpu.memory_space<vmem>>) offsets(%dma_start3A_413 : memref<128xi32, #tpu.memory_space<vmem>>) semaphore(%arg12 : memref<!tpu.dma_semaphore, #tpu.memory_space<semaphore_mem>>)
      %scan3A_417 = arith.constant 0 : i32
      scf.yield %scan3A_417 : i32
    }
    %scan3A_102 = arith.constant 39 : i32
    %dma_wait3A_103 = arith.constant 0 : i32
    %dma_wait3A_104 = arith.constant 2 : i32
    %dma_wait3A_105 = arith.constant 0 : i32
    %dma_wait3A_106 = arith.constant 0 : i32
    %dma_wait3A_107 = tpu.memref_slice %arg8[%dma_wait3A_104, %dma_wait3A_105, %dma_wait3A_106] : memref<4x128x32xf32, #tpu.memory_space<vmem>> -> memref<1x128x32xf32, #tpu.memory_space<vmem>>
    %dma_wait3A_108 = tpu.memref_squeeze %dma_wait3A_107 : memref<1x128x32xf32, #tpu.memory_space<vmem>> -> memref<128x32xf32, #tpu.memory_space<vmem>>
    %dma_wait3A_109 = arith.constant 0 : i32
    %dma_wait3A_110 = tpu.memref_slice %arg6[%dma_wait3A_103, %dma_wait3A_109] : memref<160x128xi32, #tpu.memory_space<vmem>> -> memref<1x128xi32, #tpu.memory_space<vmem>>
    %dma_wait3A_111 = tpu.memref_squeeze %dma_wait3A_110 : memref<1x128xi32, #tpu.memory_space<vmem>> -> memref<128xi32, #tpu.memory_space<vmem>>
    %dma_wait3A_112 = arith.constant 0 : i32
    %dma_wait3A_113 = arith.constant 0 : i32
    %dma_wait3A_114 = tpu.memref_slice %arg18[%dma_wait3A_112, %dma_wait3A_113] : memref<10112x32xf32, #tpu.memory_space<vmem_shared>> -> memref<10112x32xf32, #tpu.memory_space<vmem_shared>>
    tpu.wait_indirect_dma semaphore(%arg11 : memref<!tpu.dma_semaphore, #tpu.memory_space<semaphore_mem>>) src(%dma_wait3A_114 : memref<10112x32xf32, #tpu.memory_space<vmem_shared>>) dst(%dma_wait3A_108 : memref<128x32xf32, #tpu.memory_space<vmem>>)
    %dma_start3A_115 = arith.constant 2 : i32
    %dma_start3A_116 = arith.constant 158 : i32
    %dma_start3A_117 = arith.constant 0 : i32
    %dma_start3A_118 = arith.constant 0 : i32
    %dma_start3A_119 = tpu.memref_slice %arg8[%dma_start3A_115, %dma_start3A_117, %dma_start3A_118] : memref<4x128x32xf32, #tpu.memory_space<vmem>> -> memref<1x128x32xf32, #tpu.memory_space<vmem>>
    %dma_start3A_120 = tpu.memref_squeeze %dma_start3A_119 : memref<1x128x32xf32, #tpu.memory_space<vmem>> -> memref<128x32xf32, #tpu.memory_space<vmem>>
    %dma_start3A_121 = arith.constant 0 : i32
    %dma_start3A_122 = tpu.memref_slice %arg7[%dma_start3A_116, %dma_start3A_121] : memref<160x128xi32, #tpu.memory_space<vmem>> -> memref<1x128xi32, #tpu.memory_space<vmem>>
    %dma_start3A_123 = tpu.memref_squeeze %dma_start3A_122 : memref<1x128xi32, #tpu.memory_space<vmem>> -> memref<128xi32, #tpu.memory_space<vmem>>
    %dma_start3A_124 = arith.constant 0 : i32
    %dma_start3A_125 = arith.constant 0 : i32
    %dma_start3A_126 = tpu.memref_slice %arg17[%dma_start3A_124, %dma_start3A_125] : memref<10112x32xf32, #tpu.memory_space<vmem_shared>> -> memref<10112x32xf32, #tpu.memory_space<vmem_shared>>
    tpu.enqueue_indirect_dma source(%dma_start3A_120 : memref<128x32xf32, #tpu.memory_space<vmem>>) target(%dma_start3A_126 : memref<10112x32xf32, #tpu.memory_space<vmem_shared>>) offsets(%dma_start3A_123 : memref<128xi32, #tpu.memory_space<vmem>>) semaphore(%arg15 : memref<!tpu.dma_semaphore, #tpu.memory_space<semaphore_mem>>) {add = true}
    %dma_wait3A_127 = arith.constant 0 : i32
    %dma_wait3A_128 = arith.constant 0 : i32
    %dma_wait3A_129 = arith.constant 0 : i32
    %dma_wait3A_130 = arith.constant 0 : i32
    %dma_wait3A_131 = tpu.memref_slice %arg8[%dma_wait3A_127, %dma_wait3A_129, %dma_wait3A_130] : memref<4x128x32xf32, #tpu.memory_space<vmem>> -> memref<1x128x32xf32, #tpu.memory_space<vmem>>
    %dma_wait3A_132 = tpu.memref_squeeze %dma_wait3A_131 : memref<1x128x32xf32, #tpu.memory_space<vmem>> -> memref<128x32xf32, #tpu.memory_space<vmem>>
    %dma_wait3A_133 = arith.constant 0 : i32
    %dma_wait3A_134 = tpu.memref_slice %arg7[%dma_wait3A_128, %dma_wait3A_133] : memref<160x128xi32, #tpu.memory_space<vmem>> -> memref<1x128xi32, #tpu.memory_space<vmem>>
    %dma_wait3A_135 = tpu.memref_squeeze %dma_wait3A_134 : memref<1x128xi32, #tpu.memory_space<vmem>> -> memref<128xi32, #tpu.memory_space<vmem>>
    %dma_wait3A_136 = arith.constant 0 : i32
    %dma_wait3A_137 = arith.constant 0 : i32
    %dma_wait3A_138 = tpu.memref_slice %arg17[%dma_wait3A_136, %dma_wait3A_137] : memref<10112x32xf32, #tpu.memory_space<vmem_shared>> -> memref<10112x32xf32, #tpu.memory_space<vmem_shared>>
    tpu.wait_indirect_dma semaphore(%arg13 : memref<!tpu.dma_semaphore, #tpu.memory_space<semaphore_mem>>) src(%dma_wait3A_132 : memref<128x32xf32, #tpu.memory_space<vmem>>) dst(%dma_wait3A_138 : memref<10112x32xf32, #tpu.memory_space<vmem_shared>>)
    %dma_wait3A_139 = arith.constant 0 : i32
    %dma_wait3A_140 = arith.constant 3 : i32
    %dma_wait3A_141 = arith.constant 0 : i32
    %dma_wait3A_142 = arith.constant 0 : i32
    %dma_wait3A_143 = tpu.memref_slice %arg8[%dma_wait3A_140, %dma_wait3A_141, %dma_wait3A_142] : memref<4x128x32xf32, #tpu.memory_space<vmem>> -> memref<1x128x32xf32, #tpu.memory_space<vmem>>
    %dma_wait3A_144 = tpu.memref_squeeze %dma_wait3A_143 : memref<1x128x32xf32, #tpu.memory_space<vmem>> -> memref<128x32xf32, #tpu.memory_space<vmem>>
    %dma_wait3A_145 = arith.constant 0 : i32
    %dma_wait3A_146 = tpu.memref_slice %arg6[%dma_wait3A_139, %dma_wait3A_145] : memref<160x128xi32, #tpu.memory_space<vmem>> -> memref<1x128xi32, #tpu.memory_space<vmem>>
    %dma_wait3A_147 = tpu.memref_squeeze %dma_wait3A_146 : memref<1x128xi32, #tpu.memory_space<vmem>> -> memref<128xi32, #tpu.memory_space<vmem>>
    %dma_wait3A_148 = arith.constant 0 : i32
    %dma_wait3A_149 = arith.constant 0 : i32
    %dma_wait3A_150 = tpu.memref_slice %arg18[%dma_wait3A_148, %dma_wait3A_149] : memref<10112x32xf32, #tpu.memory_space<vmem_shared>> -> memref<10112x32xf32, #tpu.memory_space<vmem_shared>>
    tpu.wait_indirect_dma semaphore(%arg12 : memref<!tpu.dma_semaphore, #tpu.memory_space<semaphore_mem>>) src(%dma_wait3A_150 : memref<10112x32xf32, #tpu.memory_space<vmem_shared>>) dst(%dma_wait3A_144 : memref<128x32xf32, #tpu.memory_space<vmem>>)
    %dma_start3A_151 = arith.constant 3 : i32
    %dma_start3A_152 = arith.constant 159 : i32
    %dma_start3A_153 = arith.constant 0 : i32
    %dma_start3A_154 = arith.constant 0 : i32
    %dma_start3A_155 = tpu.memref_slice %arg8[%dma_start3A_151, %dma_start3A_153, %dma_start3A_154] : memref<4x128x32xf32, #tpu.memory_space<vmem>> -> memref<1x128x32xf32, #tpu.memory_space<vmem>>
    %dma_start3A_156 = tpu.memref_squeeze %dma_start3A_155 : memref<1x128x32xf32, #tpu.memory_space<vmem>> -> memref<128x32xf32, #tpu.memory_space<vmem>>
    %dma_start3A_157 = arith.constant 0 : i32
    %dma_start3A_158 = tpu.memref_slice %arg7[%dma_start3A_152, %dma_start3A_157] : memref<160x128xi32, #tpu.memory_space<vmem>> -> memref<1x128xi32, #tpu.memory_space<vmem>>
    %dma_start3A_159 = tpu.memref_squeeze %dma_start3A_158 : memref<1x128xi32, #tpu.memory_space<vmem>> -> memref<128xi32, #tpu.memory_space<vmem>>
    %dma_start3A_160 = arith.constant 0 : i32
    %dma_start3A_161 = arith.constant 0 : i32
    %dma_start3A_162 = tpu.memref_slice %arg17[%dma_start3A_160, %dma_start3A_161] : memref<10112x32xf32, #tpu.memory_space<vmem_shared>> -> memref<10112x32xf32, #tpu.memory_space<vmem_shared>>
    tpu.enqueue_indirect_dma source(%dma_start3A_156 : memref<128x32xf32, #tpu.memory_space<vmem>>) target(%dma_start3A_162 : memref<10112x32xf32, #tpu.memory_space<vmem_shared>>) offsets(%dma_start3A_159 : memref<128xi32, #tpu.memory_space<vmem>>) semaphore(%arg16 : memref<!tpu.dma_semaphore, #tpu.memory_space<semaphore_mem>>) {add = true}
    %dma_wait3A_163 = arith.constant 1 : i32
    %dma_wait3A_164 = arith.constant 0 : i32
    %dma_wait3A_165 = arith.constant 0 : i32
    %dma_wait3A_166 = arith.constant 0 : i32
    %dma_wait3A_167 = tpu.memref_slice %arg8[%dma_wait3A_163, %dma_wait3A_165, %dma_wait3A_166] : memref<4x128x32xf32, #tpu.memory_space<vmem>> -> memref<1x128x32xf32, #tpu.memory_space<vmem>>
    %dma_wait3A_168 = tpu.memref_squeeze %dma_wait3A_167 : memref<1x128x32xf32, #tpu.memory_space<vmem>> -> memref<128x32xf32, #tpu.memory_space<vmem>>
    %dma_wait3A_169 = arith.constant 0 : i32
    %dma_wait3A_170 = tpu.memref_slice %arg7[%dma_wait3A_164, %dma_wait3A_169] : memref<160x128xi32, #tpu.memory_space<vmem>> -> memref<1x128xi32, #tpu.memory_space<vmem>>
    %dma_wait3A_171 = tpu.memref_squeeze %dma_wait3A_170 : memref<1x128xi32, #tpu.memory_space<vmem>> -> memref<128xi32, #tpu.memory_space<vmem>>
    %dma_wait3A_172 = arith.constant 0 : i32
    %dma_wait3A_173 = arith.constant 0 : i32
    %dma_wait3A_174 = tpu.memref_slice %arg17[%dma_wait3A_172, %dma_wait3A_173] : memref<10112x32xf32, #tpu.memory_space<vmem_shared>> -> memref<10112x32xf32, #tpu.memory_space<vmem_shared>>
    tpu.wait_indirect_dma semaphore(%arg14 : memref<!tpu.dma_semaphore, #tpu.memory_space<semaphore_mem>>) src(%dma_wait3A_168 : memref<128x32xf32, #tpu.memory_space<vmem>>) dst(%dma_wait3A_174 : memref<10112x32xf32, #tpu.memory_space<vmem_shared>>)
    %dma_wait3A_175 = arith.constant 2 : i32
    %dma_wait3A_176 = arith.constant 0 : i32
    %dma_wait3A_177 = arith.constant 0 : i32
    %dma_wait3A_178 = arith.constant 0 : i32
    %dma_wait3A_179 = tpu.memref_slice %arg8[%dma_wait3A_175, %dma_wait3A_177, %dma_wait3A_178] : memref<4x128x32xf32, #tpu.memory_space<vmem>> -> memref<1x128x32xf32, #tpu.memory_space<vmem>>
    %dma_wait3A_180 = tpu.memref_squeeze %dma_wait3A_179 : memref<1x128x32xf32, #tpu.memory_space<vmem>> -> memref<128x32xf32, #tpu.memory_space<vmem>>
    %dma_wait3A_181 = arith.constant 0 : i32
    %dma_wait3A_182 = tpu.memref_slice %arg7[%dma_wait3A_176, %dma_wait3A_181] : memref<160x128xi32, #tpu.memory_space<vmem>> -> memref<1x128xi32, #tpu.memory_space<vmem>>
    %dma_wait3A_183 = tpu.memref_squeeze %dma_wait3A_182 : memref<1x128xi32, #tpu.memory_space<vmem>> -> memref<128xi32, #tpu.memory_space<vmem>>
    %dma_wait3A_184 = arith.constant 0 : i32
    %dma_wait3A_185 = arith.constant 0 : i32
    %dma_wait3A_186 = tpu.memref_slice %arg17[%dma_wait3A_184, %dma_wait3A_185] : memref<10112x32xf32, #tpu.memory_space<vmem_shared>> -> memref<10112x32xf32, #tpu.memory_space<vmem_shared>>
    tpu.wait_indirect_dma semaphore(%arg15 : memref<!tpu.dma_semaphore, #tpu.memory_space<semaphore_mem>>) src(%dma_wait3A_180 : memref<128x32xf32, #tpu.memory_space<vmem>>) dst(%dma_wait3A_186 : memref<10112x32xf32, #tpu.memory_space<vmem_shared>>)
    %dma_wait3A_187 = arith.constant 3 : i32
    %dma_wait3A_188 = arith.constant 0 : i32
    %dma_wait3A_189 = arith.constant 0 : i32
    %dma_wait3A_190 = arith.constant 0 : i32
    %dma_wait3A_191 = tpu.memref_slice %arg8[%dma_wait3A_187, %dma_wait3A_189, %dma_wait3A_190] : memref<4x128x32xf32, #tpu.memory_space<vmem>> -> memref<1x128x32xf32, #tpu.memory_space<vmem>>
    %dma_wait3A_192 = tpu.memref_squeeze %dma_wait3A_191 : memref<1x128x32xf32, #tpu.memory_space<vmem>> -> memref<128x32xf32, #tpu.memory_space<vmem>>
    %dma_wait3A_193 = arith.constant 0 : i32
    %dma_wait3A_194 = tpu.memref_slice %arg7[%dma_wait3A_188, %dma_wait3A_193] : memref<160x128xi32, #tpu.memory_space<vmem>> -> memref<1x128xi32, #tpu.memory_space<vmem>>
    %dma_wait3A_195 = tpu.memref_squeeze %dma_wait3A_194 : memref<1x128xi32, #tpu.memory_space<vmem>> -> memref<128xi32, #tpu.memory_space<vmem>>
    %dma_wait3A_196 = arith.constant 0 : i32
    %dma_wait3A_197 = arith.constant 0 : i32
    %dma_wait3A_198 = tpu.memref_slice %arg17[%dma_wait3A_196, %dma_wait3A_197] : memref<10112x32xf32, #tpu.memory_space<vmem_shared>> -> memref<10112x32xf32, #tpu.memory_space<vmem_shared>>
    tpu.wait_indirect_dma semaphore(%arg16 : memref<!tpu.dma_semaphore, #tpu.memory_space<semaphore_mem>>) src(%dma_wait3A_192 : memref<128x32xf32, #tpu.memory_space<vmem>>) dst(%dma_wait3A_198 : memref<10112x32xf32, #tpu.memory_space<vmem_shared>>)
    %barrier3A_199 = arith.constant 0 : index
    tpu.barrier barrier_id(%barrier3A_199)
    "tpu.region"() ({
      %run_scoped3A = tpu.sem_alloc : memref<!tpu.dma_semaphore, #tpu.memory_space<semaphore_mem>>
      %dma_start3A_200 = tpu.memref_slice %arg5[%mul3A_0, %mul3A_2] : memref<10112x128xf32, #tpu.memory_space<hbm>> -> memref<632x32xf32, #tpu.memory_space<hbm>>
      %dma_start3A_201 = arith.constant 0 : i32
      %dma_start3A_202 = tpu.memref_slice %arg17[%mul3A_0, %dma_start3A_201] : memref<10112x32xf32, #tpu.memory_space<vmem_shared>> -> memref<632x32xf32, #tpu.memory_space<vmem_shared>>
      tpu.enqueue_dma source(%dma_start3A_202 : memref<632x32xf32, #tpu.memory_space<vmem_shared>>) target(%dma_start3A_200 : memref<632x32xf32, #tpu.memory_space<hbm>>) target_semaphore(%run_scoped3A : memref<!tpu.dma_semaphore, #tpu.memory_space<semaphore_mem>>)
      %dma_wait3A_203 = tpu.memref_slice %arg5[%mul3A_0, %mul3A_2] : memref<10112x128xf32, #tpu.memory_space<hbm>> -> memref<632x32xf32, #tpu.memory_space<hbm>>
      %dma_wait3A_204 = arith.constant 0 : i32
      %dma_wait3A_205 = tpu.memref_slice %arg17[%mul3A_0, %dma_wait3A_204] : memref<10112x32xf32, #tpu.memory_space<vmem_shared>> -> memref<632x32xf32, #tpu.memory_space<vmem_shared>>
      tpu.wait_dma2 semaphore(%run_scoped3A : memref<!tpu.dma_semaphore, #tpu.memory_space<semaphore_mem>>) src(%dma_wait3A_205 : memref<632x32xf32, #tpu.memory_space<vmem_shared>>) dst(%dma_wait3A_203 : memref<632x32xf32, #tpu.memory_space<hbm>>)
      tpu.yield
    }) : () -> ()
    return
  }
}

#map = affine_map<(d0, d1) -> (0, 0, 0)>
#map1 = affine_map<(d0, d1) -> (0, 0)>
module attributes {stable_mosaic.version = 14 : i64} {
  func.func @_agg_body(%arg0: i32, %arg1: i32, %arg2: memref<16x160x128xi32, #tpu.memory_space<hbm>>, %arg3: memref<16x160x128xi32, #tpu.memory_space<hbm>>, %arg4: memref<10112x128xf32, #tpu.memory_space<hbm>>, %arg5: memref<10112x128xf32, #tpu.memory_space<hbm>>, %arg6: memref<160x128xi32, #tpu.memory_space<vmem>>, %arg7: memref<160x128xi32, #tpu.memory_space<vmem>>, %arg8: memref<4x128x32xf32, #tpu.memory_space<vmem>>, %arg9: memref<!tpu.dma_semaphore, #tpu.memory_space<semaphore_mem>>, %arg10: memref<!tpu.dma_semaphore, #tpu.memory_space<semaphore_mem>>, %arg11: memref<!tpu.dma_semaphore, #tpu.memory_space<semaphore_mem>>, %arg12: memref<!tpu.dma_semaphore, #tpu.memory_space<semaphore_mem>>, %arg13: memref<!tpu.dma_semaphore, #tpu.memory_space<semaphore_mem>>, %arg14: memref<!tpu.dma_semaphore, #tpu.memory_space<semaphore_mem>>, %arg15: memref<!tpu.dma_semaphore, #tpu.memory_space<semaphore_mem>>, %arg16: memref<!tpu.dma_semaphore, #tpu.memory_space<semaphore_mem>>, %arg17: memref<10112x32xf32, #tpu.memory_space<vmem_shared>>, %arg18: memref<10112x32xf32, #tpu.memory_space<vmem_shared>>) attributes {dimension_semantics = [#tpu.dimension_semantics<core_parallel>, #tpu.dimension_semantics<subcore_parallel>], iteration_bounds = array<i64: 2, 16>, scalar_prefetch = 0 : i64, scratch_operands = 13 : i64, tpu.core_type = #tpu.core_type<sc_vector_subcore>, window_params = [{transform_indices = #map}, {transform_indices = #map}, {transform_indices = #map1}, {transform_indices = #map1}]} {
    %mul3A = arith.constant 632 : i32
    %mul3A_0 = arith.muli %arg1, %mul3A : i32
    %mul3A_1 = arith.constant 32 : i32
    %mul3A_2 = arith.muli %arg0, %mul3A_1 : i32
    "tpu.region"() ({
      %run_scoped3A = tpu.sem_alloc : memref<!tpu.dma_semaphore, #tpu.memory_space<semaphore_mem>>
      %dma_start3A_200 = arith.constant 0 : i32
      %dma_start3A_201 = tpu.memref_slice %arg18[%mul3A_0, %dma_start3A_200] : memref<10112x32xf32, #tpu.memory_space<vmem_shared>> -> memref<632x32xf32, #tpu.memory_space<vmem_shared>>
      %dma_start3A_202 = tpu.memref_slice %arg4[%mul3A_0, %mul3A_2] : memref<10112x128xf32, #tpu.memory_space<hbm>> -> memref<632x32xf32, #tpu.memory_space<hbm>>
      tpu.enqueue_dma source(%dma_start3A_202 : memref<632x32xf32, #tpu.memory_space<hbm>>) target(%dma_start3A_201 : memref<632x32xf32, #tpu.memory_space<vmem_shared>>) target_semaphore(%run_scoped3A : memref<!tpu.dma_semaphore, #tpu.memory_space<semaphore_mem>>)
      %dma_wait3A_203 = arith.constant 0 : i32
      %dma_wait3A_204 = tpu.memref_slice %arg18[%mul3A_0, %dma_wait3A_203] : memref<10112x32xf32, #tpu.memory_space<vmem_shared>> -> memref<632x32xf32, #tpu.memory_space<vmem_shared>>
      %dma_wait3A_205 = tpu.memref_slice %arg4[%mul3A_0, %mul3A_2] : memref<10112x128xf32, #tpu.memory_space<hbm>> -> memref<632x32xf32, #tpu.memory_space<hbm>>
      tpu.wait_dma2 semaphore(%run_scoped3A : memref<!tpu.dma_semaphore, #tpu.memory_space<semaphore_mem>>) src(%dma_wait3A_205 : memref<632x32xf32, #tpu.memory_space<hbm>>) dst(%dma_wait3A_204 : memref<632x32xf32, #tpu.memory_space<vmem_shared>>)
      tpu.yield
    }) : () -> ()
    "tpu.region"() ({
      %run_scoped3A = tpu.sem_alloc : memref<!tpu.dma_semaphore, #tpu.memory_space<semaphore_mem>>
      %dma_start3A_200 = arith.constant 0 : i32
      %dma_start3A_201 = tpu.memref_slice %arg17[%mul3A_0, %dma_start3A_200] : memref<10112x32xf32, #tpu.memory_space<vmem_shared>> -> memref<632x32xf32, #tpu.memory_space<vmem_shared>>
      %dma_start3A_202 = tpu.memref_slice %arg4[%mul3A_0, %mul3A_2] : memref<10112x128xf32, #tpu.memory_space<hbm>> -> memref<632x32xf32, #tpu.memory_space<hbm>>
      tpu.enqueue_dma source(%dma_start3A_202 : memref<632x32xf32, #tpu.memory_space<hbm>>) target(%dma_start3A_201 : memref<632x32xf32, #tpu.memory_space<vmem_shared>>) target_semaphore(%run_scoped3A : memref<!tpu.dma_semaphore, #tpu.memory_space<semaphore_mem>>)
      %dma_wait3A_203 = arith.constant 0 : i32
      %dma_wait3A_204 = tpu.memref_slice %arg17[%mul3A_0, %dma_wait3A_203] : memref<10112x32xf32, #tpu.memory_space<vmem_shared>> -> memref<632x32xf32, #tpu.memory_space<vmem_shared>>
      %dma_wait3A_205 = tpu.memref_slice %arg4[%mul3A_0, %mul3A_2] : memref<10112x128xf32, #tpu.memory_space<hbm>> -> memref<632x32xf32, #tpu.memory_space<hbm>>
      tpu.wait_dma2 semaphore(%run_scoped3A : memref<!tpu.dma_semaphore, #tpu.memory_space<semaphore_mem>>) src(%dma_wait3A_205 : memref<632x32xf32, #tpu.memory_space<hbm>>) dst(%dma_wait3A_204 : memref<632x32xf32, #tpu.memory_space<vmem_shared>>)
      tpu.yield
    }) : () -> ()
    "tpu.region"() ({
      %run_scoped3A = tpu.sem_alloc : memref<!tpu.dma_semaphore, #tpu.memory_space<semaphore_mem>>
      %dma_start3A_200 = arith.constant 0 : i32
      %dma_start3A_201 = arith.constant 0 : i32
      %dma_start3A_202 = tpu.memref_slice %arg2[%arg1, %dma_start3A_200, %dma_start3A_201] : memref<16x160x128xi32, #tpu.memory_space<hbm>> -> memref<1x160x128xi32, #tpu.memory_space<hbm>>
      %dma_start3A_203 = tpu.memref_squeeze %dma_start3A_202 : memref<1x160x128xi32, #tpu.memory_space<hbm>> -> memref<160x128xi32, #tpu.memory_space<hbm>>
      %dma_start3A_204 = arith.constant 0 : i32
      %dma_start3A_205 = arith.constant 0 : i32
      %dma_start3A_206 = tpu.memref_slice %arg2[%arg1, %dma_start3A_204, %dma_start3A_205] : memref<16x160x128xi32, #tpu.memory_space<hbm>> -> memref<1x160x128xi32, #tpu.memory_space<hbm>>
      %dma_start3A_207 = tpu.memref_squeeze %dma_start3A_206 : memref<1x160x128xi32, #tpu.memory_space<hbm>> -> memref<160x128xi32, #tpu.memory_space<hbm>>
      tpu.enqueue_dma source(%dma_start3A_207 : memref<160x128xi32, #tpu.memory_space<hbm>>) target(%arg6 : memref<160x128xi32, #tpu.memory_space<vmem>>) target_semaphore(%run_scoped3A : memref<!tpu.dma_semaphore, #tpu.memory_space<semaphore_mem>>)
      %dma_wait3A_208 = arith.constant 0 : i32
      %dma_wait3A_209 = arith.constant 0 : i32
      %dma_wait3A_210 = tpu.memref_slice %arg2[%arg1, %dma_wait3A_208, %dma_wait3A_209] : memref<16x160x128xi32, #tpu.memory_space<hbm>> -> memref<1x160x128xi32, #tpu.memory_space<hbm>>
      %dma_wait3A_211 = tpu.memref_squeeze %dma_wait3A_210 : memref<1x160x128xi32, #tpu.memory_space<hbm>> -> memref<160x128xi32, #tpu.memory_space<hbm>>
      %dma_wait3A_212 = arith.constant 0 : i32
      %dma_wait3A_213 = arith.constant 0 : i32
      %dma_wait3A_214 = tpu.memref_slice %arg2[%arg1, %dma_wait3A_212, %dma_wait3A_213] : memref<16x160x128xi32, #tpu.memory_space<hbm>> -> memref<1x160x128xi32, #tpu.memory_space<hbm>>
      %dma_wait3A_215 = tpu.memref_squeeze %dma_wait3A_214 : memref<1x160x128xi32, #tpu.memory_space<hbm>> -> memref<160x128xi32, #tpu.memory_space<hbm>>
      tpu.wait_dma2 semaphore(%run_scoped3A : memref<!tpu.dma_semaphore, #tpu.memory_space<semaphore_mem>>) src(%dma_wait3A_215 : memref<160x128xi32, #tpu.memory_space<hbm>>) dst(%arg6 : memref<160x128xi32, #tpu.memory_space<vmem>>)
      tpu.yield
    }) : () -> ()
    "tpu.region"() ({
      %run_scoped3A = tpu.sem_alloc : memref<!tpu.dma_semaphore, #tpu.memory_space<semaphore_mem>>
      %dma_start3A_200 = arith.constant 0 : i32
      %dma_start3A_201 = arith.constant 0 : i32
      %dma_start3A_202 = tpu.memref_slice %arg3[%arg1, %dma_start3A_200, %dma_start3A_201] : memref<16x160x128xi32, #tpu.memory_space<hbm>> -> memref<1x160x128xi32, #tpu.memory_space<hbm>>
      %dma_start3A_203 = tpu.memref_squeeze %dma_start3A_202 : memref<1x160x128xi32, #tpu.memory_space<hbm>> -> memref<160x128xi32, #tpu.memory_space<hbm>>
      %dma_start3A_204 = arith.constant 0 : i32
      %dma_start3A_205 = arith.constant 0 : i32
      %dma_start3A_206 = tpu.memref_slice %arg3[%arg1, %dma_start3A_204, %dma_start3A_205] : memref<16x160x128xi32, #tpu.memory_space<hbm>> -> memref<1x160x128xi32, #tpu.memory_space<hbm>>
      %dma_start3A_207 = tpu.memref_squeeze %dma_start3A_206 : memref<1x160x128xi32, #tpu.memory_space<hbm>> -> memref<160x128xi32, #tpu.memory_space<hbm>>
      tpu.enqueue_dma source(%dma_start3A_207 : memref<160x128xi32, #tpu.memory_space<hbm>>) target(%arg7 : memref<160x128xi32, #tpu.memory_space<vmem>>) target_semaphore(%run_scoped3A : memref<!tpu.dma_semaphore, #tpu.memory_space<semaphore_mem>>)
      %dma_wait3A_208 = arith.constant 0 : i32
      %dma_wait3A_209 = arith.constant 0 : i32
      %dma_wait3A_210 = tpu.memref_slice %arg3[%arg1, %dma_wait3A_208, %dma_wait3A_209] : memref<16x160x128xi32, #tpu.memory_space<hbm>> -> memref<1x160x128xi32, #tpu.memory_space<hbm>>
      %dma_wait3A_211 = tpu.memref_squeeze %dma_wait3A_210 : memref<1x160x128xi32, #tpu.memory_space<hbm>> -> memref<160x128xi32, #tpu.memory_space<hbm>>
      %dma_wait3A_212 = arith.constant 0 : i32
      %dma_wait3A_213 = arith.constant 0 : i32
      %dma_wait3A_214 = tpu.memref_slice %arg3[%arg1, %dma_wait3A_212, %dma_wait3A_213] : memref<16x160x128xi32, #tpu.memory_space<hbm>> -> memref<1x160x128xi32, #tpu.memory_space<hbm>>
      %dma_wait3A_215 = tpu.memref_squeeze %dma_wait3A_214 : memref<1x160x128xi32, #tpu.memory_space<hbm>> -> memref<160x128xi32, #tpu.memory_space<hbm>>
      tpu.wait_dma2 semaphore(%run_scoped3A : memref<!tpu.dma_semaphore, #tpu.memory_space<semaphore_mem>>) src(%dma_wait3A_215 : memref<160x128xi32, #tpu.memory_space<hbm>>) dst(%arg7 : memref<160x128xi32, #tpu.memory_space<vmem>>)
      tpu.yield
    }) : () -> ()
    %barrier3A = arith.constant 0 : index
    tpu.barrier barrier_id(%barrier3A)
    %dma_start3A = arith.constant 0 : i32
    %dma_start3A_3 = arith.constant 0 : i32
    %dma_start3A_4 = arith.constant 0 : i32
    %dma_start3A_5 = arith.constant 0 : i32
    %dma_start3A_6 = tpu.memref_slice %arg8[%dma_start3A_3, %dma_start3A_4, %dma_start3A_5] : memref<4x128x32xf32, #tpu.memory_space<vmem>> -> memref<1x128x32xf32, #tpu.memory_space<vmem>>
    %dma_start3A_7 = tpu.memref_squeeze %dma_start3A_6 : memref<1x128x32xf32, #tpu.memory_space<vmem>> -> memref<128x32xf32, #tpu.memory_space<vmem>>
    %dma_start3A_8 = arith.constant 0 : i32
    %dma_start3A_9 = tpu.memref_slice %arg6[%dma_start3A, %dma_start3A_8] : memref<160x128xi32, #tpu.memory_space<vmem>> -> memref<1x128xi32, #tpu.memory_space<vmem>>
    %dma_start3A_10 = tpu.memref_squeeze %dma_start3A_9 : memref<1x128xi32, #tpu.memory_space<vmem>> -> memref<128xi32, #tpu.memory_space<vmem>>
    %dma_start3A_11 = arith.constant 0 : i32
    %dma_start3A_12 = arith.constant 0 : i32
    %dma_start3A_13 = tpu.memref_slice %arg18[%dma_start3A_11, %dma_start3A_12] : memref<10112x32xf32, #tpu.memory_space<vmem_shared>> -> memref<10112x32xf32, #tpu.memory_space<vmem_shared>>
    tpu.enqueue_indirect_dma source(%dma_start3A_13 : memref<10112x32xf32, #tpu.memory_space<vmem_shared>>) target(%dma_start3A_7 : memref<128x32xf32, #tpu.memory_space<vmem>>) offsets(%dma_start3A_10 : memref<128xi32, #tpu.memory_space<vmem>>) semaphore(%arg9 : memref<!tpu.dma_semaphore, #tpu.memory_space<semaphore_mem>>)
    %dma_start3A_14 = arith.constant 1 : i32
    %dma_start3A_15 = arith.constant 1 : i32
    %dma_start3A_16 = arith.constant 0 : i32
    %dma_start3A_17 = arith.constant 0 : i32
    %dma_start3A_18 = tpu.memref_slice %arg8[%dma_start3A_15, %dma_start3A_16, %dma_start3A_17] : memref<4x128x32xf32, #tpu.memory_space<vmem>> -> memref<1x128x32xf32, #tpu.memory_space<vmem>>
    %dma_start3A_19 = tpu.memref_squeeze %dma_start3A_18 : memref<1x128x32xf32, #tpu.memory_space<vmem>> -> memref<128x32xf32, #tpu.memory_space<vmem>>
    %dma_start3A_20 = arith.constant 0 : i32
    %dma_start3A_21 = tpu.memref_slice %arg6[%dma_start3A_14, %dma_start3A_20] : memref<160x128xi32, #tpu.memory_space<vmem>> -> memref<1x128xi32, #tpu.memory_space<vmem>>
    %dma_start3A_22 = tpu.memref_squeeze %dma_start3A_21 : memref<1x128xi32, #tpu.memory_space<vmem>> -> memref<128xi32, #tpu.memory_space<vmem>>
    %dma_start3A_23 = arith.constant 0 : i32
    %dma_start3A_24 = arith.constant 0 : i32
    %dma_start3A_25 = tpu.memref_slice %arg18[%dma_start3A_23, %dma_start3A_24] : memref<10112x32xf32, #tpu.memory_space<vmem_shared>> -> memref<10112x32xf32, #tpu.memory_space<vmem_shared>>
    tpu.enqueue_indirect_dma source(%dma_start3A_25 : memref<10112x32xf32, #tpu.memory_space<vmem_shared>>) target(%dma_start3A_19 : memref<128x32xf32, #tpu.memory_space<vmem>>) offsets(%dma_start3A_22 : memref<128xi32, #tpu.memory_space<vmem>>) semaphore(%arg10 : memref<!tpu.dma_semaphore, #tpu.memory_space<semaphore_mem>>)
    %dma_wait3A = arith.constant 0 : i32
    %dma_wait3A_26 = arith.constant 0 : i32
    %dma_wait3A_27 = arith.constant 0 : i32
    %dma_wait3A_28 = arith.constant 0 : i32
    %dma_wait3A_29 = tpu.memref_slice %arg8[%dma_wait3A_26, %dma_wait3A_27, %dma_wait3A_28] : memref<4x128x32xf32, #tpu.memory_space<vmem>> -> memref<1x128x32xf32, #tpu.memory_space<vmem>>
    %dma_wait3A_30 = tpu.memref_squeeze %dma_wait3A_29 : memref<1x128x32xf32, #tpu.memory_space<vmem>> -> memref<128x32xf32, #tpu.memory_space<vmem>>
    %dma_wait3A_31 = arith.constant 0 : i32
    %dma_wait3A_32 = tpu.memref_slice %arg6[%dma_wait3A, %dma_wait3A_31] : memref<160x128xi32, #tpu.memory_space<vmem>> -> memref<1x128xi32, #tpu.memory_space<vmem>>
    %dma_wait3A_33 = tpu.memref_squeeze %dma_wait3A_32 : memref<1x128xi32, #tpu.memory_space<vmem>> -> memref<128xi32, #tpu.memory_space<vmem>>
    %dma_wait3A_34 = arith.constant 0 : i32
    %dma_wait3A_35 = arith.constant 0 : i32
    %dma_wait3A_36 = tpu.memref_slice %arg18[%dma_wait3A_34, %dma_wait3A_35] : memref<10112x32xf32, #tpu.memory_space<vmem_shared>> -> memref<10112x32xf32, #tpu.memory_space<vmem_shared>>
    tpu.wait_indirect_dma semaphore(%arg9 : memref<!tpu.dma_semaphore, #tpu.memory_space<semaphore_mem>>) src(%dma_wait3A_36 : memref<10112x32xf32, #tpu.memory_space<vmem_shared>>) dst(%dma_wait3A_30 : memref<128x32xf32, #tpu.memory_space<vmem>>)
    %dma_start3A_37 = arith.constant 0 : i32
    %dma_start3A_38 = arith.constant 0 : i32
    %dma_start3A_39 = arith.constant 0 : i32
    %dma_start3A_40 = arith.constant 0 : i32
    %dma_start3A_41 = tpu.memref_slice %arg8[%dma_start3A_37, %dma_start3A_39, %dma_start3A_40] : memref<4x128x32xf32, #tpu.memory_space<vmem>> -> memref<1x128x32xf32, #tpu.memory_space<vmem>>
    %dma_start3A_42 = tpu.memref_squeeze %dma_start3A_41 : memref<1x128x32xf32, #tpu.memory_space<vmem>> -> memref<128x32xf32, #tpu.memory_space<vmem>>
    %dma_start3A_43 = arith.constant 0 : i32
    %dma_start3A_44 = tpu.memref_slice %arg7[%dma_start3A_38, %dma_start3A_43] : memref<160x128xi32, #tpu.memory_space<vmem>> -> memref<1x128xi32, #tpu.memory_space<vmem>>
    %dma_start3A_45 = tpu.memref_squeeze %dma_start3A_44 : memref<1x128xi32, #tpu.memory_space<vmem>> -> memref<128xi32, #tpu.memory_space<vmem>>
    %dma_start3A_46 = arith.constant 0 : i32
    %dma_start3A_47 = arith.constant 0 : i32
    %dma_start3A_48 = tpu.memref_slice %arg17[%dma_start3A_46, %dma_start3A_47] : memref<10112x32xf32, #tpu.memory_space<vmem_shared>> -> memref<10112x32xf32, #tpu.memory_space<vmem_shared>>
    tpu.enqueue_indirect_dma source(%dma_start3A_42 : memref<128x32xf32, #tpu.memory_space<vmem>>) target(%dma_start3A_48 : memref<10112x32xf32, #tpu.memory_space<vmem_shared>>) offsets(%dma_start3A_45 : memref<128xi32, #tpu.memory_space<vmem>>) semaphore(%arg13 : memref<!tpu.dma_semaphore, #tpu.memory_space<semaphore_mem>>) {add = true}
    %dma_start3A_49 = arith.constant 2 : i32
    %dma_start3A_50 = arith.constant 2 : i32
    %dma_start3A_51 = arith.constant 0 : i32
    %dma_start3A_52 = arith.constant 0 : i32
    %dma_start3A_53 = tpu.memref_slice %arg8[%dma_start3A_50, %dma_start3A_51, %dma_start3A_52] : memref<4x128x32xf32, #tpu.memory_space<vmem>> -> memref<1x128x32xf32, #tpu.memory_space<vmem>>
    %dma_start3A_54 = tpu.memref_squeeze %dma_start3A_53 : memref<1x128x32xf32, #tpu.memory_space<vmem>> -> memref<128x32xf32, #tpu.memory_space<vmem>>
    %dma_start3A_55 = arith.constant 0 : i32
    %dma_start3A_56 = tpu.memref_slice %arg6[%dma_start3A_49, %dma_start3A_55] : memref<160x128xi32, #tpu.memory_space<vmem>> -> memref<1x128xi32, #tpu.memory_space<vmem>>
    %dma_start3A_57 = tpu.memref_squeeze %dma_start3A_56 : memref<1x128xi32, #tpu.memory_space<vmem>> -> memref<128xi32, #tpu.memory_space<vmem>>
    %dma_start3A_58 = arith.constant 0 : i32
    %dma_start3A_59 = arith.constant 0 : i32
    %dma_start3A_60 = tpu.memref_slice %arg18[%dma_start3A_58, %dma_start3A_59] : memref<10112x32xf32, #tpu.memory_space<vmem_shared>> -> memref<10112x32xf32, #tpu.memory_space<vmem_shared>>
    tpu.enqueue_indirect_dma source(%dma_start3A_60 : memref<10112x32xf32, #tpu.memory_space<vmem_shared>>) target(%dma_start3A_54 : memref<128x32xf32, #tpu.memory_space<vmem>>) offsets(%dma_start3A_57 : memref<128xi32, #tpu.memory_space<vmem>>) semaphore(%arg11 : memref<!tpu.dma_semaphore, #tpu.memory_space<semaphore_mem>>)
    %dma_wait3A_61 = arith.constant 0 : i32
    %dma_wait3A_62 = arith.constant 1 : i32
    %dma_wait3A_63 = arith.constant 0 : i32
    %dma_wait3A_64 = arith.constant 0 : i32
    %dma_wait3A_65 = tpu.memref_slice %arg8[%dma_wait3A_62, %dma_wait3A_63, %dma_wait3A_64] : memref<4x128x32xf32, #tpu.memory_space<vmem>> -> memref<1x128x32xf32, #tpu.memory_space<vmem>>
    %dma_wait3A_66 = tpu.memref_squeeze %dma_wait3A_65 : memref<1x128x32xf32, #tpu.memory_space<vmem>> -> memref<128x32xf32, #tpu.memory_space<vmem>>
    %dma_wait3A_67 = arith.constant 0 : i32
    %dma_wait3A_68 = tpu.memref_slice %arg6[%dma_wait3A_61, %dma_wait3A_67] : memref<160x128xi32, #tpu.memory_space<vmem>> -> memref<1x128xi32, #tpu.memory_space<vmem>>
    %dma_wait3A_69 = tpu.memref_squeeze %dma_wait3A_68 : memref<1x128xi32, #tpu.memory_space<vmem>> -> memref<128xi32, #tpu.memory_space<vmem>>
    %dma_wait3A_70 = arith.constant 0 : i32
    %dma_wait3A_71 = arith.constant 0 : i32
    %dma_wait3A_72 = tpu.memref_slice %arg18[%dma_wait3A_70, %dma_wait3A_71] : memref<10112x32xf32, #tpu.memory_space<vmem_shared>> -> memref<10112x32xf32, #tpu.memory_space<vmem_shared>>
    tpu.wait_indirect_dma semaphore(%arg10 : memref<!tpu.dma_semaphore, #tpu.memory_space<semaphore_mem>>) src(%dma_wait3A_72 : memref<10112x32xf32, #tpu.memory_space<vmem_shared>>) dst(%dma_wait3A_66 : memref<128x32xf32, #tpu.memory_space<vmem>>)
    %dma_start3A_73 = arith.constant 1 : i32
    %dma_start3A_74 = arith.constant 1 : i32
    %dma_start3A_75 = arith.constant 0 : i32
    %dma_start3A_76 = arith.constant 0 : i32
    %dma_start3A_77 = tpu.memref_slice %arg8[%dma_start3A_73, %dma_start3A_75, %dma_start3A_76] : memref<4x128x32xf32, #tpu.memory_space<vmem>> -> memref<1x128x32xf32, #tpu.memory_space<vmem>>
    %dma_start3A_78 = tpu.memref_squeeze %dma_start3A_77 : memref<1x128x32xf32, #tpu.memory_space<vmem>> -> memref<128x32xf32, #tpu.memory_space<vmem>>
    %dma_start3A_79 = arith.constant 0 : i32
    %dma_start3A_80 = tpu.memref_slice %arg7[%dma_start3A_74, %dma_start3A_79] : memref<160x128xi32, #tpu.memory_space<vmem>> -> memref<1x128xi32, #tpu.memory_space<vmem>>
    %dma_start3A_81 = tpu.memref_squeeze %dma_start3A_80 : memref<1x128xi32, #tpu.memory_space<vmem>> -> memref<128xi32, #tpu.memory_space<vmem>>
    %dma_start3A_82 = arith.constant 0 : i32
    %dma_start3A_83 = arith.constant 0 : i32
    %dma_start3A_84 = tpu.memref_slice %arg17[%dma_start3A_82, %dma_start3A_83] : memref<10112x32xf32, #tpu.memory_space<vmem_shared>> -> memref<10112x32xf32, #tpu.memory_space<vmem_shared>>
    tpu.enqueue_indirect_dma source(%dma_start3A_78 : memref<128x32xf32, #tpu.memory_space<vmem>>) target(%dma_start3A_84 : memref<10112x32xf32, #tpu.memory_space<vmem_shared>>) offsets(%dma_start3A_81 : memref<128xi32, #tpu.memory_space<vmem>>) semaphore(%arg14 : memref<!tpu.dma_semaphore, #tpu.memory_space<semaphore_mem>>) {add = true}
    %dma_start3A_85 = arith.constant 3 : i32
    %dma_start3A_86 = arith.constant 3 : i32
    %dma_start3A_87 = arith.constant 0 : i32
    %dma_start3A_88 = arith.constant 0 : i32
    %dma_start3A_89 = tpu.memref_slice %arg8[%dma_start3A_86, %dma_start3A_87, %dma_start3A_88] : memref<4x128x32xf32, #tpu.memory_space<vmem>> -> memref<1x128x32xf32, #tpu.memory_space<vmem>>
    %dma_start3A_90 = tpu.memref_squeeze %dma_start3A_89 : memref<1x128x32xf32, #tpu.memory_space<vmem>> -> memref<128x32xf32, #tpu.memory_space<vmem>>
    %dma_start3A_91 = arith.constant 0 : i32
    %dma_start3A_92 = tpu.memref_slice %arg6[%dma_start3A_85, %dma_start3A_91] : memref<160x128xi32, #tpu.memory_space<vmem>> -> memref<1x128xi32, #tpu.memory_space<vmem>>
    %dma_start3A_93 = tpu.memref_squeeze %dma_start3A_92 : memref<1x128xi32, #tpu.memory_space<vmem>> -> memref<128xi32, #tpu.memory_space<vmem>>
    %dma_start3A_94 = arith.constant 0 : i32
    %dma_start3A_95 = arith.constant 0 : i32
    %dma_start3A_96 = tpu.memref_slice %arg18[%dma_start3A_94, %dma_start3A_95] : memref<10112x32xf32, #tpu.memory_space<vmem_shared>> -> memref<10112x32xf32, #tpu.memory_space<vmem_shared>>
    tpu.enqueue_indirect_dma source(%dma_start3A_96 : memref<10112x32xf32, #tpu.memory_space<vmem_shared>>) target(%dma_start3A_90 : memref<128x32xf32, #tpu.memory_space<vmem>>) offsets(%dma_start3A_93 : memref<128xi32, #tpu.memory_space<vmem>>) semaphore(%arg12 : memref<!tpu.dma_semaphore, #tpu.memory_space<semaphore_mem>>)
    %scan3A = arith.constant 0 : i32
    %scan3A_97 = arith.constant 0 : i32
    %scan3A_98 = arith.constant 39 : i32
    %scan3A_99 = arith.addi %scan3A_97, %scan3A_98 : i32
    %scan3A_100 = arith.constant 1 : i32
    %scan3A_101 = scf.for %scan3A_200 = %scan3A_97 to %scan3A_99 step %scan3A_100 iter_args(%scan3A_201 = %scan3A) -> (i32)  : i32 {
      %mul3A_202 = arith.constant 4 : i32
      %mul3A_203 = arith.muli %mul3A_202, %scan3A_200 : i32
      %add3A = arith.constant 2 : i32
      %add3A_204 = arith.addi %mul3A_203, %add3A : i32
      %add3A_205 = arith.constant 0 : i32
      %add3A_206 = arith.addi %add3A_204, %add3A_205 : i32
      %dma_wait3A_207 = arith.constant 0 : i32
      %dma_wait3A_208 = arith.constant 2 : i32
      %dma_wait3A_209 = arith.constant 0 : i32
      %dma_wait3A_210 = arith.constant 0 : i32
      %dma_wait3A_211 = tpu.memref_slice %arg8[%dma_wait3A_208, %dma_wait3A_209, %dma_wait3A_210] : memref<4x128x32xf32, #tpu.memory_space<vmem>> -> memref<1x128x32xf32, #tpu.memory_space<vmem>>
      %dma_wait3A_212 = tpu.memref_squeeze %dma_wait3A_211 : memref<1x128x32xf32, #tpu.memory_space<vmem>> -> memref<128x32xf32, #tpu.memory_space<vmem>>
      %dma_wait3A_213 = arith.constant 0 : i32
      %dma_wait3A_214 = tpu.memref_slice %arg6[%dma_wait3A_207, %dma_wait3A_213] : memref<160x128xi32, #tpu.memory_space<vmem>> -> memref<1x128xi32, #tpu.memory_space<vmem>>
      %dma_wait3A_215 = tpu.memref_squeeze %dma_wait3A_214 : memref<1x128xi32, #tpu.memory_space<vmem>> -> memref<128xi32, #tpu.memory_space<vmem>>
      %dma_wait3A_216 = arith.constant 0 : i32
      %dma_wait3A_217 = arith.constant 0 : i32
      %dma_wait3A_218 = tpu.memref_slice %arg18[%dma_wait3A_216, %dma_wait3A_217] : memref<10112x32xf32, #tpu.memory_space<vmem_shared>> -> memref<10112x32xf32, #tpu.memory_space<vmem_shared>>
      tpu.wait_indirect_dma semaphore(%arg11 : memref<!tpu.dma_semaphore, #tpu.memory_space<semaphore_mem>>) src(%dma_wait3A_218 : memref<10112x32xf32, #tpu.memory_space<vmem_shared>>) dst(%dma_wait3A_212 : memref<128x32xf32, #tpu.memory_space<vmem>>)
      %dma_start3A_219 = arith.constant 2 : i32
      %dma_start3A_220 = arith.constant 0 : i32
      %dma_start3A_221 = arith.constant 0 : i32
      %dma_start3A_222 = tpu.memref_slice %arg8[%dma_start3A_219, %dma_start3A_220, %dma_start3A_221] : memref<4x128x32xf32, #tpu.memory_space<vmem>> -> memref<1x128x32xf32, #tpu.memory_space<vmem>>
      %dma_start3A_223 = tpu.memref_squeeze %dma_start3A_222 : memref<1x128x32xf32, #tpu.memory_space<vmem>> -> memref<128x32xf32, #tpu.memory_space<vmem>>
      %dma_start3A_224 = arith.constant 0 : i32
      %dma_start3A_225 = tpu.memref_slice %arg7[%add3A_206, %dma_start3A_224] : memref<160x128xi32, #tpu.memory_space<vmem>> -> memref<1x128xi32, #tpu.memory_space<vmem>>
      %dma_start3A_226 = tpu.memref_squeeze %dma_start3A_225 : memref<1x128xi32, #tpu.memory_space<vmem>> -> memref<128xi32, #tpu.memory_space<vmem>>
      %dma_start3A_227 = arith.constant 0 : i32
      %dma_start3A_228 = arith.constant 0 : i32
      %dma_start3A_229 = tpu.memref_slice %arg17[%dma_start3A_227, %dma_start3A_228] : memref<10112x32xf32, #tpu.memory_space<vmem_shared>> -> memref<10112x32xf32, #tpu.memory_space<vmem_shared>>
      tpu.enqueue_indirect_dma source(%dma_start3A_223 : memref<128x32xf32, #tpu.memory_space<vmem>>) target(%dma_start3A_229 : memref<10112x32xf32, #tpu.memory_space<vmem_shared>>) offsets(%dma_start3A_226 : memref<128xi32, #tpu.memory_space<vmem>>) semaphore(%arg15 : memref<!tpu.dma_semaphore, #tpu.memory_space<semaphore_mem>>) {add = true}
      %dma_wait3A_230 = arith.constant 0 : i32
      %dma_wait3A_231 = arith.constant 0 : i32
      %dma_wait3A_232 = arith.constant 0 : i32
      %dma_wait3A_233 = arith.constant 0 : i32
      %dma_wait3A_234 = tpu.memref_slice %arg8[%dma_wait3A_230, %dma_wait3A_232, %dma_wait3A_233] : memref<4x128x32xf32, #tpu.memory_space<vmem>> -> memref<1x128x32xf32, #tpu.memory_space<vmem>>
      %dma_wait3A_235 = tpu.memref_squeeze %dma_wait3A_234 : memref<1x128x32xf32, #tpu.memory_space<vmem>> -> memref<128x32xf32, #tpu.memory_space<vmem>>
      %dma_wait3A_236 = arith.constant 0 : i32
      %dma_wait3A_237 = tpu.memref_slice %arg7[%dma_wait3A_231, %dma_wait3A_236] : memref<160x128xi32, #tpu.memory_space<vmem>> -> memref<1x128xi32, #tpu.memory_space<vmem>>
      %dma_wait3A_238 = tpu.memref_squeeze %dma_wait3A_237 : memref<1x128xi32, #tpu.memory_space<vmem>> -> memref<128xi32, #tpu.memory_space<vmem>>
      %dma_wait3A_239 = arith.constant 0 : i32
      %dma_wait3A_240 = arith.constant 0 : i32
      %dma_wait3A_241 = tpu.memref_slice %arg17[%dma_wait3A_239, %dma_wait3A_240] : memref<10112x32xf32, #tpu.memory_space<vmem_shared>> -> memref<10112x32xf32, #tpu.memory_space<vmem_shared>>
      tpu.wait_indirect_dma semaphore(%arg13 : memref<!tpu.dma_semaphore, #tpu.memory_space<semaphore_mem>>) src(%dma_wait3A_235 : memref<128x32xf32, #tpu.memory_space<vmem>>) dst(%dma_wait3A_241 : memref<10112x32xf32, #tpu.memory_space<vmem_shared>>)
      %add3A_242 = arith.constant 2 : i32
      %add3A_243 = arith.addi %add3A_206, %add3A_242 : i32
      %dma_start3A_244 = arith.constant 0 : i32
      %dma_start3A_245 = arith.constant 0 : i32
      %dma_start3A_246 = arith.constant 0 : i32
      %dma_start3A_247 = tpu.memref_slice %arg8[%dma_start3A_244, %dma_start3A_245, %dma_start3A_246] : memref<4x128x32xf32, #tpu.memory_space<vmem>> -> memref<1x128x32xf32, #tpu.memory_space<vmem>>
      %dma_start3A_248 = tpu.memref_squeeze %dma_start3A_247 : memref<1x128x32xf32, #tpu.memory_space<vmem>> -> memref<128x32xf32, #tpu.memory_space<vmem>>
      %dma_start3A_249 = arith.constant 0 : i32
      %dma_start3A_250 = tpu.memref_slice %arg6[%add3A_243, %dma_start3A_249] : memref<160x128xi32, #tpu.memory_space<vmem>> -> memref<1x128xi32, #tpu.memory_space<vmem>>
      %dma_start3A_251 = tpu.memref_squeeze %dma_start3A_250 : memref<1x128xi32, #tpu.memory_space<vmem>> -> memref<128xi32, #tpu.memory_space<vmem>>
      %dma_start3A_252 = arith.constant 0 : i32
      %dma_start3A_253 = arith.constant 0 : i32
      %dma_start3A_254 = tpu.memref_slice %arg18[%dma_start3A_252, %dma_start3A_253] : memref<10112x32xf32, #tpu.memory_space<vmem_shared>> -> memref<10112x32xf32, #tpu.memory_space<vmem_shared>>
      tpu.enqueue_indirect_dma source(%dma_start3A_254 : memref<10112x32xf32, #tpu.memory_space<vmem_shared>>) target(%dma_start3A_248 : memref<128x32xf32, #tpu.memory_space<vmem>>) offsets(%dma_start3A_251 : memref<128xi32, #tpu.memory_space<vmem>>) semaphore(%arg9 : memref<!tpu.dma_semaphore, #tpu.memory_space<semaphore_mem>>)
      %mul3A_255 = arith.constant 4 : i32
      %mul3A_256 = arith.muli %mul3A_255, %scan3A_200 : i32
      %add3A_257 = arith.constant 2 : i32
      %add3A_258 = arith.addi %mul3A_256, %add3A_257 : i32
      %add3A_259 = arith.constant 1 : i32
      %add3A_260 = arith.addi %add3A_258, %add3A_259 : i32
      %dma_wait3A_261 = arith.constant 0 : i32
      %dma_wait3A_262 = arith.constant 3 : i32
      %dma_wait3A_263 = arith.constant 0 : i32
      %dma_wait3A_264 = arith.constant 0 : i32
      %dma_wait3A_265 = tpu.memref_slice %arg8[%dma_wait3A_262, %dma_wait3A_263, %dma_wait3A_264] : memref<4x128x32xf32, #tpu.memory_space<vmem>> -> memref<1x128x32xf32, #tpu.memory_space<vmem>>
      %dma_wait3A_266 = tpu.memref_squeeze %dma_wait3A_265 : memref<1x128x32xf32, #tpu.memory_space<vmem>> -> memref<128x32xf32, #tpu.memory_space<vmem>>
      %dma_wait3A_267 = arith.constant 0 : i32
      %dma_wait3A_268 = tpu.memref_slice %arg6[%dma_wait3A_261, %dma_wait3A_267] : memref<160x128xi32, #tpu.memory_space<vmem>> -> memref<1x128xi32, #tpu.memory_space<vmem>>
      %dma_wait3A_269 = tpu.memref_squeeze %dma_wait3A_268 : memref<1x128xi32, #tpu.memory_space<vmem>> -> memref<128xi32, #tpu.memory_space<vmem>>
      %dma_wait3A_270 = arith.constant 0 : i32
      %dma_wait3A_271 = arith.constant 0 : i32
      %dma_wait3A_272 = tpu.memref_slice %arg18[%dma_wait3A_270, %dma_wait3A_271] : memref<10112x32xf32, #tpu.memory_space<vmem_shared>> -> memref<10112x32xf32, #tpu.memory_space<vmem_shared>>
      tpu.wait_indirect_dma semaphore(%arg12 : memref<!tpu.dma_semaphore, #tpu.memory_space<semaphore_mem>>) src(%dma_wait3A_272 : memref<10112x32xf32, #tpu.memory_space<vmem_shared>>) dst(%dma_wait3A_266 : memref<128x32xf32, #tpu.memory_space<vmem>>)
      %dma_start3A_273 = arith.constant 3 : i32
      %dma_start3A_274 = arith.constant 0 : i32
      %dma_start3A_275 = arith.constant 0 : i32
      %dma_start3A_276 = tpu.memref_slice %arg8[%dma_start3A_273, %dma_start3A_274, %dma_start3A_275] : memref<4x128x32xf32, #tpu.memory_space<vmem>> -> memref<1x128x32xf32, #tpu.memory_space<vmem>>
      %dma_start3A_277 = tpu.memref_squeeze %dma_start3A_276 : memref<1x128x32xf32, #tpu.memory_space<vmem>> -> memref<128x32xf32, #tpu.memory_space<vmem>>
      %dma_start3A_278 = arith.constant 0 : i32
      %dma_start3A_279 = tpu.memref_slice %arg7[%add3A_260, %dma_start3A_278] : memref<160x128xi32, #tpu.memory_space<vmem>> -> memref<1x128xi32, #tpu.memory_space<vmem>>
      %dma_start3A_280 = tpu.memref_squeeze %dma_start3A_279 : memref<1x128xi32, #tpu.memory_space<vmem>> -> memref<128xi32, #tpu.memory_space<vmem>>
      %dma_start3A_281 = arith.constant 0 : i32
      %dma_start3A_282 = arith.constant 0 : i32
      %dma_start3A_283 = tpu.memref_slice %arg17[%dma_start3A_281, %dma_start3A_282] : memref<10112x32xf32, #tpu.memory_space<vmem_shared>> -> memref<10112x32xf32, #tpu.memory_space<vmem_shared>>
      tpu.enqueue_indirect_dma source(%dma_start3A_277 : memref<128x32xf32, #tpu.memory_space<vmem>>) target(%dma_start3A_283 : memref<10112x32xf32, #tpu.memory_space<vmem_shared>>) offsets(%dma_start3A_280 : memref<128xi32, #tpu.memory_space<vmem>>) semaphore(%arg16 : memref<!tpu.dma_semaphore, #tpu.memory_space<semaphore_mem>>) {add = true}
      %dma_wait3A_284 = arith.constant 1 : i32
      %dma_wait3A_285 = arith.constant 0 : i32
      %dma_wait3A_286 = arith.constant 0 : i32
      %dma_wait3A_287 = arith.constant 0 : i32
      %dma_wait3A_288 = tpu.memref_slice %arg8[%dma_wait3A_284, %dma_wait3A_286, %dma_wait3A_287] : memref<4x128x32xf32, #tpu.memory_space<vmem>> -> memref<1x128x32xf32, #tpu.memory_space<vmem>>
      %dma_wait3A_289 = tpu.memref_squeeze %dma_wait3A_288 : memref<1x128x32xf32, #tpu.memory_space<vmem>> -> memref<128x32xf32, #tpu.memory_space<vmem>>
      %dma_wait3A_290 = arith.constant 0 : i32
      %dma_wait3A_291 = tpu.memref_slice %arg7[%dma_wait3A_285, %dma_wait3A_290] : memref<160x128xi32, #tpu.memory_space<vmem>> -> memref<1x128xi32, #tpu.memory_space<vmem>>
      %dma_wait3A_292 = tpu.memref_squeeze %dma_wait3A_291 : memref<1x128xi32, #tpu.memory_space<vmem>> -> memref<128xi32, #tpu.memory_space<vmem>>
      %dma_wait3A_293 = arith.constant 0 : i32
      %dma_wait3A_294 = arith.constant 0 : i32
      %dma_wait3A_295 = tpu.memref_slice %arg17[%dma_wait3A_293, %dma_wait3A_294] : memref<10112x32xf32, #tpu.memory_space<vmem_shared>> -> memref<10112x32xf32, #tpu.memory_space<vmem_shared>>
      tpu.wait_indirect_dma semaphore(%arg14 : memref<!tpu.dma_semaphore, #tpu.memory_space<semaphore_mem>>) src(%dma_wait3A_289 : memref<128x32xf32, #tpu.memory_space<vmem>>) dst(%dma_wait3A_295 : memref<10112x32xf32, #tpu.memory_space<vmem_shared>>)
      %add3A_296 = arith.constant 2 : i32
      %add3A_297 = arith.addi %add3A_260, %add3A_296 : i32
      %dma_start3A_298 = arith.constant 1 : i32
      %dma_start3A_299 = arith.constant 0 : i32
      %dma_start3A_300 = arith.constant 0 : i32
      %dma_start3A_301 = tpu.memref_slice %arg8[%dma_start3A_298, %dma_start3A_299, %dma_start3A_300] : memref<4x128x32xf32, #tpu.memory_space<vmem>> -> memref<1x128x32xf32, #tpu.memory_space<vmem>>
      %dma_start3A_302 = tpu.memref_squeeze %dma_start3A_301 : memref<1x128x32xf32, #tpu.memory_space<vmem>> -> memref<128x32xf32, #tpu.memory_space<vmem>>
      %dma_start3A_303 = arith.constant 0 : i32
      %dma_start3A_304 = tpu.memref_slice %arg6[%add3A_297, %dma_start3A_303] : memref<160x128xi32, #tpu.memory_space<vmem>> -> memref<1x128xi32, #tpu.memory_space<vmem>>
      %dma_start3A_305 = tpu.memref_squeeze %dma_start3A_304 : memref<1x128xi32, #tpu.memory_space<vmem>> -> memref<128xi32, #tpu.memory_space<vmem>>
      %dma_start3A_306 = arith.constant 0 : i32
      %dma_start3A_307 = arith.constant 0 : i32
      %dma_start3A_308 = tpu.memref_slice %arg18[%dma_start3A_306, %dma_start3A_307] : memref<10112x32xf32, #tpu.memory_space<vmem_shared>> -> memref<10112x32xf32, #tpu.memory_space<vmem_shared>>
      tpu.enqueue_indirect_dma source(%dma_start3A_308 : memref<10112x32xf32, #tpu.memory_space<vmem_shared>>) target(%dma_start3A_302 : memref<128x32xf32, #tpu.memory_space<vmem>>) offsets(%dma_start3A_305 : memref<128xi32, #tpu.memory_space<vmem>>) semaphore(%arg10 : memref<!tpu.dma_semaphore, #tpu.memory_space<semaphore_mem>>)
      %mul3A_309 = arith.constant 4 : i32
      %mul3A_310 = arith.muli %mul3A_309, %scan3A_200 : i32
      %add3A_311 = arith.constant 2 : i32
      %add3A_312 = arith.addi %mul3A_310, %add3A_311 : i32
      %add3A_313 = arith.constant 2 : i32
      %add3A_314 = arith.addi %add3A_312, %add3A_313 : i32
      %dma_wait3A_315 = arith.constant 0 : i32
      %dma_wait3A_316 = arith.constant 0 : i32
      %dma_wait3A_317 = arith.constant 0 : i32
      %dma_wait3A_318 = arith.constant 0 : i32
      %dma_wait3A_319 = tpu.memref_slice %arg8[%dma_wait3A_316, %dma_wait3A_317, %dma_wait3A_318] : memref<4x128x32xf32, #tpu.memory_space<vmem>> -> memref<1x128x32xf32, #tpu.memory_space<vmem>>
      %dma_wait3A_320 = tpu.memref_squeeze %dma_wait3A_319 : memref<1x128x32xf32, #tpu.memory_space<vmem>> -> memref<128x32xf32, #tpu.memory_space<vmem>>
      %dma_wait3A_321 = arith.constant 0 : i32
      %dma_wait3A_322 = tpu.memref_slice %arg6[%dma_wait3A_315, %dma_wait3A_321] : memref<160x128xi32, #tpu.memory_space<vmem>> -> memref<1x128xi32, #tpu.memory_space<vmem>>
      %dma_wait3A_323 = tpu.memref_squeeze %dma_wait3A_322 : memref<1x128xi32, #tpu.memory_space<vmem>> -> memref<128xi32, #tpu.memory_space<vmem>>
      %dma_wait3A_324 = arith.constant 0 : i32
      %dma_wait3A_325 = arith.constant 0 : i32
      %dma_wait3A_326 = tpu.memref_slice %arg18[%dma_wait3A_324, %dma_wait3A_325] : memref<10112x32xf32, #tpu.memory_space<vmem_shared>> -> memref<10112x32xf32, #tpu.memory_space<vmem_shared>>
      tpu.wait_indirect_dma semaphore(%arg9 : memref<!tpu.dma_semaphore, #tpu.memory_space<semaphore_mem>>) src(%dma_wait3A_326 : memref<10112x32xf32, #tpu.memory_space<vmem_shared>>) dst(%dma_wait3A_320 : memref<128x32xf32, #tpu.memory_space<vmem>>)
      %dma_start3A_327 = arith.constant 0 : i32
      %dma_start3A_328 = arith.constant 0 : i32
      %dma_start3A_329 = arith.constant 0 : i32
      %dma_start3A_330 = tpu.memref_slice %arg8[%dma_start3A_327, %dma_start3A_328, %dma_start3A_329] : memref<4x128x32xf32, #tpu.memory_space<vmem>> -> memref<1x128x32xf32, #tpu.memory_space<vmem>>
      %dma_start3A_331 = tpu.memref_squeeze %dma_start3A_330 : memref<1x128x32xf32, #tpu.memory_space<vmem>> -> memref<128x32xf32, #tpu.memory_space<vmem>>
      %dma_start3A_332 = arith.constant 0 : i32
      %dma_start3A_333 = tpu.memref_slice %arg7[%add3A_314, %dma_start3A_332] : memref<160x128xi32, #tpu.memory_space<vmem>> -> memref<1x128xi32, #tpu.memory_space<vmem>>
      %dma_start3A_334 = tpu.memref_squeeze %dma_start3A_333 : memref<1x128xi32, #tpu.memory_space<vmem>> -> memref<128xi32, #tpu.memory_space<vmem>>
      %dma_start3A_335 = arith.constant 0 : i32
      %dma_start3A_336 = arith.constant 0 : i32
      %dma_start3A_337 = tpu.memref_slice %arg17[%dma_start3A_335, %dma_start3A_336] : memref<10112x32xf32, #tpu.memory_space<vmem_shared>> -> memref<10112x32xf32, #tpu.memory_space<vmem_shared>>
      tpu.enqueue_indirect_dma source(%dma_start3A_331 : memref<128x32xf32, #tpu.memory_space<vmem>>) target(%dma_start3A_337 : memref<10112x32xf32, #tpu.memory_space<vmem_shared>>) offsets(%dma_start3A_334 : memref<128xi32, #tpu.memory_space<vmem>>) semaphore(%arg13 : memref<!tpu.dma_semaphore, #tpu.memory_space<semaphore_mem>>) {add = true}
      %dma_wait3A_338 = arith.constant 2 : i32
      %dma_wait3A_339 = arith.constant 0 : i32
      %dma_wait3A_340 = arith.constant 0 : i32
      %dma_wait3A_341 = arith.constant 0 : i32
      %dma_wait3A_342 = tpu.memref_slice %arg8[%dma_wait3A_338, %dma_wait3A_340, %dma_wait3A_341] : memref<4x128x32xf32, #tpu.memory_space<vmem>> -> memref<1x128x32xf32, #tpu.memory_space<vmem>>
      %dma_wait3A_343 = tpu.memref_squeeze %dma_wait3A_342 : memref<1x128x32xf32, #tpu.memory_space<vmem>> -> memref<128x32xf32, #tpu.memory_space<vmem>>
      %dma_wait3A_344 = arith.constant 0 : i32
      %dma_wait3A_345 = tpu.memref_slice %arg7[%dma_wait3A_339, %dma_wait3A_344] : memref<160x128xi32, #tpu.memory_space<vmem>> -> memref<1x128xi32, #tpu.memory_space<vmem>>
      %dma_wait3A_346 = tpu.memref_squeeze %dma_wait3A_345 : memref<1x128xi32, #tpu.memory_space<vmem>> -> memref<128xi32, #tpu.memory_space<vmem>>
      %dma_wait3A_347 = arith.constant 0 : i32
      %dma_wait3A_348 = arith.constant 0 : i32
      %dma_wait3A_349 = tpu.memref_slice %arg17[%dma_wait3A_347, %dma_wait3A_348] : memref<10112x32xf32, #tpu.memory_space<vmem_shared>> -> memref<10112x32xf32, #tpu.memory_space<vmem_shared>>
      tpu.wait_indirect_dma semaphore(%arg15 : memref<!tpu.dma_semaphore, #tpu.memory_space<semaphore_mem>>) src(%dma_wait3A_343 : memref<128x32xf32, #tpu.memory_space<vmem>>) dst(%dma_wait3A_349 : memref<10112x32xf32, #tpu.memory_space<vmem_shared>>)
      %add3A_350 = arith.constant 2 : i32
      %add3A_351 = arith.addi %add3A_314, %add3A_350 : i32
      %dma_start3A_352 = arith.constant 2 : i32
      %dma_start3A_353 = arith.constant 0 : i32
      %dma_start3A_354 = arith.constant 0 : i32
      %dma_start3A_355 = tpu.memref_slice %arg8[%dma_start3A_352, %dma_start3A_353, %dma_start3A_354] : memref<4x128x32xf32, #tpu.memory_space<vmem>> -> memref<1x128x32xf32, #tpu.memory_space<vmem>>
      %dma_start3A_356 = tpu.memref_squeeze %dma_start3A_355 : memref<1x128x32xf32, #tpu.memory_space<vmem>> -> memref<128x32xf32, #tpu.memory_space<vmem>>
      %dma_start3A_357 = arith.constant 0 : i32
      %dma_start3A_358 = tpu.memref_slice %arg6[%add3A_351, %dma_start3A_357] : memref<160x128xi32, #tpu.memory_space<vmem>> -> memref<1x128xi32, #tpu.memory_space<vmem>>
      %dma_start3A_359 = tpu.memref_squeeze %dma_start3A_358 : memref<1x128xi32, #tpu.memory_space<vmem>> -> memref<128xi32, #tpu.memory_space<vmem>>
      %dma_start3A_360 = arith.constant 0 : i32
      %dma_start3A_361 = arith.constant 0 : i32
      %dma_start3A_362 = tpu.memref_slice %arg18[%dma_start3A_360, %dma_start3A_361] : memref<10112x32xf32, #tpu.memory_space<vmem_shared>> -> memref<10112x32xf32, #tpu.memory_space<vmem_shared>>
      tpu.enqueue_indirect_dma source(%dma_start3A_362 : memref<10112x32xf32, #tpu.memory_space<vmem_shared>>) target(%dma_start3A_356 : memref<128x32xf32, #tpu.memory_space<vmem>>) offsets(%dma_start3A_359 : memref<128xi32, #tpu.memory_space<vmem>>) semaphore(%arg11 : memref<!tpu.dma_semaphore, #tpu.memory_space<semaphore_mem>>)
      %mul3A_363 = arith.constant 4 : i32
      %mul3A_364 = arith.muli %mul3A_363, %scan3A_200 : i32
      %add3A_365 = arith.constant 2 : i32
      %add3A_366 = arith.addi %mul3A_364, %add3A_365 : i32
      %add3A_367 = arith.constant 3 : i32
      %add3A_368 = arith.addi %add3A_366, %add3A_367 : i32
      %dma_wait3A_369 = arith.constant 0 : i32
      %dma_wait3A_370 = arith.constant 1 : i32
      %dma_wait3A_371 = arith.constant 0 : i32
      %dma_wait3A_372 = arith.constant 0 : i32
      %dma_wait3A_373 = tpu.memref_slice %arg8[%dma_wait3A_370, %dma_wait3A_371, %dma_wait3A_372] : memref<4x128x32xf32, #tpu.memory_space<vmem>> -> memref<1x128x32xf32, #tpu.memory_space<vmem>>
      %dma_wait3A_374 = tpu.memref_squeeze %dma_wait3A_373 : memref<1x128x32xf32, #tpu.memory_space<vmem>> -> memref<128x32xf32, #tpu.memory_space<vmem>>
      %dma_wait3A_375 = arith.constant 0 : i32
      %dma_wait3A_376 = tpu.memref_slice %arg6[%dma_wait3A_369, %dma_wait3A_375] : memref<160x128xi32, #tpu.memory_space<vmem>> -> memref<1x128xi32, #tpu.memory_space<vmem>>
      %dma_wait3A_377 = tpu.memref_squeeze %dma_wait3A_376 : memref<1x128xi32, #tpu.memory_space<vmem>> -> memref<128xi32, #tpu.memory_space<vmem>>
      %dma_wait3A_378 = arith.constant 0 : i32
      %dma_wait3A_379 = arith.constant 0 : i32
      %dma_wait3A_380 = tpu.memref_slice %arg18[%dma_wait3A_378, %dma_wait3A_379] : memref<10112x32xf32, #tpu.memory_space<vmem_shared>> -> memref<10112x32xf32, #tpu.memory_space<vmem_shared>>
      tpu.wait_indirect_dma semaphore(%arg10 : memref<!tpu.dma_semaphore, #tpu.memory_space<semaphore_mem>>) src(%dma_wait3A_380 : memref<10112x32xf32, #tpu.memory_space<vmem_shared>>) dst(%dma_wait3A_374 : memref<128x32xf32, #tpu.memory_space<vmem>>)
      %dma_start3A_381 = arith.constant 1 : i32
      %dma_start3A_382 = arith.constant 0 : i32
      %dma_start3A_383 = arith.constant 0 : i32
      %dma_start3A_384 = tpu.memref_slice %arg8[%dma_start3A_381, %dma_start3A_382, %dma_start3A_383] : memref<4x128x32xf32, #tpu.memory_space<vmem>> -> memref<1x128x32xf32, #tpu.memory_space<vmem>>
      %dma_start3A_385 = tpu.memref_squeeze %dma_start3A_384 : memref<1x128x32xf32, #tpu.memory_space<vmem>> -> memref<128x32xf32, #tpu.memory_space<vmem>>
      %dma_start3A_386 = arith.constant 0 : i32
      %dma_start3A_387 = tpu.memref_slice %arg7[%add3A_368, %dma_start3A_386] : memref<160x128xi32, #tpu.memory_space<vmem>> -> memref<1x128xi32, #tpu.memory_space<vmem>>
      %dma_start3A_388 = tpu.memref_squeeze %dma_start3A_387 : memref<1x128xi32, #tpu.memory_space<vmem>> -> memref<128xi32, #tpu.memory_space<vmem>>
      %dma_start3A_389 = arith.constant 0 : i32
      %dma_start3A_390 = arith.constant 0 : i32
      %dma_start3A_391 = tpu.memref_slice %arg17[%dma_start3A_389, %dma_start3A_390] : memref<10112x32xf32, #tpu.memory_space<vmem_shared>> -> memref<10112x32xf32, #tpu.memory_space<vmem_shared>>
      tpu.enqueue_indirect_dma source(%dma_start3A_385 : memref<128x32xf32, #tpu.memory_space<vmem>>) target(%dma_start3A_391 : memref<10112x32xf32, #tpu.memory_space<vmem_shared>>) offsets(%dma_start3A_388 : memref<128xi32, #tpu.memory_space<vmem>>) semaphore(%arg14 : memref<!tpu.dma_semaphore, #tpu.memory_space<semaphore_mem>>) {add = true}
      %dma_wait3A_392 = arith.constant 3 : i32
      %dma_wait3A_393 = arith.constant 0 : i32
      %dma_wait3A_394 = arith.constant 0 : i32
      %dma_wait3A_395 = arith.constant 0 : i32
      %dma_wait3A_396 = tpu.memref_slice %arg8[%dma_wait3A_392, %dma_wait3A_394, %dma_wait3A_395] : memref<4x128x32xf32, #tpu.memory_space<vmem>> -> memref<1x128x32xf32, #tpu.memory_space<vmem>>
      %dma_wait3A_397 = tpu.memref_squeeze %dma_wait3A_396 : memref<1x128x32xf32, #tpu.memory_space<vmem>> -> memref<128x32xf32, #tpu.memory_space<vmem>>
      %dma_wait3A_398 = arith.constant 0 : i32
      %dma_wait3A_399 = tpu.memref_slice %arg7[%dma_wait3A_393, %dma_wait3A_398] : memref<160x128xi32, #tpu.memory_space<vmem>> -> memref<1x128xi32, #tpu.memory_space<vmem>>
      %dma_wait3A_400 = tpu.memref_squeeze %dma_wait3A_399 : memref<1x128xi32, #tpu.memory_space<vmem>> -> memref<128xi32, #tpu.memory_space<vmem>>
      %dma_wait3A_401 = arith.constant 0 : i32
      %dma_wait3A_402 = arith.constant 0 : i32
      %dma_wait3A_403 = tpu.memref_slice %arg17[%dma_wait3A_401, %dma_wait3A_402] : memref<10112x32xf32, #tpu.memory_space<vmem_shared>> -> memref<10112x32xf32, #tpu.memory_space<vmem_shared>>
      tpu.wait_indirect_dma semaphore(%arg16 : memref<!tpu.dma_semaphore, #tpu.memory_space<semaphore_mem>>) src(%dma_wait3A_397 : memref<128x32xf32, #tpu.memory_space<vmem>>) dst(%dma_wait3A_403 : memref<10112x32xf32, #tpu.memory_space<vmem_shared>>)
      %add3A_404 = arith.constant 2 : i32
      %add3A_405 = arith.addi %add3A_368, %add3A_404 : i32
      %dma_start3A_406 = arith.constant 3 : i32
      %dma_start3A_407 = arith.constant 0 : i32
      %dma_start3A_408 = arith.constant 0 : i32
      %dma_start3A_409 = tpu.memref_slice %arg8[%dma_start3A_406, %dma_start3A_407, %dma_start3A_408] : memref<4x128x32xf32, #tpu.memory_space<vmem>> -> memref<1x128x32xf32, #tpu.memory_space<vmem>>
      %dma_start3A_410 = tpu.memref_squeeze %dma_start3A_409 : memref<1x128x32xf32, #tpu.memory_space<vmem>> -> memref<128x32xf32, #tpu.memory_space<vmem>>
      %dma_start3A_411 = arith.constant 0 : i32
      %dma_start3A_412 = tpu.memref_slice %arg6[%add3A_405, %dma_start3A_411] : memref<160x128xi32, #tpu.memory_space<vmem>> -> memref<1x128xi32, #tpu.memory_space<vmem>>
      %dma_start3A_413 = tpu.memref_squeeze %dma_start3A_412 : memref<1x128xi32, #tpu.memory_space<vmem>> -> memref<128xi32, #tpu.memory_space<vmem>>
      %dma_start3A_414 = arith.constant 0 : i32
      %dma_start3A_415 = arith.constant 0 : i32
      %dma_start3A_416 = tpu.memref_slice %arg18[%dma_start3A_414, %dma_start3A_415] : memref<10112x32xf32, #tpu.memory_space<vmem_shared>> -> memref<10112x32xf32, #tpu.memory_space<vmem_shared>>
      tpu.enqueue_indirect_dma source(%dma_start3A_416 : memref<10112x32xf32, #tpu.memory_space<vmem_shared>>) target(%dma_start3A_410 : memref<128x32xf32, #tpu.memory_space<vmem>>) offsets(%dma_start3A_413 : memref<128xi32, #tpu.memory_space<vmem>>) semaphore(%arg12 : memref<!tpu.dma_semaphore, #tpu.memory_space<semaphore_mem>>)
      %scan3A_417 = arith.constant 0 : i32
      scf.yield %scan3A_417 : i32
    }
    %scan3A_102 = arith.constant 39 : i32
    %dma_wait3A_103 = arith.constant 0 : i32
    %dma_wait3A_104 = arith.constant 2 : i32
    %dma_wait3A_105 = arith.constant 0 : i32
    %dma_wait3A_106 = arith.constant 0 : i32
    %dma_wait3A_107 = tpu.memref_slice %arg8[%dma_wait3A_104, %dma_wait3A_105, %dma_wait3A_106] : memref<4x128x32xf32, #tpu.memory_space<vmem>> -> memref<1x128x32xf32, #tpu.memory_space<vmem>>
    %dma_wait3A_108 = tpu.memref_squeeze %dma_wait3A_107 : memref<1x128x32xf32, #tpu.memory_space<vmem>> -> memref<128x32xf32, #tpu.memory_space<vmem>>
    %dma_wait3A_109 = arith.constant 0 : i32
    %dma_wait3A_110 = tpu.memref_slice %arg6[%dma_wait3A_103, %dma_wait3A_109] : memref<160x128xi32, #tpu.memory_space<vmem>> -> memref<1x128xi32, #tpu.memory_space<vmem>>
    %dma_wait3A_111 = tpu.memref_squeeze %dma_wait3A_110 : memref<1x128xi32, #tpu.memory_space<vmem>> -> memref<128xi32, #tpu.memory_space<vmem>>
    %dma_wait3A_112 = arith.constant 0 : i32
    %dma_wait3A_113 = arith.constant 0 : i32
    %dma_wait3A_114 = tpu.memref_slice %arg18[%dma_wait3A_112, %dma_wait3A_113] : memref<10112x32xf32, #tpu.memory_space<vmem_shared>> -> memref<10112x32xf32, #tpu.memory_space<vmem_shared>>
    tpu.wait_indirect_dma semaphore(%arg11 : memref<!tpu.dma_semaphore, #tpu.memory_space<semaphore_mem>>) src(%dma_wait3A_114 : memref<10112x32xf32, #tpu.memory_space<vmem_shared>>) dst(%dma_wait3A_108 : memref<128x32xf32, #tpu.memory_space<vmem>>)
    %dma_start3A_115 = arith.constant 2 : i32
    %dma_start3A_116 = arith.constant 158 : i32
    %dma_start3A_117 = arith.constant 0 : i32
    %dma_start3A_118 = arith.constant 0 : i32
    %dma_start3A_119 = tpu.memref_slice %arg8[%dma_start3A_115, %dma_start3A_117, %dma_start3A_118] : memref<4x128x32xf32, #tpu.memory_space<vmem>> -> memref<1x128x32xf32, #tpu.memory_space<vmem>>
    %dma_start3A_120 = tpu.memref_squeeze %dma_start3A_119 : memref<1x128x32xf32, #tpu.memory_space<vmem>> -> memref<128x32xf32, #tpu.memory_space<vmem>>
    %dma_start3A_121 = arith.constant 0 : i32
    %dma_start3A_122 = tpu.memref_slice %arg7[%dma_start3A_116, %dma_start3A_121] : memref<160x128xi32, #tpu.memory_space<vmem>> -> memref<1x128xi32, #tpu.memory_space<vmem>>
    %dma_start3A_123 = tpu.memref_squeeze %dma_start3A_122 : memref<1x128xi32, #tpu.memory_space<vmem>> -> memref<128xi32, #tpu.memory_space<vmem>>
    %dma_start3A_124 = arith.constant 0 : i32
    %dma_start3A_125 = arith.constant 0 : i32
    %dma_start3A_126 = tpu.memref_slice %arg17[%dma_start3A_124, %dma_start3A_125] : memref<10112x32xf32, #tpu.memory_space<vmem_shared>> -> memref<10112x32xf32, #tpu.memory_space<vmem_shared>>
    tpu.enqueue_indirect_dma source(%dma_start3A_120 : memref<128x32xf32, #tpu.memory_space<vmem>>) target(%dma_start3A_126 : memref<10112x32xf32, #tpu.memory_space<vmem_shared>>) offsets(%dma_start3A_123 : memref<128xi32, #tpu.memory_space<vmem>>) semaphore(%arg15 : memref<!tpu.dma_semaphore, #tpu.memory_space<semaphore_mem>>) {add = true}
    %dma_wait3A_127 = arith.constant 0 : i32
    %dma_wait3A_128 = arith.constant 0 : i32
    %dma_wait3A_129 = arith.constant 0 : i32
    %dma_wait3A_130 = arith.constant 0 : i32
    %dma_wait3A_131 = tpu.memref_slice %arg8[%dma_wait3A_127, %dma_wait3A_129, %dma_wait3A_130] : memref<4x128x32xf32, #tpu.memory_space<vmem>> -> memref<1x128x32xf32, #tpu.memory_space<vmem>>
    %dma_wait3A_132 = tpu.memref_squeeze %dma_wait3A_131 : memref<1x128x32xf32, #tpu.memory_space<vmem>> -> memref<128x32xf32, #tpu.memory_space<vmem>>
    %dma_wait3A_133 = arith.constant 0 : i32
    %dma_wait3A_134 = tpu.memref_slice %arg7[%dma_wait3A_128, %dma_wait3A_133] : memref<160x128xi32, #tpu.memory_space<vmem>> -> memref<1x128xi32, #tpu.memory_space<vmem>>
    %dma_wait3A_135 = tpu.memref_squeeze %dma_wait3A_134 : memref<1x128xi32, #tpu.memory_space<vmem>> -> memref<128xi32, #tpu.memory_space<vmem>>
    %dma_wait3A_136 = arith.constant 0 : i32
    %dma_wait3A_137 = arith.constant 0 : i32
    %dma_wait3A_138 = tpu.memref_slice %arg17[%dma_wait3A_136, %dma_wait3A_137] : memref<10112x32xf32, #tpu.memory_space<vmem_shared>> -> memref<10112x32xf32, #tpu.memory_space<vmem_shared>>
    tpu.wait_indirect_dma semaphore(%arg13 : memref<!tpu.dma_semaphore, #tpu.memory_space<semaphore_mem>>) src(%dma_wait3A_132 : memref<128x32xf32, #tpu.memory_space<vmem>>) dst(%dma_wait3A_138 : memref<10112x32xf32, #tpu.memory_space<vmem_shared>>)
    %dma_wait3A_139 = arith.constant 0 : i32
    %dma_wait3A_140 = arith.constant 3 : i32
    %dma_wait3A_141 = arith.constant 0 : i32
    %dma_wait3A_142 = arith.constant 0 : i32
    %dma_wait3A_143 = tpu.memref_slice %arg8[%dma_wait3A_140, %dma_wait3A_141, %dma_wait3A_142] : memref<4x128x32xf32, #tpu.memory_space<vmem>> -> memref<1x128x32xf32, #tpu.memory_space<vmem>>
    %dma_wait3A_144 = tpu.memref_squeeze %dma_wait3A_143 : memref<1x128x32xf32, #tpu.memory_space<vmem>> -> memref<128x32xf32, #tpu.memory_space<vmem>>
    %dma_wait3A_145 = arith.constant 0 : i32
    %dma_wait3A_146 = tpu.memref_slice %arg6[%dma_wait3A_139, %dma_wait3A_145] : memref<160x128xi32, #tpu.memory_space<vmem>> -> memref<1x128xi32, #tpu.memory_space<vmem>>
    %dma_wait3A_147 = tpu.memref_squeeze %dma_wait3A_146 : memref<1x128xi32, #tpu.memory_space<vmem>> -> memref<128xi32, #tpu.memory_space<vmem>>
    %dma_wait3A_148 = arith.constant 0 : i32
    %dma_wait3A_149 = arith.constant 0 : i32
    %dma_wait3A_150 = tpu.memref_slice %arg18[%dma_wait3A_148, %dma_wait3A_149] : memref<10112x32xf32, #tpu.memory_space<vmem_shared>> -> memref<10112x32xf32, #tpu.memory_space<vmem_shared>>
    tpu.wait_indirect_dma semaphore(%arg12 : memref<!tpu.dma_semaphore, #tpu.memory_space<semaphore_mem>>) src(%dma_wait3A_150 : memref<10112x32xf32, #tpu.memory_space<vmem_shared>>) dst(%dma_wait3A_144 : memref<128x32xf32, #tpu.memory_space<vmem>>)
    %dma_start3A_151 = arith.constant 3 : i32
    %dma_start3A_152 = arith.constant 159 : i32
    %dma_start3A_153 = arith.constant 0 : i32
    %dma_start3A_154 = arith.constant 0 : i32
    %dma_start3A_155 = tpu.memref_slice %arg8[%dma_start3A_151, %dma_start3A_153, %dma_start3A_154] : memref<4x128x32xf32, #tpu.memory_space<vmem>> -> memref<1x128x32xf32, #tpu.memory_space<vmem>>
    %dma_start3A_156 = tpu.memref_squeeze %dma_start3A_155 : memref<1x128x32xf32, #tpu.memory_space<vmem>> -> memref<128x32xf32, #tpu.memory_space<vmem>>
    %dma_start3A_157 = arith.constant 0 : i32
    %dma_start3A_158 = tpu.memref_slice %arg7[%dma_start3A_152, %dma_start3A_157] : memref<160x128xi32, #tpu.memory_space<vmem>> -> memref<1x128xi32, #tpu.memory_space<vmem>>
    %dma_start3A_159 = tpu.memref_squeeze %dma_start3A_158 : memref<1x128xi32, #tpu.memory_space<vmem>> -> memref<128xi32, #tpu.memory_space<vmem>>
    %dma_start3A_160 = arith.constant 0 : i32
    %dma_start3A_161 = arith.constant 0 : i32
    %dma_start3A_162 = tpu.memref_slice %arg17[%dma_start3A_160, %dma_start3A_161] : memref<10112x32xf32, #tpu.memory_space<vmem_shared>> -> memref<10112x32xf32, #tpu.memory_space<vmem_shared>>
    tpu.enqueue_indirect_dma source(%dma_start3A_156 : memref<128x32xf32, #tpu.memory_space<vmem>>) target(%dma_start3A_162 : memref<10112x32xf32, #tpu.memory_space<vmem_shared>>) offsets(%dma_start3A_159 : memref<128xi32, #tpu.memory_space<vmem>>) semaphore(%arg16 : memref<!tpu.dma_semaphore, #tpu.memory_space<semaphore_mem>>) {add = true}
    %dma_wait3A_163 = arith.constant 1 : i32
    %dma_wait3A_164 = arith.constant 0 : i32
    %dma_wait3A_165 = arith.constant 0 : i32
    %dma_wait3A_166 = arith.constant 0 : i32
    %dma_wait3A_167 = tpu.memref_slice %arg8[%dma_wait3A_163, %dma_wait3A_165, %dma_wait3A_166] : memref<4x128x32xf32, #tpu.memory_space<vmem>> -> memref<1x128x32xf32, #tpu.memory_space<vmem>>
    %dma_wait3A_168 = tpu.memref_squeeze %dma_wait3A_167 : memref<1x128x32xf32, #tpu.memory_space<vmem>> -> memref<128x32xf32, #tpu.memory_space<vmem>>
    %dma_wait3A_169 = arith.constant 0 : i32
    %dma_wait3A_170 = tpu.memref_slice %arg7[%dma_wait3A_164, %dma_wait3A_169] : memref<160x128xi32, #tpu.memory_space<vmem>> -> memref<1x128xi32, #tpu.memory_space<vmem>>
    %dma_wait3A_171 = tpu.memref_squeeze %dma_wait3A_170 : memref<1x128xi32, #tpu.memory_space<vmem>> -> memref<128xi32, #tpu.memory_space<vmem>>
    %dma_wait3A_172 = arith.constant 0 : i32
    %dma_wait3A_173 = arith.constant 0 : i32
    %dma_wait3A_174 = tpu.memref_slice %arg17[%dma_wait3A_172, %dma_wait3A_173] : memref<10112x32xf32, #tpu.memory_space<vmem_shared>> -> memref<10112x32xf32, #tpu.memory_space<vmem_shared>>
    tpu.wait_indirect_dma semaphore(%arg14 : memref<!tpu.dma_semaphore, #tpu.memory_space<semaphore_mem>>) src(%dma_wait3A_168 : memref<128x32xf32, #tpu.memory_space<vmem>>) dst(%dma_wait3A_174 : memref<10112x32xf32, #tpu.memory_space<vmem_shared>>)
    %dma_wait3A_175 = arith.constant 2 : i32
    %dma_wait3A_176 = arith.constant 0 : i32
    %dma_wait3A_177 = arith.constant 0 : i32
    %dma_wait3A_178 = arith.constant 0 : i32
    %dma_wait3A_179 = tpu.memref_slice %arg8[%dma_wait3A_175, %dma_wait3A_177, %dma_wait3A_178] : memref<4x128x32xf32, #tpu.memory_space<vmem>> -> memref<1x128x32xf32, #tpu.memory_space<vmem>>
    %dma_wait3A_180 = tpu.memref_squeeze %dma_wait3A_179 : memref<1x128x32xf32, #tpu.memory_space<vmem>> -> memref<128x32xf32, #tpu.memory_space<vmem>>
    %dma_wait3A_181 = arith.constant 0 : i32
    %dma_wait3A_182 = tpu.memref_slice %arg7[%dma_wait3A_176, %dma_wait3A_181] : memref<160x128xi32, #tpu.memory_space<vmem>> -> memref<1x128xi32, #tpu.memory_space<vmem>>
    %dma_wait3A_183 = tpu.memref_squeeze %dma_wait3A_182 : memref<1x128xi32, #tpu.memory_space<vmem>> -> memref<128xi32, #tpu.memory_space<vmem>>
    %dma_wait3A_184 = arith.constant 0 : i32
    %dma_wait3A_185 = arith.constant 0 : i32
    %dma_wait3A_186 = tpu.memref_slice %arg17[%dma_wait3A_184, %dma_wait3A_185] : memref<10112x32xf32, #tpu.memory_space<vmem_shared>> -> memref<10112x32xf32, #tpu.memory_space<vmem_shared>>
    tpu.wait_indirect_dma semaphore(%arg15 : memref<!tpu.dma_semaphore, #tpu.memory_space<semaphore_mem>>) src(%dma_wait3A_180 : memref<128x32xf32, #tpu.memory_space<vmem>>) dst(%dma_wait3A_186 : memref<10112x32xf32, #tpu.memory_space<vmem_shared>>)
    %dma_wait3A_187 = arith.constant 3 : i32
    %dma_wait3A_188 = arith.constant 0 : i32
    %dma_wait3A_189 = arith.constant 0 : i32
    %dma_wait3A_190 = arith.constant 0 : i32
    %dma_wait3A_191 = tpu.memref_slice %arg8[%dma_wait3A_187, %dma_wait3A_189, %dma_wait3A_190] : memref<4x128x32xf32, #tpu.memory_space<vmem>> -> memref<1x128x32xf32, #tpu.memory_space<vmem>>
    %dma_wait3A_192 = tpu.memref_squeeze %dma_wait3A_191 : memref<1x128x32xf32, #tpu.memory_space<vmem>> -> memref<128x32xf32, #tpu.memory_space<vmem>>
    %dma_wait3A_193 = arith.constant 0 : i32
    %dma_wait3A_194 = tpu.memref_slice %arg7[%dma_wait3A_188, %dma_wait3A_193] : memref<160x128xi32, #tpu.memory_space<vmem>> -> memref<1x128xi32, #tpu.memory_space<vmem>>
    %dma_wait3A_195 = tpu.memref_squeeze %dma_wait3A_194 : memref<1x128xi32, #tpu.memory_space<vmem>> -> memref<128xi32, #tpu.memory_space<vmem>>
    %dma_wait3A_196 = arith.constant 0 : i32
    %dma_wait3A_197 = arith.constant 0 : i32
    %dma_wait3A_198 = tpu.memref_slice %arg17[%dma_wait3A_196, %dma_wait3A_197] : memref<10112x32xf32, #tpu.memory_space<vmem_shared>> -> memref<10112x32xf32, #tpu.memory_space<vmem_shared>>
    tpu.wait_indirect_dma semaphore(%arg16 : memref<!tpu.dma_semaphore, #tpu.memory_space<semaphore_mem>>) src(%dma_wait3A_192 : memref<128x32xf32, #tpu.memory_space<vmem>>) dst(%dma_wait3A_198 : memref<10112x32xf32, #tpu.memory_space<vmem_shared>>)
    %barrier3A_199 = arith.constant 0 : index
    tpu.barrier barrier_id(%barrier3A_199)
    "tpu.region"() ({
      %run_scoped3A = tpu.sem_alloc : memref<!tpu.dma_semaphore, #tpu.memory_space<semaphore_mem>>
      %dma_start3A_200 = tpu.memref_slice %arg5[%mul3A_0, %mul3A_2] : memref<10112x128xf32, #tpu.memory_space<hbm>> -> memref<632x32xf32, #tpu.memory_space<hbm>>
      %dma_start3A_201 = arith.constant 0 : i32
      %dma_start3A_202 = tpu.memref_slice %arg17[%mul3A_0, %dma_start3A_201] : memref<10112x32xf32, #tpu.memory_space<vmem_shared>> -> memref<632x32xf32, #tpu.memory_space<vmem_shared>>
      tpu.enqueue_dma source(%dma_start3A_202 : memref<632x32xf32, #tpu.memory_space<vmem_shared>>) target(%dma_start3A_200 : memref<632x32xf32, #tpu.memory_space<hbm>>) target_semaphore(%run_scoped3A : memref<!tpu.dma_semaphore, #tpu.memory_space<semaphore_mem>>)
      %dma_wait3A_203 = tpu.memref_slice %arg5[%mul3A_0, %mul3A_2] : memref<10112x128xf32, #tpu.memory_space<hbm>> -> memref<632x32xf32, #tpu.memory_space<hbm>>
      %dma_wait3A_204 = arith.constant 0 : i32
      %dma_wait3A_205 = tpu.memref_slice %arg17[%mul3A_0, %dma_wait3A_204] : memref<10112x32xf32, #tpu.memory_space<vmem_shared>> -> memref<632x32xf32, #tpu.memory_space<vmem_shared>>
      tpu.wait_dma2 semaphore(%run_scoped3A : memref<!tpu.dma_semaphore, #tpu.memory_space<semaphore_mem>>) src(%dma_wait3A_205 : memref<632x32xf32, #tpu.memory_space<vmem_shared>>) dst(%dma_wait3A_203 : memref<632x32xf32, #tpu.memory_space<hbm>>)
      tpu.yield
    }) : () -> ()
    return
  }
}

module attributes {stable_mosaic.version = 14 : i64} {
  func.func @_dense0_body(%arg0: memref<10000x128xf32, #tpu.memory_space<vmem>>, %arg1: memref<128x64xf32, #tpu.memory_space<vmem>>, %arg2: memref<10112x128xf32, #tpu.memory_space<vmem>>) attributes {dimension_semantics = [], scalar_prefetch = 0 : i64, scratch_operands = 0 : i64, tpu.core_type = #tpu.core_type<tc>} {
    %get3A = arith.constant 0 : index
    %get3A_0 = arith.constant 0 : index
    %get3A_1 = vector.load %arg0[%get3A, %get3A_0] : memref<10000x128xf32, #tpu.memory_space<vmem>>, vector<10000x128xf32>
    %get3A_2 = arith.constant 0 : index
    %get3A_3 = arith.constant 0 : index
    %get3A_4 = vector.load %arg1[%get3A_2, %get3A_3] : memref<128x64xf32, #tpu.memory_space<vmem>>, vector<128x64xf32>
    %dot_general3A = arith.constant dense<0.000000e+00> : vector<10000x64xf32>
    %dot_general3A_5 = tpu.matmul %get3A_1, %get3A_4, %dot_general3A {dimension_numbers = #tpu.dot_dimension_numbers<[1], [0], [0], [1], [0, 0, 1, 1], [], []>, precision = #tpu.contract_precision<fp32>, transpose_lhs_hint = false} : vector<10000x128xf32>, vector<128x64xf32>, vector<10000x64xf32> -> vector<10000x64xf32>
    %swap3A = arith.constant 0 : index
    %swap3A_6 = arith.constant 0 : index
    %swap3A_7 = vector.load %arg2[%swap3A, %swap3A_6] : memref<10112x128xf32, #tpu.memory_space<vmem>>, vector<10000x64xf32>
    tpu.vector_store %arg2[%swap3A, %swap3A_6], %dot_general3A_5 {strides = array<i32>} : memref<10112x128xf32, #tpu.memory_space<vmem>>, vector<10000x64xf32>,
    %broadcast_in_dim3A = arith.constant 0.000000e+00 : f32
    %broadcast_in_dim3A_8 = vector.broadcast %broadcast_in_dim3A : f32 to vector<112x64xf32>
    %swap3A_9 = arith.constant 10000 : index
    %swap3A_10 = arith.constant 0 : index
    %swap3A_11 = vector.load %arg2[%swap3A_9, %swap3A_10] : memref<10112x128xf32, #tpu.memory_space<vmem>>, vector<112x64xf32>
    tpu.vector_store %arg2[%swap3A_9, %swap3A_10], %broadcast_in_dim3A_8 {strides = array<i32>} : memref<10112x128xf32, #tpu.memory_space<vmem>>, vector<112x64xf32>,
    return
  }
}

module attributes {stable_mosaic.version = 14 : i64} {
  func.func @_layer_body(%arg0: memref<10112x128xf32, #tpu.memory_space<vmem>>, %arg1: memref<1x64xf32, #tpu.memory_space<vmem>>, %arg2: memref<1x64xf32, #tpu.memory_space<vmem>>, %arg3: memref<1x64xf32, #tpu.memory_space<vmem>>, %arg4: memref<64x64xf32, #tpu.memory_space<vmem>>, %arg5: memref<1x64xf32, #tpu.memory_space<vmem>>, %arg6: memref<1x64xf32, #tpu.memory_space<vmem>>, %arg7: memref<1x64xf32, #tpu.memory_space<vmem>>, %arg8: memref<64x64xf32, #tpu.memory_space<vmem>>, %arg9: memref<10112x128xf32, #tpu.memory_space<vmem>>) attributes {dimension_semantics = [], scalar_prefetch = 0 : i64, scratch_operands = 0 : i64, tpu.core_type = #tpu.core_type<tc>} {
    %get3A = arith.constant 0 : index
    %get3A_0 = arith.constant 0 : index
    %get3A_1 = vector.load %arg0[%get3A, %get3A_0] : memref<10112x128xf32, #tpu.memory_space<vmem>>, vector<10000x64xf32>
    %get3A_2 = arith.constant 0 : index
    %get3A_3 = arith.constant 0 : index
    %get3A_4 = vector.load %arg1[%get3A_2, %get3A_3] : memref<1x64xf32, #tpu.memory_space<vmem>>, vector<1x64xf32>
    %add3A = vector.broadcast %get3A_4 : vector<1x64xf32> to vector<10000x64xf32>
    %add3A_5 = arith.addf %get3A_1, %add3A : vector<10000x64xf32>
    %get3A_6 = arith.constant 0 : index
    %get3A_7 = arith.constant 0 : index
    %get3A_8 = vector.load %arg2[%get3A_6, %get3A_7] : memref<1x64xf32, #tpu.memory_space<vmem>>, vector<1x64xf32>
    %get3A_9 = arith.constant 0 : index
    %get3A_10 = arith.constant 0 : index
    %get3A_11 = vector.load %arg3[%get3A_9, %get3A_10] : memref<1x64xf32, #tpu.memory_space<vmem>>, vector<1x64xf32>
    %reduce_sum3A = arith.constant dense<0.000000e+00> : vector<64xf32>
    %reduce_sum3A_12 = vector.multi_reduction <add>, %add3A_5, %reduce_sum3A [0] : vector<10000x64xf32> to vector<64xf32>
    %broadcast_in_dim3A = vector.shape_cast %reduce_sum3A_12 : vector<64xf32> to vector<1x64xf32>
    %div3A = arith.constant 1.000000e+04 : f32
    %div3A_13 = vector.broadcast %div3A : f32 to vector<1x64xf32>
    %div3A_14 = arith.divf %broadcast_in_dim3A, %div3A_13 : vector<1x64xf32>
    %sub3A = vector.broadcast %div3A_14 : vector<1x64xf32> to vector<10000x64xf32>
    %sub3A_15 = arith.subf %add3A_5, %sub3A : vector<10000x64xf32>
    %integer_pow3A = arith.mulf %sub3A_15, %sub3A_15 : vector<10000x64xf32>
    %reduce_sum3A_16 = arith.constant dense<0.000000e+00> : vector<64xf32>
    %reduce_sum3A_17 = vector.multi_reduction <add>, %integer_pow3A, %reduce_sum3A_16 [0] : vector<10000x64xf32> to vector<64xf32>
    %broadcast_in_dim3A_18 = vector.shape_cast %reduce_sum3A_17 : vector<64xf32> to vector<1x64xf32>
    %div3A_19 = arith.constant 1.000000e+04 : f32
    %div3A_20 = vector.broadcast %div3A_19 : f32 to vector<1x64xf32>
    %div3A_21 = arith.divf %broadcast_in_dim3A_18, %div3A_20 : vector<1x64xf32>
    %sub3A_22 = vector.broadcast %div3A_14 : vector<1x64xf32> to vector<10000x64xf32>
    %sub3A_23 = arith.subf %add3A_5, %sub3A_22 : vector<10000x64xf32>
    %mul3A = vector.broadcast %get3A_8 : vector<1x64xf32> to vector<10000x64xf32>
    %mul3A_24 = arith.mulf %mul3A, %sub3A_23 : vector<10000x64xf32>
    %add3A_25 = arith.constant 9.99999974E-6 : f32
    %add3A_26 = vector.broadcast %add3A_25 : f32 to vector<1x64xf32>
    %add3A_27 = arith.addf %div3A_21, %add3A_26 : vector<1x64xf32>
    %rsqrt3A = math.rsqrt %add3A_27 : vector<1x64xf32>
    %mul3A_28 = vector.broadcast %rsqrt3A : vector<1x64xf32> to vector<10000x64xf32>
    %mul3A_29 = arith.mulf %mul3A_24, %mul3A_28 : vector<10000x64xf32>
    %add3A_30 = vector.broadcast %get3A_11 : vector<1x64xf32> to vector<10000x64xf32>
    %add3A_31 = arith.addf %mul3A_29, %add3A_30 : vector<10000x64xf32>
    %max3A = arith.constant 0.000000e+00 : f32
    %max3A_32 = vector.broadcast %max3A : f32 to vector<10000x64xf32>
    %max3A_33 = arith.maximumf %add3A_31, %max3A_32 : vector<10000x64xf32>
    %get3A_34 = arith.constant 0 : index
    %get3A_35 = arith.constant 0 : index
    %get3A_36 = vector.load %arg4[%get3A_34, %get3A_35] : memref<64x64xf32, #tpu.memory_space<vmem>>, vector<64x64xf32>
    %dot_general3A = arith.constant dense<0.000000e+00> : vector<10000x64xf32>
    %dot_general3A_37 = tpu.matmul %max3A_33, %get3A_36, %dot_general3A {dimension_numbers = #tpu.dot_dimension_numbers<[1], [0], [0], [1], [0, 0, 1, 1], [], []>, precision = #tpu.contract_precision<fp32>, transpose_lhs_hint = false} : vector<10000x64xf32>, vector<64x64xf32>, vector<10000x64xf32> -> vector<10000x64xf32>
    %get3A_38 = arith.constant 0 : index
    %get3A_39 = arith.constant 0 : index
    %get3A_40 = vector.load %arg5[%get3A_38, %get3A_39] : memref<1x64xf32, #tpu.memory_space<vmem>>, vector<1x64xf32>
    %add3A_41 = vector.broadcast %get3A_40 : vector<1x64xf32> to vector<10000x64xf32>
    %add3A_42 = arith.addf %dot_general3A_37, %add3A_41 : vector<10000x64xf32>
    %get3A_43 = arith.constant 0 : index
    %get3A_44 = arith.constant 0 : index
    %get3A_45 = vector.load %arg6[%get3A_43, %get3A_44] : memref<1x64xf32, #tpu.memory_space<vmem>>, vector<1x64xf32>
    %get3A_46 = arith.constant 0 : index
    %get3A_47 = arith.constant 0 : index
    %get3A_48 = vector.load %arg7[%get3A_46, %get3A_47] : memref<1x64xf32, #tpu.memory_space<vmem>>, vector<1x64xf32>
    %reduce_sum3A_49 = arith.constant dense<0.000000e+00> : vector<64xf32>
    %reduce_sum3A_50 = vector.multi_reduction <add>, %add3A_42, %reduce_sum3A_49 [0] : vector<10000x64xf32> to vector<64xf32>
    %broadcast_in_dim3A_51 = vector.shape_cast %reduce_sum3A_50 : vector<64xf32> to vector<1x64xf32>
    %div3A_52 = arith.constant 1.000000e+04 : f32
    %div3A_53 = vector.broadcast %div3A_52 : f32 to vector<1x64xf32>
    %div3A_54 = arith.divf %broadcast_in_dim3A_51, %div3A_53 : vector<1x64xf32>
    %sub3A_55 = vector.broadcast %div3A_54 : vector<1x64xf32> to vector<10000x64xf32>
    %sub3A_56 = arith.subf %add3A_42, %sub3A_55 : vector<10000x64xf32>
    %integer_pow3A_57 = arith.mulf %sub3A_56, %sub3A_56 : vector<10000x64xf32>
    %reduce_sum3A_58 = arith.constant dense<0.000000e+00> : vector<64xf32>
    %reduce_sum3A_59 = vector.multi_reduction <add>, %integer_pow3A_57, %reduce_sum3A_58 [0] : vector<10000x64xf32> to vector<64xf32>
    %broadcast_in_dim3A_60 = vector.shape_cast %reduce_sum3A_59 : vector<64xf32> to vector<1x64xf32>
    %div3A_61 = arith.constant 1.000000e+04 : f32
    %div3A_62 = vector.broadcast %div3A_61 : f32 to vector<1x64xf32>
    %div3A_63 = arith.divf %broadcast_in_dim3A_60, %div3A_62 : vector<1x64xf32>
    %sub3A_64 = vector.broadcast %div3A_54 : vector<1x64xf32> to vector<10000x64xf32>
    %sub3A_65 = arith.subf %add3A_42, %sub3A_64 : vector<10000x64xf32>
    %mul3A_66 = vector.broadcast %get3A_45 : vector<1x64xf32> to vector<10000x64xf32>
    %mul3A_67 = arith.mulf %mul3A_66, %sub3A_65 : vector<10000x64xf32>
    %add3A_68 = arith.constant 9.99999974E-6 : f32
    %add3A_69 = vector.broadcast %add3A_68 : f32 to vector<1x64xf32>
    %add3A_70 = arith.addf %div3A_63, %add3A_69 : vector<1x64xf32>
    %rsqrt3A_71 = math.rsqrt %add3A_70 : vector<1x64xf32>
    %mul3A_72 = vector.broadcast %rsqrt3A_71 : vector<1x64xf32> to vector<10000x64xf32>
    %mul3A_73 = arith.mulf %mul3A_67, %mul3A_72 : vector<10000x64xf32>
    %add3A_74 = vector.broadcast %get3A_48 : vector<1x64xf32> to vector<10000x64xf32>
    %add3A_75 = arith.addf %mul3A_73, %add3A_74 : vector<10000x64xf32>
    %max3A_76 = arith.constant 0.000000e+00 : f32
    %max3A_77 = vector.broadcast %max3A_76 : f32 to vector<10000x64xf32>
    %max3A_78 = arith.maximumf %add3A_75, %max3A_77 : vector<10000x64xf32>
    %get3A_79 = arith.constant 0 : index
    %get3A_80 = arith.constant 0 : index
    %get3A_81 = vector.load %arg8[%get3A_79, %get3A_80] : memref<64x64xf32, #tpu.memory_space<vmem>>, vector<64x64xf32>
    %dot_general3A_82 = arith.constant dense<0.000000e+00> : vector<10000x64xf32>
    %dot_general3A_83 = tpu.matmul %max3A_78, %get3A_81, %dot_general3A_82 {dimension_numbers = #tpu.dot_dimension_numbers<[1], [0], [0], [1], [0, 0, 1, 1], [], []>, precision = #tpu.contract_precision<fp32>, transpose_lhs_hint = false} : vector<10000x64xf32>, vector<64x64xf32>, vector<10000x64xf32> -> vector<10000x64xf32>
    %swap3A = arith.constant 0 : index
    %swap3A_84 = arith.constant 0 : index
    %swap3A_85 = vector.load %arg9[%swap3A, %swap3A_84] : memref<10112x128xf32, #tpu.memory_space<vmem>>, vector<10000x64xf32>
    tpu.vector_store %arg9[%swap3A, %swap3A_84], %dot_general3A_83 {strides = array<i32>} : memref<10112x128xf32, #tpu.memory_space<vmem>>, vector<10000x64xf32>,
    %broadcast_in_dim3A_86 = arith.constant 0.000000e+00 : f32
    %broadcast_in_dim3A_87 = vector.broadcast %broadcast_in_dim3A_86 : f32 to vector<112x64xf32>
    %swap3A_88 = arith.constant 10000 : index
    %swap3A_89 = arith.constant 0 : index
    %swap3A_90 = vector.load %arg9[%swap3A_88, %swap3A_89] : memref<10112x128xf32, #tpu.memory_space<vmem>>, vector<112x64xf32>
    tpu.vector_store %arg9[%swap3A_88, %swap3A_89], %broadcast_in_dim3A_87 {strides = array<i32>} : memref<10112x128xf32, #tpu.memory_space<vmem>>, vector<112x64xf32>,
    return
  }
}

module attributes {stable_mosaic.version = 14 : i64} {
  func.func @_layer_body(%arg0: memref<10112x128xf32, #tpu.memory_space<vmem>>, %arg1: memref<1x64xf32, #tpu.memory_space<vmem>>, %arg2: memref<1x64xf32, #tpu.memory_space<vmem>>, %arg3: memref<1x64xf32, #tpu.memory_space<vmem>>, %arg4: memref<64x64xf32, #tpu.memory_space<vmem>>, %arg5: memref<1x64xf32, #tpu.memory_space<vmem>>, %arg6: memref<1x64xf32, #tpu.memory_space<vmem>>, %arg7: memref<1x64xf32, #tpu.memory_space<vmem>>, %arg8: memref<64x64xf32, #tpu.memory_space<vmem>>, %arg9: memref<10112x64xf32, #tpu.memory_space<vmem>>) attributes {dimension_semantics = [], scalar_prefetch = 0 : i64, scratch_operands = 0 : i64, tpu.core_type = #tpu.core_type<tc>} {
    %get3A = arith.constant 0 : index
    %get3A_0 = arith.constant 0 : index
    %get3A_1 = vector.load %arg0[%get3A, %get3A_0] : memref<10112x128xf32, #tpu.memory_space<vmem>>, vector<10000x64xf32>
    %get3A_2 = arith.constant 0 : index
    %get3A_3 = arith.constant 0 : index
    %get3A_4 = vector.load %arg1[%get3A_2, %get3A_3] : memref<1x64xf32, #tpu.memory_space<vmem>>, vector<1x64xf32>
    %add3A = vector.broadcast %get3A_4 : vector<1x64xf32> to vector<10000x64xf32>
    %add3A_5 = arith.addf %get3A_1, %add3A : vector<10000x64xf32>
    %get3A_6 = arith.constant 0 : index
    %get3A_7 = arith.constant 0 : index
    %get3A_8 = vector.load %arg2[%get3A_6, %get3A_7] : memref<1x64xf32, #tpu.memory_space<vmem>>, vector<1x64xf32>
    %get3A_9 = arith.constant 0 : index
    %get3A_10 = arith.constant 0 : index
    %get3A_11 = vector.load %arg3[%get3A_9, %get3A_10] : memref<1x64xf32, #tpu.memory_space<vmem>>, vector<1x64xf32>
    %reduce_sum3A = arith.constant dense<0.000000e+00> : vector<64xf32>
    %reduce_sum3A_12 = vector.multi_reduction <add>, %add3A_5, %reduce_sum3A [0] : vector<10000x64xf32> to vector<64xf32>
    %broadcast_in_dim3A = vector.shape_cast %reduce_sum3A_12 : vector<64xf32> to vector<1x64xf32>
    %div3A = arith.constant 1.000000e+04 : f32
    %div3A_13 = vector.broadcast %div3A : f32 to vector<1x64xf32>
    %div3A_14 = arith.divf %broadcast_in_dim3A, %div3A_13 : vector<1x64xf32>
    %sub3A = vector.broadcast %div3A_14 : vector<1x64xf32> to vector<10000x64xf32>
    %sub3A_15 = arith.subf %add3A_5, %sub3A : vector<10000x64xf32>
    %integer_pow3A = arith.mulf %sub3A_15, %sub3A_15 : vector<10000x64xf32>
    %reduce_sum3A_16 = arith.constant dense<0.000000e+00> : vector<64xf32>
    %reduce_sum3A_17 = vector.multi_reduction <add>, %integer_pow3A, %reduce_sum3A_16 [0] : vector<10000x64xf32> to vector<64xf32>
    %broadcast_in_dim3A_18 = vector.shape_cast %reduce_sum3A_17 : vector<64xf32> to vector<1x64xf32>
    %div3A_19 = arith.constant 1.000000e+04 : f32
    %div3A_20 = vector.broadcast %div3A_19 : f32 to vector<1x64xf32>
    %div3A_21 = arith.divf %broadcast_in_dim3A_18, %div3A_20 : vector<1x64xf32>
    %sub3A_22 = vector.broadcast %div3A_14 : vector<1x64xf32> to vector<10000x64xf32>
    %sub3A_23 = arith.subf %add3A_5, %sub3A_22 : vector<10000x64xf32>
    %mul3A = vector.broadcast %get3A_8 : vector<1x64xf32> to vector<10000x64xf32>
    %mul3A_24 = arith.mulf %mul3A, %sub3A_23 : vector<10000x64xf32>
    %add3A_25 = arith.constant 9.99999974E-6 : f32
    %add3A_26 = vector.broadcast %add3A_25 : f32 to vector<1x64xf32>
    %add3A_27 = arith.addf %div3A_21, %add3A_26 : vector<1x64xf32>
    %rsqrt3A = math.rsqrt %add3A_27 : vector<1x64xf32>
    %mul3A_28 = vector.broadcast %rsqrt3A : vector<1x64xf32> to vector<10000x64xf32>
    %mul3A_29 = arith.mulf %mul3A_24, %mul3A_28 : vector<10000x64xf32>
    %add3A_30 = vector.broadcast %get3A_11 : vector<1x64xf32> to vector<10000x64xf32>
    %add3A_31 = arith.addf %mul3A_29, %add3A_30 : vector<10000x64xf32>
    %max3A = arith.constant 0.000000e+00 : f32
    %max3A_32 = vector.broadcast %max3A : f32 to vector<10000x64xf32>
    %max3A_33 = arith.maximumf %add3A_31, %max3A_32 : vector<10000x64xf32>
    %get3A_34 = arith.constant 0 : index
    %get3A_35 = arith.constant 0 : index
    %get3A_36 = vector.load %arg4[%get3A_34, %get3A_35] : memref<64x64xf32, #tpu.memory_space<vmem>>, vector<64x64xf32>
    %dot_general3A = arith.constant dense<0.000000e+00> : vector<10000x64xf32>
    %dot_general3A_37 = tpu.matmul %max3A_33, %get3A_36, %dot_general3A {dimension_numbers = #tpu.dot_dimension_numbers<[1], [0], [0], [1], [0, 0, 1, 1], [], []>, precision = #tpu.contract_precision<fp32>, transpose_lhs_hint = false} : vector<10000x64xf32>, vector<64x64xf32>, vector<10000x64xf32> -> vector<10000x64xf32>
    %get3A_38 = arith.constant 0 : index
    %get3A_39 = arith.constant 0 : index
    %get3A_40 = vector.load %arg5[%get3A_38, %get3A_39] : memref<1x64xf32, #tpu.memory_space<vmem>>, vector<1x64xf32>
    %add3A_41 = vector.broadcast %get3A_40 : vector<1x64xf32> to vector<10000x64xf32>
    %add3A_42 = arith.addf %dot_general3A_37, %add3A_41 : vector<10000x64xf32>
    %swap3A = arith.constant 0 : index
    %swap3A_43 = arith.constant 0 : index
    %swap3A_44 = vector.load %arg9[%swap3A, %swap3A_43] : memref<10112x64xf32, #tpu.memory_space<vmem>>, vector<10000x64xf32>
    tpu.vector_store %arg9[%swap3A, %swap3A_43], %add3A_42 {strides = array<i32>} : memref<10112x64xf32, #tpu.memory_space<vmem>>, vector<10000x64xf32>,
    %broadcast_in_dim3A_45 = arith.constant 0.000000e+00 : f32
    %broadcast_in_dim3A_46 = vector.broadcast %broadcast_in_dim3A_45 : f32 to vector<112x64xf32>
    %swap3A_47 = arith.constant 10000 : index
    %swap3A_48 = arith.constant 0 : index
    %swap3A_49 = vector.load %arg9[%swap3A_47, %swap3A_48] : memref<10112x64xf32, #tpu.memory_space<vmem>>, vector<112x64xf32>
    tpu.vector_store %arg9[%swap3A_47, %swap3A_48], %broadcast_in_dim3A_46 {strides = array<i32>} : memref<10112x64xf32, #tpu.memory_space<vmem>>, vector<112x64xf32>,
    return
  }
}

module attributes {stable_mosaic.version = 14 : i64} {
  func.func @_pool_body(%arg0: memref<10112x64xf32, #tpu.memory_space<vmem>>, %arg1: memref<10000x1xi32, #tpu.memory_space<vmem>>, %arg2: memref<64x64xf32, #tpu.memory_space<vmem>>, %arg3: memref<1x64xf32, #tpu.memory_space<vmem>>, %arg4: memref<64x16xf32, #tpu.memory_space<vmem>>, %arg5: memref<1x16xf32, #tpu.memory_space<vmem>>, %arg6: memref<128x16xf32, #tpu.memory_space<vmem>>) attributes {dimension_semantics = [], scalar_prefetch = 0 : i64, scratch_operands = 0 : i64, tpu.core_type = #tpu.core_type<tc>} {
    %get3A = arith.constant 0 : index
    %get3A_0 = arith.constant 0 : index
    %get3A_1 = vector.load %arg1[%get3A, %get3A_0] : memref<10000x1xi32, #tpu.memory_space<vmem>>, vector<10000x1xi32>
    %iota3A = tpu.iota {dimensions = array<i32: 1>} : vector<10000x128xi32>
    %eq3A = vector.broadcast %get3A_1 : vector<10000x1xi32> to vector<10000x128xi32>
    %eq3A_2 = arith.cmpi eq, %eq3A, %iota3A : vector<10000x128xi32>
    %convert_element_type3A = arith.extui %eq3A_2 : vector<10000x128xi1> to vector<10000x128xi32>
    %convert_element_type3A_3 = arith.sitofp %convert_element_type3A : vector<10000x128xi32> to vector<10000x128xf32>
    %get3A_4 = arith.constant 0 : index
    %get3A_5 = arith.constant 0 : index
    %get3A_6 = vector.load %arg0[%get3A_4, %get3A_5] : memref<10112x64xf32, #tpu.memory_space<vmem>>, vector<10000x64xf32>
    %dot_general3A = arith.constant dense<0.000000e+00> : vector<128x64xf32>
    %dot_general3A_7 = tpu.matmul %convert_element_type3A_3, %get3A_6, %dot_general3A {dimension_numbers = #tpu.dot_dimension_numbers<[0], [0], [1], [1], [0, 1, 1, 1], [], []>, transpose_lhs_hint = false} : vector<10000x128xf32>, vector<10000x64xf32>, vector<128x64xf32> -> vector<128x64xf32>
    %reduce_sum3A = arith.constant dense<0.000000e+00> : vector<128xf32>
    %reduce_sum3A_8 = vector.multi_reduction <add>, %convert_element_type3A_3, %reduce_sum3A [0] : vector<10000x128xf32> to vector<128xf32>
    %broadcast_in_dim3A = vector.shape_cast %reduce_sum3A_8 : vector<128xf32> to vector<1x128xf32>
    %jit3A = arith.constant 1.000000e+00 : f32
    %max3A = vector.broadcast %jit3A : f32 to vector<1x128xf32>
    %max3A_9 = arith.maximumf %max3A, %broadcast_in_dim3A : vector<1x128xf32>
    %transpose3A = tpu.transpose %max3A_9, [1, 0] : vector<1x128xf32> -> vector<128x1xf32>
    %div3A = vector.broadcast %transpose3A : vector<128x1xf32> to vector<128x64xf32>
    %div3A_10 = arith.divf %dot_general3A_7, %div3A : vector<128x64xf32>
    %get3A_11 = arith.constant 0 : index
    %get3A_12 = arith.constant 0 : index
    %get3A_13 = vector.load %arg2[%get3A_11, %get3A_12] : memref<64x64xf32, #tpu.memory_space<vmem>>, vector<64x64xf32>
    %dot_general3A_14 = arith.constant dense<0.000000e+00> : vector<128x64xf32>
    %dot_general3A_15 = tpu.matmul %div3A_10, %get3A_13, %dot_general3A_14 {dimension_numbers = #tpu.dot_dimension_numbers<[1], [0], [0], [1], [0, 0, 1, 1], [], []>, transpose_lhs_hint = false} : vector<128x64xf32>, vector<64x64xf32>, vector<128x64xf32> -> vector<128x64xf32>
    %get3A_16 = arith.constant 0 : index
    %get3A_17 = arith.constant 0 : index
    %get3A_18 = vector.load %arg3[%get3A_16, %get3A_17] : memref<1x64xf32, #tpu.memory_space<vmem>>, vector<1x64xf32>
    %add3A = vector.broadcast %get3A_18 : vector<1x64xf32> to vector<128x64xf32>
    %add3A_19 = arith.addf %dot_general3A_15, %add3A : vector<128x64xf32>
    %max3A_20 = arith.constant 0.000000e+00 : f32
    %max3A_21 = vector.broadcast %max3A_20 : f32 to vector<128x64xf32>
    %max3A_22 = arith.maximumf %add3A_19, %max3A_21 : vector<128x64xf32>
    %get3A_23 = arith.constant 0 : index
    %get3A_24 = arith.constant 0 : index
    %get3A_25 = vector.load %arg4[%get3A_23, %get3A_24] : memref<64x16xf32, #tpu.memory_space<vmem>>, vector<64x16xf32>
    %dot_general3A_26 = arith.constant dense<0.000000e+00> : vector<128x16xf32>
    %dot_general3A_27 = tpu.matmul %max3A_22, %get3A_25, %dot_general3A_26 {dimension_numbers = #tpu.dot_dimension_numbers<[1], [0], [0], [1], [0, 0, 1, 1], [], []>, transpose_lhs_hint = false} : vector<128x64xf32>, vector<64x16xf32>, vector<128x16xf32> -> vector<128x16xf32>
    %get3A_28 = arith.constant 0 : index
    %get3A_29 = arith.constant 0 : index
    %get3A_30 = vector.load %arg5[%get3A_28, %get3A_29] : memref<1x16xf32, #tpu.memory_space<vmem>>, vector<1x16xf32>
    %add3A_31 = vector.broadcast %get3A_30 : vector<1x16xf32> to vector<128x16xf32>
    %add3A_32 = arith.addf %dot_general3A_27, %add3A_31 : vector<128x16xf32>
    %swap3A = arith.constant 0 : index
    %swap3A_33 = arith.constant 0 : index
    %swap3A_34 = vector.load %arg6[%swap3A, %swap3A_33] : memref<128x16xf32, #tpu.memory_space<vmem>>, vector<128x16xf32>
    tpu.vector_store %arg6[%swap3A, %swap3A_33], %add3A_32 {strides = array<i32>} : memref<128x16xf32, #tpu.memory_space<vmem>>, vector<128x16xf32>,
    return
  }
}

</mosaic_0001>

<sc_bundles>
// kernel: kernel.14.cloned.1.call-start
scs
__scs_entry_jumppad:
0x0: {  	(pc) =	sbr.rel $0x88, $3  }
0x1: {  	(tag) =	ssettag $0x0;
	lr =	simm.s32 $0x1  }
0x2: {  	[smem:$0x3F91] =	sst lr;
	_ =	strace $0xD0000000  }
0x3: {  	_ = 	snop  }
0x4: {  	_ = 	snop  }
0x5: {  	_ = 	snop  }
0x6: {  	_ = 	snop  }
0x7: {  	_ = 	snop  }
__scs_overlays_trampoline_lowered:
0x8: {  	[smem:$0x3FA0] =	sst s0  }
0x9: {  	[smem:$0x3FA1] =	sst s1  }
0xa: {  	[smem:$0x3FA2] =	sst s2  }
0xb: {  	[smem:$0x3FA3] =	sst s3  }
0xc: {  	[smem:$0x3FA4] =	sst s4  }
0xd: {  	[smem:$0x3FA5] =	sst s5  }
0xe: {  	[smem:$0x3FA6] =	sst s6  }
0xf: {  	[smem:$0x3FA7] =	sst s7  }
0x10: {  	[smem:$0x3FA8] =	sst s8  }
0x11: {  	[smem:$0x3FA9] =	sst s9;
	s0 =	simm.s32 @!p0 $0x0  }
0x12: {  	s1 =	sld [smem:$0x3F8F];
	s0 =	simm.s32 @p0 $0x1  }
0x13: {  	[smem:$0x3FAA] =	sst s0;
	s0 =	simm.s32 @!p1 $0x0  }
0x14: {  	s2 =	sld [smem:$0x3F8E];
	s0 =	simm.s32 @p1 $0x1  }
0x15: {  	[smem:$0x3FAB] =	sst s0;
	s0 =	simm.s32 @!p2 $0x0  }
0x16: {  	s3 =	sld [smem:$0x3FDB];
	s0 =	simm.s32 @p2 $0x1  }
0x17: {  	s4 =	simm.s32 $0x1BF5;
	[smem:$0x3FAD] =	sst s0  }
0x18: {  	s0 =	sld [smem:$0x3F90];
	_ =	swait.ge [sflag:s4], $0x0  }
0x19: {  	s7 =	sld [smem:$0x3F91]  }
0x1a: {  	s8 =	sadd.s32 $0xFFFFE003, lr  }
0x1b: {  	s9 =	sadd.s32 $0xFFFFFEF7, lr;
	s5 =	simm.s32 $0xFFFFFFFF;
	p2 =	slt.u32 s8, $0xFFFFF086  }
0x1c: {  	p1 =	slt.u32 s9, $0xF7A;
	s5 =	simm.s32 @!p2 $0x0  }
0x1d: {  	s5 =	simm.s32 @p1 $0x1;
	p0 =	seq.s32 s7, s2  }
0x1e: {  	s7 =	smul.u32 @!p0 $0xF7A, s2;
	p2 =	seq.s32 @!p0 s5, $0x0  }
0x1f: {  	s9 =	smul.u32 $0xF7A, s1;
	s8 =	simm.s32 @!p0 $0x1BF5;
	p2 =	por !p2, p0  }
0x20: {  	[sflag:s8] =	ssyncset.s32 @!p0 $0xFFFFF086;
	s6 =	sadd.s32 @!p0 s3, s7;
	s7 =	simm.s32 @!p0 $0x108  }
0x21: {  	s3 =	sadd.s32 s3, s9;
	s6 =	sadd.s32 @!p0 $0x88, s6;
	s7 =	simm.s32 @p2 $0x1082  }
0x22: {  	[simem:s7], [sflag:s8] =	dma.local @!p0 [hbm:s6], $0xF7A  }
0x23: {  	s9 =	sor.u32 $0xD0000000, s2;
	s6 =	simm.s32 $0x108;
	_ =	swait.ge @!p0 [sflag:s8], $0x0  }
0x24: {  	s3 =	sadd.s32 $0x88, s3;
	s6 =	simm.s32 @!p1 $0x1082;
	[sflag:s4] =	ssyncset.s32 $0xFFFFF086  }
0x25: {  	[simem:s6], [sflag:s4] =	dma.local [hbm:s3], $0xF7A  }
0x26: {  	[smem:$0x3F91] =	sst s1;
	(tag) =	ssettag s2;
	_ =	strace s9  }
0x27: {  	s1 =	sld [smem:$0x3FA1]  }
0x28: {  	s2 =	sld [smem:$0x3FA2]  }
0x29: {  	s4 =	sld [smem:$0x3FA4]  }
0x2a: {  	p0 =	seq.s32 s5, $0x0;
	s5 =	sld [smem:$0x3FA5]  }
0x2b: {  	s6 =	sld [smem:$0x3FA6]  }
0x2c: {  	s7 =	sld [smem:$0x3FA7]  }
0x2d: {  	s3 =	simm.s32 $0x108;
	s8 =	sld [smem:$0x3FA8]  }
0x2e: {  	s3 =	simm.s32 @!p0 $0x1082;
	s9 =	sld [smem:$0x3FA9]  }
0x2f: {  	lr =	sadd.s32 s0, s3;
	s0 =	sld [smem:$0x3FA0]  }
0x30: {  	s3 =	sld [smem:$0x3FA3]  }
0x31: {  	[smem:$0x3FAC] =	sst s10  }
0x32: {  	s10 =	sld [smem:$0x3FAA];
	_ =	sdelay $0x3  }
0x33: {  	p0 =	seq.s32 s10, $0x1;
	s10 =	sld [smem:$0x3FAC];
	_ =	sdelay $0x3  }
0x34: {  	[smem:$0x3FAC] =	sst s10  }
0x35: {  	s10 =	sld [smem:$0x3FAB];
	_ =	sdelay $0x3  }
0x36: {  	p1 =	seq.s32 s10, $0x1;
	s10 =	sld [smem:$0x3FAC];
	_ =	sdelay $0x3  }
0x37: {  	[smem:$0x3FAC] =	sst s10  }
0x38: {  	s10 =	sld [smem:$0x3FAD]  }
0x39: {  	_ = 	snop;
	(pc) =	sbr.ind lr, $3  }
0x3a: {  	_ = 	snop  }
0x3b: {  	_ = 	snop  }
0x3c: {  	p2 =	seq.s32 s10, $0x1;
	s10 =	sld [smem:$0x3FAC]  }
0x3d: {  	_ =	shalt  }
0x3e: {  	_ =	shalt  }
0x3f: {  	_ =	shalt  }
0x40: {  	_ =	shalt  }
0x41: {  	_ =	shalt  }
0x42: {  	_ =	shalt  }
0x43: {  	_ =	shalt  }
0x44: {  	_ =	shalt  }
0x45: {  	_ =	shalt  }
0x46: {  	_ =	shalt  }
0x47: {  	_ =	shalt  }
0x48: {  	_ =	shalt  }
0x49: {  	_ =	shalt  }
0x4a: {  	_ =	shalt  }
0x4b: {  	_ =	shalt  }
0x4c: {  	_ =	shalt  }
0x4d: {  	_ =	shalt  }
0x4e: {  	_ =	shalt  }
0x4f: {  	_ =	shalt  }
0x50: {  	_ =	shalt  }
0x51: {  	_ =	shalt  }
0x52: {  	_ =	shalt  }
0x53: {  	_ =	shalt  }
0x54: {  	_ =	shalt  }
0x55: {  	_ =	shalt  }
0x56: {  	_ =	shalt  }
0x57: {  	_ =	shalt  }
0x58: {  	_ =	shalt  }
0x59: {  	_ =	shalt  }
0x5a: {  	_ =	shalt  }
0x5b: {  	_ =	shalt  }
0x5c: {  	_ =	shalt  }
0x5d: {  	_ =	shalt  }
0x5e: {  	_ =	shalt  }
0x5f: {  	_ =	shalt  }
0x60: {  	_ =	shalt  }
0x61: {  	_ =	shalt  }
0x62: {  	_ =	shalt  }
0x63: {  	_ =	shalt  }
0x64: {  	_ =	shalt  }
0x65: {  	_ =	shalt  }
0x66: {  	_ =	shalt  }
0x67: {  	_ =	shalt  }
0x68: {  	_ =	shalt  }
0x69: {  	_ =	shalt  }
0x6a: {  	_ =	shalt  }
0x6b: {  	_ =	shalt  }
0x6c: {  	_ =	shalt  }
0x6d: {  	_ =	shalt  }
0x6e: {  	_ =	shalt  }
0x6f: {  	_ =	shalt  }
0x70: {  	_ =	shalt  }
0x71: {  	_ =	shalt  }
0x72: {  	_ =	shalt  }
0x73: {  	_ =	shalt  }
0x74: {  	_ =	shalt  }
0x75: {  	_ =	shalt  }
0x76: {  	_ =	shalt  }
0x77: {  	_ =	shalt  }
0x78: {  	_ =	shalt  }
0x79: {  	_ =	shalt  }
0x7a: {  	_ =	shalt  }
0x7b: {  	_ =	shalt  }
0x7c: {  	_ =	shalt  }
0x7d: {  	_ =	shalt  }
0x7e: {  	_ =	shalt  }
0x7f: {  	_ =	shalt  }
0x80: {  	_ =	shalt  }
0x81: {  	_ =	shalt  }
0x82: {  	_ =	shalt  }
0x83: {  	_ =	shalt  }
0x84: {  	_ =	shalt  }
0x85: {  	_ =	shalt  }
0x86: {  	_ =	shalt  }
0x87: {  	_ =	shalt  }
.Lfunc_end0:
.L_simem_size_0:
called_computation_lowered:
.L_overlay_start_0:
0x88: {  	s2 =	sld [smem:$0x3FD9]  }
0x89: {  	s3 =	sld [smem:$0x3FFE];
	_ =	sdelay $0x1  }
0x8a: {  	s1 =	srdreg.scid  }
0x8b: {  	s0 =	sand.u32 $0x1, s1  }
0x8c: {  	s16 =	sshll.u32 s0, $0xA;
	s2 =	sadd.s32 s3, s2  }
0x8d: {  	s2 =	sadd.s32 s2, s16  }
0x8e: {  	[smem:$0x3FB8] =	sst s2  }
0x8f: {  	_ = 	snop  }
0x90: {  	(tm) =	ssettm $0x1  }
0x91: {  	s17 =	sld [smem:$0x3FFB];
	_ =	sdelay $0x3  }
0x92: {  	_ =	strace s17  }
0x93: {  	s2 =	sld [smem:$0x3FFC];
	_ =	sdelay $0x3  }
0x94: {  	_ =	strace s2  }
0x95: {  	s2 =	sld [smem:$0x3FFD];
	_ =	sdelay $0x3  }
0x96: {  	_ =	strace s2  }
0x97: {  	_ =	strace $0x8FFFFFFF  }
0x98: {  	s18 =	sld [smem:$0x3FDB];
	_ =	sdelay $0x1  }
0x99: {  	s19 =	simm.s32 $_scs_section_size  }
0x9a: {  	s4 =	simm.s32 $_size__tile_overlayer_lowered;
	s5 =	simm.s32 $_tile_overlayer_lowered  }
0x9b: {  	s22 =	simm.s32 $0x1BFF;
	s21 =	sshll.u32 s5, $0x1;
	s2 =	sadd.s32 s19, s18  }
0x9c: {  	s6 =	simm.s32 $0x0;
	s20 =	sshll.u32 s4, $0x1;
	s4 =	sadd.s32 s21, s2  }
0x9d: {  	[timem:s6], [sflag:s22] =	dma.local [hbm:s4], s20  }
0x9e: {  	_ =	swait.ge [sflag:s22], s20  }
0x9f: {  	s3 =	ssub.s32 $0x0, s20;
	[sflag:s22] =	ssyncset.done $0x0  }
0xa0: {  	[sflag:s22] =	ssyncadd.s32 s3;
	_ =	sdelay $0x1  }
0xa1: {  	s23 =	simm.s32 $0x1B8B  }
0xa2: {  	_ =	swait.ge [sflag:s23], $0x1  }
0xa3: {  	[sflag:s23] =	ssyncset.done $0x0  }
0xa4: {  	s25 =	simm.s32 $0x1B8E;
	s24 =	sld [smem:$0x3FFE];
	[sflag:s23] =	ssyncadd.s32 $0xFFFFFFFF  }
0xa5: {  	s26 =	simm.s32 $execute0_lowered;
	[smem:$0x3FD2] =	sst s25  }
0xa6: {  	s4 =	sshll.u32 s26, $0x1;
	_ =	strace $0x80000046;
	[dreg:$0x1] =	wrdreg $0xFFFFFFFF  }
0xa7: {  	s28 =	simm.s32 $_size_execute0_lowered;
	s2 =	sadd.s32 s2, s4;
	[dreg:$0x0] =	wrdreg $0x0  }
0xa8: {  	s4 =	sshll.u32 s28, $0x1;
	[dreg:$0x2] =	wrdreg s2  }
0xa9: {  	[dreg:$0x3] =	wrdreg s4  }
0xaa: {  	[dreg:$0x4] =	wrdreg $0xC0  }
0xab: {  	_ =	task [dreg:s6], $0x5FFFF  }
0xac: {  	[dreg:$0x1] =	wrdreg $0xFFFFFFFF  }
0xad: {  	[dreg:$0x0] =	wrdreg $0x60  }
0xae: {  	[dreg:$0x2] =	wrdreg s24  }
0xaf: {  	[dreg:$0x3] =	wrdreg $0x12F000  }
0xb0: {  	[dreg:$0x4] =	wrdreg $0xE0000  }
0xb1: {  	[dreg:$0x5] =	wrdreg $0x9  }
0xb2: {  	_ =	task.clear_ibuf [dreg:s6], $0x6FFFF;
	_ =	strace $0x90000046  }
0xb3: {  	s29 =	simm.s32 $0x9;
	_ =	strace $0x80000048  }
0xb4: {  	_ =	swait.ge [sflag:s29], $0x1  }
0xb5: {  	[sflag:s29] =	ssyncadd.s32 $0xFFFFFFFF  }
0xb6: {  	_ =	strace $0x90000048  }
0xb7: {  	_ =	sfence  }
0xb8: {  	s30 =	sld [smem:$0x0];
	_ =	sdelay $0x2  }
0xb9: {  	s31 =	sshll.u32 s1, $0xD;
	s1 =	sshrl.u32 s1, $0x2  }
0xba: {  	s3 =	sand.u32 $0x4000, s31;
	s1 =	sadd.s32 s1, s30  }
0xbb: {  	s0 =	sor.u32 s3, s0;
	s1 =	sshll.u32 s1, $0x11  }
0xbc: {  	s0 =	sor.u32 s1, s0  }
0xbd: {  	s0 =	sadd.s32 $0x8F2B, s0  }
0xbe: {  	[sflag:s0] =	ssyncadd.remote.s32 $0x1  }
0xbf: {  	_ =	sfence.sel $0xFFFF  }
0xc0: {  	[dreg:$0x0] =	wrdreg $0xFFFFFFFF;
	(pc) =	sbr.abs _section_cstart, $3  }
0xc1: {  	[dreg:$0x1] =	wrdreg $0xFFFFFFFF  }
0xc2: {  	_ =	task.clear_ibuf [dreg:s6], $0x2FFFF;
	_ =	strace $0x9FFFFFFF  }
0xc3: {  	(tm) =	ssettm $0x7FFFFFFF  }
tec
execute0_lowered:
.L_overlay_start_1:
0x0: {  	(tag) =	ssettag $0x1  }
0x1: {  	s0 =	rddreg [dreg:$0x0]  }
0x2: {  	s2 =	rddreg [dreg:$0x1]  }
0x3: {  	s3 =	rddreg [dreg:$0x2]  }
0x4: {  	s4 =	simm.s32 $0x0;
	s10 =	stileid.u32;
	s1 =	srdreg.scid  }
0x5: {  	s12 =	simm.s32 $0x1;
	s13 =	simm.s32 $0x4;
	s14 =	simm.s32 $0x10  }
0x6: {  	s15 =	simm.s32 $0x9;
	s17 =	simm.s32 $0x5000;
	s18 =	simm.s32 $0x80  }
0x7: {  	s19 =	simm.s32 $0xA000;
	s20 =	simm.s32 $0xB000;
	s22 =	simm.s32 $0xC000  }
0x8: {  	s23 =	simm.s32 $0x2;
	s28 =	simm.s32 $0x3;
	s29 =	simm.s32 $0x5  }
0x9: {  	s30 =	simm.s32 $0x6;
	s31 =	simm.s32 $0x7;
	s5 =	smul.u32 $0x13C00, s10  }
0xa: {  	s24 =	simm.s32 $0x0;
	[smem:$0x7FF] =	sst s4;
	s7 =	smul.u32 $0xA00, s10  }
0xb: {  	s1 =	sand.u32 $0x1, s1;
	s8 =	smul.u32 $0x4F00, s10;
	s26 =	sshll.u32 s10, $0x6  }
0xc: {  	_ =	strace $0x80000047;
	s6 =	sshll.u32 s1, $0x5;
	s1 =	ssub.s32 $0x2, s1  }
0xd: {  	s5 =	sor.u32 s6, s5;
	s25 =	sshrl.u32 s1, $0x1;
	s9 =	sadd.s32 s7, s0  }
0xe: {  	s11 =	sadd.s32 s8, s2;
	s6 =	sor.u32 $0x1C09, s26;
	s16 =	sadd.s32 s8, s3  }
0xf: {  	s26 =	simm.s32 $0xD000;
	s5 =	sshrl.u32 s5, $0x3;
	s1 =	ssub.s32 s1, s25  }
0x10: {  	s7 =	sadd.s32 $0x35E00, s9;
	s8 =	sadd.s32 $0x2BE00, s9;
	s11 =	sshrl.u32 s11, $0x3  }
0x11: {  	s16 =	sshrl.u32 s16, $0x3;
	s0 =	sadd.s32 s5, s0;
	s10 =	smax.u32 s1, $0x1  }
0x12: {  	s5 =	sadd.s32 $0x4600, s0;
	s9 =	sadd.s32 $0x3FE00, s0;
	s0 =	simm.s32 $0x8  }
.LBB2_1:
0x13: {  	[spmem:s11@s13], [sflag:s6] =	dma.strided [hbm:s5@s14], $0x9E0, s12, $0x4   }
0x14: {  	_ =	swait.ge [sflag:s15], $0x9E0  }
0x15: {  	[sflag:s15] =	ssyncset.done $0x0  }
0x16: {  	[sflag:s15] =	ssyncadd.s32 $0xFFFFF620  }
0x17: {  	[spmem:s16@s13], [sflag:s6] =	dma.strided [hbm:s5@s14], $0x9E0, s12, $0x4   }
0x18: {  	_ =	swait.ge [sflag:s15], $0x9E0  }
0x19: {  	[sflag:s15] =	ssyncset.done $0x0  }
0x1a: {  	[sflag:s15] =	ssyncadd.s32 $0xFFFFF620  }
0x1b: {  	[tilespmem:s4], [sflag:$0x9] =	stream.linear.gather [hbm4b:s7+s4], $0x5000, $0x38;
	[tilespmem:$0x17E00] =	vst v63  }
0x1c: {  	_ =	swait.ge [sflag:s15], $0x5000  }
0x1d: {  	[sflag:s15] =	ssyncset.done $0x0  }
0x1e: {  	[sflag:s15] =	ssyncadd.s32 $0xFFFFB000  }
0x1f: {  	[tilespmem:s17], [sflag:$0x9] =	stream.linear.gather [hbm4b:s8+s4], $0x5000, $0x38;
	[tilespmem:$0x17E00] =	vst v63  }
0x20: {  	_ =	swait.ge [sflag:s15], $0x5000  }
0x21: {  	[sflag:s15] =	ssyncset.done $0x0  }
0x22: {  	[sflag:s15] =	ssyncadd.s32 $0xFFFFB000  }
0x23: {  	[bflag:$0x0] =	sbarrier.arrive $0xFFFF  }
0x24: {  	[tilespmem:s19], [sflag:$0x1] =	stream.indirect.gather [spmem:s2], $0x20, s4, s18, $0xb8;
	[tilespmem:$0x17E00] =	vst v63  }
0x25: {  	_ = 	snop  }
0x26: {  	[tilespmem:s20], [sflag:$0x2] =	stream.indirect.gather [spmem:s2], $0x20, s18, s18, $0xb8;
	[tilespmem:$0x17E00] =	vst v63  }
0x27: {  	_ =	swait.ge [sflag:s12], $0x1000  }
0x28: {  	[sflag:s12] =	ssyncset.done $0x0  }
0x29: {  	[sflag:s12] =	ssyncadd.s32 $0xFFFFF000  }
0x2a: {  	[spmem:s3] =	stream.indirect.scatter.add.f32 [tilespmem:s19], [sflag:$0x5], $0x20, s17, s18, $0xb8;
	[tilespmem:$0x17E00] =	vst v63  }
0x2b: {  	s1 =	simm.s32 $0x100  }
0x2c: {  	[tilespmem:s22], [sflag:$0x3] =	stream.indirect.gather [spmem:s2], $0x20, s1, s18, $0xb8;
	[tilespmem:$0x17E00] =	vst v63  }
0x2d: {  	_ =	swait.ge [sflag:s23], $0x1000  }
0x2e: {  	[sflag:s23] =	ssyncset.done $0x0  }
0x2f: {  	s25 =	simm.s32 $0x5080;
	[sflag:s23] =	ssyncadd.s32 $0xFFFFF000  }
0x30: {  	[spmem:s3] =	stream.indirect.scatter.add.f32 [tilespmem:s20], [sflag:$0x6], $0x20, s25, s18, $0xb8;
	[tilespmem:$0x17E00] =	vst v63  }
0x31: {  	s21 =	simm.s32 $0x180  }
0x32: {  	[tilespmem:s26], [sflag:$0x4] =	stream.indirect.gather [spmem:s2], $0x20, s21, s18, $0xb8;
	[tilespmem:$0x17E00] =	vst v63  }
0x33: {  	_ =	swait.ge [sflag:s28], $0x1000  }
0x34: {  	[sflag:s28] =	ssyncset.done $0x0  }
0x35: {  	s25 =	simm.s32 $0x5100;
	[sflag:s28] =	ssyncadd.s32 $0xFFFFF000  }
0x36: {  	[spmem:s3] =	stream.indirect.scatter.add.f32 [tilespmem:s22], [sflag:$0x7], $0x20, s25, s18, $0xb8;
	[tilespmem:$0x17E00] =	vst v63  }
0x37: {  	_ =	swait.ge [sflag:s29], $0x1000  }
0x38: {  	[sflag:s29] =	ssyncset.done $0x0  }
0x39: {  	s21 =	simm.s32 $0x200;
	[sflag:s29] =	ssyncadd.s32 $0xFFFFF000  }
0x3a: {  	[tilespmem:s19], [sflag:$0x1] =	stream.indirect.gather [spmem:s2], $0x20, s21, s18, $0xb8;
	[tilespmem:$0x17E00] =	vst v63  }
0x3b: {  	_ =	swait.ge [sflag:s13], $0x1000  }
0x3c: {  	[sflag:s13] =	ssyncset.done $0x0  }
0x3d: {  	s25 =	simm.s32 $0x5180;
	[sflag:s13] =	ssyncadd.s32 $0xFFFFF000  }
0x3e: {  	[spmem:s3] =	stream.indirect.scatter.add.f32 [tilespmem:s26], [sflag:$0x8], $0x20, s25, s18, $0xb8;
	[tilespmem:$0x17E00] =	vst v63  }
0x3f: {  	_ =	swait.ge [sflag:s30], $0x1000  }
0x40: {  	[sflag:s30] =	ssyncset.done $0x0  }
0x41: {  	s21 =	simm.s32 $0x280;
	[sflag:s30] =	ssyncadd.s32 $0xFFFFF000  }
0x42: {  	[tilespmem:s20], [sflag:$0x2] =	stream.indirect.gather [spmem:s2], $0x20, s21, s18, $0xb8;
	[tilespmem:$0x17E00] =	vst v63  }
0x43: {  	_ =	swait.ge [sflag:s12], $0x1000  }
0x44: {  	[sflag:s12] =	ssyncset.done $0x0  }
0x45: {  	s25 =	simm.s32 $0x5200;
	[sflag:s12] =	ssyncadd.s32 $0xFFFFF000  }
0x46: {  	[spmem:s3] =	stream.indirect.scatter.add.f32 [tilespmem:s19], [sflag:$0x5], $0x20, s25, s18, $0xb8;
	[tilespmem:$0x17E00] =	vst v63  }
0x47: {  	_ =	swait.ge [sflag:s31], $0x1000  }
0x48: {  	[sflag:s31] =	ssyncset.done $0x0  }
0x49: {  	s21 =	simm.s32 $0x300;
	[sflag:s31] =	ssyncadd.s32 $0xFFFFF000  }
0x4a: {  	[tilespmem:s22], [sflag:$0x3] =	stream.indirect.gather [spmem:s2], $0x20, s21, s18, $0xb8;
	[tilespmem:$0x17E00] =	vst v63  }
0x4b: {  	_ =	swait.ge [sflag:s23], $0x1000  }
0x4c: {  	[sflag:s23] =	ssyncset.done $0x0  }
0x4d: {  	s25 =	simm.s32 $0x5280;
	[sflag:s23] =	ssyncadd.s32 $0xFFFFF000  }
0x4e: {  	[spmem:s3] =	stream.indirect.scatter.add.f32 [tilespmem:s20], [sflag:$0x6], $0x20, s25, s18, $0xb8;
	[tilespmem:$0x17E00] =	vst v63  }
0x4f: {  	_ =	swait.ge [sflag:s0], $0x1000  }
0x50: {  	[sflag:s0] =	ssyncset.done $0x0  }
0x51: {  	s1 =	simm.s32 $0x380;
	s25 =	simm.s32 $0x800;
	[sflag:s0] =	ssyncadd.s32 $0xFFFFF000  }
.LBB2_2:
0x52: {  	[tilespmem:s26], [sflag:$0x4] =	stream.indirect.gather [spmem:s2], $0x20, s1, s18, $0xb8;
	[tilespmem:$0x17E00] =	vst v63  }
0x53: {  	s1 =	smov.u32 s25  }
0x54: {  	p0 =	sne.s32 s25, $0x13000;
	s25 =	sadd.s32 $0x800, s25;
	_ =	swait.ge [sflag:s28], $0x1000  }
0x55: {  	s1 =	sshra.s32 s1, $0x2;
	[sflag:s28] =	ssyncset.done $0x0  }
0x56: {  	s21 =	sadd.s32 $0x5100, s1;
	[sflag:s28] =	ssyncadd.s32 $0xFFFFF000  }
0x57: {  	[spmem:s3] =	stream.indirect.scatter.add.f32 [tilespmem:s22], [sflag:$0x7], $0x20, s21, s18, $0xb8;
	[tilespmem:$0x17E00] =	vst v63  }
0x58: {  	_ =	swait.ge [sflag:s29], $0x1000  }
0x59: {  	[sflag:s29] =	ssyncset.done $0x0  }
0x5a: {  	s21 =	sadd.s32 $0x200, s1;
	[sflag:s29] =	ssyncadd.s32 $0xFFFFF000  }
0x5b: {  	[tilespmem:s19], [sflag:$0x1] =	stream.indirect.gather [spmem:s2], $0x20, s21, s18, $0xb8;
	[tilespmem:$0x17E00] =	vst v63  }
0x5c: {  	_ =	swait.ge [sflag:s13], $0x1000  }
0x5d: {  	[sflag:s13] =	ssyncset.done $0x0  }
0x5e: {  	s21 =	sadd.s32 $0x5180, s1;
	[sflag:s13] =	ssyncadd.s32 $0xFFFFF000  }
0x5f: {  	[spmem:s3] =	stream.indirect.scatter.add.f32 [tilespmem:s26], [sflag:$0x8], $0x20, s21, s18, $0xb8;
	[tilespmem:$0x17E00] =	vst v63  }
0x60: {  	_ =	swait.ge [sflag:s30], $0x1000  }
0x61: {  	[sflag:s30] =	ssyncset.done $0x0  }
0x62: {  	s21 =	sadd.s32 $0x280, s1;
	[sflag:s30] =	ssyncadd.s32 $0xFFFFF000  }
0x63: {  	[tilespmem:s20], [sflag:$0x2] =	stream.indirect.gather [spmem:s2], $0x20, s21, s18, $0xb8;
	[tilespmem:$0x17E00] =	vst v63  }
0x64: {  	_ =	swait.ge [sflag:s12], $0x1000  }
0x65: {  	[sflag:s12] =	ssyncset.done $0x0  }
0x66: {  	s21 =	sadd.s32 $0x5200, s1;
	[sflag:s12] =	ssyncadd.s32 $0xFFFFF000  }
0x67: {  	[spmem:s3] =	stream.indirect.scatter.add.f32 [tilespmem:s19], [sflag:$0x5], $0x20, s21, s18, $0xb8;
	[tilespmem:$0x17E00] =	vst v63  }
0x68: {  	_ =	swait.ge [sflag:s31], $0x1000  }
0x69: {  	[sflag:s31] =	ssyncset.done $0x0  }
0x6a: {  	s21 =	sadd.s32 $0x300, s1;
	[sflag:s31] =	ssyncadd.s32 $0xFFFFF000  }
0x6b: {  	[tilespmem:s22], [sflag:$0x3] =	stream.indirect.gather [spmem:s2], $0x20, s21, s18, $0xb8;
	[tilespmem:$0x17E00] =	vst v63  }
0x6c: {  	_ =	swait.ge [sflag:s23], $0x1000  }
0x6d: {  	[sflag:s23] =	ssyncset.done $0x0  }
.Ltmp0:
0x6e: {  	s21 =	sadd.s32 $0x5280, s1;
	[sflag:s23] =	ssyncadd.s32 $0xFFFFF000;
	(pc) =	sbr.rel @p0 .LBB2_2-.Ltmp0, $4  }
0x6f: {  	[spmem:s3] =	stream.indirect.scatter.add.f32 [tilespmem:s20], [sflag:$0x6], $0x20, s21, s18, $0xb8;
	[tilespmem:$0x17E00] =	vst v63  }
0x70: {  	_ =	swait.ge [sflag:s0], $0x1000  }
0x71: {  	[sflag:s0] =	ssyncset.done $0x0  }
0x72: {  	s1 =	sadd.s32 $0x380, s1;
	[sflag:s0] =	ssyncadd.s32 $0xFFFFF000  }
0x73: {  	[tilespmem:s26], [sflag:$0x4] =	stream.indirect.gather [spmem:s2], $0x20, s1, s18, $0xb8;
	[tilespmem:$0x17E00] =	vst v63  }
0x74: {  	_ =	swait.ge [sflag:s28], $0x1000  }
0x75: {  	[sflag:s28] =	ssyncset.done $0x0  }
0x76: {  	s21 =	simm.s32 $0x9F00;
	[sflag:s28] =	ssyncadd.s32 $0xFFFFF000  }
0x77: {  	[spmem:s3] =	stream.indirect.scatter.add.f32 [tilespmem:s22], [sflag:$0x7], $0x20, s21, s18, $0xb8;
	[tilespmem:$0x17E00] =	vst v63  }
0x78: {  	_ =	swait.ge [sflag:s29], $0x1000  }
0x79: {  	[sflag:s29] =	ssyncset.done $0x0  }
0x7a: {  	[sflag:s29] =	ssyncadd.s32 $0xFFFFF000  }
0x7b: {  	_ =	swait.ge [sflag:s13], $0x1000  }
0x7c: {  	[sflag:s13] =	ssyncset.done $0x0  }
0x7d: {  	s25 =	simm.s32 $0x9F80;
	[sflag:s13] =	ssyncadd.s32 $0xFFFFF000  }
0x7e: {  	[spmem:s3] =	stream.indirect.scatter.add.f32 [tilespmem:s26], [sflag:$0x8], $0x20, s25, s18, $0xb8;
	[tilespmem:$0x17E00] =	vst v63  }
0x7f: {  	_ =	swait.ge [sflag:s30], $0x1000  }
0x80: {  	[sflag:s30] =	ssyncset.done $0x0  }
0x81: {  	[sflag:s30] =	ssyncadd.s32 $0xFFFFF000  }
0x82: {  	_ =	swait.ge [sflag:s31], $0x1000  }
0x83: {  	[sflag:s31] =	ssyncset.done $0x0  }
0x84: {  	[sflag:s31] =	ssyncadd.s32 $0xFFFFF000  }
0x85: {  	_ =	swait.ge [sflag:s0], $0x1000  }
0x86: {  	s24 =	sadd.s32 $0x1, s24;
	[sflag:s0] =	ssyncset.done $0x0  }
0x87: {  	p0 =	sne.s32 s24, s10;
	[sflag:s0] =	ssyncadd.s32 $0xFFFFF000  }
.Ltmp1:
0x88: {  	[bflag:$0x0] =	sbarrier.arrive $0xFFFF;
	(pc) =	sbr.rel @p0 .LBB2_1-.Ltmp1, $4  }
0x89: {  	[hbm:s9@s14], [sflag:s6] =	dma.strided [spmem:s16@s13], $0x9E0, s12, $0x4   }
0x8a: {  	_ =	swait.ge [sflag:s15], $0x9E0  }
0x8b: {  	[sflag:s15] =	ssyncset.done $0x0  }
0x8c: {  	[sflag:s15] =	ssyncadd.s32 $0xFFFFF620  }
0x8d: {  	_ =	sfence.sel $0x180000  }
0x8e: {  	[bflag:$0x0] =	sbarrier.arrive $0xFFFF  }
0x8f: {  	_ =	strace $0x90000047  }
0x90: {  	s0 =	stileid.u32;
	[bflag:$0x2] =	sbarrier.arrive $0xFFFF  }
0x91: {  	p0 =	sne.s32 s0, $0x0;
	s0 =	rddreg [dreg:$0x3]  }
0x92: {  	s0 =	sadd.s32 @!p0 $0x100000, s0  }
0x93: {  	[sflag:s0] =	ssyncadd.tile.s32 @!p0 $0x1;
	_ =	shalt  }
.Lfunc_end2:
_tile_overlayer_lowered:
.L_overlay_start_2:
0x94: {  	(tag) =	ssettag $0x2  }
0x95: {  	s0 =	rddreg [dreg:$0x0];
	s2 =	stileid.u32  }
0x96: {  	s1 =	rddreg [dreg:$0x1];
	p0 =	sne.s32 s2, $0x0  }
0x97: {  	s3 =	rddreg [dreg:$0x2];
	[bflag:$0x3] =	sbarrier.arrive $0xFFFF;
	s2 =	simm.s32 @!p0 $0x1C09  }
0x98: {  	[timem:s3], [sflag:s2] =	dma.local @!p0 [hbm:s0], s1  }
0x99: {  	s0 =	simm.s32 @!p0 $0x9  }
0x9a: {  	_ =	swait.ge @!p0 [sflag:s0], s1  }
0x9b: {  	s1 =	ssub.s32 @!p0 $0x0, s1;
	[sflag:s0] =	ssyncset.done @!p0 $0x0  }
0x9c: {  	[sflag:s0] =	ssyncadd.s32 @!p0 s1  }
0x9d: {  	[bflag:$0x3] =	sbarrier.arrive $0xFFFF  }
0x9e: {  	_ =	shalt  }

// kernel: kernel.17.cloned.1.call-start
scs
__scs_entry_jumppad:
0x0: {  	(pc) =	sbr.rel $0x88, $3  }
0x1: {  	(tag) =	ssettag $0x0;
	lr =	simm.s32 $0x1  }
0x2: {  	[smem:$0x3F91] =	sst lr;
	_ =	strace $0xD0000000  }
0x3: {  	_ = 	snop  }
0x4: {  	_ = 	snop  }
0x5: {  	_ = 	snop  }
0x6: {  	_ = 	snop  }
0x7: {  	_ = 	snop  }
__scs_overlays_trampoline_lowered:
0x8: {  	[smem:$0x3FA0] =	sst s0  }
0x9: {  	[smem:$0x3FA1] =	sst s1  }
0xa: {  	[smem:$0x3FA2] =	sst s2  }
0xb: {  	[smem:$0x3FA3] =	sst s3  }
0xc: {  	[smem:$0x3FA4] =	sst s4  }
0xd: {  	[smem:$0x3FA5] =	sst s5  }
0xe: {  	[smem:$0x3FA6] =	sst s6  }
0xf: {  	[smem:$0x3FA7] =	sst s7  }
0x10: {  	[smem:$0x3FA8] =	sst s8  }
0x11: {  	[smem:$0x3FA9] =	sst s9;
	s0 =	simm.s32 @!p0 $0x0  }
0x12: {  	s1 =	sld [smem:$0x3F8F];
	s0 =	simm.s32 @p0 $0x1  }
0x13: {  	[smem:$0x3FAA] =	sst s0;
	s0 =	simm.s32 @!p1 $0x0  }
0x14: {  	s2 =	sld [smem:$0x3F8E];
	s0 =	simm.s32 @p1 $0x1  }
0x15: {  	[smem:$0x3FAB] =	sst s0;
	s0 =	simm.s32 @!p2 $0x0  }
0x16: {  	s3 =	sld [smem:$0x3FDB];
	s0 =	simm.s32 @p2 $0x1  }
0x17: {  	s4 =	simm.s32 $0x1BF5;
	[smem:$0x3FAD] =	sst s0  }
0x18: {  	s0 =	sld [smem:$0x3F90];
	_ =	swait.ge [sflag:s4], $0x0  }
0x19: {  	s7 =	sld [smem:$0x3F91]  }
0x1a: {  	s8 =	sadd.s32 $0xFFFFE003, lr  }
0x1b: {  	s9 =	sadd.s32 $0xFFFFFEF7, lr;
	s5 =	simm.s32 $0xFFFFFFFF;
	p2 =	slt.u32 s8, $0xFFFFF086  }
0x1c: {  	p1 =	slt.u32 s9, $0xF7A;
	s5 =	simm.s32 @!p2 $0x0  }
0x1d: {  	s5 =	simm.s32 @p1 $0x1;
	p0 =	seq.s32 s7, s2  }
0x1e: {  	s7 =	smul.u32 @!p0 $0xF7A, s2;
	p2 =	seq.s32 @!p0 s5, $0x0  }
0x1f: {  	s9 =	smul.u32 $0xF7A, s1;
	s8 =	simm.s32 @!p0 $0x1BF5;
	p2 =	por !p2, p0  }
0x20: {  	[sflag:s8] =	ssyncset.s32 @!p0 $0xFFFFF086;
	s6 =	sadd.s32 @!p0 s3, s7;
	s7 =	simm.s32 @!p0 $0x108  }
0x21: {  	s3 =	sadd.s32 s3, s9;
	s6 =	sadd.s32 @!p0 $0x88, s6;
	s7 =	simm.s32 @p2 $0x1082  }
0x22: {  	[simem:s7], [sflag:s8] =	dma.local @!p0 [hbm:s6], $0xF7A  }
0x23: {  	s9 =	sor.u32 $0xD0000000, s2;
	s6 =	simm.s32 $0x108;
	_ =	swait.ge @!p0 [sflag:s8], $0x0  }
0x24: {  	s3 =	sadd.s32 $0x88, s3;
	s6 =	simm.s32 @!p1 $0x1082;
	[sflag:s4] =	ssyncset.s32 $0xFFFFF086  }
0x25: {  	[simem:s6], [sflag:s4] =	dma.local [hbm:s3], $0xF7A  }
0x26: {  	[smem:$0x3F91] =	sst s1;
	(tag) =	ssettag s2;
	_ =	strace s9  }
0x27: {  	s1 =	sld [smem:$0x3FA1]  }
0x28: {  	s2 =	sld [smem:$0x3FA2]  }
0x29: {  	s4 =	sld [smem:$0x3FA4]  }
0x2a: {  	p0 =	seq.s32 s5, $0x0;
	s5 =	sld [smem:$0x3FA5]  }
0x2b: {  	s6 =	sld [smem:$0x3FA6]  }
0x2c: {  	s7 =	sld [smem:$0x3FA7]  }
0x2d: {  	s3 =	simm.s32 $0x108;
	s8 =	sld [smem:$0x3FA8]  }
0x2e: {  	s3 =	simm.s32 @!p0 $0x1082;
	s9 =	sld [smem:$0x3FA9]  }
0x2f: {  	lr =	sadd.s32 s0, s3;
	s0 =	sld [smem:$0x3FA0]  }
0x30: {  	s3 =	sld [smem:$0x3FA3]  }
0x31: {  	[smem:$0x3FAC] =	sst s10  }
0x32: {  	s10 =	sld [smem:$0x3FAA];
	_ =	sdelay $0x3  }
0x33: {  	p0 =	seq.s32 s10, $0x1;
	s10 =	sld [smem:$0x3FAC];
	_ =	sdelay $0x3  }
0x34: {  	[smem:$0x3FAC] =	sst s10  }
0x35: {  	s10 =	sld [smem:$0x3FAB];
	_ =	sdelay $0x3  }
0x36: {  	p1 =	seq.s32 s10, $0x1;
	s10 =	sld [smem:$0x3FAC];
	_ =	sdelay $0x3  }
0x37: {  	[smem:$0x3FAC] =	sst s10  }
0x38: {  	s10 =	sld [smem:$0x3FAD]  }
0x39: {  	_ = 	snop;
	(pc) =	sbr.ind lr, $3  }
0x3a: {  	_ = 	snop  }
0x3b: {  	_ = 	snop  }
0x3c: {  	p2 =	seq.s32 s10, $0x1;
	s10 =	sld [smem:$0x3FAC]  }
0x3d: {  	_ =	shalt  }
0x3e: {  	_ =	shalt  }
0x3f: {  	_ =	shalt  }
0x40: {  	_ =	shalt  }
0x41: {  	_ =	shalt  }
0x42: {  	_ =	shalt  }
0x43: {  	_ =	shalt  }
0x44: {  	_ =	shalt  }
0x45: {  	_ =	shalt  }
0x46: {  	_ =	shalt  }
0x47: {  	_ =	shalt  }
0x48: {  	_ =	shalt  }
0x49: {  	_ =	shalt  }
0x4a: {  	_ =	shalt  }
0x4b: {  	_ =	shalt  }
0x4c: {  	_ =	shalt  }
0x4d: {  	_ =	shalt  }
0x4e: {  	_ =	shalt  }
0x4f: {  	_ =	shalt  }
0x50: {  	_ =	shalt  }
0x51: {  	_ =	shalt  }
0x52: {  	_ =	shalt  }
0x53: {  	_ =	shalt  }
0x54: {  	_ =	shalt  }
0x55: {  	_ =	shalt  }
0x56: {  	_ =	shalt  }
0x57: {  	_ =	shalt  }
0x58: {  	_ =	shalt  }
0x59: {  	_ =	shalt  }
0x5a: {  	_ =	shalt  }
0x5b: {  	_ =	shalt  }
0x5c: {  	_ =	shalt  }
0x5d: {  	_ =	shalt  }
0x5e: {  	_ =	shalt  }
0x5f: {  	_ =	shalt  }
0x60: {  	_ =	shalt  }
0x61: {  	_ =	shalt  }
0x62: {  	_ =	shalt  }
0x63: {  	_ =	shalt  }
0x64: {  	_ =	shalt  }
0x65: {  	_ =	shalt  }
0x66: {  	_ =	shalt  }
0x67: {  	_ =	shalt  }
0x68: {  	_ =	shalt  }
0x69: {  	_ =	shalt  }
0x6a: {  	_ =	shalt  }
0x6b: {  	_ =	shalt  }
0x6c: {  	_ =	shalt  }
0x6d: {  	_ =	shalt  }
0x6e: {  	_ =	shalt  }
0x6f: {  	_ =	shalt  }
0x70: {  	_ =	shalt  }
0x71: {  	_ =	shalt  }
0x72: {  	_ =	shalt  }
0x73: {  	_ =	shalt  }
0x74: {  	_ =	shalt  }
0x75: {  	_ =	shalt  }
0x76: {  	_ =	shalt  }
0x77: {  	_ =	shalt  }
0x78: {  	_ =	shalt  }
0x79: {  	_ =	shalt  }
0x7a: {  	_ =	shalt  }
0x7b: {  	_ =	shalt  }
0x7c: {  	_ =	shalt  }
0x7d: {  	_ =	shalt  }
0x7e: {  	_ =	shalt  }
0x7f: {  	_ =	shalt  }
0x80: {  	_ =	shalt  }
0x81: {  	_ =	shalt  }
0x82: {  	_ =	shalt  }
0x83: {  	_ =	shalt  }
0x84: {  	_ =	shalt  }
0x85: {  	_ =	shalt  }
0x86: {  	_ =	shalt  }
0x87: {  	_ =	shalt  }
.Lfunc_end0:
.L_simem_size_0:
called_computation.1_lowered:
.L_overlay_start_0:
0x88: {  	s2 =	sld [smem:$0x3FD9]  }
0x89: {  	s3 =	sld [smem:$0x3FFE];
	_ =	sdelay $0x1  }
0x8a: {  	s1 =	srdreg.scid  }
0x8b: {  	s0 =	sand.u32 $0x1, s1  }
0x8c: {  	s16 =	sshll.u32 s0, $0xA;
	s2 =	sadd.s32 s3, s2  }
0x8d: {  	s2 =	sadd.s32 s2, s16  }
0x8e: {  	[smem:$0x3FB8] =	sst s2  }
0x8f: {  	_ = 	snop  }
0x90: {  	(tm) =	ssettm $0x1  }
0x91: {  	s17 =	sld [smem:$0x3FFB];
	_ =	sdelay $0x3  }
0x92: {  	_ =	strace s17  }
0x93: {  	s2 =	sld [smem:$0x3FFC];
	_ =	sdelay $0x3  }
0x94: {  	_ =	strace s2  }
0x95: {  	s2 =	sld [smem:$0x3FFD];
	_ =	sdelay $0x3  }
0x96: {  	_ =	strace s2  }
0x97: {  	_ =	strace $0x8FFFFFFF  }
0x98: {  	s18 =	sld [smem:$0x3FDB];
	_ =	sdelay $0x1  }
0x99: {  	s19 =	simm.s32 $_scs_section_size  }
0x9a: {  	s4 =	simm.s32 $_size__tile_overlayer_lowered;
	s5 =	simm.s32 $_tile_overlayer_lowered  }
0x9b: {  	s22 =	simm.s32 $0x1BFF;
	s21 =	sshll.u32 s5, $0x1;
	s2 =	sadd.s32 s19, s18  }
0x9c: {  	s6 =	simm.s32 $0x0;
	s20 =	sshll.u32 s4, $0x1;
	s4 =	sadd.s32 s21, s2  }
0x9d: {  	[timem:s6], [sflag:s22] =	dma.local [hbm:s4], s20  }
0x9e: {  	_ =	swait.ge [sflag:s22], s20  }
0x9f: {  	s3 =	ssub.s32 $0x0, s20;
	[sflag:s22] =	ssyncset.done $0x0  }
0xa0: {  	[sflag:s22] =	ssyncadd.s32 s3;
	_ =	sdelay $0x1  }
0xa1: {  	s23 =	simm.s32 $0x1B8B  }
0xa2: {  	_ =	swait.ge [sflag:s23], $0x1  }
0xa3: {  	[sflag:s23] =	ssyncset.done $0x0  }
0xa4: {  	s25 =	simm.s32 $0x1B8E;
	s24 =	sld [smem:$0x3FFE];
	[sflag:s23] =	ssyncadd.s32 $0xFFFFFFFF  }
0xa5: {  	s26 =	simm.s32 $execute0_lowered;
	[smem:$0x3FD2] =	sst s25  }
0xa6: {  	s4 =	sshll.u32 s26, $0x1;
	_ =	strace $0x80000049;
	[dreg:$0x1] =	wrdreg $0xFFFFFFFF  }
0xa7: {  	s28 =	simm.s32 $_size_execute0_lowered;
	s2 =	sadd.s32 s2, s4;
	[dreg:$0x0] =	wrdreg $0x0  }
0xa8: {  	s4 =	sshll.u32 s28, $0x1;
	[dreg:$0x2] =	wrdreg s2  }
0xa9: {  	[dreg:$0x3] =	wrdreg s4  }
0xaa: {  	[dreg:$0x4] =	wrdreg $0xC0  }
0xab: {  	_ =	task [dreg:s6], $0x5FFFF  }
0xac: {  	[dreg:$0x1] =	wrdreg $0xFFFFFFFF  }
0xad: {  	[dreg:$0x0] =	wrdreg $0x60  }
0xae: {  	[dreg:$0x2] =	wrdreg s24  }
0xaf: {  	[dreg:$0x3] =	wrdreg $0x12F000  }
0xb0: {  	[dreg:$0x4] =	wrdreg $0xE0000  }
0xb1: {  	[dreg:$0x5] =	wrdreg $0x9  }
0xb2: {  	_ =	task.clear_ibuf [dreg:s6], $0x6FFFF;
	_ =	strace $0x90000049  }
0xb3: {  	s29 =	simm.s32 $0x9;
	_ =	strace $0x8000004B  }
0xb4: {  	_ =	swait.ge [sflag:s29], $0x1  }
0xb5: {  	[sflag:s29] =	ssyncadd.s32 $0xFFFFFFFF  }
0xb6: {  	_ =	strace $0x9000004B  }
0xb7: {  	_ =	sfence  }
0xb8: {  	s30 =	sld [smem:$0x0];
	_ =	sdelay $0x2  }
0xb9: {  	s31 =	sshll.u32 s1, $0xD;
	s1 =	sshrl.u32 s1, $0x2  }
0xba: {  	s3 =	sand.u32 $0x4000, s31;
	s1 =	sadd.s32 s1, s30  }
0xbb: {  	s0 =	sor.u32 s3, s0;
	s1 =	sshll.u32 s1, $0x11  }
0xbc: {  	s0 =	sor.u32 s1, s0  }
0xbd: {  	s0 =	sadd.s32 $0x8F2B, s0  }
0xbe: {  	[sflag:s0] =	ssyncadd.remote.s32 $0x1  }
0xbf: {  	_ =	sfence.sel $0xFFFF  }
0xc0: {  	[dreg:$0x0] =	wrdreg $0xFFFFFFFF;
	(pc) =	sbr.abs _section_cstart, $3  }
0xc1: {  	[dreg:$0x1] =	wrdreg $0xFFFFFFFF  }
0xc2: {  	_ =	task.clear_ibuf [dreg:s6], $0x2FFFF;
	_ =	strace $0x9FFFFFFF  }
0xc3: {  	(tm) =	ssettm $0x7FFFFFFF  }
tec
execute0_lowered:
.L_overlay_start_1:
0x0: {  	(tag) =	ssettag $0x1  }
0x1: {  	s0 =	rddreg [dreg:$0x0]  }
0x2: {  	s2 =	rddreg [dreg:$0x1]  }
0x3: {  	s3 =	rddreg [dreg:$0x2]  }
0x4: {  	s4 =	simm.s32 $0x0;
	s10 =	stileid.u32;
	s1 =	srdreg.scid  }
0x5: {  	s12 =	simm.s32 $0x1;
	s13 =	simm.s32 $0x4;
	s14 =	simm.s32 $0x10  }
0x6: {  	s15 =	simm.s32 $0x9;
	s17 =	simm.s32 $0x5000;
	s18 =	simm.s32 $0x80  }
0x7: {  	s19 =	simm.s32 $0xA000;
	s20 =	simm.s32 $0xB000;
	s22 =	simm.s32 $0xC000  }
0x8: {  	s23 =	simm.s32 $0x2;
	s28 =	simm.s32 $0x3;
	s29 =	simm.s32 $0x5  }
0x9: {  	s30 =	simm.s32 $0x6;
	s31 =	simm.s32 $0x7;
	s5 =	smul.u32 $0x13C00, s10  }
0xa: {  	s24 =	simm.s32 $0x0;
	[smem:$0x7FF] =	sst s4;
	s7 =	smul.u32 $0xA00, s10  }
0xb: {  	s1 =	sand.u32 $0x1, s1;
	s8 =	smul.u32 $0x4F00, s10;
	s26 =	sshll.u32 s10, $0x6  }
0xc: {  	_ =	strace $0x8000004A;
	s6 =	sshll.u32 s1, $0x5;
	s1 =	ssub.s32 $0x2, s1  }
0xd: {  	s5 =	sor.u32 s6, s5;
	s25 =	sshrl.u32 s1, $0x1;
	s9 =	sadd.s32 s7, s0  }
0xe: {  	s11 =	sadd.s32 s8, s2;
	s6 =	sor.u32 $0x1C09, s26;
	s16 =	sadd.s32 s8, s3  }
0xf: {  	s26 =	simm.s32 $0xD000;
	s5 =	sshrl.u32 s5, $0x3;
	s1 =	ssub.s32 s1, s25  }
0x10: {  	s7 =	sadd.s32 $0x35E00, s9;
	s8 =	sadd.s32 $0x2BE00, s9;
	s11 =	sshrl.u32 s11, $0x3  }
0x11: {  	s16 =	sshrl.u32 s16, $0x3;
	s0 =	sadd.s32 s5, s0;
	s10 =	smax.u32 s1, $0x1  }
0x12: {  	s5 =	sadd.s32 $0x4600, s0;
	s9 =	sadd.s32 $0x3FE00, s0;
	s0 =	simm.s32 $0x8  }
.LBB2_1:
0x13: {  	[spmem:s11@s13], [sflag:s6] =	dma.strided [hbm:s5@s14], $0x9E0, s12, $0x4   }
0x14: {  	_ =	swait.ge [sflag:s15], $0x9E0  }
0x15: {  	[sflag:s15] =	ssyncset.done $0x0  }
0x16: {  	[sflag:s15] =	ssyncadd.s32 $0xFFFFF620  }
0x17: {  	[spmem:s16@s13], [sflag:s6] =	dma.strided [hbm:s5@s14], $0x9E0, s12, $0x4   }
0x18: {  	_ =	swait.ge [sflag:s15], $0x9E0  }
0x19: {  	[sflag:s15] =	ssyncset.done $0x0  }
0x1a: {  	[sflag:s15] =	ssyncadd.s32 $0xFFFFF620  }
0x1b: {  	[tilespmem:s4], [sflag:$0x9] =	stream.linear.gather [hbm4b:s7+s4], $0x5000, $0x38;
	[tilespmem:$0x17E00] =	vst v63  }
0x1c: {  	_ =	swait.ge [sflag:s15], $0x5000  }
0x1d: {  	[sflag:s15] =	ssyncset.done $0x0  }
0x1e: {  	[sflag:s15] =	ssyncadd.s32 $0xFFFFB000  }
0x1f: {  	[tilespmem:s17], [sflag:$0x9] =	stream.linear.gather [hbm4b:s8+s4], $0x5000, $0x38;
	[tilespmem:$0x17E00] =	vst v63  }
0x20: {  	_ =	swait.ge [sflag:s15], $0x5000  }
0x21: {  	[sflag:s15] =	ssyncset.done $0x0  }
0x22: {  	[sflag:s15] =	ssyncadd.s32 $0xFFFFB000  }
0x23: {  	[bflag:$0x0] =	sbarrier.arrive $0xFFFF  }
0x24: {  	[tilespmem:s19], [sflag:$0x1] =	stream.indirect.gather [spmem:s2], $0x20, s4, s18, $0xb8;
	[tilespmem:$0x17E00] =	vst v63  }
0x25: {  	_ = 	snop  }
0x26: {  	[tilespmem:s20], [sflag:$0x2] =	stream.indirect.gather [spmem:s2], $0x20, s18, s18, $0xb8;
	[tilespmem:$0x17E00] =	vst v63  }
0x27: {  	_ =	swait.ge [sflag:s12], $0x1000  }
0x28: {  	[sflag:s12] =	ssyncset.done $0x0  }
0x29: {  	[sflag:s12] =	ssyncadd.s32 $0xFFFFF000  }
0x2a: {  	[spmem:s3] =	stream.indirect.scatter.add.f32 [tilespmem:s19], [sflag:$0x5], $0x20, s17, s18, $0xb8;
	[tilespmem:$0x17E00] =	vst v63  }
0x2b: {  	s1 =	simm.s32 $0x100  }
0x2c: {  	[tilespmem:s22], [sflag:$0x3] =	stream.indirect.gather [spmem:s2], $0x20, s1, s18, $0xb8;
	[tilespmem:$0x17E00] =	vst v63  }
0x2d: {  	_ =	swait.ge [sflag:s23], $0x1000  }
0x2e: {  	[sflag:s23] =	ssyncset.done $0x0  }
0x2f: {  	s25 =	simm.s32 $0x5080;
	[sflag:s23] =	ssyncadd.s32 $0xFFFFF000  }
0x30: {  	[spmem:s3] =	stream.indirect.scatter.add.f32 [tilespmem:s20], [sflag:$0x6], $0x20, s25, s18, $0xb8;
	[tilespmem:$0x17E00] =	vst v63  }
0x31: {  	s21 =	simm.s32 $0x180  }
0x32: {  	[tilespmem:s26], [sflag:$0x4] =	stream.indirect.gather [spmem:s2], $0x20, s21, s18, $0xb8;
	[tilespmem:$0x17E00] =	vst v63  }
0x33: {  	_ =	swait.ge [sflag:s28], $0x1000  }
0x34: {  	[sflag:s28] =	ssyncset.done $0x0  }
0x35: {  	s25 =	simm.s32 $0x5100;
	[sflag:s28] =	ssyncadd.s32 $0xFFFFF000  }
0x36: {  	[spmem:s3] =	stream.indirect.scatter.add.f32 [tilespmem:s22], [sflag:$0x7], $0x20, s25, s18, $0xb8;
	[tilespmem:$0x17E00] =	vst v63  }
0x37: {  	_ =	swait.ge [sflag:s29], $0x1000  }
0x38: {  	[sflag:s29] =	ssyncset.done $0x0  }
0x39: {  	s21 =	simm.s32 $0x200;
	[sflag:s29] =	ssyncadd.s32 $0xFFFFF000  }
0x3a: {  	[tilespmem:s19], [sflag:$0x1] =	stream.indirect.gather [spmem:s2], $0x20, s21, s18, $0xb8;
	[tilespmem:$0x17E00] =	vst v63  }
0x3b: {  	_ =	swait.ge [sflag:s13], $0x1000  }
0x3c: {  	[sflag:s13] =	ssyncset.done $0x0  }
0x3d: {  	s25 =	simm.s32 $0x5180;
	[sflag:s13] =	ssyncadd.s32 $0xFFFFF000  }
0x3e: {  	[spmem:s3] =	stream.indirect.scatter.add.f32 [tilespmem:s26], [sflag:$0x8], $0x20, s25, s18, $0xb8;
	[tilespmem:$0x17E00] =	vst v63  }
0x3f: {  	_ =	swait.ge [sflag:s30], $0x1000  }
0x40: {  	[sflag:s30] =	ssyncset.done $0x0  }
0x41: {  	s21 =	simm.s32 $0x280;
	[sflag:s30] =	ssyncadd.s32 $0xFFFFF000  }
0x42: {  	[tilespmem:s20], [sflag:$0x2] =	stream.indirect.gather [spmem:s2], $0x20, s21, s18, $0xb8;
	[tilespmem:$0x17E00] =	vst v63  }
0x43: {  	_ =	swait.ge [sflag:s12], $0x1000  }
0x44: {  	[sflag:s12] =	ssyncset.done $0x0  }
0x45: {  	s25 =	simm.s32 $0x5200;
	[sflag:s12] =	ssyncadd.s32 $0xFFFFF000  }
0x46: {  	[spmem:s3] =	stream.indirect.scatter.add.f32 [tilespmem:s19], [sflag:$0x5], $0x20, s25, s18, $0xb8;
	[tilespmem:$0x17E00] =	vst v63  }
0x47: {  	_ =	swait.ge [sflag:s31], $0x1000  }
0x48: {  	[sflag:s31] =	ssyncset.done $0x0  }
0x49: {  	s21 =	simm.s32 $0x300;
	[sflag:s31] =	ssyncadd.s32 $0xFFFFF000  }
0x4a: {  	[tilespmem:s22], [sflag:$0x3] =	stream.indirect.gather [spmem:s2], $0x20, s21, s18, $0xb8;
	[tilespmem:$0x17E00] =	vst v63  }
0x4b: {  	_ =	swait.ge [sflag:s23], $0x1000  }
0x4c: {  	[sflag:s23] =	ssyncset.done $0x0  }
0x4d: {  	s25 =	simm.s32 $0x5280;
	[sflag:s23] =	ssyncadd.s32 $0xFFFFF000  }
0x4e: {  	[spmem:s3] =	stream.indirect.scatter.add.f32 [tilespmem:s20], [sflag:$0x6], $0x20, s25, s18, $0xb8;
	[tilespmem:$0x17E00] =	vst v63  }
0x4f: {  	_ =	swait.ge [sflag:s0], $0x1000  }
0x50: {  	[sflag:s0] =	ssyncset.done $0x0  }
0x51: {  	s1 =	simm.s32 $0x380;
	s25 =	simm.s32 $0x800;
	[sflag:s0] =	ssyncadd.s32 $0xFFFFF000  }
.LBB2_2:
0x52: {  	[tilespmem:s26], [sflag:$0x4] =	stream.indirect.gather [spmem:s2], $0x20, s1, s18, $0xb8;
	[tilespmem:$0x17E00] =	vst v63  }
0x53: {  	s1 =	smov.u32 s25  }
0x54: {  	p0 =	sne.s32 s25, $0x13000;
	s25 =	sadd.s32 $0x800, s25;
	_ =	swait.ge [sflag:s28], $0x1000  }
0x55: {  	s1 =	sshra.s32 s1, $0x2;
	[sflag:s28] =	ssyncset.done $0x0  }
0x56: {  	s21 =	sadd.s32 $0x5100, s1;
	[sflag:s28] =	ssyncadd.s32 $0xFFFFF000  }
0x57: {  	[spmem:s3] =	stream.indirect.scatter.add.f32 [tilespmem:s22], [sflag:$0x7], $0x20, s21, s18, $0xb8;
	[tilespmem:$0x17E00] =	vst v63  }
0x58: {  	_ =	swait.ge [sflag:s29], $0x1000  }
0x59: {  	[sflag:s29] =	ssyncset.done $0x0  }
0x5a: {  	s21 =	sadd.s32 $0x200, s1;
	[sflag:s29] =	ssyncadd.s32 $0xFFFFF000  }
0x5b: {  	[tilespmem:s19], [sflag:$0x1] =	stream.indirect.gather [spmem:s2], $0x20, s21, s18, $0xb8;
	[tilespmem:$0x17E00] =	vst v63  }
0x5c: {  	_ =	swait.ge [sflag:s13], $0x1000  }
0x5d: {  	[sflag:s13] =	ssyncset.done $0x0  }
0x5e: {  	s21 =	sadd.s32 $0x5180, s1;
	[sflag:s13] =	ssyncadd.s32 $0xFFFFF000  }
0x5f: {  	[spmem:s3] =	stream.indirect.scatter.add.f32 [tilespmem:s26], [sflag:$0x8], $0x20, s21, s18, $0xb8;
	[tilespmem:$0x17E00] =	vst v63  }
0x60: {  	_ =	swait.ge [sflag:s30], $0x1000  }
0x61: {  	[sflag:s30] =	ssyncset.done $0x0  }
0x62: {  	s21 =	sadd.s32 $0x280, s1;
	[sflag:s30] =	ssyncadd.s32 $0xFFFFF000  }
0x63: {  	[tilespmem:s20], [sflag:$0x2] =	stream.indirect.gather [spmem:s2], $0x20, s21, s18, $0xb8;
	[tilespmem:$0x17E00] =	vst v63  }
0x64: {  	_ =	swait.ge [sflag:s12], $0x1000  }
0x65: {  	[sflag:s12] =	ssyncset.done $0x0  }
0x66: {  	s21 =	sadd.s32 $0x5200, s1;
	[sflag:s12] =	ssyncadd.s32 $0xFFFFF000  }
0x67: {  	[spmem:s3] =	stream.indirect.scatter.add.f32 [tilespmem:s19], [sflag:$0x5], $0x20, s21, s18, $0xb8;
	[tilespmem:$0x17E00] =	vst v63  }
0x68: {  	_ =	swait.ge [sflag:s31], $0x1000  }
0x69: {  	[sflag:s31] =	ssyncset.done $0x0  }
0x6a: {  	s21 =	sadd.s32 $0x300, s1;
	[sflag:s31] =	ssyncadd.s32 $0xFFFFF000  }
0x6b: {  	[tilespmem:s22], [sflag:$0x3] =	stream.indirect.gather [spmem:s2], $0x20, s21, s18, $0xb8;
	[tilespmem:$0x17E00] =	vst v63  }
0x6c: {  	_ =	swait.ge [sflag:s23], $0x1000  }
0x6d: {  	[sflag:s23] =	ssyncset.done $0x0  }
.Ltmp0:
0x6e: {  	s21 =	sadd.s32 $0x5280, s1;
	[sflag:s23] =	ssyncadd.s32 $0xFFFFF000;
	(pc) =	sbr.rel @p0 .LBB2_2-.Ltmp0, $4  }
0x6f: {  	[spmem:s3] =	stream.indirect.scatter.add.f32 [tilespmem:s20], [sflag:$0x6], $0x20, s21, s18, $0xb8;
	[tilespmem:$0x17E00] =	vst v63  }
0x70: {  	_ =	swait.ge [sflag:s0], $0x1000  }
0x71: {  	[sflag:s0] =	ssyncset.done $0x0  }
0x72: {  	s1 =	sadd.s32 $0x380, s1;
	[sflag:s0] =	ssyncadd.s32 $0xFFFFF000  }
0x73: {  	[tilespmem:s26], [sflag:$0x4] =	stream.indirect.gather [spmem:s2], $0x20, s1, s18, $0xb8;
	[tilespmem:$0x17E00] =	vst v63  }
0x74: {  	_ =	swait.ge [sflag:s28], $0x1000  }
0x75: {  	[sflag:s28] =	ssyncset.done $0x0  }
0x76: {  	s21 =	simm.s32 $0x9F00;
	[sflag:s28] =	ssyncadd.s32 $0xFFFFF000  }
0x77: {  	[spmem:s3] =	stream.indirect.scatter.add.f32 [tilespmem:s22], [sflag:$0x7], $0x20, s21, s18, $0xb8;
	[tilespmem:$0x17E00] =	vst v63  }
0x78: {  	_ =	swait.ge [sflag:s29], $0x1000  }
0x79: {  	[sflag:s29] =	ssyncset.done $0x0  }
0x7a: {  	[sflag:s29] =	ssyncadd.s32 $0xFFFFF000  }
0x7b: {  	_ =	swait.ge [sflag:s13], $0x1000  }
0x7c: {  	[sflag:s13] =	ssyncset.done $0x0  }
0x7d: {  	s25 =	simm.s32 $0x9F80;
	[sflag:s13] =	ssyncadd.s32 $0xFFFFF000  }
0x7e: {  	[spmem:s3] =	stream.indirect.scatter.add.f32 [tilespmem:s26], [sflag:$0x8], $0x20, s25, s18, $0xb8;
	[tilespmem:$0x17E00] =	vst v63  }
0x7f: {  	_ =	swait.ge [sflag:s30], $0x1000  }
0x80: {  	[sflag:s30] =	ssyncset.done $0x0  }
0x81: {  	[sflag:s30] =	ssyncadd.s32 $0xFFFFF000  }
0x82: {  	_ =	swait.ge [sflag:s31], $0x1000  }
0x83: {  	[sflag:s31] =	ssyncset.done $0x0  }
0x84: {  	[sflag:s31] =	ssyncadd.s32 $0xFFFFF000  }
0x85: {  	_ =	swait.ge [sflag:s0], $0x1000  }
0x86: {  	s24 =	sadd.s32 $0x1, s24;
	[sflag:s0] =	ssyncset.done $0x0  }
0x87: {  	p0 =	sne.s32 s24, s10;
	[sflag:s0] =	ssyncadd.s32 $0xFFFFF000  }
.Ltmp1:
0x88: {  	[bflag:$0x0] =	sbarrier.arrive $0xFFFF;
	(pc) =	sbr.rel @p0 .LBB2_1-.Ltmp1, $4  }
0x89: {  	[hbm:s9@s14], [sflag:s6] =	dma.strided [spmem:s16@s13], $0x9E0, s12, $0x4   }
0x8a: {  	_ =	swait.ge [sflag:s15], $0x9E0  }
0x8b: {  	[sflag:s15] =	ssyncset.done $0x0  }
0x8c: {  	[sflag:s15] =	ssyncadd.s32 $0xFFFFF620  }
0x8d: {  	_ =	sfence.sel $0x180000  }
0x8e: {  	[bflag:$0x0] =	sbarrier.arrive $0xFFFF  }
0x8f: {  	_ =	strace $0x9000004A  }
0x90: {  	s0 =	stileid.u32;
	[bflag:$0x2] =	sbarrier.arrive $0xFFFF  }
0x91: {  	p0 =	sne.s32 s0, $0x0;
	s0 =	rddreg [dreg:$0x3]  }
0x92: {  	s0 =	sadd.s32 @!p0 $0x100000, s0  }
0x93: {  	[sflag:s0] =	ssyncadd.tile.s32 @!p0 $0x1;
	_ =	shalt  }
.Lfunc_end2:
_tile_overlayer_lowered:
.L_overlay_start_2:
0x94: {  	(tag) =	ssettag $0x2  }
0x95: {  	s0 =	rddreg [dreg:$0x0];
	s2 =	stileid.u32  }
0x96: {  	s1 =	rddreg [dreg:$0x1];
	p0 =	sne.s32 s2, $0x0  }
0x97: {  	s3 =	rddreg [dreg:$0x2];
	[bflag:$0x3] =	sbarrier.arrive $0xFFFF;
	s2 =	simm.s32 @!p0 $0x1C09  }
0x98: {  	[timem:s3], [sflag:s2] =	dma.local @!p0 [hbm:s0], s1  }
0x99: {  	s0 =	simm.s32 @!p0 $0x9  }
0x9a: {  	_ =	swait.ge @!p0 [sflag:s0], s1  }
0x9b: {  	s1 =	ssub.s32 @!p0 $0x0, s1;
	[sflag:s0] =	ssyncset.done @!p0 $0x0  }
0x9c: {  	[sflag:s0] =	ssyncadd.s32 @!p0 s1  }
0x9d: {  	[bflag:$0x3] =	sbarrier.arrive $0xFFFF  }
0x9e: {  	_ =	shalt  }

// kernel: kernel.20.cloned.1.call-start
scs
__scs_entry_jumppad:
0x0: {  	(pc) =	sbr.rel $0x88, $3  }
0x1: {  	(tag) =	ssettag $0x0;
	lr =	simm.s32 $0x1  }
0x2: {  	[smem:$0x3F91] =	sst lr;
	_ =	strace $0xD0000000  }
0x3: {  	_ = 	snop  }
0x4: {  	_ = 	snop  }
0x5: {  	_ = 	snop  }
0x6: {  	_ = 	snop  }
0x7: {  	_ = 	snop  }
__scs_overlays_trampoline_lowered:
0x8: {  	[smem:$0x3FA0] =	sst s0  }
0x9: {  	[smem:$0x3FA1] =	sst s1  }
0xa: {  	[smem:$0x3FA2] =	sst s2  }
0xb: {  	[smem:$0x3FA3] =	sst s3  }
0xc: {  	[smem:$0x3FA4] =	sst s4  }
0xd: {  	[smem:$0x3FA5] =	sst s5  }
0xe: {  	[smem:$0x3FA6] =	sst s6  }
0xf: {  	[smem:$0x3FA7] =	sst s7  }
0x10: {  	[smem:$0x3FA8] =	sst s8  }
0x11: {  	[smem:$0x3FA9] =	sst s9;
	s0 =	simm.s32 @!p0 $0x0  }
0x12: {  	s1 =	sld [smem:$0x3F8F];
	s0 =	simm.s32 @p0 $0x1  }
0x13: {  	[smem:$0x3FAA] =	sst s0;
	s0 =	simm.s32 @!p1 $0x0  }
0x14: {  	s2 =	sld [smem:$0x3F8E];
	s0 =	simm.s32 @p1 $0x1  }
0x15: {  	[smem:$0x3FAB] =	sst s0;
	s0 =	simm.s32 @!p2 $0x0  }
0x16: {  	s3 =	sld [smem:$0x3FDB];
	s0 =	simm.s32 @p2 $0x1  }
0x17: {  	s4 =	simm.s32 $0x1BF5;
	[smem:$0x3FAD] =	sst s0  }
0x18: {  	s0 =	sld [smem:$0x3F90];
	_ =	swait.ge [sflag:s4], $0x0  }
0x19: {  	s7 =	sld [smem:$0x3F91]  }
0x1a: {  	s8 =	sadd.s32 $0xFFFFE003, lr  }
0x1b: {  	s9 =	sadd.s32 $0xFFFFFEF7, lr;
	s5 =	simm.s32 $0xFFFFFFFF;
	p2 =	slt.u32 s8, $0xFFFFF086  }
0x1c: {  	p1 =	slt.u32 s9, $0xF7A;
	s5 =	simm.s32 @!p2 $0x0  }
0x1d: {  	s5 =	simm.s32 @p1 $0x1;
	p0 =	seq.s32 s7, s2  }
0x1e: {  	s7 =	smul.u32 @!p0 $0xF7A, s2;
	p2 =	seq.s32 @!p0 s5, $0x0  }
0x1f: {  	s9 =	smul.u32 $0xF7A, s1;
	s8 =	simm.s32 @!p0 $0x1BF5;
	p2 =	por !p2, p0  }
0x20: {  	[sflag:s8] =	ssyncset.s32 @!p0 $0xFFFFF086;
	s6 =	sadd.s32 @!p0 s3, s7;
	s7 =	simm.s32 @!p0 $0x108  }
0x21: {  	s3 =	sadd.s32 s3, s9;
	s6 =	sadd.s32 @!p0 $0x88, s6;
	s7 =	simm.s32 @p2 $0x1082  }
0x22: {  	[simem:s7], [sflag:s8] =	dma.local @!p0 [hbm:s6], $0xF7A  }
0x23: {  	s9 =	sor.u32 $0xD0000000, s2;
	s6 =	simm.s32 $0x108;
	_ =	swait.ge @!p0 [sflag:s8], $0x0  }
0x24: {  	s3 =	sadd.s32 $0x88, s3;
	s6 =	simm.s32 @!p1 $0x1082;
	[sflag:s4] =	ssyncset.s32 $0xFFFFF086  }
0x25: {  	[simem:s6], [sflag:s4] =	dma.local [hbm:s3], $0xF7A  }
0x26: {  	[smem:$0x3F91] =	sst s1;
	(tag) =	ssettag s2;
	_ =	strace s9  }
0x27: {  	s1 =	sld [smem:$0x3FA1]  }
0x28: {  	s2 =	sld [smem:$0x3FA2]  }
0x29: {  	s4 =	sld [smem:$0x3FA4]  }
0x2a: {  	p0 =	seq.s32 s5, $0x0;
	s5 =	sld [smem:$0x3FA5]  }
0x2b: {  	s6 =	sld [smem:$0x3FA6]  }
0x2c: {  	s7 =	sld [smem:$0x3FA7]  }
0x2d: {  	s3 =	simm.s32 $0x108;
	s8 =	sld [smem:$0x3FA8]  }
0x2e: {  	s3 =	simm.s32 @!p0 $0x1082;
	s9 =	sld [smem:$0x3FA9]  }
0x2f: {  	lr =	sadd.s32 s0, s3;
	s0 =	sld [smem:$0x3FA0]  }
0x30: {  	s3 =	sld [smem:$0x3FA3]  }
0x31: {  	[smem:$0x3FAC] =	sst s10  }
0x32: {  	s10 =	sld [smem:$0x3FAA];
	_ =	sdelay $0x3  }
0x33: {  	p0 =	seq.s32 s10, $0x1;
	s10 =	sld [smem:$0x3FAC];
	_ =	sdelay $0x3  }
0x34: {  	[smem:$0x3FAC] =	sst s10  }
0x35: {  	s10 =	sld [smem:$0x3FAB];
	_ =	sdelay $0x3  }
0x36: {  	p1 =	seq.s32 s10, $0x1;
	s10 =	sld [smem:$0x3FAC];
	_ =	sdelay $0x3  }
0x37: {  	[smem:$0x3FAC] =	sst s10  }
0x38: {  	s10 =	sld [smem:$0x3FAD]  }
0x39: {  	_ = 	snop;
	(pc) =	sbr.ind lr, $3  }
0x3a: {  	_ = 	snop  }
0x3b: {  	_ = 	snop  }
0x3c: {  	p2 =	seq.s32 s10, $0x1;
	s10 =	sld [smem:$0x3FAC]  }
0x3d: {  	_ =	shalt  }
0x3e: {  	_ =	shalt  }
0x3f: {  	_ =	shalt  }
0x40: {  	_ =	shalt  }
0x41: {  	_ =	shalt  }
0x42: {  	_ =	shalt  }
0x43: {  	_ =	shalt  }
0x44: {  	_ =	shalt  }
0x45: {  	_ =	shalt  }
0x46: {  	_ =	shalt  }
0x47: {  	_ =	shalt  }
0x48: {  	_ =	shalt  }
0x49: {  	_ =	shalt  }
0x4a: {  	_ =	shalt  }
0x4b: {  	_ =	shalt  }
0x4c: {  	_ =	shalt  }
0x4d: {  	_ =	shalt  }
0x4e: {  	_ =	shalt  }
0x4f: {  	_ =	shalt  }
0x50: {  	_ =	shalt  }
0x51: {  	_ =	shalt  }
0x52: {  	_ =	shalt  }
0x53: {  	_ =	shalt  }
0x54: {  	_ =	shalt  }
0x55: {  	_ =	shalt  }
0x56: {  	_ =	shalt  }
0x57: {  	_ =	shalt  }
0x58: {  	_ =	shalt  }
0x59: {  	_ =	shalt  }
0x5a: {  	_ =	shalt  }
0x5b: {  	_ =	shalt  }
0x5c: {  	_ =	shalt  }
0x5d: {  	_ =	shalt  }
0x5e: {  	_ =	shalt  }
0x5f: {  	_ =	shalt  }
0x60: {  	_ =	shalt  }
0x61: {  	_ =	shalt  }
0x62: {  	_ =	shalt  }
0x63: {  	_ =	shalt  }
0x64: {  	_ =	shalt  }
0x65: {  	_ =	shalt  }
0x66: {  	_ =	shalt  }
0x67: {  	_ =	shalt  }
0x68: {  	_ =	shalt  }
0x69: {  	_ =	shalt  }
0x6a: {  	_ =	shalt  }
0x6b: {  	_ =	shalt  }
0x6c: {  	_ =	shalt  }
0x6d: {  	_ =	shalt  }
0x6e: {  	_ =	shalt  }
0x6f: {  	_ =	shalt  }
0x70: {  	_ =	shalt  }
0x71: {  	_ =	shalt  }
0x72: {  	_ =	shalt  }
0x73: {  	_ =	shalt  }
0x74: {  	_ =	shalt  }
0x75: {  	_ =	shalt  }
0x76: {  	_ =	shalt  }
0x77: {  	_ =	shalt  }
0x78: {  	_ =	shalt  }
0x79: {  	_ =	shalt  }
0x7a: {  	_ =	shalt  }
0x7b: {  	_ =	shalt  }
0x7c: {  	_ =	shalt  }
0x7d: {  	_ =	shalt  }
0x7e: {  	_ =	shalt  }
0x7f: {  	_ =	shalt  }
0x80: {  	_ =	shalt  }
0x81: {  	_ =	shalt  }
0x82: {  	_ =	shalt  }
0x83: {  	_ =	shalt  }
0x84: {  	_ =	shalt  }
0x85: {  	_ =	shalt  }
0x86: {  	_ =	shalt  }
0x87: {  	_ =	shalt  }
.Lfunc_end0:
.L_simem_size_0:
called_computation.2_lowered:
.L_overlay_start_0:
0x88: {  	s2 =	sld [smem:$0x3FD9]  }
0x89: {  	s3 =	sld [smem:$0x3FFE];
	_ =	sdelay $0x1  }
0x8a: {  	s1 =	srdreg.scid  }
0x8b: {  	s0 =	sand.u32 $0x1, s1  }
0x8c: {  	s16 =	sshll.u32 s0, $0xA;
	s2 =	sadd.s32 s3, s2  }
0x8d: {  	s2 =	sadd.s32 s2, s16  }
0x8e: {  	[smem:$0x3FB8] =	sst s2  }
0x8f: {  	_ = 	snop  }
0x90: {  	(tm) =	ssettm $0x1  }
0x91: {  	s17 =	sld [smem:$0x3FFB];
	_ =	sdelay $0x3  }
0x92: {  	_ =	strace s17  }
0x93: {  	s2 =	sld [smem:$0x3FFC];
	_ =	sdelay $0x3  }
0x94: {  	_ =	strace s2  }
0x95: {  	s2 =	sld [smem:$0x3FFD];
	_ =	sdelay $0x3  }
0x96: {  	_ =	strace s2  }
0x97: {  	_ =	strace $0x8FFFFFFF  }
0x98: {  	s18 =	sld [smem:$0x3FDB];
	_ =	sdelay $0x1  }
0x99: {  	s19 =	simm.s32 $_scs_section_size  }
0x9a: {  	s4 =	simm.s32 $_size__tile_overlayer_lowered;
	s5 =	simm.s32 $_tile_overlayer_lowered  }
0x9b: {  	s22 =	simm.s32 $0x1BFF;
	s21 =	sshll.u32 s5, $0x1;
	s2 =	sadd.s32 s19, s18  }
0x9c: {  	s6 =	simm.s32 $0x0;
	s20 =	sshll.u32 s4, $0x1;
	s4 =	sadd.s32 s21, s2  }
0x9d: {  	[timem:s6], [sflag:s22] =	dma.local [hbm:s4], s20  }
0x9e: {  	_ =	swait.ge [sflag:s22], s20  }
0x9f: {  	s3 =	ssub.s32 $0x0, s20;
	[sflag:s22] =	ssyncset.done $0x0  }
0xa0: {  	[sflag:s22] =	ssyncadd.s32 s3;
	_ =	sdelay $0x1  }
0xa1: {  	s23 =	simm.s32 $0x1B8B  }
0xa2: {  	_ =	swait.ge [sflag:s23], $0x1  }
0xa3: {  	[sflag:s23] =	ssyncset.done $0x0  }
0xa4: {  	s25 =	simm.s32 $0x1B8E;
	s24 =	sld [smem:$0x3FFE];
	[sflag:s23] =	ssyncadd.s32 $0xFFFFFFFF  }
0xa5: {  	s26 =	simm.s32 $execute0_lowered;
	[smem:$0x3FD2] =	sst s25  }
0xa6: {  	s4 =	sshll.u32 s26, $0x1;
	_ =	strace $0x8000004C;
	[dreg:$0x1] =	wrdreg $0xFFFFFFFF  }
0xa7: {  	s28 =	simm.s32 $_size_execute0_lowered;
	s2 =	sadd.s32 s2, s4;
	[dreg:$0x0] =	wrdreg $0x0  }
0xa8: {  	s4 =	sshll.u32 s28, $0x1;
	[dreg:$0x2] =	wrdreg s2  }
0xa9: {  	[dreg:$0x3] =	wrdreg s4  }
0xaa: {  	[dreg:$0x4] =	wrdreg $0xC0  }
0xab: {  	_ =	task [dreg:s6], $0x5FFFF  }
0xac: {  	[dreg:$0x1] =	wrdreg $0xFFFFFFFF  }
0xad: {  	[dreg:$0x0] =	wrdreg $0x60  }
0xae: {  	[dreg:$0x2] =	wrdreg s24  }
0xaf: {  	[dreg:$0x3] =	wrdreg $0x12F000  }
0xb0: {  	[dreg:$0x4] =	wrdreg $0xE0000  }
0xb1: {  	[dreg:$0x5] =	wrdreg $0x9  }
0xb2: {  	_ =	task.clear_ibuf [dreg:s6], $0x6FFFF;
	_ =	strace $0x9000004C  }
0xb3: {  	s29 =	simm.s32 $0x9;
	_ =	strace $0x8000004E  }
0xb4: {  	_ =	swait.ge [sflag:s29], $0x1  }
0xb5: {  	[sflag:s29] =	ssyncadd.s32 $0xFFFFFFFF  }
0xb6: {  	_ =	strace $0x9000004E  }
0xb7: {  	_ =	sfence  }
0xb8: {  	s30 =	sld [smem:$0x0];
	_ =	sdelay $0x2  }
0xb9: {  	s31 =	sshll.u32 s1, $0xD;
	s1 =	sshrl.u32 s1, $0x2  }
0xba: {  	s3 =	sand.u32 $0x4000, s31;
	s1 =	sadd.s32 s1, s30  }
0xbb: {  	s0 =	sor.u32 s3, s0;
	s1 =	sshll.u32 s1, $0x11  }
0xbc: {  	s0 =	sor.u32 s1, s0  }
0xbd: {  	s0 =	sadd.s32 $0x8F2B, s0  }
0xbe: {  	[sflag:s0] =	ssyncadd.remote.s32 $0x1  }
0xbf: {  	_ =	sfence.sel $0xFFFF  }
0xc0: {  	[dreg:$0x0] =	wrdreg $0xFFFFFFFF;
	(pc) =	sbr.abs _section_cstart, $3  }
0xc1: {  	[dreg:$0x1] =	wrdreg $0xFFFFFFFF  }
0xc2: {  	_ =	task.clear_ibuf [dreg:s6], $0x2FFFF;
	_ =	strace $0x9FFFFFFF  }
0xc3: {  	(tm) =	ssettm $0x7FFFFFFF  }
tec
execute0_lowered:
.L_overlay_start_1:
0x0: {  	(tag) =	ssettag $0x1  }
0x1: {  	s0 =	rddreg [dreg:$0x0]  }
0x2: {  	s2 =	rddreg [dreg:$0x1]  }
0x3: {  	s3 =	rddreg [dreg:$0x2]  }
0x4: {  	s4 =	simm.s32 $0x0;
	s10 =	stileid.u32;
	s1 =	srdreg.scid  }
0x5: {  	s12 =	simm.s32 $0x1;
	s13 =	simm.s32 $0x4;
	s14 =	simm.s32 $0x10  }
0x6: {  	s15 =	simm.s32 $0x9;
	s17 =	simm.s32 $0x5000;
	s18 =	simm.s32 $0x80  }
0x7: {  	s19 =	simm.s32 $0xA000;
	s20 =	simm.s32 $0xB000;
	s22 =	simm.s32 $0xC000  }
0x8: {  	s23 =	simm.s32 $0x2;
	s28 =	simm.s32 $0x3;
	s29 =	simm.s32 $0x5  }
0x9: {  	s30 =	simm.s32 $0x6;
	s31 =	simm.s32 $0x7;
	s5 =	smul.u32 $0x13C00, s10  }
0xa: {  	s24 =	simm.s32 $0x0;
	[smem:$0x7FF] =	sst s4;
	s7 =	smul.u32 $0xA00, s10  }
0xb: {  	s1 =	sand.u32 $0x1, s1;
	s8 =	smul.u32 $0x4F00, s10;
	s26 =	sshll.u32 s10, $0x6  }
0xc: {  	_ =	strace $0x8000004D;
	s6 =	sshll.u32 s1, $0x5;
	s1 =	ssub.s32 $0x2, s1  }
0xd: {  	s5 =	sor.u32 s6, s5;
	s25 =	sshrl.u32 s1, $0x1;
	s9 =	sadd.s32 s7, s0  }
0xe: {  	s11 =	sadd.s32 s8, s2;
	s6 =	sor.u32 $0x1C09, s26;
	s16 =	sadd.s32 s8, s3  }
0xf: {  	s26 =	simm.s32 $0xD000;
	s5 =	sshrl.u32 s5, $0x3;
	s1 =	ssub.s32 s1, s25  }
0x10: {  	s7 =	sadd.s32 $0x35E00, s9;
	s8 =	sadd.s32 $0x2BE00, s9;
	s11 =	sshrl.u32 s11, $0x3  }
0x11: {  	s16 =	sshrl.u32 s16, $0x3;
	s0 =	sadd.s32 s5, s0;
	s10 =	smax.u32 s1, $0x1  }
0x12: {  	s5 =	sadd.s32 $0x4600, s0;
	s9 =	sadd.s32 $0x3FE00, s0;
	s0 =	simm.s32 $0x8  }
.LBB2_1:
0x13: {  	[spmem:s11@s13], [sflag:s6] =	dma.strided [hbm:s5@s14], $0x9E0, s12, $0x4   }
0x14: {  	_ =	swait.ge [sflag:s15], $0x9E0  }
0x15: {  	[sflag:s15] =	ssyncset.done $0x0  }
0x16: {  	[sflag:s15] =	ssyncadd.s32 $0xFFFFF620  }
0x17: {  	[spmem:s16@s13], [sflag:s6] =	dma.strided [hbm:s5@s14], $0x9E0, s12, $0x4   }
0x18: {  	_ =	swait.ge [sflag:s15], $0x9E0  }
0x19: {  	[sflag:s15] =	ssyncset.done $0x0  }
0x1a: {  	[sflag:s15] =	ssyncadd.s32 $0xFFFFF620  }
0x1b: {  	[tilespmem:s4], [sflag:$0x9] =	stream.linear.gather [hbm4b:s7+s4], $0x5000, $0x38;
	[tilespmem:$0x17E00] =	vst v63  }
0x1c: {  	_ =	swait.ge [sflag:s15], $0x5000  }
0x1d: {  	[sflag:s15] =	ssyncset.done $0x0  }
0x1e: {  	[sflag:s15] =	ssyncadd.s32 $0xFFFFB000  }
0x1f: {  	[tilespmem:s17], [sflag:$0x9] =	stream.linear.gather [hbm4b:s8+s4], $0x5000, $0x38;
	[tilespmem:$0x17E00] =	vst v63  }
0x20: {  	_ =	swait.ge [sflag:s15], $0x5000  }
0x21: {  	[sflag:s15] =	ssyncset.done $0x0  }
0x22: {  	[sflag:s15] =	ssyncadd.s32 $0xFFFFB000  }
0x23: {  	[bflag:$0x0] =	sbarrier.arrive $0xFFFF  }
0x24: {  	[tilespmem:s19], [sflag:$0x1] =	stream.indirect.gather [spmem:s2], $0x20, s4, s18, $0xb8;
	[tilespmem:$0x17E00] =	vst v63  }
0x25: {  	_ = 	snop  }
0x26: {  	[tilespmem:s20], [sflag:$0x2] =	stream.indirect.gather [spmem:s2], $0x20, s18, s18, $0xb8;
	[tilespmem:$0x17E00] =	vst v63  }
0x27: {  	_ =	swait.ge [sflag:s12], $0x1000  }
0x28: {  	[sflag:s12] =	ssyncset.done $0x0  }
0x29: {  	[sflag:s12] =	ssyncadd.s32 $0xFFFFF000  }
0x2a: {  	[spmem:s3] =	stream.indirect.scatter.add.f32 [tilespmem:s19], [sflag:$0x5], $0x20, s17, s18, $0xb8;
	[tilespmem:$0x17E00] =	vst v63  }
0x2b: {  	s1 =	simm.s32 $0x100  }
0x2c: {  	[tilespmem:s22], [sflag:$0x3] =	stream.indirect.gather [spmem:s2], $0x20, s1, s18, $0xb8;
	[tilespmem:$0x17E00] =	vst v63  }
0x2d: {  	_ =	swait.ge [sflag:s23], $0x1000  }
0x2e: {  	[sflag:s23] =	ssyncset.done $0x0  }
0x2f: {  	s25 =	simm.s32 $0x5080;
	[sflag:s23] =	ssyncadd.s32 $0xFFFFF000  }
0x30: {  	[spmem:s3] =	stream.indirect.scatter.add.f32 [tilespmem:s20], [sflag:$0x6], $0x20, s25, s18, $0xb8;
	[tilespmem:$0x17E00] =	vst v63  }
0x31: {  	s21 =	simm.s32 $0x180  }
0x32: {  	[tilespmem:s26], [sflag:$0x4] =	stream.indirect.gather [spmem:s2], $0x20, s21, s18, $0xb8;
	[tilespmem:$0x17E00] =	vst v63  }
0x33: {  	_ =	swait.ge [sflag:s28], $0x1000  }
0x34: {  	[sflag:s28] =	ssyncset.done $0x0  }
0x35: {  	s25 =	simm.s32 $0x5100;
	[sflag:s28] =	ssyncadd.s32 $0xFFFFF000  }
0x36: {  	[spmem:s3] =	stream.indirect.scatter.add.f32 [tilespmem:s22], [sflag:$0x7], $0x20, s25, s18, $0xb8;
	[tilespmem:$0x17E00] =	vst v63  }
0x37: {  	_ =	swait.ge [sflag:s29], $0x1000  }
0x38: {  	[sflag:s29] =	ssyncset.done $0x0  }
0x39: {  	s21 =	simm.s32 $0x200;
	[sflag:s29] =	ssyncadd.s32 $0xFFFFF000  }
0x3a: {  	[tilespmem:s19], [sflag:$0x1] =	stream.indirect.gather [spmem:s2], $0x20, s21, s18, $0xb8;
	[tilespmem:$0x17E00] =	vst v63  }
0x3b: {  	_ =	swait.ge [sflag:s13], $0x1000  }
0x3c: {  	[sflag:s13] =	ssyncset.done $0x0  }
0x3d: {  	s25 =	simm.s32 $0x5180;
	[sflag:s13] =	ssyncadd.s32 $0xFFFFF000  }
0x3e: {  	[spmem:s3] =	stream.indirect.scatter.add.f32 [tilespmem:s26], [sflag:$0x8], $0x20, s25, s18, $0xb8;
	[tilespmem:$0x17E00] =	vst v63  }
0x3f: {  	_ =	swait.ge [sflag:s30], $0x1000  }
0x40: {  	[sflag:s30] =	ssyncset.done $0x0  }
0x41: {  	s21 =	simm.s32 $0x280;
	[sflag:s30] =	ssyncadd.s32 $0xFFFFF000  }
0x42: {  	[tilespmem:s20], [sflag:$0x2] =	stream.indirect.gather [spmem:s2], $0x20, s21, s18, $0xb8;
	[tilespmem:$0x17E00] =	vst v63  }
0x43: {  	_ =	swait.ge [sflag:s12], $0x1000  }
0x44: {  	[sflag:s12] =	ssyncset.done $0x0  }
0x45: {  	s25 =	simm.s32 $0x5200;
	[sflag:s12] =	ssyncadd.s32 $0xFFFFF000  }
0x46: {  	[spmem:s3] =	stream.indirect.scatter.add.f32 [tilespmem:s19], [sflag:$0x5], $0x20, s25, s18, $0xb8;
	[tilespmem:$0x17E00] =	vst v63  }
0x47: {  	_ =	swait.ge [sflag:s31], $0x1000  }
0x48: {  	[sflag:s31] =	ssyncset.done $0x0  }
0x49: {  	s21 =	simm.s32 $0x300;
	[sflag:s31] =	ssyncadd.s32 $0xFFFFF000  }
0x4a: {  	[tilespmem:s22], [sflag:$0x3] =	stream.indirect.gather [spmem:s2], $0x20, s21, s18, $0xb8;
	[tilespmem:$0x17E00] =	vst v63  }
0x4b: {  	_ =	swait.ge [sflag:s23], $0x1000  }
0x4c: {  	[sflag:s23] =	ssyncset.done $0x0  }
0x4d: {  	s25 =	simm.s32 $0x5280;
	[sflag:s23] =	ssyncadd.s32 $0xFFFFF000  }
0x4e: {  	[spmem:s3] =	stream.indirect.scatter.add.f32 [tilespmem:s20], [sflag:$0x6], $0x20, s25, s18, $0xb8;
	[tilespmem:$0x17E00] =	vst v63  }
0x4f: {  	_ =	swait.ge [sflag:s0], $0x1000  }
0x50: {  	[sflag:s0] =	ssyncset.done $0x0  }
0x51: {  	s1 =	simm.s32 $0x380;
	s25 =	simm.s32 $0x800;
	[sflag:s0] =	ssyncadd.s32 $0xFFFFF000  }
.LBB2_2:
0x52: {  	[tilespmem:s26], [sflag:$0x4] =	stream.indirect.gather [spmem:s2], $0x20, s1, s18, $0xb8;
	[tilespmem:$0x17E00] =	vst v63  }
0x53: {  	s1 =	smov.u32 s25  }
0x54: {  	p0 =	sne.s32 s25, $0x13000;
	s25 =	sadd.s32 $0x800, s25;
	_ =	swait.ge [sflag:s28], $0x1000  }
0x55: {  	s1 =	sshra.s32 s1, $0x2;
	[sflag:s28] =	ssyncset.done $0x0  }
0x56: {  	s21 =	sadd.s32 $0x5100, s1;
	[sflag:s28] =	ssyncadd.s32 $0xFFFFF000  }
0x57: {  	[spmem:s3] =	stream.indirect.scatter.add.f32 [tilespmem:s22], [sflag:$0x7], $0x20, s21, s18, $0xb8;
	[tilespmem:$0x17E00] =	vst v63  }
0x58: {  	_ =	swait.ge [sflag:s29], $0x1000  }
0x59: {  	[sflag:s29] =	ssyncset.done $0x0  }
0x5a: {  	s21 =	sadd.s32 $0x200, s1;
	[sflag:s29] =	ssyncadd.s32 $0xFFFFF000  }
0x5b: {  	[tilespmem:s19], [sflag:$0x1] =	stream.indirect.gather [spmem:s2], $0x20, s21, s18, $0xb8;
	[tilespmem:$0x17E00] =	vst v63  }
0x5c: {  	_ =	swait.ge [sflag:s13], $0x1000  }
0x5d: {  	[sflag:s13] =	ssyncset.done $0x0  }
0x5e: {  	s21 =	sadd.s32 $0x5180, s1;
	[sflag:s13] =	ssyncadd.s32 $0xFFFFF000  }
0x5f: {  	[spmem:s3] =	stream.indirect.scatter.add.f32 [tilespmem:s26], [sflag:$0x8], $0x20, s21, s18, $0xb8;
	[tilespmem:$0x17E00] =	vst v63  }
0x60: {  	_ =	swait.ge [sflag:s30], $0x1000  }
0x61: {  	[sflag:s30] =	ssyncset.done $0x0  }
0x62: {  	s21 =	sadd.s32 $0x280, s1;
	[sflag:s30] =	ssyncadd.s32 $0xFFFFF000  }
0x63: {  	[tilespmem:s20], [sflag:$0x2] =	stream.indirect.gather [spmem:s2], $0x20, s21, s18, $0xb8;
	[tilespmem:$0x17E00] =	vst v63  }
0x64: {  	_ =	swait.ge [sflag:s12], $0x1000  }
0x65: {  	[sflag:s12] =	ssyncset.done $0x0  }
0x66: {  	s21 =	sadd.s32 $0x5200, s1;
	[sflag:s12] =	ssyncadd.s32 $0xFFFFF000  }
0x67: {  	[spmem:s3] =	stream.indirect.scatter.add.f32 [tilespmem:s19], [sflag:$0x5], $0x20, s21, s18, $0xb8;
	[tilespmem:$0x17E00] =	vst v63  }
0x68: {  	_ =	swait.ge [sflag:s31], $0x1000  }
0x69: {  	[sflag:s31] =	ssyncset.done $0x0  }
0x6a: {  	s21 =	sadd.s32 $0x300, s1;
	[sflag:s31] =	ssyncadd.s32 $0xFFFFF000  }
0x6b: {  	[tilespmem:s22], [sflag:$0x3] =	stream.indirect.gather [spmem:s2], $0x20, s21, s18, $0xb8;
	[tilespmem:$0x17E00] =	vst v63  }
0x6c: {  	_ =	swait.ge [sflag:s23], $0x1000  }
0x6d: {  	[sflag:s23] =	ssyncset.done $0x0  }
.Ltmp0:
0x6e: {  	s21 =	sadd.s32 $0x5280, s1;
	[sflag:s23] =	ssyncadd.s32 $0xFFFFF000;
	(pc) =	sbr.rel @p0 .LBB2_2-.Ltmp0, $4  }
0x6f: {  	[spmem:s3] =	stream.indirect.scatter.add.f32 [tilespmem:s20], [sflag:$0x6], $0x20, s21, s18, $0xb8;
	[tilespmem:$0x17E00] =	vst v63  }
0x70: {  	_ =	swait.ge [sflag:s0], $0x1000  }
0x71: {  	[sflag:s0] =	ssyncset.done $0x0  }
0x72: {  	s1 =	sadd.s32 $0x380, s1;
	[sflag:s0] =	ssyncadd.s32 $0xFFFFF000  }
0x73: {  	[tilespmem:s26], [sflag:$0x4] =	stream.indirect.gather [spmem:s2], $0x20, s1, s18, $0xb8;
	[tilespmem:$0x17E00] =	vst v63  }
0x74: {  	_ =	swait.ge [sflag:s28], $0x1000  }
0x75: {  	[sflag:s28] =	ssyncset.done $0x0  }
0x76: {  	s21 =	simm.s32 $0x9F00;
	[sflag:s28] =	ssyncadd.s32 $0xFFFFF000  }
0x77: {  	[spmem:s3] =	stream.indirect.scatter.add.f32 [tilespmem:s22], [sflag:$0x7], $0x20, s21, s18, $0xb8;
	[tilespmem:$0x17E00] =	vst v63  }
0x78: {  	_ =	swait.ge [sflag:s29], $0x1000  }
0x79: {  	[sflag:s29] =	ssyncset.done $0x0  }
0x7a: {  	[sflag:s29] =	ssyncadd.s32 $0xFFFFF000  }
0x7b: {  	_ =	swait.ge [sflag:s13], $0x1000  }
0x7c: {  	[sflag:s13] =	ssyncset.done $0x0  }
0x7d: {  	s25 =	simm.s32 $0x9F80;
	[sflag:s13] =	ssyncadd.s32 $0xFFFFF000  }
0x7e: {  	[spmem:s3] =	stream.indirect.scatter.add.f32 [tilespmem:s26], [sflag:$0x8], $0x20, s25, s18, $0xb8;
	[tilespmem:$0x17E00] =	vst v63  }
0x7f: {  	_ =	swait.ge [sflag:s30], $0x1000  }
0x80: {  	[sflag:s30] =	ssyncset.done $0x0  }
0x81: {  	[sflag:s30] =	ssyncadd.s32 $0xFFFFF000  }
0x82: {  	_ =	swait.ge [sflag:s31], $0x1000  }
0x83: {  	[sflag:s31] =	ssyncset.done $0x0  }
0x84: {  	[sflag:s31] =	ssyncadd.s32 $0xFFFFF000  }
0x85: {  	_ =	swait.ge [sflag:s0], $0x1000  }
0x86: {  	s24 =	sadd.s32 $0x1, s24;
	[sflag:s0] =	ssyncset.done $0x0  }
0x87: {  	p0 =	sne.s32 s24, s10;
	[sflag:s0] =	ssyncadd.s32 $0xFFFFF000  }
.Ltmp1:
0x88: {  	[bflag:$0x0] =	sbarrier.arrive $0xFFFF;
	(pc) =	sbr.rel @p0 .LBB2_1-.Ltmp1, $4  }
0x89: {  	[hbm:s9@s14], [sflag:s6] =	dma.strided [spmem:s16@s13], $0x9E0, s12, $0x4   }
0x8a: {  	_ =	swait.ge [sflag:s15], $0x9E0  }
0x8b: {  	[sflag:s15] =	ssyncset.done $0x0  }
0x8c: {  	[sflag:s15] =	ssyncadd.s32 $0xFFFFF620  }
0x8d: {  	_ =	sfence.sel $0x180000  }
0x8e: {  	[bflag:$0x0] =	sbarrier.arrive $0xFFFF  }
0x8f: {  	_ =	strace $0x9000004D  }
0x90: {  	s0 =	stileid.u32;
	[bflag:$0x2] =	sbarrier.arrive $0xFFFF  }
0x91: {  	p0 =	sne.s32 s0, $0x0;
	s0 =	rddreg [dreg:$0x3]  }
0x92: {  	s0 =	sadd.s32 @!p0 $0x100000, s0  }
0x93: {  	[sflag:s0] =	ssyncadd.tile.s32 @!p0 $0x1;
	_ =	shalt  }
.Lfunc_end2:
_tile_overlayer_lowered:
.L_overlay_start_2:
0x94: {  	(tag) =	ssettag $0x2  }
0x95: {  	s0 =	rddreg [dreg:$0x0];
	s2 =	stileid.u32  }
0x96: {  	s1 =	rddreg [dreg:$0x1];
	p0 =	sne.s32 s2, $0x0  }
0x97: {  	s3 =	rddreg [dreg:$0x2];
	[bflag:$0x3] =	sbarrier.arrive $0xFFFF;
	s2 =	simm.s32 @!p0 $0x1C09  }
0x98: {  	[timem:s3], [sflag:s2] =	dma.local @!p0 [hbm:s0], s1  }
0x99: {  	s0 =	simm.s32 @!p0 $0x9  }
0x9a: {  	_ =	swait.ge @!p0 [sflag:s0], s1  }
0x9b: {  	s1 =	ssub.s32 @!p0 $0x0, s1;
	[sflag:s0] =	ssyncset.done @!p0 $0x0  }
0x9c: {  	[sflag:s0] =	ssyncadd.s32 @!p0 s1  }
0x9d: {  	[bflag:$0x3] =	sbarrier.arrive $0xFFFF  }
0x9e: {  	_ =	shalt  }

// kernel: kernel.23.cloned.1.call-start
scs
__scs_entry_jumppad:
0x0: {  	(pc) =	sbr.rel $0x88, $3  }
0x1: {  	(tag) =	ssettag $0x0;
	lr =	simm.s32 $0x1  }
0x2: {  	[smem:$0x3F91] =	sst lr;
	_ =	strace $0xD0000000  }
0x3: {  	_ = 	snop  }
0x4: {  	_ = 	snop  }
0x5: {  	_ = 	snop  }
0x6: {  	_ = 	snop  }
0x7: {  	_ = 	snop  }
__scs_overlays_trampoline_lowered:
0x8: {  	[smem:$0x3FA0] =	sst s0  }
0x9: {  	[smem:$0x3FA1] =	sst s1  }
0xa: {  	[smem:$0x3FA2] =	sst s2  }
0xb: {  	[smem:$0x3FA3] =	sst s3  }
0xc: {  	[smem:$0x3FA4] =	sst s4  }
0xd: {  	[smem:$0x3FA5] =	sst s5  }
0xe: {  	[smem:$0x3FA6] =	sst s6  }
0xf: {  	[smem:$0x3FA7] =	sst s7  }
0x10: {  	[smem:$0x3FA8] =	sst s8  }
0x11: {  	[smem:$0x3FA9] =	sst s9;
	s0 =	simm.s32 @!p0 $0x0  }
0x12: {  	s1 =	sld [smem:$0x3F8F];
	s0 =	simm.s32 @p0 $0x1  }
0x13: {  	[smem:$0x3FAA] =	sst s0;
	s0 =	simm.s32 @!p1 $0x0  }
0x14: {  	s2 =	sld [smem:$0x3F8E];
	s0 =	simm.s32 @p1 $0x1  }
0x15: {  	[smem:$0x3FAB] =	sst s0;
	s0 =	simm.s32 @!p2 $0x0  }
0x16: {  	s3 =	sld [smem:$0x3FDB];
	s0 =	simm.s32 @p2 $0x1  }
0x17: {  	s4 =	simm.s32 $0x1BF5;
	[smem:$0x3FAD] =	sst s0  }
0x18: {  	s0 =	sld [smem:$0x3F90];
	_ =	swait.ge [sflag:s4], $0x0  }
0x19: {  	s7 =	sld [smem:$0x3F91]  }
0x1a: {  	s8 =	sadd.s32 $0xFFFFE003, lr  }
0x1b: {  	s9 =	sadd.s32 $0xFFFFFEF7, lr;
	s5 =	simm.s32 $0xFFFFFFFF;
	p2 =	slt.u32 s8, $0xFFFFF086  }
0x1c: {  	p1 =	slt.u32 s9, $0xF7A;
	s5 =	simm.s32 @!p2 $0x0  }
0x1d: {  	s5 =	simm.s32 @p1 $0x1;
	p0 =	seq.s32 s7, s2  }
0x1e: {  	s7 =	smul.u32 @!p0 $0xF7A, s2;
	p2 =	seq.s32 @!p0 s5, $0x0  }
0x1f: {  	s9 =	smul.u32 $0xF7A, s1;
	s8 =	simm.s32 @!p0 $0x1BF5;
	p2 =	por !p2, p0  }
0x20: {  	[sflag:s8] =	ssyncset.s32 @!p0 $0xFFFFF086;
	s6 =	sadd.s32 @!p0 s3, s7;
	s7 =	simm.s32 @!p0 $0x108  }
0x21: {  	s3 =	sadd.s32 s3, s9;
	s6 =	sadd.s32 @!p0 $0x88, s6;
	s7 =	simm.s32 @p2 $0x1082  }
0x22: {  	[simem:s7], [sflag:s8] =	dma.local @!p0 [hbm:s6], $0xF7A  }
0x23: {  	s9 =	sor.u32 $0xD0000000, s2;
	s6 =	simm.s32 $0x108;
	_ =	swait.ge @!p0 [sflag:s8], $0x0  }
0x24: {  	s3 =	sadd.s32 $0x88, s3;
	s6 =	simm.s32 @!p1 $0x1082;
	[sflag:s4] =	ssyncset.s32 $0xFFFFF086  }
0x25: {  	[simem:s6], [sflag:s4] =	dma.local [hbm:s3], $0xF7A  }
0x26: {  	[smem:$0x3F91] =	sst s1;
	(tag) =	ssettag s2;
	_ =	strace s9  }
0x27: {  	s1 =	sld [smem:$0x3FA1]  }
0x28: {  	s2 =	sld [smem:$0x3FA2]  }
0x29: {  	s4 =	sld [smem:$0x3FA4]  }
0x2a: {  	p0 =	seq.s32 s5, $0x0;
	s5 =	sld [smem:$0x3FA5]  }
0x2b: {  	s6 =	sld [smem:$0x3FA6]  }
0x2c: {  	s7 =	sld [smem:$0x3FA7]  }
0x2d: {  	s3 =	simm.s32 $0x108;
	s8 =	sld [smem:$0x3FA8]  }
0x2e: {  	s3 =	simm.s32 @!p0 $0x1082;
	s9 =	sld [smem:$0x3FA9]  }
0x2f: {  	lr =	sadd.s32 s0, s3;
	s0 =	sld [smem:$0x3FA0]  }
0x30: {  	s3 =	sld [smem:$0x3FA3]  }
0x31: {  	[smem:$0x3FAC] =	sst s10  }
0x32: {  	s10 =	sld [smem:$0x3FAA];
	_ =	sdelay $0x3  }
0x33: {  	p0 =	seq.s32 s10, $0x1;
	s10 =	sld [smem:$0x3FAC];
	_ =	sdelay $0x3  }
0x34: {  	[smem:$0x3FAC] =	sst s10  }
0x35: {  	s10 =	sld [smem:$0x3FAB];
	_ =	sdelay $0x3  }
0x36: {  	p1 =	seq.s32 s10, $0x1;
	s10 =	sld [smem:$0x3FAC];
	_ =	sdelay $0x3  }
0x37: {  	[smem:$0x3FAC] =	sst s10  }
0x38: {  	s10 =	sld [smem:$0x3FAD]  }
0x39: {  	_ = 	snop;
	(pc) =	sbr.ind lr, $3  }
0x3a: {  	_ = 	snop  }
0x3b: {  	_ = 	snop  }
0x3c: {  	p2 =	seq.s32 s10, $0x1;
	s10 =	sld [smem:$0x3FAC]  }
0x3d: {  	_ =	shalt  }
0x3e: {  	_ =	shalt  }
0x3f: {  	_ =	shalt  }
0x40: {  	_ =	shalt  }
0x41: {  	_ =	shalt  }
0x42: {  	_ =	shalt  }
0x43: {  	_ =	shalt  }
0x44: {  	_ =	shalt  }
0x45: {  	_ =	shalt  }
0x46: {  	_ =	shalt  }
0x47: {  	_ =	shalt  }
0x48: {  	_ =	shalt  }
0x49: {  	_ =	shalt  }
0x4a: {  	_ =	shalt  }
0x4b: {  	_ =	shalt  }
0x4c: {  	_ =	shalt  }
0x4d: {  	_ =	shalt  }
0x4e: {  	_ =	shalt  }
0x4f: {  	_ =	shalt  }
0x50: {  	_ =	shalt  }
0x51: {  	_ =	shalt  }
0x52: {  	_ =	shalt  }
0x53: {  	_ =	shalt  }
0x54: {  	_ =	shalt  }
0x55: {  	_ =	shalt  }
0x56: {  	_ =	shalt  }
0x57: {  	_ =	shalt  }
0x58: {  	_ =	shalt  }
0x59: {  	_ =	shalt  }
0x5a: {  	_ =	shalt  }
0x5b: {  	_ =	shalt  }
0x5c: {  	_ =	shalt  }
0x5d: {  	_ =	shalt  }
0x5e: {  	_ =	shalt  }
0x5f: {  	_ =	shalt  }
0x60: {  	_ =	shalt  }
0x61: {  	_ =	shalt  }
0x62: {  	_ =	shalt  }
0x63: {  	_ =	shalt  }
0x64: {  	_ =	shalt  }
0x65: {  	_ =	shalt  }
0x66: {  	_ =	shalt  }
0x67: {  	_ =	shalt  }
0x68: {  	_ =	shalt  }
0x69: {  	_ =	shalt  }
0x6a: {  	_ =	shalt  }
0x6b: {  	_ =	shalt  }
0x6c: {  	_ =	shalt  }
0x6d: {  	_ =	shalt  }
0x6e: {  	_ =	shalt  }
0x6f: {  	_ =	shalt  }
0x70: {  	_ =	shalt  }
0x71: {  	_ =	shalt  }
0x72: {  	_ =	shalt  }
0x73: {  	_ =	shalt  }
0x74: {  	_ =	shalt  }
0x75: {  	_ =	shalt  }
0x76: {  	_ =	shalt  }
0x77: {  	_ =	shalt  }
0x78: {  	_ =	shalt  }
0x79: {  	_ =	shalt  }
0x7a: {  	_ =	shalt  }
0x7b: {  	_ =	shalt  }
0x7c: {  	_ =	shalt  }
0x7d: {  	_ =	shalt  }
0x7e: {  	_ =	shalt  }
0x7f: {  	_ =	shalt  }
0x80: {  	_ =	shalt  }
0x81: {  	_ =	shalt  }
0x82: {  	_ =	shalt  }
0x83: {  	_ =	shalt  }
0x84: {  	_ =	shalt  }
0x85: {  	_ =	shalt  }
0x86: {  	_ =	shalt  }
0x87: {  	_ =	shalt  }
.Lfunc_end0:
.L_simem_size_0:
called_computation.3_lowered:
.L_overlay_start_0:
0x88: {  	s2 =	sld [smem:$0x3FD9]  }
0x89: {  	s3 =	sld [smem:$0x3FFE];
	_ =	sdelay $0x1  }
0x8a: {  	s1 =	srdreg.scid  }
0x8b: {  	s0 =	sand.u32 $0x1, s1  }
0x8c: {  	s16 =	sshll.u32 s0, $0xA;
	s2 =	sadd.s32 s3, s2  }
0x8d: {  	s2 =	sadd.s32 s2, s16  }
0x8e: {  	[smem:$0x3FB8] =	sst s2  }
0x8f: {  	_ = 	snop  }
0x90: {  	(tm) =	ssettm $0x1  }
0x91: {  	s17 =	sld [smem:$0x3FFB];
	_ =	sdelay $0x3  }
0x92: {  	_ =	strace s17  }
0x93: {  	s2 =	sld [smem:$0x3FFC];
	_ =	sdelay $0x3  }
0x94: {  	_ =	strace s2  }
0x95: {  	s2 =	sld [smem:$0x3FFD];
	_ =	sdelay $0x3  }
0x96: {  	_ =	strace s2  }
0x97: {  	_ =	strace $0x8FFFFFFF  }
0x98: {  	s18 =	sld [smem:$0x3FDB];
	_ =	sdelay $0x1  }
0x99: {  	s19 =	simm.s32 $_scs_section_size  }
0x9a: {  	s4 =	simm.s32 $_size__tile_overlayer_lowered;
	s5 =	simm.s32 $_tile_overlayer_lowered  }
0x9b: {  	s22 =	simm.s32 $0x1BFF;
	s21 =	sshll.u32 s5, $0x1;
	s2 =	sadd.s32 s19, s18  }
0x9c: {  	s6 =	simm.s32 $0x0;
	s20 =	sshll.u32 s4, $0x1;
	s4 =	sadd.s32 s21, s2  }
0x9d: {  	[timem:s6], [sflag:s22] =	dma.local [hbm:s4], s20  }
0x9e: {  	_ =	swait.ge [sflag:s22], s20  }
0x9f: {  	s3 =	ssub.s32 $0x0, s20;
	[sflag:s22] =	ssyncset.done $0x0  }
0xa0: {  	[sflag:s22] =	ssyncadd.s32 s3;
	_ =	sdelay $0x1  }
0xa1: {  	s23 =	simm.s32 $0x1B8B  }
0xa2: {  	_ =	swait.ge [sflag:s23], $0x1  }
0xa3: {  	[sflag:s23] =	ssyncset.done $0x0  }
0xa4: {  	s25 =	simm.s32 $0x1B8E;
	s24 =	sld [smem:$0x3FFE];
	[sflag:s23] =	ssyncadd.s32 $0xFFFFFFFF  }
0xa5: {  	s26 =	simm.s32 $execute0_lowered;
	[smem:$0x3FD2] =	sst s25  }
0xa6: {  	s4 =	sshll.u32 s26, $0x1;
	_ =	strace $0x8000004F;
	[dreg:$0x1] =	wrdreg $0xFFFFFFFF  }
0xa7: {  	s28 =	simm.s32 $_size_execute0_lowered;
	s2 =	sadd.s32 s2, s4;
	[dreg:$0x0] =	wrdreg $0x0  }
0xa8: {  	s4 =	sshll.u32 s28, $0x1;
	[dreg:$0x2] =	wrdreg s2  }
0xa9: {  	[dreg:$0x3] =	wrdreg s4  }
0xaa: {  	[dreg:$0x4] =	wrdreg $0xC0  }
0xab: {  	_ =	task [dreg:s6], $0x5FFFF  }
0xac: {  	[dreg:$0x1] =	wrdreg $0xFFFFFFFF  }
0xad: {  	[dreg:$0x0] =	wrdreg $0x60  }
0xae: {  	[dreg:$0x2] =	wrdreg s24  }
0xaf: {  	[dreg:$0x3] =	wrdreg $0x12F000  }
0xb0: {  	[dreg:$0x4] =	wrdreg $0xE0000  }
0xb1: {  	[dreg:$0x5] =	wrdreg $0x9  }
0xb2: {  	_ =	task.clear_ibuf [dreg:s6], $0x6FFFF;
	_ =	strace $0x9000004F  }
0xb3: {  	s29 =	simm.s32 $0x9;
	_ =	strace $0x80000051  }
0xb4: {  	_ =	swait.ge [sflag:s29], $0x1  }
0xb5: {  	[sflag:s29] =	ssyncadd.s32 $0xFFFFFFFF  }
0xb6: {  	_ =	strace $0x90000051  }
0xb7: {  	_ =	sfence  }
0xb8: {  	s30 =	sld [smem:$0x0];
	_ =	sdelay $0x2  }
0xb9: {  	s31 =	sshll.u32 s1, $0xD;
	s1 =	sshrl.u32 s1, $0x2  }
0xba: {  	s3 =	sand.u32 $0x4000, s31;
	s1 =	sadd.s32 s1, s30  }
0xbb: {  	s0 =	sor.u32 s3, s0;
	s1 =	sshll.u32 s1, $0x11  }
0xbc: {  	s0 =	sor.u32 s1, s0  }
0xbd: {  	s0 =	sadd.s32 $0x8F2B, s0  }
0xbe: {  	[sflag:s0] =	ssyncadd.remote.s32 $0x1  }
0xbf: {  	_ =	sfence.sel $0xFFFF  }
0xc0: {  	[dreg:$0x0] =	wrdreg $0xFFFFFFFF;
	(pc) =	sbr.abs _section_cstart, $3  }
0xc1: {  	[dreg:$0x1] =	wrdreg $0xFFFFFFFF  }
0xc2: {  	_ =	task.clear_ibuf [dreg:s6], $0x2FFFF;
	_ =	strace $0x9FFFFFFF  }
0xc3: {  	(tm) =	ssettm $0x7FFFFFFF  }
tec
execute0_lowered:
.L_overlay_start_1:
0x0: {  	(tag) =	ssettag $0x1  }
0x1: {  	s0 =	rddreg [dreg:$0x0]  }
0x2: {  	s2 =	rddreg [dreg:$0x1]  }
0x3: {  	s3 =	rddreg [dreg:$0x2]  }
0x4: {  	s4 =	simm.s32 $0x0;
	s10 =	stileid.u32;
	s1 =	srdreg.scid  }
0x5: {  	s12 =	simm.s32 $0x1;
	s13 =	simm.s32 $0x4;
	s14 =	simm.s32 $0x10  }
0x6: {  	s15 =	simm.s32 $0x9;
	s17 =	simm.s32 $0x5000;
	s18 =	simm.s32 $0x80  }
0x7: {  	s19 =	simm.s32 $0xA000;
	s20 =	simm.s32 $0xB000;
	s22 =	simm.s32 $0xC000  }
0x8: {  	s23 =	simm.s32 $0x2;
	s28 =	simm.s32 $0x3;
	s29 =	simm.s32 $0x5  }
0x9: {  	s30 =	simm.s32 $0x6;
	s31 =	simm.s32 $0x7;
	s5 =	smul.u32 $0x13C00, s10  }
0xa: {  	s24 =	simm.s32 $0x0;
	[smem:$0x7FF] =	sst s4;
	s7 =	smul.u32 $0xA00, s10  }
0xb: {  	s1 =	sand.u32 $0x1, s1;
	s8 =	smul.u32 $0x4F00, s10;
	s26 =	sshll.u32 s10, $0x6  }
0xc: {  	_ =	strace $0x80000050;
	s6 =	sshll.u32 s1, $0x5;
	s1 =	ssub.s32 $0x2, s1  }
0xd: {  	s5 =	sor.u32 s6, s5;
	s25 =	sshrl.u32 s1, $0x1;
	s9 =	sadd.s32 s7, s0  }
0xe: {  	s11 =	sadd.s32 s8, s2;
	s6 =	sor.u32 $0x1C09, s26;
	s16 =	sadd.s32 s8, s3  }
0xf: {  	s26 =	simm.s32 $0xD000;
	s5 =	sshrl.u32 s5, $0x3;
	s1 =	ssub.s32 s1, s25  }
0x10: {  	s7 =	sadd.s32 $0x35E00, s9;
	s8 =	sadd.s32 $0x2BE00, s9;
	s11 =	sshrl.u32 s11, $0x3  }
0x11: {  	s16 =	sshrl.u32 s16, $0x3;
	s0 =	sadd.s32 s5, s0;
	s10 =	smax.u32 s1, $0x1  }
0x12: {  	s5 =	sadd.s32 $0x4600, s0;
	s9 =	sadd.s32 $0x3FE00, s0;
	s0 =	simm.s32 $0x8  }
.LBB2_1:
0x13: {  	[spmem:s11@s13], [sflag:s6] =	dma.strided [hbm:s5@s14], $0x9E0, s12, $0x4   }
0x14: {  	_ =	swait.ge [sflag:s15], $0x9E0  }
0x15: {  	[sflag:s15] =	ssyncset.done $0x0  }
0x16: {  	[sflag:s15] =	ssyncadd.s32 $0xFFFFF620  }
0x17: {  	[spmem:s16@s13], [sflag:s6] =	dma.strided [hbm:s5@s14], $0x9E0, s12, $0x4   }
0x18: {  	_ =	swait.ge [sflag:s15], $0x9E0  }
0x19: {  	[sflag:s15] =	ssyncset.done $0x0  }
0x1a: {  	[sflag:s15] =	ssyncadd.s32 $0xFFFFF620  }
0x1b: {  	[tilespmem:s4], [sflag:$0x9] =	stream.linear.gather [hbm4b:s7+s4], $0x5000, $0x38;
	[tilespmem:$0x17E00] =	vst v63  }
0x1c: {  	_ =	swait.ge [sflag:s15], $0x5000  }
0x1d: {  	[sflag:s15] =	ssyncset.done $0x0  }
0x1e: {  	[sflag:s15] =	ssyncadd.s32 $0xFFFFB000  }
0x1f: {  	[tilespmem:s17], [sflag:$0x9] =	stream.linear.gather [hbm4b:s8+s4], $0x5000, $0x38;
	[tilespmem:$0x17E00] =	vst v63  }
0x20: {  	_ =	swait.ge [sflag:s15], $0x5000  }
0x21: {  	[sflag:s15] =	ssyncset.done $0x0  }
0x22: {  	[sflag:s15] =	ssyncadd.s32 $0xFFFFB000  }
0x23: {  	[bflag:$0x0] =	sbarrier.arrive $0xFFFF  }
0x24: {  	[tilespmem:s19], [sflag:$0x1] =	stream.indirect.gather [spmem:s2], $0x20, s4, s18, $0xb8;
	[tilespmem:$0x17E00] =	vst v63  }
0x25: {  	_ = 	snop  }
0x26: {  	[tilespmem:s20], [sflag:$0x2] =	stream.indirect.gather [spmem:s2], $0x20, s18, s18, $0xb8;
	[tilespmem:$0x17E00] =	vst v63  }
0x27: {  	_ =	swait.ge [sflag:s12], $0x1000  }
0x28: {  	[sflag:s12] =	ssyncset.done $0x0  }
0x29: {  	[sflag:s12] =	ssyncadd.s32 $0xFFFFF000  }
0x2a: {  	[spmem:s3] =	stream.indirect.scatter.add.f32 [tilespmem:s19], [sflag:$0x5], $0x20, s17, s18, $0xb8;
	[tilespmem:$0x17E00] =	vst v63  }
0x2b: {  	s1 =	simm.s32 $0x100  }
0x2c: {  	[tilespmem:s22], [sflag:$0x3] =	stream.indirect.gather [spmem:s2], $0x20, s1, s18, $0xb8;
	[tilespmem:$0x17E00] =	vst v63  }
0x2d: {  	_ =	swait.ge [sflag:s23], $0x1000  }
0x2e: {  	[sflag:s23] =	ssyncset.done $0x0  }
0x2f: {  	s25 =	simm.s32 $0x5080;
	[sflag:s23] =	ssyncadd.s32 $0xFFFFF000  }
0x30: {  	[spmem:s3] =	stream.indirect.scatter.add.f32 [tilespmem:s20], [sflag:$0x6], $0x20, s25, s18, $0xb8;
	[tilespmem:$0x17E00] =	vst v63  }
0x31: {  	s21 =	simm.s32 $0x180  }
0x32: {  	[tilespmem:s26], [sflag:$0x4] =	stream.indirect.gather [spmem:s2], $0x20, s21, s18, $0xb8;
	[tilespmem:$0x17E00] =	vst v63  }
0x33: {  	_ =	swait.ge [sflag:s28], $0x1000  }
0x34: {  	[sflag:s28] =	ssyncset.done $0x0  }
0x35: {  	s25 =	simm.s32 $0x5100;
	[sflag:s28] =	ssyncadd.s32 $0xFFFFF000  }
0x36: {  	[spmem:s3] =	stream.indirect.scatter.add.f32 [tilespmem:s22], [sflag:$0x7], $0x20, s25, s18, $0xb8;
	[tilespmem:$0x17E00] =	vst v63  }
0x37: {  	_ =	swait.ge [sflag:s29], $0x1000  }
0x38: {  	[sflag:s29] =	ssyncset.done $0x0  }
0x39: {  	s21 =	simm.s32 $0x200;
	[sflag:s29] =	ssyncadd.s32 $0xFFFFF000  }
0x3a: {  	[tilespmem:s19], [sflag:$0x1] =	stream.indirect.gather [spmem:s2], $0x20, s21, s18, $0xb8;
	[tilespmem:$0x17E00] =	vst v63  }
0x3b: {  	_ =	swait.ge [sflag:s13], $0x1000  }
0x3c: {  	[sflag:s13] =	ssyncset.done $0x0  }
0x3d: {  	s25 =	simm.s32 $0x5180;
	[sflag:s13] =	ssyncadd.s32 $0xFFFFF000  }
0x3e: {  	[spmem:s3] =	stream.indirect.scatter.add.f32 [tilespmem:s26], [sflag:$0x8], $0x20, s25, s18, $0xb8;
	[tilespmem:$0x17E00] =	vst v63  }
0x3f: {  	_ =	swait.ge [sflag:s30], $0x1000  }
0x40: {  	[sflag:s30] =	ssyncset.done $0x0  }
0x41: {  	s21 =	simm.s32 $0x280;
	[sflag:s30] =	ssyncadd.s32 $0xFFFFF000  }
0x42: {  	[tilespmem:s20], [sflag:$0x2] =	stream.indirect.gather [spmem:s2], $0x20, s21, s18, $0xb8;
	[tilespmem:$0x17E00] =	vst v63  }
0x43: {  	_ =	swait.ge [sflag:s12], $0x1000  }
0x44: {  	[sflag:s12] =	ssyncset.done $0x0  }
0x45: {  	s25 =	simm.s32 $0x5200;
	[sflag:s12] =	ssyncadd.s32 $0xFFFFF000  }
0x46: {  	[spmem:s3] =	stream.indirect.scatter.add.f32 [tilespmem:s19], [sflag:$0x5], $0x20, s25, s18, $0xb8;
	[tilespmem:$0x17E00] =	vst v63  }
0x47: {  	_ =	swait.ge [sflag:s31], $0x1000  }
0x48: {  	[sflag:s31] =	ssyncset.done $0x0  }
0x49: {  	s21 =	simm.s32 $0x300;
	[sflag:s31] =	ssyncadd.s32 $0xFFFFF000  }
0x4a: {  	[tilespmem:s22], [sflag:$0x3] =	stream.indirect.gather [spmem:s2], $0x20, s21, s18, $0xb8;
	[tilespmem:$0x17E00] =	vst v63  }
0x4b: {  	_ =	swait.ge [sflag:s23], $0x1000  }
0x4c: {  	[sflag:s23] =	ssyncset.done $0x0  }
0x4d: {  	s25 =	simm.s32 $0x5280;
	[sflag:s23] =	ssyncadd.s32 $0xFFFFF000  }
0x4e: {  	[spmem:s3] =	stream.indirect.scatter.add.f32 [tilespmem:s20], [sflag:$0x6], $0x20, s25, s18, $0xb8;
	[tilespmem:$0x17E00] =	vst v63  }
0x4f: {  	_ =	swait.ge [sflag:s0], $0x1000  }
0x50: {  	[sflag:s0] =	ssyncset.done $0x0  }
0x51: {  	s1 =	simm.s32 $0x380;
	s25 =	simm.s32 $0x800;
	[sflag:s0] =	ssyncadd.s32 $0xFFFFF000  }
.LBB2_2:
0x52: {  	[tilespmem:s26], [sflag:$0x4] =	stream.indirect.gather [spmem:s2], $0x20, s1, s18, $0xb8;
	[tilespmem:$0x17E00] =	vst v63  }
0x53: {  	s1 =	smov.u32 s25  }
0x54: {  	p0 =	sne.s32 s25, $0x13000;
	s25 =	sadd.s32 $0x800, s25;
	_ =	swait.ge [sflag:s28], $0x1000  }
0x55: {  	s1 =	sshra.s32 s1, $0x2;
	[sflag:s28] =	ssyncset.done $0x0  }
0x56: {  	s21 =	sadd.s32 $0x5100, s1;
	[sflag:s28] =	ssyncadd.s32 $0xFFFFF000  }
0x57: {  	[spmem:s3] =	stream.indirect.scatter.add.f32 [tilespmem:s22], [sflag:$0x7], $0x20, s21, s18, $0xb8;
	[tilespmem:$0x17E00] =	vst v63  }
0x58: {  	_ =	swait.ge [sflag:s29], $0x1000  }
0x59: {  	[sflag:s29] =	ssyncset.done $0x0  }
0x5a: {  	s21 =	sadd.s32 $0x200, s1;
	[sflag:s29] =	ssyncadd.s32 $0xFFFFF000  }
0x5b: {  	[tilespmem:s19], [sflag:$0x1] =	stream.indirect.gather [spmem:s2], $0x20, s21, s18, $0xb8;
	[tilespmem:$0x17E00] =	vst v63  }
0x5c: {  	_ =	swait.ge [sflag:s13], $0x1000  }
0x5d: {  	[sflag:s13] =	ssyncset.done $0x0  }
0x5e: {  	s21 =	sadd.s32 $0x5180, s1;
	[sflag:s13] =	ssyncadd.s32 $0xFFFFF000  }
0x5f: {  	[spmem:s3] =	stream.indirect.scatter.add.f32 [tilespmem:s26], [sflag:$0x8], $0x20, s21, s18, $0xb8;
	[tilespmem:$0x17E00] =	vst v63  }
0x60: {  	_ =	swait.ge [sflag:s30], $0x1000  }
0x61: {  	[sflag:s30] =	ssyncset.done $0x0  }
0x62: {  	s21 =	sadd.s32 $0x280, s1;
	[sflag:s30] =	ssyncadd.s32 $0xFFFFF000  }
0x63: {  	[tilespmem:s20], [sflag:$0x2] =	stream.indirect.gather [spmem:s2], $0x20, s21, s18, $0xb8;
	[tilespmem:$0x17E00] =	vst v63  }
0x64: {  	_ =	swait.ge [sflag:s12], $0x1000  }
0x65: {  	[sflag:s12] =	ssyncset.done $0x0  }
0x66: {  	s21 =	sadd.s32 $0x5200, s1;
	[sflag:s12] =	ssyncadd.s32 $0xFFFFF000  }
0x67: {  	[spmem:s3] =	stream.indirect.scatter.add.f32 [tilespmem:s19], [sflag:$0x5], $0x20, s21, s18, $0xb8;
	[tilespmem:$0x17E00] =	vst v63  }
0x68: {  	_ =	swait.ge [sflag:s31], $0x1000  }
0x69: {  	[sflag:s31] =	ssyncset.done $0x0  }
0x6a: {  	s21 =	sadd.s32 $0x300, s1;
	[sflag:s31] =	ssyncadd.s32 $0xFFFFF000  }
0x6b: {  	[tilespmem:s22], [sflag:$0x3] =	stream.indirect.gather [spmem:s2], $0x20, s21, s18, $0xb8;
	[tilespmem:$0x17E00] =	vst v63  }
0x6c: {  	_ =	swait.ge [sflag:s23], $0x1000  }
0x6d: {  	[sflag:s23] =	ssyncset.done $0x0  }
.Ltmp0:
0x6e: {  	s21 =	sadd.s32 $0x5280, s1;
	[sflag:s23] =	ssyncadd.s32 $0xFFFFF000;
	(pc) =	sbr.rel @p0 .LBB2_2-.Ltmp0, $4  }
0x6f: {  	[spmem:s3] =	stream.indirect.scatter.add.f32 [tilespmem:s20], [sflag:$0x6], $0x20, s21, s18, $0xb8;
	[tilespmem:$0x17E00] =	vst v63  }
0x70: {  	_ =	swait.ge [sflag:s0], $0x1000  }
0x71: {  	[sflag:s0] =	ssyncset.done $0x0  }
0x72: {  	s1 =	sadd.s32 $0x380, s1;
	[sflag:s0] =	ssyncadd.s32 $0xFFFFF000  }
0x73: {  	[tilespmem:s26], [sflag:$0x4] =	stream.indirect.gather [spmem:s2], $0x20, s1, s18, $0xb8;
	[tilespmem:$0x17E00] =	vst v63  }
0x74: {  	_ =	swait.ge [sflag:s28], $0x1000  }
0x75: {  	[sflag:s28] =	ssyncset.done $0x0  }
0x76: {  	s21 =	simm.s32 $0x9F00;
	[sflag:s28] =	ssyncadd.s32 $0xFFFFF000  }
0x77: {  	[spmem:s3] =	stream.indirect.scatter.add.f32 [tilespmem:s22], [sflag:$0x7], $0x20, s21, s18, $0xb8;
	[tilespmem:$0x17E00] =	vst v63  }
0x78: {  	_ =	swait.ge [sflag:s29], $0x1000  }
0x79: {  	[sflag:s29] =	ssyncset.done $0x0  }
0x7a: {  	[sflag:s29] =	ssyncadd.s32 $0xFFFFF000  }
0x7b: {  	_ =	swait.ge [sflag:s13], $0x1000  }
0x7c: {  	[sflag:s13] =	ssyncset.done $0x0  }
0x7d: {  	s25 =	simm.s32 $0x9F80;
	[sflag:s13] =	ssyncadd.s32 $0xFFFFF000  }
0x7e: {  	[spmem:s3] =	stream.indirect.scatter.add.f32 [tilespmem:s26], [sflag:$0x8], $0x20, s25, s18, $0xb8;
	[tilespmem:$0x17E00] =	vst v63  }
0x7f: {  	_ =	swait.ge [sflag:s30], $0x1000  }
0x80: {  	[sflag:s30] =	ssyncset.done $0x0  }
0x81: {  	[sflag:s30] =	ssyncadd.s32 $0xFFFFF000  }
0x82: {  	_ =	swait.ge [sflag:s31], $0x1000  }
0x83: {  	[sflag:s31] =	ssyncset.done $0x0  }
0x84: {  	[sflag:s31] =	ssyncadd.s32 $0xFFFFF000  }
0x85: {  	_ =	swait.ge [sflag:s0], $0x1000  }
0x86: {  	s24 =	sadd.s32 $0x1, s24;
	[sflag:s0] =	ssyncset.done $0x0  }
0x87: {  	p0 =	sne.s32 s24, s10;
	[sflag:s0] =	ssyncadd.s32 $0xFFFFF000  }
.Ltmp1:
0x88: {  	[bflag:$0x0] =	sbarrier.arrive $0xFFFF;
	(pc) =	sbr.rel @p0 .LBB2_1-.Ltmp1, $4  }
0x89: {  	[hbm:s9@s14], [sflag:s6] =	dma.strided [spmem:s16@s13], $0x9E0, s12, $0x4   }
0x8a: {  	_ =	swait.ge [sflag:s15], $0x9E0  }
0x8b: {  	[sflag:s15] =	ssyncset.done $0x0  }
0x8c: {  	[sflag:s15] =	ssyncadd.s32 $0xFFFFF620  }
0x8d: {  	_ =	sfence.sel $0x180000  }
0x8e: {  	[bflag:$0x0] =	sbarrier.arrive $0xFFFF  }
0x8f: {  	_ =	strace $0x90000050  }
0x90: {  	s0 =	stileid.u32;
	[bflag:$0x2] =	sbarrier.arrive $0xFFFF  }
0x91: {  	p0 =	sne.s32 s0, $0x0;
	s0 =	rddreg [dreg:$0x3]  }
0x92: {  	s0 =	sadd.s32 @!p0 $0x100000, s0  }
0x93: {  	[sflag:s0] =	ssyncadd.tile.s32 @!p0 $0x1;
	_ =	shalt  }
.Lfunc_end2:
_tile_overlayer_lowered:
.L_overlay_start_2:
0x94: {  	(tag) =	ssettag $0x2  }
0x95: {  	s0 =	rddreg [dreg:$0x0];
	s2 =	stileid.u32  }
0x96: {  	s1 =	rddreg [dreg:$0x1];
	p0 =	sne.s32 s2, $0x0  }
0x97: {  	s3 =	rddreg [dreg:$0x2];
	[bflag:$0x3] =	sbarrier.arrive $0xFFFF;
	s2 =	simm.s32 @!p0 $0x1C09  }
0x98: {  	[timem:s3], [sflag:s2] =	dma.local @!p0 [hbm:s0], s1  }
0x99: {  	s0 =	simm.s32 @!p0 $0x9  }
0x9a: {  	_ =	swait.ge @!p0 [sflag:s0], s1  }
0x9b: {  	s1 =	ssub.s32 @!p0 $0x0, s1;
	[sflag:s0] =	ssyncset.done @!p0 $0x0  }
0x9c: {  	[sflag:s0] =	ssyncadd.s32 @!p0 s1  }
0x9d: {  	[bflag:$0x3] =	sbarrier.arrive $0xFFFF  }
0x9e: {  	_ =	shalt  }

// kernel: kernel.26.cloned.1.call-start
scs
__scs_entry_jumppad:
0x0: {  	(pc) =	sbr.rel $0x88, $3  }
0x1: {  	(tag) =	ssettag $0x0;
	lr =	simm.s32 $0x1  }
0x2: {  	[smem:$0x3F91] =	sst lr;
	_ =	strace $0xD0000000  }
0x3: {  	_ = 	snop  }
0x4: {  	_ = 	snop  }
0x5: {  	_ = 	snop  }
0x6: {  	_ = 	snop  }
0x7: {  	_ = 	snop  }
__scs_overlays_trampoline_lowered:
0x8: {  	[smem:$0x3FA0] =	sst s0  }
0x9: {  	[smem:$0x3FA1] =	sst s1  }
0xa: {  	[smem:$0x3FA2] =	sst s2  }
0xb: {  	[smem:$0x3FA3] =	sst s3  }
0xc: {  	[smem:$0x3FA4] =	sst s4  }
0xd: {  	[smem:$0x3FA5] =	sst s5  }
0xe: {  	[smem:$0x3FA6] =	sst s6  }
0xf: {  	[smem:$0x3FA7] =	sst s7  }
0x10: {  	[smem:$0x3FA8] =	sst s8  }
0x11: {  	[smem:$0x3FA9] =	sst s9;
	s0 =	simm.s32 @!p0 $0x0  }
0x12: {  	s1 =	sld [smem:$0x3F8F];
	s0 =	simm.s32 @p0 $0x1  }
0x13: {  	[smem:$0x3FAA] =	sst s0;
	s0 =	simm.s32 @!p1 $0x0  }
0x14: {  	s2 =	sld [smem:$0x3F8E];
	s0 =	simm.s32 @p1 $0x1  }
0x15: {  	[smem:$0x3FAB] =	sst s0;
	s0 =	simm.s32 @!p2 $0x0  }
0x16: {  	s3 =	sld [smem:$0x3FDB];
	s0 =	simm.s32 @p2 $0x1  }
0x17: {  	s4 =	simm.s32 $0x1BF5;
	[smem:$0x3FAD] =	sst s0  }
0x18: {  	s0 =	sld [smem:$0x3F90];
	_ =	swait.ge [sflag:s4], $0x0  }
0x19: {  	s7 =	sld [smem:$0x3F91]  }
0x1a: {  	s8 =	sadd.s32 $0xFFFFE003, lr  }
0x1b: {  	s9 =	sadd.s32 $0xFFFFFEF7, lr;
	s5 =	simm.s32 $0xFFFFFFFF;
	p2 =	slt.u32 s8, $0xFFFFF086  }
0x1c: {  	p1 =	slt.u32 s9, $0xF7A;
	s5 =	simm.s32 @!p2 $0x0  }
0x1d: {  	s5 =	simm.s32 @p1 $0x1;
	p0 =	seq.s32 s7, s2  }
0x1e: {  	s7 =	smul.u32 @!p0 $0xF7A, s2;
	p2 =	seq.s32 @!p0 s5, $0x0  }
0x1f: {  	s9 =	smul.u32 $0xF7A, s1;
	s8 =	simm.s32 @!p0 $0x1BF5;
	p2 =	por !p2, p0  }
0x20: {  	[sflag:s8] =	ssyncset.s32 @!p0 $0xFFFFF086;
	s6 =	sadd.s32 @!p0 s3, s7;
	s7 =	simm.s32 @!p0 $0x108  }
0x21: {  	s3 =	sadd.s32 s3, s9;
	s6 =	sadd.s32 @!p0 $0x88, s6;
	s7 =	simm.s32 @p2 $0x1082  }
0x22: {  	[simem:s7], [sflag:s8] =	dma.local @!p0 [hbm:s6], $0xF7A  }
0x23: {  	s9 =	sor.u32 $0xD0000000, s2;
	s6 =	simm.s32 $0x108;
	_ =	swait.ge @!p0 [sflag:s8], $0x0  }
0x24: {  	s3 =	sadd.s32 $0x88, s3;
	s6 =	simm.s32 @!p1 $0x1082;
	[sflag:s4] =	ssyncset.s32 $0xFFFFF086  }
0x25: {  	[simem:s6], [sflag:s4] =	dma.local [hbm:s3], $0xF7A  }
0x26: {  	[smem:$0x3F91] =	sst s1;
	(tag) =	ssettag s2;
	_ =	strace s9  }
0x27: {  	s1 =	sld [smem:$0x3FA1]  }
0x28: {  	s2 =	sld [smem:$0x3FA2]  }
0x29: {  	s4 =	sld [smem:$0x3FA4]  }
0x2a: {  	p0 =	seq.s32 s5, $0x0;
	s5 =	sld [smem:$0x3FA5]  }
0x2b: {  	s6 =	sld [smem:$0x3FA6]  }
0x2c: {  	s7 =	sld [smem:$0x3FA7]  }
0x2d: {  	s3 =	simm.s32 $0x108;
	s8 =	sld [smem:$0x3FA8]  }
0x2e: {  	s3 =	simm.s32 @!p0 $0x1082;
	s9 =	sld [smem:$0x3FA9]  }
0x2f: {  	lr =	sadd.s32 s0, s3;
	s0 =	sld [smem:$0x3FA0]  }
0x30: {  	s3 =	sld [smem:$0x3FA3]  }
0x31: {  	[smem:$0x3FAC] =	sst s10  }
0x32: {  	s10 =	sld [smem:$0x3FAA];
	_ =	sdelay $0x3  }
0x33: {  	p0 =	seq.s32 s10, $0x1;
	s10 =	sld [smem:$0x3FAC];
	_ =	sdelay $0x3  }
0x34: {  	[smem:$0x3FAC] =	sst s10  }
0x35: {  	s10 =	sld [smem:$0x3FAB];
	_ =	sdelay $0x3  }
0x36: {  	p1 =	seq.s32 s10, $0x1;
	s10 =	sld [smem:$0x3FAC];
	_ =	sdelay $0x3  }
0x37: {  	[smem:$0x3FAC] =	sst s10  }
0x38: {  	s10 =	sld [smem:$0x3FAD]  }
0x39: {  	_ = 	snop;
	(pc) =	sbr.ind lr, $3  }
0x3a: {  	_ = 	snop  }
0x3b: {  	_ = 	snop  }
0x3c: {  	p2 =	seq.s32 s10, $0x1;
	s10 =	sld [smem:$0x3FAC]  }
0x3d: {  	_ =	shalt  }
0x3e: {  	_ =	shalt  }
0x3f: {  	_ =	shalt  }
0x40: {  	_ =	shalt  }
0x41: {  	_ =	shalt  }
0x42: {  	_ =	shalt  }
0x43: {  	_ =	shalt  }
0x44: {  	_ =	shalt  }
0x45: {  	_ =	shalt  }
0x46: {  	_ =	shalt  }
0x47: {  	_ =	shalt  }
0x48: {  	_ =	shalt  }
0x49: {  	_ =	shalt  }
0x4a: {  	_ =	shalt  }
0x4b: {  	_ =	shalt  }
0x4c: {  	_ =	shalt  }
0x4d: {  	_ =	shalt  }
0x4e: {  	_ =	shalt  }
0x4f: {  	_ =	shalt  }
0x50: {  	_ =	shalt  }
0x51: {  	_ =	shalt  }
0x52: {  	_ =	shalt  }
0x53: {  	_ =	shalt  }
0x54: {  	_ =	shalt  }
0x55: {  	_ =	shalt  }
0x56: {  	_ =	shalt  }
0x57: {  	_ =	shalt  }
0x58: {  	_ =	shalt  }
0x59: {  	_ =	shalt  }
0x5a: {  	_ =	shalt  }
0x5b: {  	_ =	shalt  }
0x5c: {  	_ =	shalt  }
0x5d: {  	_ =	shalt  }
0x5e: {  	_ =	shalt  }
0x5f: {  	_ =	shalt  }
0x60: {  	_ =	shalt  }
0x61: {  	_ =	shalt  }
0x62: {  	_ =	shalt  }
0x63: {  	_ =	shalt  }
0x64: {  	_ =	shalt  }
0x65: {  	_ =	shalt  }
0x66: {  	_ =	shalt  }
0x67: {  	_ =	shalt  }
0x68: {  	_ =	shalt  }
0x69: {  	_ =	shalt  }
0x6a: {  	_ =	shalt  }
0x6b: {  	_ =	shalt  }
0x6c: {  	_ =	shalt  }
0x6d: {  	_ =	shalt  }
0x6e: {  	_ =	shalt  }
0x6f: {  	_ =	shalt  }
0x70: {  	_ =	shalt  }
0x71: {  	_ =	shalt  }
0x72: {  	_ =	shalt  }
0x73: {  	_ =	shalt  }
0x74: {  	_ =	shalt  }
0x75: {  	_ =	shalt  }
0x76: {  	_ =	shalt  }
0x77: {  	_ =	shalt  }
0x78: {  	_ =	shalt  }
0x79: {  	_ =	shalt  }
0x7a: {  	_ =	shalt  }
0x7b: {  	_ =	shalt  }
0x7c: {  	_ =	shalt  }
0x7d: {  	_ =	shalt  }
0x7e: {  	_ =	shalt  }
0x7f: {  	_ =	shalt  }
0x80: {  	_ =	shalt  }
0x81: {  	_ =	shalt  }
0x82: {  	_ =	shalt  }
0x83: {  	_ =	shalt  }
0x84: {  	_ =	shalt  }
0x85: {  	_ =	shalt  }
0x86: {  	_ =	shalt  }
0x87: {  	_ =	shalt  }
.Lfunc_end0:
.L_simem_size_0:
called_computation.4_lowered:
.L_overlay_start_0:
0x88: {  	s2 =	sld [smem:$0x3FD9]  }
0x89: {  	s3 =	sld [smem:$0x3FFE];
	_ =	sdelay $0x1  }
0x8a: {  	s1 =	srdreg.scid  }
0x8b: {  	s0 =	sand.u32 $0x1, s1  }
0x8c: {  	s16 =	sshll.u32 s0, $0xA;
	s2 =	sadd.s32 s3, s2  }
0x8d: {  	s2 =	sadd.s32 s2, s16  }
0x8e: {  	[smem:$0x3FB8] =	sst s2  }
0x8f: {  	_ = 	snop  }
0x90: {  	(tm) =	ssettm $0x1  }
0x91: {  	s17 =	sld [smem:$0x3FFB];
	_ =	sdelay $0x3  }
0x92: {  	_ =	strace s17  }
0x93: {  	s2 =	sld [smem:$0x3FFC];
	_ =	sdelay $0x3  }
0x94: {  	_ =	strace s2  }
0x95: {  	s2 =	sld [smem:$0x3FFD];
	_ =	sdelay $0x3  }
0x96: {  	_ =	strace s2  }
0x97: {  	_ =	strace $0x8FFFFFFF  }
0x98: {  	s18 =	sld [smem:$0x3FDB];
	_ =	sdelay $0x1  }
0x99: {  	s19 =	simm.s32 $_scs_section_size  }
0x9a: {  	s4 =	simm.s32 $_size__tile_overlayer_lowered;
	s5 =	simm.s32 $_tile_overlayer_lowered  }
0x9b: {  	s22 =	simm.s32 $0x1BFF;
	s21 =	sshll.u32 s5, $0x1;
	s2 =	sadd.s32 s19, s18  }
0x9c: {  	s6 =	simm.s32 $0x0;
	s20 =	sshll.u32 s4, $0x1;
	s4 =	sadd.s32 s21, s2  }
0x9d: {  	[timem:s6], [sflag:s22] =	dma.local [hbm:s4], s20  }
0x9e: {  	_ =	swait.ge [sflag:s22], s20  }
0x9f: {  	s3 =	ssub.s32 $0x0, s20;
	[sflag:s22] =	ssyncset.done $0x0  }
0xa0: {  	[sflag:s22] =	ssyncadd.s32 s3;
	_ =	sdelay $0x1  }
0xa1: {  	s23 =	simm.s32 $0x1B8B  }
0xa2: {  	_ =	swait.ge [sflag:s23], $0x1  }
0xa3: {  	[sflag:s23] =	ssyncset.done $0x0  }
0xa4: {  	s25 =	simm.s32 $0x1B8E;
	s24 =	sld [smem:$0x3FFE];
	[sflag:s23] =	ssyncadd.s32 $0xFFFFFFFF  }
0xa5: {  	s26 =	simm.s32 $execute0_lowered;
	[smem:$0x3FD2] =	sst s25  }
0xa6: {  	s4 =	sshll.u32 s26, $0x1;
	_ =	strace $0x80000052;
	[dreg:$0x1] =	wrdreg $0xFFFFFFFF  }
0xa7: {  	s28 =	simm.s32 $_size_execute0_lowered;
	s2 =	sadd.s32 s2, s4;
	[dreg:$0x0] =	wrdreg $0x0  }
0xa8: {  	s4 =	sshll.u32 s28, $0x1;
	[dreg:$0x2] =	wrdreg s2  }
0xa9: {  	[dreg:$0x3] =	wrdreg s4  }
0xaa: {  	[dreg:$0x4] =	wrdreg $0xC0  }
0xab: {  	_ =	task [dreg:s6], $0x5FFFF  }
0xac: {  	[dreg:$0x1] =	wrdreg $0xFFFFFFFF  }
0xad: {  	[dreg:$0x0] =	wrdreg $0x60  }
0xae: {  	[dreg:$0x2] =	wrdreg s24  }
0xaf: {  	[dreg:$0x3] =	wrdreg $0x12F000  }
0xb0: {  	[dreg:$0x4] =	wrdreg $0xE0000  }
0xb1: {  	[dreg:$0x5] =	wrdreg $0x9  }
0xb2: {  	_ =	task.clear_ibuf [dreg:s6], $0x6FFFF;
	_ =	strace $0x90000052  }
0xb3: {  	s29 =	simm.s32 $0x9;
	_ =	strace $0x80000054  }
0xb4: {  	_ =	swait.ge [sflag:s29], $0x1  }
0xb5: {  	[sflag:s29] =	ssyncadd.s32 $0xFFFFFFFF  }
0xb6: {  	_ =	strace $0x90000054  }
0xb7: {  	_ =	sfence  }
0xb8: {  	s30 =	sld [smem:$0x0];
	_ =	sdelay $0x2  }
0xb9: {  	s31 =	sshll.u32 s1, $0xD;
	s1 =	sshrl.u32 s1, $0x2  }
0xba: {  	s3 =	sand.u32 $0x4000, s31;
	s1 =	sadd.s32 s1, s30  }
0xbb: {  	s0 =	sor.u32 s3, s0;
	s1 =	sshll.u32 s1, $0x11  }
0xbc: {  	s0 =	sor.u32 s1, s0  }
0xbd: {  	s0 =	sadd.s32 $0x8F2B, s0  }
0xbe: {  	[sflag:s0] =	ssyncadd.remote.s32 $0x1  }
0xbf: {  	_ =	sfence.sel $0xFFFF  }
0xc0: {  	[dreg:$0x0] =	wrdreg $0xFFFFFFFF;
	(pc) =	sbr.abs _section_cstart, $3  }
0xc1: {  	[dreg:$0x1] =	wrdreg $0xFFFFFFFF  }
0xc2: {  	_ =	task.clear_ibuf [dreg:s6], $0x2FFFF;
	_ =	strace $0x9FFFFFFF  }
0xc3: {  	(tm) =	ssettm $0x7FFFFFFF  }
tec
execute0_lowered:
.L_overlay_start_1:
0x0: {  	(tag) =	ssettag $0x1  }
0x1: {  	s0 =	rddreg [dreg:$0x0]  }
0x2: {  	s2 =	rddreg [dreg:$0x1]  }
0x3: {  	s3 =	rddreg [dreg:$0x2]  }
0x4: {  	s4 =	simm.s32 $0x0;
	s10 =	stileid.u32;
	s1 =	srdreg.scid  }
0x5: {  	s12 =	simm.s32 $0x1;
	s13 =	simm.s32 $0x4;
	s14 =	simm.s32 $0x10  }
0x6: {  	s15 =	simm.s32 $0x9;
	s17 =	simm.s32 $0x5000;
	s18 =	simm.s32 $0x80  }
0x7: {  	s19 =	simm.s32 $0xA000;
	s20 =	simm.s32 $0xB000;
	s22 =	simm.s32 $0xC000  }
0x8: {  	s23 =	simm.s32 $0x2;
	s28 =	simm.s32 $0x3;
	s29 =	simm.s32 $0x5  }
0x9: {  	s30 =	simm.s32 $0x6;
	s31 =	simm.s32 $0x7;
	s5 =	smul.u32 $0x13C00, s10  }
0xa: {  	s24 =	simm.s32 $0x0;
	[smem:$0x7FF] =	sst s4;
	s7 =	smul.u32 $0xA00, s10  }
0xb: {  	s1 =	sand.u32 $0x1, s1;
	s8 =	smul.u32 $0x4F00, s10;
	s26 =	sshll.u32 s10, $0x6  }
0xc: {  	_ =	strace $0x80000053;
	s6 =	sshll.u32 s1, $0x5;
	s1 =	ssub.s32 $0x2, s1  }
0xd: {  	s5 =	sor.u32 s6, s5;
	s25 =	sshrl.u32 s1, $0x1;
	s9 =	sadd.s32 s7, s0  }
0xe: {  	s11 =	sadd.s32 s8, s2;
	s6 =	sor.u32 $0x1C09, s26;
	s16 =	sadd.s32 s8, s3  }
0xf: {  	s26 =	simm.s32 $0xD000;
	s5 =	sshrl.u32 s5, $0x3;
	s1 =	ssub.s32 s1, s25  }
0x10: {  	s7 =	sadd.s32 $0x35E00, s9;
	s8 =	sadd.s32 $0x2BE00, s9;
	s11 =	sshrl.u32 s11, $0x3  }
0x11: {  	s16 =	sshrl.u32 s16, $0x3;
	s0 =	sadd.s32 s5, s0;
	s10 =	smax.u32 s1, $0x1  }
0x12: {  	s5 =	sadd.s32 $0x4600, s0;
	s9 =	sadd.s32 $0x3FE00, s0;
	s0 =	simm.s32 $0x8  }
.LBB2_1:
0x13: {  	[spmem:s11@s13], [sflag:s6] =	dma.strided [hbm:s5@s14], $0x9E0, s12, $0x4   }
0x14: {  	_ =	swait.ge [sflag:s15], $0x9E0  }
0x15: {  	[sflag:s15] =	ssyncset.done $0x0  }
0x16: {  	[sflag:s15] =	ssyncadd.s32 $0xFFFFF620  }
0x17: {  	[spmem:s16@s13], [sflag:s6] =	dma.strided [hbm:s5@s14], $0x9E0, s12, $0x4   }
0x18: {  	_ =	swait.ge [sflag:s15], $0x9E0  }
0x19: {  	[sflag:s15] =	ssyncset.done $0x0  }
0x1a: {  	[sflag:s15] =	ssyncadd.s32 $0xFFFFF620  }
0x1b: {  	[tilespmem:s4], [sflag:$0x9] =	stream.linear.gather [hbm4b:s7+s4], $0x5000, $0x38;
	[tilespmem:$0x17E00] =	vst v63  }
0x1c: {  	_ =	swait.ge [sflag:s15], $0x5000  }
0x1d: {  	[sflag:s15] =	ssyncset.done $0x0  }
0x1e: {  	[sflag:s15] =	ssyncadd.s32 $0xFFFFB000  }
0x1f: {  	[tilespmem:s17], [sflag:$0x9] =	stream.linear.gather [hbm4b:s8+s4], $0x5000, $0x38;
	[tilespmem:$0x17E00] =	vst v63  }
0x20: {  	_ =	swait.ge [sflag:s15], $0x5000  }
0x21: {  	[sflag:s15] =	ssyncset.done $0x0  }
0x22: {  	[sflag:s15] =	ssyncadd.s32 $0xFFFFB000  }
0x23: {  	[bflag:$0x0] =	sbarrier.arrive $0xFFFF  }
0x24: {  	[tilespmem:s19], [sflag:$0x1] =	stream.indirect.gather [spmem:s2], $0x20, s4, s18, $0xb8;
	[tilespmem:$0x17E00] =	vst v63  }
0x25: {  	_ = 	snop  }
0x26: {  	[tilespmem:s20], [sflag:$0x2] =	stream.indirect.gather [spmem:s2], $0x20, s18, s18, $0xb8;
	[tilespmem:$0x17E00] =	vst v63  }
0x27: {  	_ =	swait.ge [sflag:s12], $0x1000  }
0x28: {  	[sflag:s12] =	ssyncset.done $0x0  }
0x29: {  	[sflag:s12] =	ssyncadd.s32 $0xFFFFF000  }
0x2a: {  	[spmem:s3] =	stream.indirect.scatter.add.f32 [tilespmem:s19], [sflag:$0x5], $0x20, s17, s18, $0xb8;
	[tilespmem:$0x17E00] =	vst v63  }
0x2b: {  	s1 =	simm.s32 $0x100  }
0x2c: {  	[tilespmem:s22], [sflag:$0x3] =	stream.indirect.gather [spmem:s2], $0x20, s1, s18, $0xb8;
	[tilespmem:$0x17E00] =	vst v63  }
0x2d: {  	_ =	swait.ge [sflag:s23], $0x1000  }
0x2e: {  	[sflag:s23] =	ssyncset.done $0x0  }
0x2f: {  	s25 =	simm.s32 $0x5080;
	[sflag:s23] =	ssyncadd.s32 $0xFFFFF000  }
0x30: {  	[spmem:s3] =	stream.indirect.scatter.add.f32 [tilespmem:s20], [sflag:$0x6], $0x20, s25, s18, $0xb8;
	[tilespmem:$0x17E00] =	vst v63  }
0x31: {  	s21 =	simm.s32 $0x180  }
0x32: {  	[tilespmem:s26], [sflag:$0x4] =	stream.indirect.gather [spmem:s2], $0x20, s21, s18, $0xb8;
	[tilespmem:$0x17E00] =	vst v63  }
0x33: {  	_ =	swait.ge [sflag:s28], $0x1000  }
0x34: {  	[sflag:s28] =	ssyncset.done $0x0  }
0x35: {  	s25 =	simm.s32 $0x5100;
	[sflag:s28] =	ssyncadd.s32 $0xFFFFF000  }
0x36: {  	[spmem:s3] =	stream.indirect.scatter.add.f32 [tilespmem:s22], [sflag:$0x7], $0x20, s25, s18, $0xb8;
	[tilespmem:$0x17E00] =	vst v63  }
0x37: {  	_ =	swait.ge [sflag:s29], $0x1000  }
0x38: {  	[sflag:s29] =	ssyncset.done $0x0  }
0x39: {  	s21 =	simm.s32 $0x200;
	[sflag:s29] =	ssyncadd.s32 $0xFFFFF000  }
0x3a: {  	[tilespmem:s19], [sflag:$0x1] =	stream.indirect.gather [spmem:s2], $0x20, s21, s18, $0xb8;
	[tilespmem:$0x17E00] =	vst v63  }
0x3b: {  	_ =	swait.ge [sflag:s13], $0x1000  }
0x3c: {  	[sflag:s13] =	ssyncset.done $0x0  }
0x3d: {  	s25 =	simm.s32 $0x5180;
	[sflag:s13] =	ssyncadd.s32 $0xFFFFF000  }
0x3e: {  	[spmem:s3] =	stream.indirect.scatter.add.f32 [tilespmem:s26], [sflag:$0x8], $0x20, s25, s18, $0xb8;
	[tilespmem:$0x17E00] =	vst v63  }
0x3f: {  	_ =	swait.ge [sflag:s30], $0x1000  }
0x40: {  	[sflag:s30] =	ssyncset.done $0x0  }
0x41: {  	s21 =	simm.s32 $0x280;
	[sflag:s30] =	ssyncadd.s32 $0xFFFFF000  }
0x42: {  	[tilespmem:s20], [sflag:$0x2] =	stream.indirect.gather [spmem:s2], $0x20, s21, s18, $0xb8;
	[tilespmem:$0x17E00] =	vst v63  }
0x43: {  	_ =	swait.ge [sflag:s12], $0x1000  }
0x44: {  	[sflag:s12] =	ssyncset.done $0x0  }
0x45: {  	s25 =	simm.s32 $0x5200;
	[sflag:s12] =	ssyncadd.s32 $0xFFFFF000  }
0x46: {  	[spmem:s3] =	stream.indirect.scatter.add.f32 [tilespmem:s19], [sflag:$0x5], $0x20, s25, s18, $0xb8;
	[tilespmem:$0x17E00] =	vst v63  }
0x47: {  	_ =	swait.ge [sflag:s31], $0x1000  }
0x48: {  	[sflag:s31] =	ssyncset.done $0x0  }
0x49: {  	s21 =	simm.s32 $0x300;
	[sflag:s31] =	ssyncadd.s32 $0xFFFFF000  }
0x4a: {  	[tilespmem:s22], [sflag:$0x3] =	stream.indirect.gather [spmem:s2], $0x20, s21, s18, $0xb8;
	[tilespmem:$0x17E00] =	vst v63  }
0x4b: {  	_ =	swait.ge [sflag:s23], $0x1000  }
0x4c: {  	[sflag:s23] =	ssyncset.done $0x0  }
0x4d: {  	s25 =	simm.s32 $0x5280;
	[sflag:s23] =	ssyncadd.s32 $0xFFFFF000  }
0x4e: {  	[spmem:s3] =	stream.indirect.scatter.add.f32 [tilespmem:s20], [sflag:$0x6], $0x20, s25, s18, $0xb8;
	[tilespmem:$0x17E00] =	vst v63  }
0x4f: {  	_ =	swait.ge [sflag:s0], $0x1000  }
0x50: {  	[sflag:s0] =	ssyncset.done $0x0  }
0x51: {  	s1 =	simm.s32 $0x380;
	s25 =	simm.s32 $0x800;
	[sflag:s0] =	ssyncadd.s32 $0xFFFFF000  }
.LBB2_2:
0x52: {  	[tilespmem:s26], [sflag:$0x4] =	stream.indirect.gather [spmem:s2], $0x20, s1, s18, $0xb8;
	[tilespmem:$0x17E00] =	vst v63  }
0x53: {  	s1 =	smov.u32 s25  }
0x54: {  	p0 =	sne.s32 s25, $0x13000;
	s25 =	sadd.s32 $0x800, s25;
	_ =	swait.ge [sflag:s28], $0x1000  }
0x55: {  	s1 =	sshra.s32 s1, $0x2;
	[sflag:s28] =	ssyncset.done $0x0  }
0x56: {  	s21 =	sadd.s32 $0x5100, s1;
	[sflag:s28] =	ssyncadd.s32 $0xFFFFF000  }
0x57: {  	[spmem:s3] =	stream.indirect.scatter.add.f32 [tilespmem:s22], [sflag:$0x7], $0x20, s21, s18, $0xb8;
	[tilespmem:$0x17E00] =	vst v63  }
0x58: {  	_ =	swait.ge [sflag:s29], $0x1000  }
0x59: {  	[sflag:s29] =	ssyncset.done $0x0  }
0x5a: {  	s21 =	sadd.s32 $0x200, s1;
	[sflag:s29] =	ssyncadd.s32 $0xFFFFF000  }
0x5b: {  	[tilespmem:s19], [sflag:$0x1] =	stream.indirect.gather [spmem:s2], $0x20, s21, s18, $0xb8;
	[tilespmem:$0x17E00] =	vst v63  }
0x5c: {  	_ =	swait.ge [sflag:s13], $0x1000  }
0x5d: {  	[sflag:s13] =	ssyncset.done $0x0  }
0x5e: {  	s21 =	sadd.s32 $0x5180, s1;
	[sflag:s13] =	ssyncadd.s32 $0xFFFFF000  }
0x5f: {  	[spmem:s3] =	stream.indirect.scatter.add.f32 [tilespmem:s26], [sflag:$0x8], $0x20, s21, s18, $0xb8;
	[tilespmem:$0x17E00] =	vst v63  }
0x60: {  	_ =	swait.ge [sflag:s30], $0x1000  }
0x61: {  	[sflag:s30] =	ssyncset.done $0x0  }
0x62: {  	s21 =	sadd.s32 $0x280, s1;
	[sflag:s30] =	ssyncadd.s32 $0xFFFFF000  }
0x63: {  	[tilespmem:s20], [sflag:$0x2] =	stream.indirect.gather [spmem:s2], $0x20, s21, s18, $0xb8;
	[tilespmem:$0x17E00] =	vst v63  }
0x64: {  	_ =	swait.ge [sflag:s12], $0x1000  }
0x65: {  	[sflag:s12] =	ssyncset.done $0x0  }
0x66: {  	s21 =	sadd.s32 $0x5200, s1;
	[sflag:s12] =	ssyncadd.s32 $0xFFFFF000  }
0x67: {  	[spmem:s3] =	stream.indirect.scatter.add.f32 [tilespmem:s19], [sflag:$0x5], $0x20, s21, s18, $0xb8;
	[tilespmem:$0x17E00] =	vst v63  }
0x68: {  	_ =	swait.ge [sflag:s31], $0x1000  }
0x69: {  	[sflag:s31] =	ssyncset.done $0x0  }
0x6a: {  	s21 =	sadd.s32 $0x300, s1;
	[sflag:s31] =	ssyncadd.s32 $0xFFFFF000  }
0x6b: {  	[tilespmem:s22], [sflag:$0x3] =	stream.indirect.gather [spmem:s2], $0x20, s21, s18, $0xb8;
	[tilespmem:$0x17E00] =	vst v63  }
0x6c: {  	_ =	swait.ge [sflag:s23], $0x1000  }
0x6d: {  	[sflag:s23] =	ssyncset.done $0x0  }
.Ltmp0:
0x6e: {  	s21 =	sadd.s32 $0x5280, s1;
	[sflag:s23] =	ssyncadd.s32 $0xFFFFF000;
	(pc) =	sbr.rel @p0 .LBB2_2-.Ltmp0, $4  }
0x6f: {  	[spmem:s3] =	stream.indirect.scatter.add.f32 [tilespmem:s20], [sflag:$0x6], $0x20, s21, s18, $0xb8;
	[tilespmem:$0x17E00] =	vst v63  }
0x70: {  	_ =	swait.ge [sflag:s0], $0x1000  }
0x71: {  	[sflag:s0] =	ssyncset.done $0x0  }
0x72: {  	s1 =	sadd.s32 $0x380, s1;
	[sflag:s0] =	ssyncadd.s32 $0xFFFFF000  }
0x73: {  	[tilespmem:s26], [sflag:$0x4] =	stream.indirect.gather [spmem:s2], $0x20, s1, s18, $0xb8;
	[tilespmem:$0x17E00] =	vst v63  }
0x74: {  	_ =	swait.ge [sflag:s28], $0x1000  }
0x75: {  	[sflag:s28] =	ssyncset.done $0x0  }
0x76: {  	s21 =	simm.s32 $0x9F00;
	[sflag:s28] =	ssyncadd.s32 $0xFFFFF000  }
0x77: {  	[spmem:s3] =	stream.indirect.scatter.add.f32 [tilespmem:s22], [sflag:$0x7], $0x20, s21, s18, $0xb8;
	[tilespmem:$0x17E00] =	vst v63  }
0x78: {  	_ =	swait.ge [sflag:s29], $0x1000  }
0x79: {  	[sflag:s29] =	ssyncset.done $0x0  }
0x7a: {  	[sflag:s29] =	ssyncadd.s32 $0xFFFFF000  }
0x7b: {  	_ =	swait.ge [sflag:s13], $0x1000  }
0x7c: {  	[sflag:s13] =	ssyncset.done $0x0  }
0x7d: {  	s25 =	simm.s32 $0x9F80;
	[sflag:s13] =	ssyncadd.s32 $0xFFFFF000  }
0x7e: {  	[spmem:s3] =	stream.indirect.scatter.add.f32 [tilespmem:s26], [sflag:$0x8], $0x20, s25, s18, $0xb8;
	[tilespmem:$0x17E00] =	vst v63  }
0x7f: {  	_ =	swait.ge [sflag:s30], $0x1000  }
0x80: {  	[sflag:s30] =	ssyncset.done $0x0  }
0x81: {  	[sflag:s30] =	ssyncadd.s32 $0xFFFFF000  }
0x82: {  	_ =	swait.ge [sflag:s31], $0x1000  }
0x83: {  	[sflag:s31] =	ssyncset.done $0x0  }
0x84: {  	[sflag:s31] =	ssyncadd.s32 $0xFFFFF000  }
0x85: {  	_ =	swait.ge [sflag:s0], $0x1000  }
0x86: {  	s24 =	sadd.s32 $0x1, s24;
	[sflag:s0] =	ssyncset.done $0x0  }
0x87: {  	p0 =	sne.s32 s24, s10;
	[sflag:s0] =	ssyncadd.s32 $0xFFFFF000  }
.Ltmp1:
0x88: {  	[bflag:$0x0] =	sbarrier.arrive $0xFFFF;
	(pc) =	sbr.rel @p0 .LBB2_1-.Ltmp1, $4  }
0x89: {  	[hbm:s9@s14], [sflag:s6] =	dma.strided [spmem:s16@s13], $0x9E0, s12, $0x4   }
0x8a: {  	_ =	swait.ge [sflag:s15], $0x9E0  }
0x8b: {  	[sflag:s15] =	ssyncset.done $0x0  }
0x8c: {  	[sflag:s15] =	ssyncadd.s32 $0xFFFFF620  }
0x8d: {  	_ =	sfence.sel $0x180000  }
0x8e: {  	[bflag:$0x0] =	sbarrier.arrive $0xFFFF  }
0x8f: {  	_ =	strace $0x90000053  }
0x90: {  	s0 =	stileid.u32;
	[bflag:$0x2] =	sbarrier.arrive $0xFFFF  }
0x91: {  	p0 =	sne.s32 s0, $0x0;
	s0 =	rddreg [dreg:$0x3]  }
0x92: {  	s0 =	sadd.s32 @!p0 $0x100000, s0  }
0x93: {  	[sflag:s0] =	ssyncadd.tile.s32 @!p0 $0x1;
	_ =	shalt  }
.Lfunc_end2:
_tile_overlayer_lowered:
.L_overlay_start_2:
0x94: {  	(tag) =	ssettag $0x2  }
0x95: {  	s0 =	rddreg [dreg:$0x0];
	s2 =	stileid.u32  }
0x96: {  	s1 =	rddreg [dreg:$0x1];
	p0 =	sne.s32 s2, $0x0  }
0x97: {  	s3 =	rddreg [dreg:$0x2];
	[bflag:$0x3] =	sbarrier.arrive $0xFFFF;
	s2 =	simm.s32 @!p0 $0x1C09  }
0x98: {  	[timem:s3], [sflag:s2] =	dma.local @!p0 [hbm:s0], s1  }
0x99: {  	s0 =	simm.s32 @!p0 $0x9  }
0x9a: {  	_ =	swait.ge @!p0 [sflag:s0], s1  }
0x9b: {  	s1 =	ssub.s32 @!p0 $0x0, s1;
	[sflag:s0] =	ssyncset.done @!p0 $0x0  }
0x9c: {  	[sflag:s0] =	ssyncadd.s32 @!p0 s1  }
0x9d: {  	[bflag:$0x3] =	sbarrier.arrive $0xFFFF  }
0x9e: {  	_ =	shalt  }

</sc_bundles>
